<compile_context>
chip_gen: v7x
topology: tpu7x:2x2x1
jax: 0.10.2.dev20260603
libtpu: 0.0.44.dev20260713+nightly
codegen_flags: <defaults>
</compile_context>

<pallas_src>
import functools

import jax
import jax.numpy as jnp
from jax import lax
from jax.experimental import pallas as pl
from jax.experimental.pallas import tpu as pltpu
from jax.experimental.pallas import tpu_sc as plsc

B = 4096
D = 32
_L = 16
_NC, _NS = 2, 16
_NW = _NC * _NS
_BPW = B // _NW
_CH = 2
_RING = 4
_NCH = _BPW // _CH

_sc_mesh = plsc.VectorSubcoreMesh(core_axis_name="c", subcore_axis_name="s")


@functools.partial(
    pl.kernel,
    mesh=_sc_mesh,
    compiler_params=pltpu.CompilerParams(use_tc_tiling_on_sc=True),
    out_type=(
        jax.ShapeDtypeStruct((B * D,), jnp.float32),
        jax.ShapeDtypeStruct((B * D,), jnp.float32),
    ),
    scratch_types=[
        pltpu.VMEM((_BPW + _L,), jnp.int32),
        pltpu.VMEM((_BPW + _L,), jnp.int32),
        pltpu.VMEM((_RING, _CH, D, 128), jnp.float32),
        pltpu.VMEM((_RING, _CH, D, 128), jnp.float32),
        pltpu.VMEM((_BPW * D,), jnp.float32),
        pltpu.VMEM((_BPW * D,), jnp.float32),
        pltpu.SemaphoreType.DMA,
        pltpu.SemaphoreType.DMA,
        pltpu.SemaphoreType.DMA,
        pltpu.SemaphoreType.DMA,
        pltpu.SemaphoreType.DMA,
        pltpu.SemaphoreType.DMA,
        pltpu.SemaphoreType.DMA,
        pltpu.SemaphoreType.DMA,
    ],
)
def _sc_gather(uid_hbm, iid_hbm, qt_hbm, ut_hbm,
               ue_out, ie_out,
               uidx_v, iidx_v, ublk_v, iblk_v, urows_v, irows_v,
               usem0, usem1, usem2, usem3, isem0, isem1, isem2, isem3):
    wid = lax.axis_index("s") * _NC + lax.axis_index("c")
    base = wid * _BPW
    pltpu.sync_copy(uid_hbm.at[pl.ds(base, _BPW)], uidx_v.at[pl.ds(0, _BPW)])
    pltpu.sync_copy(iid_hbm.at[pl.ds(base, _BPW)], iidx_v.at[pl.ds(0, _BPW)])
    uidx_v[pl.ds(_BPW, _L)] = jnp.zeros((_L,), jnp.int32)
    iidx_v[pl.ds(_BPW, _L)] = jnp.zeros((_L,), jnp.int32)

    usems = (usem0, usem1, usem2, usem3)
    isems = (isem0, isem1, isem2, isem3)
    lane_iota = lax.broadcasted_iota(jnp.int32, (_L,), 0)
    masks = [lane_iota == k for k in range(_L)]

    def get_id(idxv, j):
        return idxv[pl.ds(j, _L)][0]

    def fire(g, pb):
        def body(q, carry):
            j = g * _CH + q
            uc = get_id(uidx_v, j)
            ic = get_id(iidx_v, j)
            ub = pl.multiple_of((uc >> 7) * 128, 128)
            ib = pl.multiple_of((ic >> 7) * 128, 128)
            pltpu.async_copy(qt_hbm.at[:, pl.ds(ub, 128)],
                             ublk_v.at[pb, q], usems[pb])
            pltpu.async_copy(ut_hbm.at[:, pl.ds(ib, 128)],
                             iblk_v.at[pb, q], isems[pb])
            return carry

        lax.fori_loop(0, _CH, body, 0)

    def select_rows(blk, pb, q, c, rows_v, r):
        clow = c & 127
        for half in range(2):
            acc = None
            for k in range(_L):
                d = half * _L + k
                sraw = clow - k
                neg = lax.shift_right_arithmetic(sraw, 31)
                row = d + neg
                start = sraw - (neg << 7)
                vec = blk[pb, q, row, pl.ds(start, _L)]
                acc = vec if acc is None else jnp.where(masks[k], vec, acc)
            rows_v[pl.ds(r * D + half * _L, _L)] = acc

    def drain_and_select(g, pb):
        def body(q, carry):
            pltpu.make_async_copy(qt_hbm.at[:, pl.ds(0, 128)],
                                  ublk_v.at[pb, q], usems[pb]).wait()
            pltpu.make_async_copy(ut_hbm.at[:, pl.ds(0, 128)],
                                  iblk_v.at[pb, q], isems[pb]).wait()
            j = g * _CH + q
            uc = get_id(uidx_v, j)
            ic = get_id(iidx_v, j)
            select_rows(ublk_v, pb, q, uc, urows_v, j)
            select_rows(iblk_v, pb, q, ic, irows_v, j)
            return carry

        lax.fori_loop(0, _CH, body, 0)

    for j in range(_RING - 1):
        fire(j, j)

    def quad_body(p, carry):
        for j in range(_RING):
            g = p * _RING + j

            @pl.when(g + _RING - 1 < _NCH)
            def _():
                fire(g + _RING - 1, (j + _RING - 1) % _RING)

            drain_and_select(g, j)
        return carry

    lax.fori_loop(0, _NCH // _RING, quad_body, 0)

    pltpu.sync_copy(urows_v, ue_out.at[pl.ds(base * D, _BPW * D)])
    pltpu.sync_copy(irows_v, ie_out.at[pl.ds(base * D, _BPW * D)])


def _tc_body(u4_ref, i4_ref, w1_ref, b1_ref, w2_ref, b2_ref,
             pred_ref, score_ref):
    u4 = u4_ref[...]
    i4 = i4_ref[...]

    s128 = jnp.sum(u4, axis=0, keepdims=True)
    s32 = (s128[:, 0:D] + s128[:, D:2 * D]
           + s128[:, 2 * D:3 * D] + s128[:, 3 * D:4 * D])
    srep = jnp.concatenate([s32, s32, s32, s32], axis=1)
    t = i4 * srep
    lrow = lax.broadcasted_iota(jnp.int32, (128, 4), 0)
    gcol = lax.broadcasted_iota(jnp.int32, (128, 4), 1)
    m_sel = jnp.where(lrow // D == gcol, 1.0, 0.0)
    pred_ref[...] = jnp.dot(t, m_sel, preferred_element_type=jnp.float32)

    prod = u4 * i4
    w1 = w1_ref[...]
    r128 = lax.broadcasted_iota(jnp.int32, (128, 256), 0)
    c256 = lax.broadcasted_iota(jnp.int32, (128, 256), 1)
    bdmask = (r128 // D) == (c256 // 64)

    def bd(x):
        xt = jnp.concatenate([x, x, x, x], axis=0)
        xt = jnp.concatenate([xt, xt, xt, xt], axis=1)
        return jnp.where(bdmask, xt, 0.0)

    b1r = b1_ref[...]
    b1t = jnp.concatenate([b1r, b1r, b1r, b1r], axis=1)
    h = (jnp.dot(u4, bd(w1[0:D]), preferred_element_type=jnp.float32)
         + jnp.dot(i4, bd(w1[D:2 * D]), preferred_element_type=jnp.float32)
         + jnp.dot(prod, bd(w1[2 * D:3 * D]), preferred_element_type=jnp.float32)
         + b1t)
    h = jnp.maximum(h, 0.0)

    w2 = w2_ref[...]
    w2t = jnp.concatenate([w2, w2, w2, w2], axis=0)
    w2t = jnp.concatenate([w2t, w2t, w2t, w2t], axis=1)
    r256 = lax.broadcasted_iota(jnp.int32, (256, 4), 0)
    c4 = lax.broadcasted_iota(jnp.int32, (256, 4), 1)
    bd2 = jnp.where(r256 // 64 == c4, w2t, 0.0)
    score_ref[...] = (jnp.dot(h, bd2, preferred_element_type=jnp.float32)
                      + b2_ref[...])


_tc_call = pl.pallas_call(
    _tc_body,
    out_shape=(
        jax.ShapeDtypeStruct((B // 4, 4), jnp.float32),
        jax.ShapeDtypeStruct((B // 4, 4), jnp.float32),
    ),
)


def kernel(user_ids, item_ids, Q, U, A, Bt, W1, b1, W2, b2):
    uid = user_ids.astype(jnp.int32)
    iid = item_ids.astype(jnp.int32)
    ue_flat, ie_flat = _sc_gather(uid, iid, Q.T, U.T)
    u4 = ue_flat.reshape(B // 4, 128)
    i4 = ie_flat.reshape(B // 4, 128)
    pred4, score4 = _tc_call(u4, i4, W1, b1.reshape(1, 64), W2,
                             b2.reshape(1, 1))
    return (pred4.reshape(B), score4.reshape(B))

# --- scband reference (transcript-rebuilt; emitter-appended) ---
"""Pipeline reference for scband-multi-task-net-80161269613004 (READ-ONLY COPY).

The authoritative reference and input builder live on the scoring server;
editing this copy changes nothing except your own understanding.
"""

import jax, jax.numpy as jnp
import numpy as np

NUM_USERS = 1000000
NUM_ITEMS = 1000000
EMBED_DIM = 32
BATCH = 4096


def setup_inputs(seed: int = 0) -> dict:
    key = jax.random.key(seed)
    ks = jax.random.split(key, 8)
    user_ids = jax.random.randint(ks[0], (BATCH,), 0, NUM_USERS, dtype=jnp.int64 if jax.config.read('jax_enable_x64') else jnp.int32)
    item_ids = jax.random.randint(ks[1], (BATCH,), 0, NUM_ITEMS, dtype=jnp.int64 if jax.config.read('jax_enable_x64') else jnp.int32)
    # ScaledEmbedding: normal scaled by 1/embedding_dim
    Q = jax.random.normal(ks[2], (NUM_USERS, EMBED_DIM), dtype=jnp.float32) * (1.0 / EMBED_DIM)
    U = jax.random.normal(ks[3], (NUM_ITEMS, EMBED_DIM), dtype=jnp.float32) * (1.0 / EMBED_DIM)
    # ZeroEmbedding biases
    A = jnp.zeros((NUM_USERS, 1), dtype=jnp.float32)
    Bt = jnp.zeros((NUM_ITEMS, 1), dtype=jnp.float32)
    # MLP: Linear(96 -> 64), ReLU, Linear(64 -> 1); stored as (in, out) matrices
    W1 = jax.random.normal(ks[4], (3 * EMBED_DIM, 64), dtype=jnp.float32) * (1.0 / np.sqrt(3 * EMBED_DIM))
    b1 = jnp.zeros((64,), dtype=jnp.float32)
    W2 = jax.random.normal(ks[5], (64, 1), dtype=jnp.float32) * (1.0 / np.sqrt(64))
    b2 = jnp.zeros((1,), dtype=jnp.float32)
    return {"user_ids": user_ids, "item_ids": item_ids, "Q": Q, "U": U, "A": A, "Bt": Bt,
            "W1": W1, "b1": b1, "W2": W2, "b2": b2}


def reference(user_ids, item_ids, Q, U, A, Bt, W1, b1, W2, b2):
    # Embedding lookups (gather)
    user_embeddings = jnp.take(Q, user_ids, axis=0)          # [B, d]
    item_embeddings = jnp.take(U, item_ids, axis=0)          # [B, d]
    user_bias = jnp.take(A, user_ids, axis=0)                # [B, 1]
    item_bias = jnp.take(Bt, item_ids, axis=0)               # [B, 1]
    # predictions = matmul(ue, ie.T).sum(0) + ub + ib  (faithful to torch code)
    predictions = jnp.matmul(user_embeddings, item_embeddings.T).sum(axis=0) \
        + jnp.squeeze(user_bias, axis=-1) + jnp.squeeze(item_bias, axis=-1)  # [B]
    input_vec = jnp.concatenate([user_embeddings, item_embeddings,
                                 user_embeddings * item_embeddings], axis=1)  # [B, 96]
    h = jax.nn.relu(input_vec @ W1 + b1)                     # [B, 64]
    score = jnp.squeeze(h @ W2 + b2, axis=-1)                # [B]
    return (predictions, score)

if __name__ == "__main__":
    import jax
    _d = setup_inputs()
    print(jax.jit(kernel)(*tuple(_d.values())))

</pallas_src>

<mosaic_0001>
#map = affine_map<(d0, d1) -> (0)>
#map1 = affine_map<(d0, d1) -> (0, 0)>
module attributes {stable_mosaic.version = 14 : i64} {
  func.func @_sc_gather(%arg0: i32, %arg1: i32, %arg2: memref<4096xi32, #tpu.memory_space<hbm>>, %arg3: memref<4096xi32, #tpu.memory_space<hbm>>, %arg4: memref<32x1000000xf32, #tpu.memory_space<hbm>>, %arg5: memref<32x1000000xf32, #tpu.memory_space<hbm>>, %arg6: memref<131072xf32, #tpu.memory_space<hbm>>, %arg7: memref<131072xf32, #tpu.memory_space<hbm>>, %arg8: memref<144xi32, #tpu.memory_space<vmem>>, %arg9: memref<144xi32, #tpu.memory_space<vmem>>, %arg10: memref<4x2x32x128xf32, #tpu.memory_space<vmem>>, %arg11: memref<4x2x32x128xf32, #tpu.memory_space<vmem>>, %arg12: memref<4096xf32, #tpu.memory_space<vmem>>, %arg13: memref<4096xf32, #tpu.memory_space<vmem>>, %arg14: memref<!tpu.dma_semaphore, #tpu.memory_space<semaphore_mem>>, %arg15: memref<!tpu.dma_semaphore, #tpu.memory_space<semaphore_mem>>, %arg16: memref<!tpu.dma_semaphore, #tpu.memory_space<semaphore_mem>>, %arg17: memref<!tpu.dma_semaphore, #tpu.memory_space<semaphore_mem>>, %arg18: memref<!tpu.dma_semaphore, #tpu.memory_space<semaphore_mem>>, %arg19: memref<!tpu.dma_semaphore, #tpu.memory_space<semaphore_mem>>, %arg20: memref<!tpu.dma_semaphore, #tpu.memory_space<semaphore_mem>>, %arg21: memref<!tpu.dma_semaphore, #tpu.memory_space<semaphore_mem>>) attributes {dimension_semantics = [#tpu.dimension_semantics<core_parallel>, #tpu.dimension_semantics<subcore_parallel>], iteration_bounds = array<i64: 2, 16>, scalar_prefetch = 0 : i64, scratch_operands = 14 : i64, tpu.core_type = #tpu.core_type<sc_vector_subcore>, window_params = [{transform_indices = #map}, {transform_indices = #map}, {transform_indices = #map1}, {transform_indices = #map1}, {transform_indices = #map}, {transform_indices = #map}]} {
    %mul3A = arith.constant 2 : i32
    %mul3A_0 = arith.muli %arg1, %mul3A : i32
    %add3A = arith.addi %mul3A_0, %arg0 : i32
    %mul3A_1 = arith.constant 128 : i32
    %mul3A_2 = arith.muli %add3A, %mul3A_1 : i32
    "tpu.region"() ({
      %run_scoped3A = tpu.sem_alloc : memref<!tpu.dma_semaphore, #tpu.memory_space<semaphore_mem>>
      %dma_start3A = arith.constant 0 : i32
      %dma_start3A_87 = tpu.memref_slice %arg8[%dma_start3A] : memref<144xi32, #tpu.memory_space<vmem>> -> memref<128xi32, #tpu.memory_space<vmem>>
      %dma_start3A_88 = tpu.memref_slice %arg2[%mul3A_2] : memref<4096xi32, #tpu.memory_space<hbm>> -> memref<128xi32, #tpu.memory_space<hbm>>
      %dma_start3A_89 = arith.constant 0 : i32
      %dma_start3A_90 = tpu.memref_slice %arg8[%dma_start3A_89] : memref<144xi32, #tpu.memory_space<vmem>> -> memref<128xi32, #tpu.memory_space<vmem>>
      %dma_start3A_91 = tpu.memref_slice %arg2[%mul3A_2] : memref<4096xi32, #tpu.memory_space<hbm>> -> memref<128xi32, #tpu.memory_space<hbm>>
      tpu.enqueue_dma source(%dma_start3A_91 : memref<128xi32, #tpu.memory_space<hbm>>) target(%dma_start3A_90 : memref<128xi32, #tpu.memory_space<vmem>>) target_semaphore(%run_scoped3A : memref<!tpu.dma_semaphore, #tpu.memory_space<semaphore_mem>>)
      %dma_wait3A = arith.constant 0 : i32
      %dma_wait3A_92 = tpu.memref_slice %arg8[%dma_wait3A] : memref<144xi32, #tpu.memory_space<vmem>> -> memref<128xi32, #tpu.memory_space<vmem>>
      %dma_wait3A_93 = tpu.memref_slice %arg2[%mul3A_2] : memref<4096xi32, #tpu.memory_space<hbm>> -> memref<128xi32, #tpu.memory_space<hbm>>
      %dma_wait3A_94 = arith.constant 0 : i32
      %dma_wait3A_95 = tpu.memref_slice %arg8[%dma_wait3A_94] : memref<144xi32, #tpu.memory_space<vmem>> -> memref<128xi32, #tpu.memory_space<vmem>>
      %dma_wait3A_96 = tpu.memref_slice %arg2[%mul3A_2] : memref<4096xi32, #tpu.memory_space<hbm>> -> memref<128xi32, #tpu.memory_space<hbm>>
      tpu.wait_dma2 semaphore(%run_scoped3A : memref<!tpu.dma_semaphore, #tpu.memory_space<semaphore_mem>>) src(%dma_wait3A_96 : memref<128xi32, #tpu.memory_space<hbm>>) dst(%dma_wait3A_95 : memref<128xi32, #tpu.memory_space<vmem>>)
      tpu.yield
    }) : () -> ()
    "tpu.region"() ({
      %run_scoped3A = tpu.sem_alloc : memref<!tpu.dma_semaphore, #tpu.memory_space<semaphore_mem>>
      %dma_start3A = arith.constant 0 : i32
      %dma_start3A_87 = tpu.memref_slice %arg9[%dma_start3A] : memref<144xi32, #tpu.memory_space<vmem>> -> memref<128xi32, #tpu.memory_space<vmem>>
      %dma_start3A_88 = tpu.memref_slice %arg3[%mul3A_2] : memref<4096xi32, #tpu.memory_space<hbm>> -> memref<128xi32, #tpu.memory_space<hbm>>
      %dma_start3A_89 = arith.constant 0 : i32
      %dma_start3A_90 = tpu.memref_slice %arg9[%dma_start3A_89] : memref<144xi32, #tpu.memory_space<vmem>> -> memref<128xi32, #tpu.memory_space<vmem>>
      %dma_start3A_91 = tpu.memref_slice %arg3[%mul3A_2] : memref<4096xi32, #tpu.memory_space<hbm>> -> memref<128xi32, #tpu.memory_space<hbm>>
      tpu.enqueue_dma source(%dma_start3A_91 : memref<128xi32, #tpu.memory_space<hbm>>) target(%dma_start3A_90 : memref<128xi32, #tpu.memory_space<vmem>>) target_semaphore(%run_scoped3A : memref<!tpu.dma_semaphore, #tpu.memory_space<semaphore_mem>>)
      %dma_wait3A = arith.constant 0 : i32
      %dma_wait3A_92 = tpu.memref_slice %arg9[%dma_wait3A] : memref<144xi32, #tpu.memory_space<vmem>> -> memref<128xi32, #tpu.memory_space<vmem>>
      %dma_wait3A_93 = tpu.memref_slice %arg3[%mul3A_2] : memref<4096xi32, #tpu.memory_space<hbm>> -> memref<128xi32, #tpu.memory_space<hbm>>
      %dma_wait3A_94 = arith.constant 0 : i32
      %dma_wait3A_95 = tpu.memref_slice %arg9[%dma_wait3A_94] : memref<144xi32, #tpu.memory_space<vmem>> -> memref<128xi32, #tpu.memory_space<vmem>>
      %dma_wait3A_96 = tpu.memref_slice %arg3[%mul3A_2] : memref<4096xi32, #tpu.memory_space<hbm>> -> memref<128xi32, #tpu.memory_space<hbm>>
      tpu.wait_dma2 semaphore(%run_scoped3A : memref<!tpu.dma_semaphore, #tpu.memory_space<semaphore_mem>>) src(%dma_wait3A_96 : memref<128xi32, #tpu.memory_space<hbm>>) dst(%dma_wait3A_95 : memref<128xi32, #tpu.memory_space<vmem>>)
      tpu.yield
    }) : () -> ()
    %broadcast_in_dim3A = arith.constant 0 : i32
    %broadcast_in_dim3A_3 = vector.broadcast %broadcast_in_dim3A : i32 to vector<16xi32>
    %swap3A = arith.constant 128 : index
    %swap3A_4 = tpu.vector_load %arg8[%swap3A] {strides = array<i32>} : memref<144xi32, #tpu.memory_space<vmem>>, vector<16xi32>,
    %swap3A_5 = vector.shape_cast %swap3A_4 : vector<16xi32> to vector<16xi32>
    %swap3A_6 = vector.shape_cast %broadcast_in_dim3A_3 : vector<16xi32> to vector<16xi32>
    tpu.vector_store %arg8[%swap3A], %swap3A_6 {strides = array<i32>} : memref<144xi32, #tpu.memory_space<vmem>>, vector<16xi32>,
    %broadcast_in_dim3A_7 = arith.constant 0 : i32
    %broadcast_in_dim3A_8 = vector.broadcast %broadcast_in_dim3A_7 : i32 to vector<16xi32>
    %swap3A_9 = arith.constant 128 : index
    %swap3A_10 = tpu.vector_load %arg9[%swap3A_9] {strides = array<i32>} : memref<144xi32, #tpu.memory_space<vmem>>, vector<16xi32>,
    %swap3A_11 = vector.shape_cast %swap3A_10 : vector<16xi32> to vector<16xi32>
    %swap3A_12 = vector.shape_cast %broadcast_in_dim3A_8 : vector<16xi32> to vector<16xi32>
    tpu.vector_store %arg9[%swap3A_9], %swap3A_12 {strides = array<i32>} : memref<144xi32, #tpu.memory_space<vmem>>, vector<16xi32>,
    %iota3A = tpu.iota {dimensions = array<i32: 0>} : vector<16xi32>
    %eq3A = arith.constant 0 : i32
    %eq3A_13 = vector.broadcast %eq3A : i32 to vector<16xi32>
    %eq3A_14 = arith.cmpi eq, %iota3A, %eq3A_13 : vector<16xi32>
    %eq3A_15 = arith.constant 1 : i32
    %eq3A_16 = vector.broadcast %eq3A_15 : i32 to vector<16xi32>
    %eq3A_17 = arith.cmpi eq, %iota3A, %eq3A_16 : vector<16xi32>
    %eq3A_18 = arith.constant 2 : i32
    %eq3A_19 = vector.broadcast %eq3A_18 : i32 to vector<16xi32>
    %eq3A_20 = arith.cmpi eq, %iota3A, %eq3A_19 : vector<16xi32>
    %eq3A_21 = arith.constant 3 : i32
    %eq3A_22 = vector.broadcast %eq3A_21 : i32 to vector<16xi32>
    %eq3A_23 = arith.cmpi eq, %iota3A, %eq3A_22 : vector<16xi32>
    %eq3A_24 = arith.constant 4 : i32
    %eq3A_25 = vector.broadcast %eq3A_24 : i32 to vector<16xi32>
    %eq3A_26 = arith.cmpi eq, %iota3A, %eq3A_25 : vector<16xi32>
    %eq3A_27 = arith.constant 5 : i32
    %eq3A_28 = vector.broadcast %eq3A_27 : i32 to vector<16xi32>
    %eq3A_29 = arith.cmpi eq, %iota3A, %eq3A_28 : vector<16xi32>
    %eq3A_30 = arith.constant 6 : i32
    %eq3A_31 = vector.broadcast %eq3A_30 : i32 to vector<16xi32>
    %eq3A_32 = arith.cmpi eq, %iota3A, %eq3A_31 : vector<16xi32>
    %eq3A_33 = arith.constant 7 : i32
    %eq3A_34 = vector.broadcast %eq3A_33 : i32 to vector<16xi32>
    %eq3A_35 = arith.cmpi eq, %iota3A, %eq3A_34 : vector<16xi32>
    %eq3A_36 = arith.constant 8 : i32
    %eq3A_37 = vector.broadcast %eq3A_36 : i32 to vector<16xi32>
    %eq3A_38 = arith.cmpi eq, %iota3A, %eq3A_37 : vector<16xi32>
    %eq3A_39 = arith.constant 9 : i32
    %eq3A_40 = vector.broadcast %eq3A_39 : i32 to vector<16xi32>
    %eq3A_41 = arith.cmpi eq, %iota3A, %eq3A_40 : vector<16xi32>
    %eq3A_42 = arith.constant 10 : i32
    %eq3A_43 = vector.broadcast %eq3A_42 : i32 to vector<16xi32>
    %eq3A_44 = arith.cmpi eq, %iota3A, %eq3A_43 : vector<16xi32>
    %eq3A_45 = arith.constant 11 : i32
    %eq3A_46 = vector.broadcast %eq3A_45 : i32 to vector<16xi32>
    %eq3A_47 = arith.cmpi eq, %iota3A, %eq3A_46 : vector<16xi32>
    %eq3A_48 = arith.constant 12 : i32
    %eq3A_49 = vector.broadcast %eq3A_48 : i32 to vector<16xi32>
    %eq3A_50 = arith.cmpi eq, %iota3A, %eq3A_49 : vector<16xi32>
    %eq3A_51 = arith.constant 13 : i32
    %eq3A_52 = vector.broadcast %eq3A_51 : i32 to vector<16xi32>
    %eq3A_53 = arith.cmpi eq, %iota3A, %eq3A_52 : vector<16xi32>
    %eq3A_54 = arith.constant 14 : i32
    %eq3A_55 = vector.broadcast %eq3A_54 : i32 to vector<16xi32>
    %eq3A_56 = arith.cmpi eq, %iota3A, %eq3A_55 : vector<16xi32>
    %eq3A_57 = arith.constant 15 : i32
    %eq3A_58 = vector.broadcast %eq3A_57 : i32 to vector<16xi32>
    %eq3A_59 = arith.cmpi eq, %iota3A, %eq3A_58 : vector<16xi32>
    %scan3A = arith.constant 0 : i32
    %scan3A_60 = arith.constant 0 : i32
    %scan3A_61 = arith.constant 2 : i32
    %scan3A_62 = arith.addi %scan3A_60, %scan3A_61 : i32
    %scan3A_63 = arith.constant 1 : i32
    scf.for %scan3A_87 = %scan3A_60 to %scan3A_62 step %scan3A_63  : i32 {
      %add3A_88 = arith.constant 0 : i32
      %add3A_89 = arith.addi %add3A_88, %scan3A_87 : i32
      %get3A = arith.index_cast %add3A_89 : i32 to index
      %get3A_90 = tpu.vector_load %arg8[%get3A] {strides = array<i32>} : memref<144xi32, #tpu.memory_space<vmem>>, vector<16xi32>,
      %get3A_91 = vector.shape_cast %get3A_90 : vector<16xi32> to vector<16xi32>
      %slice3A = vector.extract_strided_slice %get3A_91 {offsets = [0], sizes = [1], strides = [1]} : vector<16xi32> to vector<1xi32>
      %squeeze3A = vector.extract %slice3A[0] : i32 from vector<1xi32>
      %get3A_92 = arith.index_cast %add3A_89 : i32 to index
      %get3A_93 = tpu.vector_load %arg9[%get3A_92] {strides = array<i32>} : memref<144xi32, #tpu.memory_space<vmem>>, vector<16xi32>,
      %get3A_94 = vector.shape_cast %get3A_93 : vector<16xi32> to vector<16xi32>
      %slice3A_95 = vector.extract_strided_slice %get3A_94 {offsets = [0], sizes = [1], strides = [1]} : vector<16xi32> to vector<1xi32>
      %squeeze3A_96 = vector.extract %slice3A_95[0] : i32 from vector<1xi32>
      %shift_right_arithmetic3A = arith.constant 7 : i32
      %shift_right_arithmetic3A_97 = arith.shrsi %squeeze3A, %shift_right_arithmetic3A : i32
      %mul3A_98 = arith.constant 128 : i32
      %mul3A_99 = arith.muli %shift_right_arithmetic3A_97, %mul3A_98 : i32
      %multiple_of3A = tpu.assume_multiple %mul3A_99, 128 : i32
      %shift_right_arithmetic3A_100 = arith.constant 7 : i32
      %shift_right_arithmetic3A_101 = arith.shrsi %squeeze3A_96, %shift_right_arithmetic3A_100 : i32
      %mul3A_102 = arith.constant 128 : i32
      %mul3A_103 = arith.muli %shift_right_arithmetic3A_101, %mul3A_102 : i32
      %multiple_of3A_104 = tpu.assume_multiple %mul3A_103, 128 : i32
      %dma_start3A = arith.constant 0 : i32
      %dma_start3A_105 = arith.constant 0 : i32
      %dma_start3A_106 = arith.constant 0 : i32
      %dma_start3A_107 = tpu.memref_slice %arg10[%dma_start3A, %scan3A_87, %dma_start3A_105, %dma_start3A_106] : memref<4x2x32x128xf32, #tpu.memory_space<vmem>> -> memref<1x1x32x128xf32, #tpu.memory_space<vmem>>
      %dma_start3A_108 = tpu.memref_squeeze %dma_start3A_107 : memref<1x1x32x128xf32, #tpu.memory_space<vmem>> -> memref<32x128xf32, #tpu.memory_space<vmem>>
      %dma_start3A_109 = arith.constant 0 : i32
      %dma_start3A_110 = tpu.memref_slice %arg4[%dma_start3A_109, %multiple_of3A] : memref<32x1000000xf32, #tpu.memory_space<hbm>> -> memref<32x128xf32, #tpu.memory_space<hbm>>
      %dma_start3A_111 = arith.constant 0 : i32
      %dma_start3A_112 = arith.constant 0 : i32
      %dma_start3A_113 = tpu.memref_slice %arg10[%dma_start3A, %scan3A_87, %dma_start3A_111, %dma_start3A_112] : memref<4x2x32x128xf32, #tpu.memory_space<vmem>> -> memref<1x1x32x128xf32, #tpu.memory_space<vmem>>
      %dma_start3A_114 = tpu.memref_squeeze %dma_start3A_113 : memref<1x1x32x128xf32, #tpu.memory_space<vmem>> -> memref<32x128xf32, #tpu.memory_space<vmem>>
      %dma_start3A_115 = arith.constant 0 : i32
      %dma_start3A_116 = tpu.memref_slice %arg4[%dma_start3A_115, %multiple_of3A] : memref<32x1000000xf32, #tpu.memory_space<hbm>> -> memref<32x128xf32, #tpu.memory_space<hbm>>
      tpu.enqueue_dma source(%dma_start3A_116 : memref<32x128xf32, #tpu.memory_space<hbm>>) target(%dma_start3A_114 : memref<32x128xf32, #tpu.memory_space<vmem>>) target_semaphore(%arg14 : memref<!tpu.dma_semaphore, #tpu.memory_space<semaphore_mem>>)
      %dma_start3A_117 = arith.constant 0 : i32
      %dma_start3A_118 = arith.constant 0 : i32
      %dma_start3A_119 = arith.constant 0 : i32
      %dma_start3A_120 = tpu.memref_slice %arg11[%dma_start3A_117, %scan3A_87, %dma_start3A_118, %dma_start3A_119] : memref<4x2x32x128xf32, #tpu.memory_space<vmem>> -> memref<1x1x32x128xf32, #tpu.memory_space<vmem>>
      %dma_start3A_121 = tpu.memref_squeeze %dma_start3A_120 : memref<1x1x32x128xf32, #tpu.memory_space<vmem>> -> memref<32x128xf32, #tpu.memory_space<vmem>>
      %dma_start3A_122 = arith.constant 0 : i32
      %dma_start3A_123 = tpu.memref_slice %arg5[%dma_start3A_122, %multiple_of3A_104] : memref<32x1000000xf32, #tpu.memory_space<hbm>> -> memref<32x128xf32, #tpu.memory_space<hbm>>
      %dma_start3A_124 = arith.constant 0 : i32
      %dma_start3A_125 = arith.constant 0 : i32
      %dma_start3A_126 = tpu.memref_slice %arg11[%dma_start3A_117, %scan3A_87, %dma_start3A_124, %dma_start3A_125] : memref<4x2x32x128xf32, #tpu.memory_space<vmem>> -> memref<1x1x32x128xf32, #tpu.memory_space<vmem>>
      %dma_start3A_127 = tpu.memref_squeeze %dma_start3A_126 : memref<1x1x32x128xf32, #tpu.memory_space<vmem>> -> memref<32x128xf32, #tpu.memory_space<vmem>>
      %dma_start3A_128 = arith.constant 0 : i32
      %dma_start3A_129 = tpu.memref_slice %arg5[%dma_start3A_128, %multiple_of3A_104] : memref<32x1000000xf32, #tpu.memory_space<hbm>> -> memref<32x128xf32, #tpu.memory_space<hbm>>
      tpu.enqueue_dma source(%dma_start3A_129 : memref<32x128xf32, #tpu.memory_space<hbm>>) target(%dma_start3A_127 : memref<32x128xf32, #tpu.memory_space<vmem>>) target_semaphore(%arg18 : memref<!tpu.dma_semaphore, #tpu.memory_space<semaphore_mem>>)
    }
    %scan3A_64 = arith.constant 2 : i32
    %scan3A_65 = arith.constant 0 : i32
    %scan3A_66 = arith.constant 0 : i32
    %scan3A_67 = arith.constant 2 : i32
    %scan3A_68 = arith.addi %scan3A_66, %scan3A_67 : i32
    %scan3A_69 = arith.constant 1 : i32
    scf.for %scan3A_87 = %scan3A_66 to %scan3A_68 step %scan3A_69  : i32 {
      %add3A_88 = arith.constant 2 : i32
      %add3A_89 = arith.addi %add3A_88, %scan3A_87 : i32
      %get3A = arith.index_cast %add3A_89 : i32 to index
      %get3A_90 = tpu.vector_load %arg8[%get3A] {strides = array<i32>} : memref<144xi32, #tpu.memory_space<vmem>>, vector<16xi32>,
      %get3A_91 = vector.shape_cast %get3A_90 : vector<16xi32> to vector<16xi32>
      %slice3A = vector.extract_strided_slice %get3A_91 {offsets = [0], sizes = [1], strides = [1]} : vector<16xi32> to vector<1xi32>
      %squeeze3A = vector.extract %slice3A[0] : i32 from vector<1xi32>
      %get3A_92 = arith.index_cast %add3A_89 : i32 to index
      %get3A_93 = tpu.vector_load %arg9[%get3A_92] {strides = array<i32>} : memref<144xi32, #tpu.memory_space<vmem>>, vector<16xi32>,
      %get3A_94 = vector.shape_cast %get3A_93 : vector<16xi32> to vector<16xi32>
      %slice3A_95 = vector.extract_strided_slice %get3A_94 {offsets = [0], sizes = [1], strides = [1]} : vector<16xi32> to vector<1xi32>
      %squeeze3A_96 = vector.extract %slice3A_95[0] : i32 from vector<1xi32>
      %shift_right_arithmetic3A = arith.constant 7 : i32
      %shift_right_arithmetic3A_97 = arith.shrsi %squeeze3A, %shift_right_arithmetic3A : i32
      %mul3A_98 = arith.constant 128 : i32
      %mul3A_99 = arith.muli %shift_right_arithmetic3A_97, %mul3A_98 : i32
      %multiple_of3A = tpu.assume_multiple %mul3A_99, 128 : i32
      %shift_right_arithmetic3A_100 = arith.constant 7 : i32
      %shift_right_arithmetic3A_101 = arith.shrsi %squeeze3A_96, %shift_right_arithmetic3A_100 : i32
      %mul3A_102 = arith.constant 128 : i32
      %mul3A_103 = arith.muli %shift_right_arithmetic3A_101, %mul3A_102 : i32
      %multiple_of3A_104 = tpu.assume_multiple %mul3A_103, 128 : i32
      %dma_start3A = arith.constant 1 : i32
      %dma_start3A_105 = arith.constant 0 : i32
      %dma_start3A_106 = arith.constant 0 : i32
      %dma_start3A_107 = tpu.memref_slice %arg10[%dma_start3A, %scan3A_87, %dma_start3A_105, %dma_start3A_106] : memref<4x2x32x128xf32, #tpu.memory_space<vmem>> -> memref<1x1x32x128xf32, #tpu.memory_space<vmem>>
      %dma_start3A_108 = tpu.memref_squeeze %dma_start3A_107 : memref<1x1x32x128xf32, #tpu.memory_space<vmem>> -> memref<32x128xf32, #tpu.memory_space<vmem>>
      %dma_start3A_109 = arith.constant 0 : i32
      %dma_start3A_110 = tpu.memref_slice %arg4[%dma_start3A_109, %multiple_of3A] : memref<32x1000000xf32, #tpu.memory_space<hbm>> -> memref<32x128xf32, #tpu.memory_space<hbm>>
      %dma_start3A_111 = arith.constant 0 : i32
      %dma_start3A_112 = arith.constant 0 : i32
      %dma_start3A_113 = tpu.memref_slice %arg10[%dma_start3A, %scan3A_87, %dma_start3A_111, %dma_start3A_112] : memref<4x2x32x128xf32, #tpu.memory_space<vmem>> -> memref<1x1x32x128xf32, #tpu.memory_space<vmem>>
      %dma_start3A_114 = tpu.memref_squeeze %dma_start3A_113 : memref<1x1x32x128xf32, #tpu.memory_space<vmem>> -> memref<32x128xf32, #tpu.memory_space<vmem>>
      %dma_start3A_115 = arith.constant 0 : i32
      %dma_start3A_116 = tpu.memref_slice %arg4[%dma_start3A_115, %multiple_of3A] : memref<32x1000000xf32, #tpu.memory_space<hbm>> -> memref<32x128xf32, #tpu.memory_space<hbm>>
      tpu.enqueue_dma source(%dma_start3A_116 : memref<32x128xf32, #tpu.memory_space<hbm>>) target(%dma_start3A_114 : memref<32x128xf32, #tpu.memory_space<vmem>>) target_semaphore(%arg15 : memref<!tpu.dma_semaphore, #tpu.memory_space<semaphore_mem>>)
      %dma_start3A_117 = arith.constant 1 : i32
      %dma_start3A_118 = arith.constant 0 : i32
      %dma_start3A_119 = arith.constant 0 : i32
      %dma_start3A_120 = tpu.memref_slice %arg11[%dma_start3A_117, %scan3A_87, %dma_start3A_118, %dma_start3A_119] : memref<4x2x32x128xf32, #tpu.memory_space<vmem>> -> memref<1x1x32x128xf32, #tpu.memory_space<vmem>>
      %dma_start3A_121 = tpu.memref_squeeze %dma_start3A_120 : memref<1x1x32x128xf32, #tpu.memory_space<vmem>> -> memref<32x128xf32, #tpu.memory_space<vmem>>
      %dma_start3A_122 = arith.constant 0 : i32
      %dma_start3A_123 = tpu.memref_slice %arg5[%dma_start3A_122, %multiple_of3A_104] : memref<32x1000000xf32, #tpu.memory_space<hbm>> -> memref<32x128xf32, #tpu.memory_space<hbm>>
      %dma_start3A_124 = arith.constant 0 : i32
      %dma_start3A_125 = arith.constant 0 : i32
      %dma_start3A_126 = tpu.memref_slice %arg11[%dma_start3A_117, %scan3A_87, %dma_start3A_124, %dma_start3A_125] : memref<4x2x32x128xf32, #tpu.memory_space<vmem>> -> memref<1x1x32x128xf32, #tpu.memory_space<vmem>>
      %dma_start3A_127 = tpu.memref_squeeze %dma_start3A_126 : memref<1x1x32x128xf32, #tpu.memory_space<vmem>> -> memref<32x128xf32, #tpu.memory_space<vmem>>
      %dma_start3A_128 = arith.constant 0 : i32
      %dma_start3A_129 = tpu.memref_slice %arg5[%dma_start3A_128, %multiple_of3A_104] : memref<32x1000000xf32, #tpu.memory_space<hbm>> -> memref<32x128xf32, #tpu.memory_space<hbm>>
      tpu.enqueue_dma source(%dma_start3A_129 : memref<32x128xf32, #tpu.memory_space<hbm>>) target(%dma_start3A_127 : memref<32x128xf32, #tpu.memory_space<vmem>>) target_semaphore(%arg19 : memref<!tpu.dma_semaphore, #tpu.memory_space<semaphore_mem>>)
    }
    %scan3A_70 = arith.constant 2 : i32
    %scan3A_71 = arith.constant 0 : i32
    %scan3A_72 = arith.constant 0 : i32
    %scan3A_73 = arith.constant 2 : i32
    %scan3A_74 = arith.addi %scan3A_72, %scan3A_73 : i32
    %scan3A_75 = arith.constant 1 : i32
    scf.for %scan3A_87 = %scan3A_72 to %scan3A_74 step %scan3A_75  : i32 {
      %add3A_88 = arith.constant 4 : i32
      %add3A_89 = arith.addi %add3A_88, %scan3A_87 : i32
      %get3A = arith.index_cast %add3A_89 : i32 to index
      %get3A_90 = tpu.vector_load %arg8[%get3A] {strides = array<i32>} : memref<144xi32, #tpu.memory_space<vmem>>, vector<16xi32>,
      %get3A_91 = vector.shape_cast %get3A_90 : vector<16xi32> to vector<16xi32>
      %slice3A = vector.extract_strided_slice %get3A_91 {offsets = [0], sizes = [1], strides = [1]} : vector<16xi32> to vector<1xi32>
      %squeeze3A = vector.extract %slice3A[0] : i32 from vector<1xi32>
      %get3A_92 = arith.index_cast %add3A_89 : i32 to index
      %get3A_93 = tpu.vector_load %arg9[%get3A_92] {strides = array<i32>} : memref<144xi32, #tpu.memory_space<vmem>>, vector<16xi32>,
      %get3A_94 = vector.shape_cast %get3A_93 : vector<16xi32> to vector<16xi32>
      %slice3A_95 = vector.extract_strided_slice %get3A_94 {offsets = [0], sizes = [1], strides = [1]} : vector<16xi32> to vector<1xi32>
      %squeeze3A_96 = vector.extract %slice3A_95[0] : i32 from vector<1xi32>
      %shift_right_arithmetic3A = arith.constant 7 : i32
      %shift_right_arithmetic3A_97 = arith.shrsi %squeeze3A, %shift_right_arithmetic3A : i32
      %mul3A_98 = arith.constant 128 : i32
      %mul3A_99 = arith.muli %shift_right_arithmetic3A_97, %mul3A_98 : i32
      %multiple_of3A = tpu.assume_multiple %mul3A_99, 128 : i32
      %shift_right_arithmetic3A_100 = arith.constant 7 : i32
      %shift_right_arithmetic3A_101 = arith.shrsi %squeeze3A_96, %shift_right_arithmetic3A_100 : i32
      %mul3A_102 = arith.constant 128 : i32
      %mul3A_103 = arith.muli %shift_right_arithmetic3A_101, %mul3A_102 : i32
      %multiple_of3A_104 = tpu.assume_multiple %mul3A_103, 128 : i32
      %dma_start3A = arith.constant 2 : i32
      %dma_start3A_105 = arith.constant 0 : i32
      %dma_start3A_106 = arith.constant 0 : i32
      %dma_start3A_107 = tpu.memref_slice %arg10[%dma_start3A, %scan3A_87, %dma_start3A_105, %dma_start3A_106] : memref<4x2x32x128xf32, #tpu.memory_space<vmem>> -> memref<1x1x32x128xf32, #tpu.memory_space<vmem>>
      %dma_start3A_108 = tpu.memref_squeeze %dma_start3A_107 : memref<1x1x32x128xf32, #tpu.memory_space<vmem>> -> memref<32x128xf32, #tpu.memory_space<vmem>>
      %dma_start3A_109 = arith.constant 0 : i32
      %dma_start3A_110 = tpu.memref_slice %arg4[%dma_start3A_109, %multiple_of3A] : memref<32x1000000xf32, #tpu.memory_space<hbm>> -> memref<32x128xf32, #tpu.memory_space<hbm>>
      %dma_start3A_111 = arith.constant 0 : i32
      %dma_start3A_112 = arith.constant 0 : i32
      %dma_start3A_113 = tpu.memref_slice %arg10[%dma_start3A, %scan3A_87, %dma_start3A_111, %dma_start3A_112] : memref<4x2x32x128xf32, #tpu.memory_space<vmem>> -> memref<1x1x32x128xf32, #tpu.memory_space<vmem>>
      %dma_start3A_114 = tpu.memref_squeeze %dma_start3A_113 : memref<1x1x32x128xf32, #tpu.memory_space<vmem>> -> memref<32x128xf32, #tpu.memory_space<vmem>>
      %dma_start3A_115 = arith.constant 0 : i32
      %dma_start3A_116 = tpu.memref_slice %arg4[%dma_start3A_115, %multiple_of3A] : memref<32x1000000xf32, #tpu.memory_space<hbm>> -> memref<32x128xf32, #tpu.memory_space<hbm>>
      tpu.enqueue_dma source(%dma_start3A_116 : memref<32x128xf32, #tpu.memory_space<hbm>>) target(%dma_start3A_114 : memref<32x128xf32, #tpu.memory_space<vmem>>) target_semaphore(%arg16 : memref<!tpu.dma_semaphore, #tpu.memory_space<semaphore_mem>>)
      %dma_start3A_117 = arith.constant 2 : i32
      %dma_start3A_118 = arith.constant 0 : i32
      %dma_start3A_119 = arith.constant 0 : i32
      %dma_start3A_120 = tpu.memref_slice %arg11[%dma_start3A_117, %scan3A_87, %dma_start3A_118, %dma_start3A_119] : memref<4x2x32x128xf32, #tpu.memory_space<vmem>> -> memref<1x1x32x128xf32, #tpu.memory_space<vmem>>
      %dma_start3A_121 = tpu.memref_squeeze %dma_start3A_120 : memref<1x1x32x128xf32, #tpu.memory_space<vmem>> -> memref<32x128xf32, #tpu.memory_space<vmem>>
      %dma_start3A_122 = arith.constant 0 : i32
      %dma_start3A_123 = tpu.memref_slice %arg5[%dma_start3A_122, %multiple_of3A_104] : memref<32x1000000xf32, #tpu.memory_space<hbm>> -> memref<32x128xf32, #tpu.memory_space<hbm>>
      %dma_start3A_124 = arith.constant 0 : i32
      %dma_start3A_125 = arith.constant 0 : i32
      %dma_start3A_126 = tpu.memref_slice %arg11[%dma_start3A_117, %scan3A_87, %dma_start3A_124, %dma_start3A_125] : memref<4x2x32x128xf32, #tpu.memory_space<vmem>> -> memref<1x1x32x128xf32, #tpu.memory_space<vmem>>
      %dma_start3A_127 = tpu.memref_squeeze %dma_start3A_126 : memref<1x1x32x128xf32, #tpu.memory_space<vmem>> -> memref<32x128xf32, #tpu.memory_space<vmem>>
      %dma_start3A_128 = arith.constant 0 : i32
      %dma_start3A_129 = tpu.memref_slice %arg5[%dma_start3A_128, %multiple_of3A_104] : memref<32x1000000xf32, #tpu.memory_space<hbm>> -> memref<32x128xf32, #tpu.memory_space<hbm>>
      tpu.enqueue_dma source(%dma_start3A_129 : memref<32x128xf32, #tpu.memory_space<hbm>>) target(%dma_start3A_127 : memref<32x128xf32, #tpu.memory_space<vmem>>) target_semaphore(%arg20 : memref<!tpu.dma_semaphore, #tpu.memory_space<semaphore_mem>>)
    }
    %scan3A_76 = arith.constant 2 : i32
    %scan3A_77 = arith.constant 0 : i32
    %scan3A_78 = arith.constant 0 : i32
    %scan3A_79 = arith.constant 16 : i32
    %scan3A_80 = arith.addi %scan3A_78, %scan3A_79 : i32
    %scan3A_81 = arith.constant 1 : i32
    scf.for %scan3A_87 = %scan3A_78 to %scan3A_80 step %scan3A_81  : i32 {
      %mul3A_88 = arith.constant 4 : i32
      %mul3A_89 = arith.muli %scan3A_87, %mul3A_88 : i32
      %add3A_90 = arith.constant 0 : i32
      %add3A_91 = arith.addi %mul3A_89, %add3A_90 : i32
      %add3A_92 = arith.constant 4 : i32
      %add3A_93 = arith.addi %add3A_91, %add3A_92 : i32
      %sub3A = arith.constant 1 : i32
      %sub3A_94 = arith.subi %add3A_93, %sub3A : i32
      %lt3A = arith.constant 64 : i32
      %lt3A_95 = arith.cmpi slt, %sub3A_94, %lt3A : i32
      %convert_element_type3A = arith.extui %lt3A_95 : i1 to i32
      %cond3A = arith.constant 0 : i32
      %cond3A_96 = arith.cmpi ne, %convert_element_type3A, %cond3A : i32
      scf.if %cond3A_96 {
        %add3A_160 = arith.constant 4 : i32
        %add3A_161 = arith.addi %add3A_91, %add3A_160 : i32
        %sub3A_162 = arith.constant 1 : i32
        %sub3A_163 = arith.subi %add3A_161, %sub3A_162 : i32
        %scan3A_164 = arith.constant 0 : i32
        %scan3A_165 = arith.constant 0 : i32
        %scan3A_166 = arith.constant 2 : i32
        %scan3A_167 = arith.addi %scan3A_165, %scan3A_166 : i32
        %scan3A_168 = arith.constant 1 : i32
        scf.for %scan3A_170 = %scan3A_165 to %scan3A_167 step %scan3A_168  : i32 {
          %mul3A_171 = arith.constant 2 : i32
          %mul3A_172 = arith.muli %sub3A_163, %mul3A_171 : i32
          %add3A_173 = arith.addi %mul3A_172, %scan3A_170 : i32
          %get3A = arith.index_cast %add3A_173 : i32 to index
          %get3A_174 = tpu.vector_load %arg8[%get3A] {strides = array<i32>} : memref<144xi32, #tpu.memory_space<vmem>>, vector<16xi32>,
          %get3A_175 = vector.shape_cast %get3A_174 : vector<16xi32> to vector<16xi32>
          %slice3A = vector.extract_strided_slice %get3A_175 {offsets = [0], sizes = [1], strides = [1]} : vector<16xi32> to vector<1xi32>
          %squeeze3A = vector.extract %slice3A[0] : i32 from vector<1xi32>
          %get3A_176 = arith.index_cast %add3A_173 : i32 to index
          %get3A_177 = tpu.vector_load %arg9[%get3A_176] {strides = array<i32>} : memref<144xi32, #tpu.memory_space<vmem>>, vector<16xi32>,
          %get3A_178 = vector.shape_cast %get3A_177 : vector<16xi32> to vector<16xi32>
          %slice3A_179 = vector.extract_strided_slice %get3A_178 {offsets = [0], sizes = [1], strides = [1]} : vector<16xi32> to vector<1xi32>
          %squeeze3A_180 = vector.extract %slice3A_179[0] : i32 from vector<1xi32>
          %shift_right_arithmetic3A = arith.constant 7 : i32
          %shift_right_arithmetic3A_181 = arith.shrsi %squeeze3A, %shift_right_arithmetic3A : i32
          %mul3A_182 = arith.constant 128 : i32
          %mul3A_183 = arith.muli %shift_right_arithmetic3A_181, %mul3A_182 : i32
          %multiple_of3A = tpu.assume_multiple %mul3A_183, 128 : i32
          %shift_right_arithmetic3A_184 = arith.constant 7 : i32
          %shift_right_arithmetic3A_185 = arith.shrsi %squeeze3A_180, %shift_right_arithmetic3A_184 : i32
          %mul3A_186 = arith.constant 128 : i32
          %mul3A_187 = arith.muli %shift_right_arithmetic3A_185, %mul3A_186 : i32
          %multiple_of3A_188 = tpu.assume_multiple %mul3A_187, 128 : i32
          %dma_start3A = arith.constant 3 : i32
          %dma_start3A_189 = arith.constant 0 : i32
          %dma_start3A_190 = arith.constant 0 : i32
          %dma_start3A_191 = tpu.memref_slice %arg10[%dma_start3A, %scan3A_170, %dma_start3A_189, %dma_start3A_190] : memref<4x2x32x128xf32, #tpu.memory_space<vmem>> -> memref<1x1x32x128xf32, #tpu.memory_space<vmem>>
          %dma_start3A_192 = tpu.memref_squeeze %dma_start3A_191 : memref<1x1x32x128xf32, #tpu.memory_space<vmem>> -> memref<32x128xf32, #tpu.memory_space<vmem>>
          %dma_start3A_193 = arith.constant 0 : i32
          %dma_start3A_194 = tpu.memref_slice %arg4[%dma_start3A_193, %multiple_of3A] : memref<32x1000000xf32, #tpu.memory_space<hbm>> -> memref<32x128xf32, #tpu.memory_space<hbm>>
          %dma_start3A_195 = arith.constant 0 : i32
          %dma_start3A_196 = arith.constant 0 : i32
          %dma_start3A_197 = tpu.memref_slice %arg10[%dma_start3A, %scan3A_170, %dma_start3A_195, %dma_start3A_196] : memref<4x2x32x128xf32, #tpu.memory_space<vmem>> -> memref<1x1x32x128xf32, #tpu.memory_space<vmem>>
          %dma_start3A_198 = tpu.memref_squeeze %dma_start3A_197 : memref<1x1x32x128xf32, #tpu.memory_space<vmem>> -> memref<32x128xf32, #tpu.memory_space<vmem>>
          %dma_start3A_199 = arith.constant 0 : i32
          %dma_start3A_200 = tpu.memref_slice %arg4[%dma_start3A_199, %multiple_of3A] : memref<32x1000000xf32, #tpu.memory_space<hbm>> -> memref<32x128xf32, #tpu.memory_space<hbm>>
          tpu.enqueue_dma source(%dma_start3A_200 : memref<32x128xf32, #tpu.memory_space<hbm>>) target(%dma_start3A_198 : memref<32x128xf32, #tpu.memory_space<vmem>>) target_semaphore(%arg17 : memref<!tpu.dma_semaphore, #tpu.memory_space<semaphore_mem>>)
          %dma_start3A_201 = arith.constant 3 : i32
          %dma_start3A_202 = arith.constant 0 : i32
          %dma_start3A_203 = arith.constant 0 : i32
          %dma_start3A_204 = tpu.memref_slice %arg11[%dma_start3A_201, %scan3A_170, %dma_start3A_202, %dma_start3A_203] : memref<4x2x32x128xf32, #tpu.memory_space<vmem>> -> memref<1x1x32x128xf32, #tpu.memory_space<vmem>>
          %dma_start3A_205 = tpu.memref_squeeze %dma_start3A_204 : memref<1x1x32x128xf32, #tpu.memory_space<vmem>> -> memref<32x128xf32, #tpu.memory_space<vmem>>
          %dma_start3A_206 = arith.constant 0 : i32
          %dma_start3A_207 = tpu.memref_slice %arg5[%dma_start3A_206, %multiple_of3A_188] : memref<32x1000000xf32, #tpu.memory_space<hbm>> -> memref<32x128xf32, #tpu.memory_space<hbm>>
          %dma_start3A_208 = arith.constant 0 : i32
          %dma_start3A_209 = arith.constant 0 : i32
          %dma_start3A_210 = tpu.memref_slice %arg11[%dma_start3A_201, %scan3A_170, %dma_start3A_208, %dma_start3A_209] : memref<4x2x32x128xf32, #tpu.memory_space<vmem>> -> memref<1x1x32x128xf32, #tpu.memory_space<vmem>>
          %dma_start3A_211 = tpu.memref_squeeze %dma_start3A_210 : memref<1x1x32x128xf32, #tpu.memory_space<vmem>> -> memref<32x128xf32, #tpu.memory_space<vmem>>
          %dma_start3A_212 = arith.constant 0 : i32
          %dma_start3A_213 = tpu.memref_slice %arg5[%dma_start3A_212, %multiple_of3A_188] : memref<32x1000000xf32, #tpu.memory_space<hbm>> -> memref<32x128xf32, #tpu.memory_space<hbm>>
          tpu.enqueue_dma source(%dma_start3A_213 : memref<32x128xf32, #tpu.memory_space<hbm>>) target(%dma_start3A_211 : memref<32x128xf32, #tpu.memory_space<vmem>>) target_semaphore(%arg21 : memref<!tpu.dma_semaphore, #tpu.memory_space<semaphore_mem>>)
        }
        %scan3A_169 = arith.constant 2 : i32
      } else {
      }
      %scan3A_97 = arith.constant 0 : i32
      %scan3A_98 = arith.constant 0 : i32
      %scan3A_99 = arith.constant 2 : i32
      %scan3A_100 = arith.addi %scan3A_98, %scan3A_99 : i32
      %scan3A_101 = arith.constant 1 : i32
      scf.for %scan3A_160 = %scan3A_98 to %scan3A_100 step %scan3A_101  : i32 {
        %dma_wait3A = arith.constant 0 : i32
        %dma_wait3A_161 = arith.constant 0 : i32
        %dma_wait3A_162 = arith.constant 0 : i32
        %dma_wait3A_163 = tpu.memref_slice %arg10[%dma_wait3A, %scan3A_160, %dma_wait3A_161, %dma_wait3A_162] : memref<4x2x32x128xf32, #tpu.memory_space<vmem>> -> memref<1x1x32x128xf32, #tpu.memory_space<vmem>>
        %dma_wait3A_164 = tpu.memref_squeeze %dma_wait3A_163 : memref<1x1x32x128xf32, #tpu.memory_space<vmem>> -> memref<32x128xf32, #tpu.memory_space<vmem>>
        %dma_wait3A_165 = arith.constant 0 : i32
        %dma_wait3A_166 = arith.constant 0 : i32
        %dma_wait3A_167 = tpu.memref_slice %arg4[%dma_wait3A_165, %dma_wait3A_166] : memref<32x1000000xf32, #tpu.memory_space<hbm>> -> memref<32x128xf32, #tpu.memory_space<hbm>>
        %dma_wait3A_168 = arith.constant 0 : i32
        %dma_wait3A_169 = arith.constant 0 : i32
        %dma_wait3A_170 = tpu.memref_slice %arg10[%dma_wait3A, %scan3A_160, %dma_wait3A_168, %dma_wait3A_169] : memref<4x2x32x128xf32, #tpu.memory_space<vmem>> -> memref<1x1x32x128xf32, #tpu.memory_space<vmem>>
        %dma_wait3A_171 = tpu.memref_squeeze %dma_wait3A_170 : memref<1x1x32x128xf32, #tpu.memory_space<vmem>> -> memref<32x128xf32, #tpu.memory_space<vmem>>
        %dma_wait3A_172 = arith.constant 0 : i32
        %dma_wait3A_173 = arith.constant 0 : i32
        %dma_wait3A_174 = tpu.memref_slice %arg4[%dma_wait3A_172, %dma_wait3A_173] : memref<32x1000000xf32, #tpu.memory_space<hbm>> -> memref<32x128xf32, #tpu.memory_space<hbm>>
        tpu.wait_dma2 semaphore(%arg14 : memref<!tpu.dma_semaphore, #tpu.memory_space<semaphore_mem>>) src(%dma_wait3A_174 : memref<32x128xf32, #tpu.memory_space<hbm>>) dst(%dma_wait3A_171 : memref<32x128xf32, #tpu.memory_space<vmem>>)
        %dma_wait3A_175 = arith.constant 0 : i32
        %dma_wait3A_176 = arith.constant 0 : i32
        %dma_wait3A_177 = arith.constant 0 : i32
        %dma_wait3A_178 = tpu.memref_slice %arg11[%dma_wait3A_175, %scan3A_160, %dma_wait3A_176, %dma_wait3A_177] : memref<4x2x32x128xf32, #tpu.memory_space<vmem>> -> memref<1x1x32x128xf32, #tpu.memory_space<vmem>>
        %dma_wait3A_179 = tpu.memref_squeeze %dma_wait3A_178 : memref<1x1x32x128xf32, #tpu.memory_space<vmem>> -> memref<32x128xf32, #tpu.memory_space<vmem>>
        %dma_wait3A_180 = arith.constant 0 : i32
        %dma_wait3A_181 = arith.constant 0 : i32
        %dma_wait3A_182 = tpu.memref_slice %arg5[%dma_wait3A_180, %dma_wait3A_181] : memref<32x1000000xf32, #tpu.memory_space<hbm>> -> memref<32x128xf32, #tpu.memory_space<hbm>>
        %dma_wait3A_183 = arith.constant 0 : i32
        %dma_wait3A_184 = arith.constant 0 : i32
        %dma_wait3A_185 = tpu.memref_slice %arg11[%dma_wait3A_175, %scan3A_160, %dma_wait3A_183, %dma_wait3A_184] : memref<4x2x32x128xf32, #tpu.memory_space<vmem>> -> memref<1x1x32x128xf32, #tpu.memory_space<vmem>>
        %dma_wait3A_186 = tpu.memref_squeeze %dma_wait3A_185 : memref<1x1x32x128xf32, #tpu.memory_space<vmem>> -> memref<32x128xf32, #tpu.memory_space<vmem>>
        %dma_wait3A_187 = arith.constant 0 : i32
        %dma_wait3A_188 = arith.constant 0 : i32
        %dma_wait3A_189 = tpu.memref_slice %arg5[%dma_wait3A_187, %dma_wait3A_188] : memref<32x1000000xf32, #tpu.memory_space<hbm>> -> memref<32x128xf32, #tpu.memory_space<hbm>>
        tpu.wait_dma2 semaphore(%arg18 : memref<!tpu.dma_semaphore, #tpu.memory_space<semaphore_mem>>) src(%dma_wait3A_189 : memref<32x128xf32, #tpu.memory_space<hbm>>) dst(%dma_wait3A_186 : memref<32x128xf32, #tpu.memory_space<vmem>>)
        %mul3A_190 = arith.constant 2 : i32
        %mul3A_191 = arith.muli %add3A_91, %mul3A_190 : i32
        %add3A_192 = arith.addi %mul3A_191, %scan3A_160 : i32
        %get3A = arith.index_cast %add3A_192 : i32 to index
        %get3A_193 = tpu.vector_load %arg8[%get3A] {strides = array<i32>} : memref<144xi32, #tpu.memory_space<vmem>>, vector<16xi32>,
        %get3A_194 = vector.shape_cast %get3A_193 : vector<16xi32> to vector<16xi32>
        %slice3A = vector.extract_strided_slice %get3A_194 {offsets = [0], sizes = [1], strides = [1]} : vector<16xi32> to vector<1xi32>
        %squeeze3A = vector.extract %slice3A[0] : i32 from vector<1xi32>
        %get3A_195 = arith.index_cast %add3A_192 : i32 to index
        %get3A_196 = tpu.vector_load %arg9[%get3A_195] {strides = array<i32>} : memref<144xi32, #tpu.memory_space<vmem>>, vector<16xi32>,
        %get3A_197 = vector.shape_cast %get3A_196 : vector<16xi32> to vector<16xi32>
        %slice3A_198 = vector.extract_strided_slice %get3A_197 {offsets = [0], sizes = [1], strides = [1]} : vector<16xi32> to vector<1xi32>
        %squeeze3A_199 = vector.extract %slice3A_198[0] : i32 from vector<1xi32>
        %and3A = arith.constant 127 : i32
        %and3A_200 = arith.andi %squeeze3A, %and3A : i32
        %sub3A_201 = arith.constant 0 : i32
        %sub3A_202 = arith.subi %and3A_200, %sub3A_201 : i32
        %shift_right_arithmetic3A = arith.constant 31 : i32
        %shift_right_arithmetic3A_203 = arith.shrsi %sub3A_202, %shift_right_arithmetic3A : i32
        %add3A_204 = arith.constant 0 : i32
        %add3A_205 = arith.addi %add3A_204, %shift_right_arithmetic3A_203 : i32
        %shift_left3A = arith.constant 7 : i32
        %shift_left3A_206 = arith.shli %shift_right_arithmetic3A_203, %shift_left3A : i32
        %sub3A_207 = arith.subi %sub3A_202, %shift_left3A_206 : i32
        %get3A_208 = arith.constant 0 : i32
        %get3A_209 = arith.index_cast %get3A_208 : i32 to index
        %get3A_210 = arith.index_cast %scan3A_160 : i32 to index
        %get3A_211 = arith.index_cast %add3A_205 : i32 to index
        %get3A_212 = arith.index_cast %sub3A_207 : i32 to index
        %get3A_213 = tpu.vector_load %arg10[%get3A_209, %get3A_210, %get3A_211, %get3A_212] {strides = array<i32>} : memref<4x2x32x128xf32, #tpu.memory_space<vmem>>, vector<1x1x1x16xf32>,
        %get3A_214 = vector.shape_cast %get3A_213 : vector<1x1x1x16xf32> to vector<16xf32>
        %sub3A_215 = arith.constant 1 : i32
        %sub3A_216 = arith.subi %and3A_200, %sub3A_215 : i32
        %shift_right_arithmetic3A_217 = arith.constant 31 : i32
        %shift_right_arithmetic3A_218 = arith.shrsi %sub3A_216, %shift_right_arithmetic3A_217 : i32
        %add3A_219 = arith.constant 1 : i32
        %add3A_220 = arith.addi %add3A_219, %shift_right_arithmetic3A_218 : i32
        %shift_left3A_221 = arith.constant 7 : i32
        %shift_left3A_222 = arith.shli %shift_right_arithmetic3A_218, %shift_left3A_221 : i32
        %sub3A_223 = arith.subi %sub3A_216, %shift_left3A_222 : i32
        %get3A_224 = arith.constant 0 : i32
        %get3A_225 = arith.index_cast %get3A_224 : i32 to index
        %get3A_226 = arith.index_cast %scan3A_160 : i32 to index
        %get3A_227 = arith.index_cast %add3A_220 : i32 to index
        %get3A_228 = arith.index_cast %sub3A_223 : i32 to index
        %get3A_229 = tpu.vector_load %arg10[%get3A_225, %get3A_226, %get3A_227, %get3A_228] {strides = array<i32>} : memref<4x2x32x128xf32, #tpu.memory_space<vmem>>, vector<1x1x1x16xf32>,
        %get3A_230 = vector.shape_cast %get3A_229 : vector<1x1x1x16xf32> to vector<16xf32>
        %select_n3A = arith.select %eq3A_17, %get3A_230, %get3A_214 : vector<16xi1>, vector<16xf32>
        %sub3A_231 = arith.constant 2 : i32
        %sub3A_232 = arith.subi %and3A_200, %sub3A_231 : i32
        %shift_right_arithmetic3A_233 = arith.constant 31 : i32
        %shift_right_arithmetic3A_234 = arith.shrsi %sub3A_232, %shift_right_arithmetic3A_233 : i32
        %add3A_235 = arith.constant 2 : i32
        %add3A_236 = arith.addi %add3A_235, %shift_right_arithmetic3A_234 : i32
        %shift_left3A_237 = arith.constant 7 : i32
        %shift_left3A_238 = arith.shli %shift_right_arithmetic3A_234, %shift_left3A_237 : i32
        %sub3A_239 = arith.subi %sub3A_232, %shift_left3A_238 : i32
        %get3A_240 = arith.constant 0 : i32
        %get3A_241 = arith.index_cast %get3A_240 : i32 to index
        %get3A_242 = arith.index_cast %scan3A_160 : i32 to index
        %get3A_243 = arith.index_cast %add3A_236 : i32 to index
        %get3A_244 = arith.index_cast %sub3A_239 : i32 to index
        %get3A_245 = tpu.vector_load %arg10[%get3A_241, %get3A_242, %get3A_243, %get3A_244] {strides = array<i32>} : memref<4x2x32x128xf32, #tpu.memory_space<vmem>>, vector<1x1x1x16xf32>,
        %get3A_246 = vector.shape_cast %get3A_245 : vector<1x1x1x16xf32> to vector<16xf32>
        %select_n3A_247 = arith.select %eq3A_20, %get3A_246, %select_n3A : vector<16xi1>, vector<16xf32>
        %sub3A_248 = arith.constant 3 : i32
        %sub3A_249 = arith.subi %and3A_200, %sub3A_248 : i32
        %shift_right_arithmetic3A_250 = arith.constant 31 : i32
        %shift_right_arithmetic3A_251 = arith.shrsi %sub3A_249, %shift_right_arithmetic3A_250 : i32
        %add3A_252 = arith.constant 3 : i32
        %add3A_253 = arith.addi %add3A_252, %shift_right_arithmetic3A_251 : i32
        %shift_left3A_254 = arith.constant 7 : i32
        %shift_left3A_255 = arith.shli %shift_right_arithmetic3A_251, %shift_left3A_254 : i32
        %sub3A_256 = arith.subi %sub3A_249, %shift_left3A_255 : i32
        %get3A_257 = arith.constant 0 : i32
        %get3A_258 = arith.index_cast %get3A_257 : i32 to index
        %get3A_259 = arith.index_cast %scan3A_160 : i32 to index
        %get3A_260 = arith.index_cast %add3A_253 : i32 to index
        %get3A_261 = arith.index_cast %sub3A_256 : i32 to index
        %get3A_262 = tpu.vector_load %arg10[%get3A_258, %get3A_259, %get3A_260, %get3A_261] {strides = array<i32>} : memref<4x2x32x128xf32, #tpu.memory_space<vmem>>, vector<1x1x1x16xf32>,
        %get3A_263 = vector.shape_cast %get3A_262 : vector<1x1x1x16xf32> to vector<16xf32>
        %select_n3A_264 = arith.select %eq3A_23, %get3A_263, %select_n3A_247 : vector<16xi1>, vector<16xf32>
        %sub3A_265 = arith.constant 4 : i32
        %sub3A_266 = arith.subi %and3A_200, %sub3A_265 : i32
        %shift_right_arithmetic3A_267 = arith.constant 31 : i32
        %shift_right_arithmetic3A_268 = arith.shrsi %sub3A_266, %shift_right_arithmetic3A_267 : i32
        %add3A_269 = arith.constant 4 : i32
        %add3A_270 = arith.addi %add3A_269, %shift_right_arithmetic3A_268 : i32
        %shift_left3A_271 = arith.constant 7 : i32
        %shift_left3A_272 = arith.shli %shift_right_arithmetic3A_268, %shift_left3A_271 : i32
        %sub3A_273 = arith.subi %sub3A_266, %shift_left3A_272 : i32
        %get3A_274 = arith.constant 0 : i32
        %get3A_275 = arith.index_cast %get3A_274 : i32 to index
        %get3A_276 = arith.index_cast %scan3A_160 : i32 to index
        %get3A_277 = arith.index_cast %add3A_270 : i32 to index
        %get3A_278 = arith.index_cast %sub3A_273 : i32 to index
        %get3A_279 = tpu.vector_load %arg10[%get3A_275, %get3A_276, %get3A_277, %get3A_278] {strides = array<i32>} : memref<4x2x32x128xf32, #tpu.memory_space<vmem>>, vector<1x1x1x16xf32>,
        %get3A_280 = vector.shape_cast %get3A_279 : vector<1x1x1x16xf32> to vector<16xf32>
        %select_n3A_281 = arith.select %eq3A_26, %get3A_280, %select_n3A_264 : vector<16xi1>, vector<16xf32>
        %sub3A_282 = arith.constant 5 : i32
        %sub3A_283 = arith.subi %and3A_200, %sub3A_282 : i32
        %shift_right_arithmetic3A_284 = arith.constant 31 : i32
        %shift_right_arithmetic3A_285 = arith.shrsi %sub3A_283, %shift_right_arithmetic3A_284 : i32
        %add3A_286 = arith.constant 5 : i32
        %add3A_287 = arith.addi %add3A_286, %shift_right_arithmetic3A_285 : i32
        %shift_left3A_288 = arith.constant 7 : i32
        %shift_left3A_289 = arith.shli %shift_right_arithmetic3A_285, %shift_left3A_288 : i32
        %sub3A_290 = arith.subi %sub3A_283, %shift_left3A_289 : i32
        %get3A_291 = arith.constant 0 : i32
        %get3A_292 = arith.index_cast %get3A_291 : i32 to index
        %get3A_293 = arith.index_cast %scan3A_160 : i32 to index
        %get3A_294 = arith.index_cast %add3A_287 : i32 to index
        %get3A_295 = arith.index_cast %sub3A_290 : i32 to index
        %get3A_296 = tpu.vector_load %arg10[%get3A_292, %get3A_293, %get3A_294, %get3A_295] {strides = array<i32>} : memref<4x2x32x128xf32, #tpu.memory_space<vmem>>, vector<1x1x1x16xf32>,
        %get3A_297 = vector.shape_cast %get3A_296 : vector<1x1x1x16xf32> to vector<16xf32>
        %select_n3A_298 = arith.select %eq3A_29, %get3A_297, %select_n3A_281 : vector<16xi1>, vector<16xf32>
        %sub3A_299 = arith.constant 6 : i32
        %sub3A_300 = arith.subi %and3A_200, %sub3A_299 : i32
        %shift_right_arithmetic3A_301 = arith.constant 31 : i32
        %shift_right_arithmetic3A_302 = arith.shrsi %sub3A_300, %shift_right_arithmetic3A_301 : i32
        %add3A_303 = arith.constant 6 : i32
        %add3A_304 = arith.addi %add3A_303, %shift_right_arithmetic3A_302 : i32
        %shift_left3A_305 = arith.constant 7 : i32
        %shift_left3A_306 = arith.shli %shift_right_arithmetic3A_302, %shift_left3A_305 : i32
        %sub3A_307 = arith.subi %sub3A_300, %shift_left3A_306 : i32
        %get3A_308 = arith.constant 0 : i32
        %get3A_309 = arith.index_cast %get3A_308 : i32 to index
        %get3A_310 = arith.index_cast %scan3A_160 : i32 to index
        %get3A_311 = arith.index_cast %add3A_304 : i32 to index
        %get3A_312 = arith.index_cast %sub3A_307 : i32 to index
        %get3A_313 = tpu.vector_load %arg10[%get3A_309, %get3A_310, %get3A_311, %get3A_312] {strides = array<i32>} : memref<4x2x32x128xf32, #tpu.memory_space<vmem>>, vector<1x1x1x16xf32>,
        %get3A_314 = vector.shape_cast %get3A_313 : vector<1x1x1x16xf32> to vector<16xf32>
        %select_n3A_315 = arith.select %eq3A_32, %get3A_314, %select_n3A_298 : vector<16xi1>, vector<16xf32>
        %sub3A_316 = arith.constant 7 : i32
        %sub3A_317 = arith.subi %and3A_200, %sub3A_316 : i32
        %shift_right_arithmetic3A_318 = arith.constant 31 : i32
        %shift_right_arithmetic3A_319 = arith.shrsi %sub3A_317, %shift_right_arithmetic3A_318 : i32
        %add3A_320 = arith.constant 7 : i32
        %add3A_321 = arith.addi %add3A_320, %shift_right_arithmetic3A_319 : i32
        %shift_left3A_322 = arith.constant 7 : i32
        %shift_left3A_323 = arith.shli %shift_right_arithmetic3A_319, %shift_left3A_322 : i32
        %sub3A_324 = arith.subi %sub3A_317, %shift_left3A_323 : i32
        %get3A_325 = arith.constant 0 : i32
        %get3A_326 = arith.index_cast %get3A_325 : i32 to index
        %get3A_327 = arith.index_cast %scan3A_160 : i32 to index
        %get3A_328 = arith.index_cast %add3A_321 : i32 to index
        %get3A_329 = arith.index_cast %sub3A_324 : i32 to index
        %get3A_330 = tpu.vector_load %arg10[%get3A_326, %get3A_327, %get3A_328, %get3A_329] {strides = array<i32>} : memref<4x2x32x128xf32, #tpu.memory_space<vmem>>, vector<1x1x1x16xf32>,
        %get3A_331 = vector.shape_cast %get3A_330 : vector<1x1x1x16xf32> to vector<16xf32>
        %select_n3A_332 = arith.select %eq3A_35, %get3A_331, %select_n3A_315 : vector<16xi1>, vector<16xf32>
        %sub3A_333 = arith.constant 8 : i32
        %sub3A_334 = arith.subi %and3A_200, %sub3A_333 : i32
        %shift_right_arithmetic3A_335 = arith.constant 31 : i32
        %shift_right_arithmetic3A_336 = arith.shrsi %sub3A_334, %shift_right_arithmetic3A_335 : i32
        %add3A_337 = arith.constant 8 : i32
        %add3A_338 = arith.addi %add3A_337, %shift_right_arithmetic3A_336 : i32
        %shift_left3A_339 = arith.constant 7 : i32
        %shift_left3A_340 = arith.shli %shift_right_arithmetic3A_336, %shift_left3A_339 : i32
        %sub3A_341 = arith.subi %sub3A_334, %shift_left3A_340 : i32
        %get3A_342 = arith.constant 0 : i32
        %get3A_343 = arith.index_cast %get3A_342 : i32 to index
        %get3A_344 = arith.index_cast %scan3A_160 : i32 to index
        %get3A_345 = arith.index_cast %add3A_338 : i32 to index
        %get3A_346 = arith.index_cast %sub3A_341 : i32 to index
        %get3A_347 = tpu.vector_load %arg10[%get3A_343, %get3A_344, %get3A_345, %get3A_346] {strides = array<i32>} : memref<4x2x32x128xf32, #tpu.memory_space<vmem>>, vector<1x1x1x16xf32>,
        %get3A_348 = vector.shape_cast %get3A_347 : vector<1x1x1x16xf32> to vector<16xf32>
        %select_n3A_349 = arith.select %eq3A_38, %get3A_348, %select_n3A_332 : vector<16xi1>, vector<16xf32>
        %sub3A_350 = arith.constant 9 : i32
        %sub3A_351 = arith.subi %and3A_200, %sub3A_350 : i32
        %shift_right_arithmetic3A_352 = arith.constant 31 : i32
        %shift_right_arithmetic3A_353 = arith.shrsi %sub3A_351, %shift_right_arithmetic3A_352 : i32
        %add3A_354 = arith.constant 9 : i32
        %add3A_355 = arith.addi %add3A_354, %shift_right_arithmetic3A_353 : i32
        %shift_left3A_356 = arith.constant 7 : i32
        %shift_left3A_357 = arith.shli %shift_right_arithmetic3A_353, %shift_left3A_356 : i32
        %sub3A_358 = arith.subi %sub3A_351, %shift_left3A_357 : i32
        %get3A_359 = arith.constant 0 : i32
        %get3A_360 = arith.index_cast %get3A_359 : i32 to index
        %get3A_361 = arith.index_cast %scan3A_160 : i32 to index
        %get3A_362 = arith.index_cast %add3A_355 : i32 to index
        %get3A_363 = arith.index_cast %sub3A_358 : i32 to index
        %get3A_364 = tpu.vector_load %arg10[%get3A_360, %get3A_361, %get3A_362, %get3A_363] {strides = array<i32>} : memref<4x2x32x128xf32, #tpu.memory_space<vmem>>, vector<1x1x1x16xf32>,
        %get3A_365 = vector.shape_cast %get3A_364 : vector<1x1x1x16xf32> to vector<16xf32>
        %select_n3A_366 = arith.select %eq3A_41, %get3A_365, %select_n3A_349 : vector<16xi1>, vector<16xf32>
        %sub3A_367 = arith.constant 10 : i32
        %sub3A_368 = arith.subi %and3A_200, %sub3A_367 : i32
        %shift_right_arithmetic3A_369 = arith.constant 31 : i32
        %shift_right_arithmetic3A_370 = arith.shrsi %sub3A_368, %shift_right_arithmetic3A_369 : i32
        %add3A_371 = arith.constant 10 : i32
        %add3A_372 = arith.addi %add3A_371, %shift_right_arithmetic3A_370 : i32
        %shift_left3A_373 = arith.constant 7 : i32
        %shift_left3A_374 = arith.shli %shift_right_arithmetic3A_370, %shift_left3A_373 : i32
        %sub3A_375 = arith.subi %sub3A_368, %shift_left3A_374 : i32
        %get3A_376 = arith.constant 0 : i32
        %get3A_377 = arith.index_cast %get3A_376 : i32 to index
        %get3A_378 = arith.index_cast %scan3A_160 : i32 to index
        %get3A_379 = arith.index_cast %add3A_372 : i32 to index
        %get3A_380 = arith.index_cast %sub3A_375 : i32 to index
        %get3A_381 = tpu.vector_load %arg10[%get3A_377, %get3A_378, %get3A_379, %get3A_380] {strides = array<i32>} : memref<4x2x32x128xf32, #tpu.memory_space<vmem>>, vector<1x1x1x16xf32>,
        %get3A_382 = vector.shape_cast %get3A_381 : vector<1x1x1x16xf32> to vector<16xf32>
        %select_n3A_383 = arith.select %eq3A_44, %get3A_382, %select_n3A_366 : vector<16xi1>, vector<16xf32>
        %sub3A_384 = arith.constant 11 : i32
        %sub3A_385 = arith.subi %and3A_200, %sub3A_384 : i32
        %shift_right_arithmetic3A_386 = arith.constant 31 : i32
        %shift_right_arithmetic3A_387 = arith.shrsi %sub3A_385, %shift_right_arithmetic3A_386 : i32
        %add3A_388 = arith.constant 11 : i32
        %add3A_389 = arith.addi %add3A_388, %shift_right_arithmetic3A_387 : i32
        %shift_left3A_390 = arith.constant 7 : i32
        %shift_left3A_391 = arith.shli %shift_right_arithmetic3A_387, %shift_left3A_390 : i32
        %sub3A_392 = arith.subi %sub3A_385, %shift_left3A_391 : i32
        %get3A_393 = arith.constant 0 : i32
        %get3A_394 = arith.index_cast %get3A_393 : i32 to index
        %get3A_395 = arith.index_cast %scan3A_160 : i32 to index
        %get3A_396 = arith.index_cast %add3A_389 : i32 to index
        %get3A_397 = arith.index_cast %sub3A_392 : i32 to index
        %get3A_398 = tpu.vector_load %arg10[%get3A_394, %get3A_395, %get3A_396, %get3A_397] {strides = array<i32>} : memref<4x2x32x128xf32, #tpu.memory_space<vmem>>, vector<1x1x1x16xf32>,
        %get3A_399 = vector.shape_cast %get3A_398 : vector<1x1x1x16xf32> to vector<16xf32>
        %select_n3A_400 = arith.select %eq3A_47, %get3A_399, %select_n3A_383 : vector<16xi1>, vector<16xf32>
        %sub3A_401 = arith.constant 12 : i32
        %sub3A_402 = arith.subi %and3A_200, %sub3A_401 : i32
        %shift_right_arithmetic3A_403 = arith.constant 31 : i32
        %shift_right_arithmetic3A_404 = arith.shrsi %sub3A_402, %shift_right_arithmetic3A_403 : i32
        %add3A_405 = arith.constant 12 : i32
        %add3A_406 = arith.addi %add3A_405, %shift_right_arithmetic3A_404 : i32
        %shift_left3A_407 = arith.constant 7 : i32
        %shift_left3A_408 = arith.shli %shift_right_arithmetic3A_404, %shift_left3A_407 : i32
        %sub3A_409 = arith.subi %sub3A_402, %shift_left3A_408 : i32
        %get3A_410 = arith.constant 0 : i32
        %get3A_411 = arith.index_cast %get3A_410 : i32 to index
        %get3A_412 = arith.index_cast %scan3A_160 : i32 to index
        %get3A_413 = arith.index_cast %add3A_406 : i32 to index
        %get3A_414 = arith.index_cast %sub3A_409 : i32 to index
        %get3A_415 = tpu.vector_load %arg10[%get3A_411, %get3A_412, %get3A_413, %get3A_414] {strides = array<i32>} : memref<4x2x32x128xf32, #tpu.memory_space<vmem>>, vector<1x1x1x16xf32>,
        %get3A_416 = vector.shape_cast %get3A_415 : vector<1x1x1x16xf32> to vector<16xf32>
        %select_n3A_417 = arith.select %eq3A_50, %get3A_416, %select_n3A_400 : vector<16xi1>, vector<16xf32>
        %sub3A_418 = arith.constant 13 : i32
        %sub3A_419 = arith.subi %and3A_200, %sub3A_418 : i32
        %shift_right_arithmetic3A_420 = arith.constant 31 : i32
        %shift_right_arithmetic3A_421 = arith.shrsi %sub3A_419, %shift_right_arithmetic3A_420 : i32
        %add3A_422 = arith.constant 13 : i32
        %add3A_423 = arith.addi %add3A_422, %shift_right_arithmetic3A_421 : i32
        %shift_left3A_424 = arith.constant 7 : i32
        %shift_left3A_425 = arith.shli %shift_right_arithmetic3A_421, %shift_left3A_424 : i32
        %sub3A_426 = arith.subi %sub3A_419, %shift_left3A_425 : i32
        %get3A_427 = arith.constant 0 : i32
        %get3A_428 = arith.index_cast %get3A_427 : i32 to index
        %get3A_429 = arith.index_cast %scan3A_160 : i32 to index
        %get3A_430 = arith.index_cast %add3A_423 : i32 to index
        %get3A_431 = arith.index_cast %sub3A_426 : i32 to index
        %get3A_432 = tpu.vector_load %arg10[%get3A_428, %get3A_429, %get3A_430, %get3A_431] {strides = array<i32>} : memref<4x2x32x128xf32, #tpu.memory_space<vmem>>, vector<1x1x1x16xf32>,
        %get3A_433 = vector.shape_cast %get3A_432 : vector<1x1x1x16xf32> to vector<16xf32>
        %select_n3A_434 = arith.select %eq3A_53, %get3A_433, %select_n3A_417 : vector<16xi1>, vector<16xf32>
        %sub3A_435 = arith.constant 14 : i32
        %sub3A_436 = arith.subi %and3A_200, %sub3A_435 : i32
        %shift_right_arithmetic3A_437 = arith.constant 31 : i32
        %shift_right_arithmetic3A_438 = arith.shrsi %sub3A_436, %shift_right_arithmetic3A_437 : i32
        %add3A_439 = arith.constant 14 : i32
        %add3A_440 = arith.addi %add3A_439, %shift_right_arithmetic3A_438 : i32
        %shift_left3A_441 = arith.constant 7 : i32
        %shift_left3A_442 = arith.shli %shift_right_arithmetic3A_438, %shift_left3A_441 : i32
        %sub3A_443 = arith.subi %sub3A_436, %shift_left3A_442 : i32
        %get3A_444 = arith.constant 0 : i32
        %get3A_445 = arith.index_cast %get3A_444 : i32 to index
        %get3A_446 = arith.index_cast %scan3A_160 : i32 to index
        %get3A_447 = arith.index_cast %add3A_440 : i32 to index
        %get3A_448 = arith.index_cast %sub3A_443 : i32 to index
        %get3A_449 = tpu.vector_load %arg10[%get3A_445, %get3A_446, %get3A_447, %get3A_448] {strides = array<i32>} : memref<4x2x32x128xf32, #tpu.memory_space<vmem>>, vector<1x1x1x16xf32>,
        %get3A_450 = vector.shape_cast %get3A_449 : vector<1x1x1x16xf32> to vector<16xf32>
        %select_n3A_451 = arith.select %eq3A_56, %get3A_450, %select_n3A_434 : vector<16xi1>, vector<16xf32>
        %sub3A_452 = arith.constant 15 : i32
        %sub3A_453 = arith.subi %and3A_200, %sub3A_452 : i32
        %shift_right_arithmetic3A_454 = arith.constant 31 : i32
        %shift_right_arithmetic3A_455 = arith.shrsi %sub3A_453, %shift_right_arithmetic3A_454 : i32
        %add3A_456 = arith.constant 15 : i32
        %add3A_457 = arith.addi %add3A_456, %shift_right_arithmetic3A_455 : i32
        %shift_left3A_458 = arith.constant 7 : i32
        %shift_left3A_459 = arith.shli %shift_right_arithmetic3A_455, %shift_left3A_458 : i32
        %sub3A_460 = arith.subi %sub3A_453, %shift_left3A_459 : i32
        %get3A_461 = arith.constant 0 : i32
        %get3A_462 = arith.index_cast %get3A_461 : i32 to index
        %get3A_463 = arith.index_cast %scan3A_160 : i32 to index
        %get3A_464 = arith.index_cast %add3A_457 : i32 to index
        %get3A_465 = arith.index_cast %sub3A_460 : i32 to index
        %get3A_466 = tpu.vector_load %arg10[%get3A_462, %get3A_463, %get3A_464, %get3A_465] {strides = array<i32>} : memref<4x2x32x128xf32, #tpu.memory_space<vmem>>, vector<1x1x1x16xf32>,
        %get3A_467 = vector.shape_cast %get3A_466 : vector<1x1x1x16xf32> to vector<16xf32>
        %select_n3A_468 = arith.select %eq3A_59, %get3A_467, %select_n3A_451 : vector<16xi1>, vector<16xf32>
        %mul3A_469 = arith.constant 32 : i32
        %mul3A_470 = arith.muli %add3A_192, %mul3A_469 : i32
        %add3A_471 = arith.constant 0 : i32
        %add3A_472 = arith.addi %mul3A_470, %add3A_471 : i32
        %swap3A_473 = arith.index_cast %add3A_472 : i32 to index
        %swap3A_474 = tpu.vector_load %arg12[%swap3A_473] {strides = array<i32>} : memref<4096xf32, #tpu.memory_space<vmem>>, vector<16xf32>,
        %swap3A_475 = vector.shape_cast %swap3A_474 : vector<16xf32> to vector<16xf32>
        %swap3A_476 = vector.shape_cast %select_n3A_468 : vector<16xf32> to vector<16xf32>
        tpu.vector_store %arg12[%swap3A_473], %swap3A_476 {strides = array<i32>} : memref<4096xf32, #tpu.memory_space<vmem>>, vector<16xf32>,
        %sub3A_477 = arith.constant 0 : i32
        %sub3A_478 = arith.subi %and3A_200, %sub3A_477 : i32
        %shift_right_arithmetic3A_479 = arith.constant 31 : i32
        %shift_right_arithmetic3A_480 = arith.shrsi %sub3A_478, %shift_right_arithmetic3A_479 : i32
        %add3A_481 = arith.constant 16 : i32
        %add3A_482 = arith.addi %add3A_481, %shift_right_arithmetic3A_480 : i32
        %shift_left3A_483 = arith.constant 7 : i32
        %shift_left3A_484 = arith.shli %shift_right_arithmetic3A_480, %shift_left3A_483 : i32
        %sub3A_485 = arith.subi %sub3A_478, %shift_left3A_484 : i32
        %get3A_486 = arith.constant 0 : i32
        %get3A_487 = arith.index_cast %get3A_486 : i32 to index
        %get3A_488 = arith.index_cast %scan3A_160 : i32 to index
        %get3A_489 = arith.index_cast %add3A_482 : i32 to index
        %get3A_490 = arith.index_cast %sub3A_485 : i32 to index
        %get3A_491 = tpu.vector_load %arg10[%get3A_487, %get3A_488, %get3A_489, %get3A_490] {strides = array<i32>} : memref<4x2x32x128xf32, #tpu.memory_space<vmem>>, vector<1x1x1x16xf32>,
        %get3A_492 = vector.shape_cast %get3A_491 : vector<1x1x1x16xf32> to vector<16xf32>
        %sub3A_493 = arith.constant 1 : i32
        %sub3A_494 = arith.subi %and3A_200, %sub3A_493 : i32
        %shift_right_arithmetic3A_495 = arith.constant 31 : i32
        %shift_right_arithmetic3A_496 = arith.shrsi %sub3A_494, %shift_right_arithmetic3A_495 : i32
        %add3A_497 = arith.constant 17 : i32
        %add3A_498 = arith.addi %add3A_497, %shift_right_arithmetic3A_496 : i32
        %shift_left3A_499 = arith.constant 7 : i32
        %shift_left3A_500 = arith.shli %shift_right_arithmetic3A_496, %shift_left3A_499 : i32
        %sub3A_501 = arith.subi %sub3A_494, %shift_left3A_500 : i32
        %get3A_502 = arith.constant 0 : i32
        %get3A_503 = arith.index_cast %get3A_502 : i32 to index
        %get3A_504 = arith.index_cast %scan3A_160 : i32 to index
        %get3A_505 = arith.index_cast %add3A_498 : i32 to index
        %get3A_506 = arith.index_cast %sub3A_501 : i32 to index
        %get3A_507 = tpu.vector_load %arg10[%get3A_503, %get3A_504, %get3A_505, %get3A_506] {strides = array<i32>} : memref<4x2x32x128xf32, #tpu.memory_space<vmem>>, vector<1x1x1x16xf32>,
        %get3A_508 = vector.shape_cast %get3A_507 : vector<1x1x1x16xf32> to vector<16xf32>
        %select_n3A_509 = arith.select %eq3A_17, %get3A_508, %get3A_492 : vector<16xi1>, vector<16xf32>
        %sub3A_510 = arith.constant 2 : i32
        %sub3A_511 = arith.subi %and3A_200, %sub3A_510 : i32
        %shift_right_arithmetic3A_512 = arith.constant 31 : i32
        %shift_right_arithmetic3A_513 = arith.shrsi %sub3A_511, %shift_right_arithmetic3A_512 : i32
        %add3A_514 = arith.constant 18 : i32
        %add3A_515 = arith.addi %add3A_514, %shift_right_arithmetic3A_513 : i32
        %shift_left3A_516 = arith.constant 7 : i32
        %shift_left3A_517 = arith.shli %shift_right_arithmetic3A_513, %shift_left3A_516 : i32
        %sub3A_518 = arith.subi %sub3A_511, %shift_left3A_517 : i32
        %get3A_519 = arith.constant 0 : i32
        %get3A_520 = arith.index_cast %get3A_519 : i32 to index
        %get3A_521 = arith.index_cast %scan3A_160 : i32 to index
        %get3A_522 = arith.index_cast %add3A_515 : i32 to index
        %get3A_523 = arith.index_cast %sub3A_518 : i32 to index
        %get3A_524 = tpu.vector_load %arg10[%get3A_520, %get3A_521, %get3A_522, %get3A_523] {strides = array<i32>} : memref<4x2x32x128xf32, #tpu.memory_space<vmem>>, vector<1x1x1x16xf32>,
        %get3A_525 = vector.shape_cast %get3A_524 : vector<1x1x1x16xf32> to vector<16xf32>
        %select_n3A_526 = arith.select %eq3A_20, %get3A_525, %select_n3A_509 : vector<16xi1>, vector<16xf32>
        %sub3A_527 = arith.constant 3 : i32
        %sub3A_528 = arith.subi %and3A_200, %sub3A_527 : i32
        %shift_right_arithmetic3A_529 = arith.constant 31 : i32
        %shift_right_arithmetic3A_530 = arith.shrsi %sub3A_528, %shift_right_arithmetic3A_529 : i32
        %add3A_531 = arith.constant 19 : i32
        %add3A_532 = arith.addi %add3A_531, %shift_right_arithmetic3A_530 : i32
        %shift_left3A_533 = arith.constant 7 : i32
        %shift_left3A_534 = arith.shli %shift_right_arithmetic3A_530, %shift_left3A_533 : i32
        %sub3A_535 = arith.subi %sub3A_528, %shift_left3A_534 : i32
        %get3A_536 = arith.constant 0 : i32
        %get3A_537 = arith.index_cast %get3A_536 : i32 to index
        %get3A_538 = arith.index_cast %scan3A_160 : i32 to index
        %get3A_539 = arith.index_cast %add3A_532 : i32 to index
        %get3A_540 = arith.index_cast %sub3A_535 : i32 to index
        %get3A_541 = tpu.vector_load %arg10[%get3A_537, %get3A_538, %get3A_539, %get3A_540] {strides = array<i32>} : memref<4x2x32x128xf32, #tpu.memory_space<vmem>>, vector<1x1x1x16xf32>,
        %get3A_542 = vector.shape_cast %get3A_541 : vector<1x1x1x16xf32> to vector<16xf32>
        %select_n3A_543 = arith.select %eq3A_23, %get3A_542, %select_n3A_526 : vector<16xi1>, vector<16xf32>
        %sub3A_544 = arith.constant 4 : i32
        %sub3A_545 = arith.subi %and3A_200, %sub3A_544 : i32
        %shift_right_arithmetic3A_546 = arith.constant 31 : i32
        %shift_right_arithmetic3A_547 = arith.shrsi %sub3A_545, %shift_right_arithmetic3A_546 : i32
        %add3A_548 = arith.constant 20 : i32
        %add3A_549 = arith.addi %add3A_548, %shift_right_arithmetic3A_547 : i32
        %shift_left3A_550 = arith.constant 7 : i32
        %shift_left3A_551 = arith.shli %shift_right_arithmetic3A_547, %shift_left3A_550 : i32
        %sub3A_552 = arith.subi %sub3A_545, %shift_left3A_551 : i32
        %get3A_553 = arith.constant 0 : i32
        %get3A_554 = arith.index_cast %get3A_553 : i32 to index
        %get3A_555 = arith.index_cast %scan3A_160 : i32 to index
        %get3A_556 = arith.index_cast %add3A_549 : i32 to index
        %get3A_557 = arith.index_cast %sub3A_552 : i32 to index
        %get3A_558 = tpu.vector_load %arg10[%get3A_554, %get3A_555, %get3A_556, %get3A_557] {strides = array<i32>} : memref<4x2x32x128xf32, #tpu.memory_space<vmem>>, vector<1x1x1x16xf32>,
        %get3A_559 = vector.shape_cast %get3A_558 : vector<1x1x1x16xf32> to vector<16xf32>
        %select_n3A_560 = arith.select %eq3A_26, %get3A_559, %select_n3A_543 : vector<16xi1>, vector<16xf32>
        %sub3A_561 = arith.constant 5 : i32
        %sub3A_562 = arith.subi %and3A_200, %sub3A_561 : i32
        %shift_right_arithmetic3A_563 = arith.constant 31 : i32
        %shift_right_arithmetic3A_564 = arith.shrsi %sub3A_562, %shift_right_arithmetic3A_563 : i32
        %add3A_565 = arith.constant 21 : i32
        %add3A_566 = arith.addi %add3A_565, %shift_right_arithmetic3A_564 : i32
        %shift_left3A_567 = arith.constant 7 : i32
        %shift_left3A_568 = arith.shli %shift_right_arithmetic3A_564, %shift_left3A_567 : i32
        %sub3A_569 = arith.subi %sub3A_562, %shift_left3A_568 : i32
        %get3A_570 = arith.constant 0 : i32
        %get3A_571 = arith.index_cast %get3A_570 : i32 to index
        %get3A_572 = arith.index_cast %scan3A_160 : i32 to index
        %get3A_573 = arith.index_cast %add3A_566 : i32 to index
        %get3A_574 = arith.index_cast %sub3A_569 : i32 to index
        %get3A_575 = tpu.vector_load %arg10[%get3A_571, %get3A_572, %get3A_573, %get3A_574] {strides = array<i32>} : memref<4x2x32x128xf32, #tpu.memory_space<vmem>>, vector<1x1x1x16xf32>,
        %get3A_576 = vector.shape_cast %get3A_575 : vector<1x1x1x16xf32> to vector<16xf32>
        %select_n3A_577 = arith.select %eq3A_29, %get3A_576, %select_n3A_560 : vector<16xi1>, vector<16xf32>
        %sub3A_578 = arith.constant 6 : i32
        %sub3A_579 = arith.subi %and3A_200, %sub3A_578 : i32
        %shift_right_arithmetic3A_580 = arith.constant 31 : i32
        %shift_right_arithmetic3A_581 = arith.shrsi %sub3A_579, %shift_right_arithmetic3A_580 : i32
        %add3A_582 = arith.constant 22 : i32
        %add3A_583 = arith.addi %add3A_582, %shift_right_arithmetic3A_581 : i32
        %shift_left3A_584 = arith.constant 7 : i32
        %shift_left3A_585 = arith.shli %shift_right_arithmetic3A_581, %shift_left3A_584 : i32
        %sub3A_586 = arith.subi %sub3A_579, %shift_left3A_585 : i32
        %get3A_587 = arith.constant 0 : i32
        %get3A_588 = arith.index_cast %get3A_587 : i32 to index
        %get3A_589 = arith.index_cast %scan3A_160 : i32 to index
        %get3A_590 = arith.index_cast %add3A_583 : i32 to index
        %get3A_591 = arith.index_cast %sub3A_586 : i32 to index
        %get3A_592 = tpu.vector_load %arg10[%get3A_588, %get3A_589, %get3A_590, %get3A_591] {strides = array<i32>} : memref<4x2x32x128xf32, #tpu.memory_space<vmem>>, vector<1x1x1x16xf32>,
        %get3A_593 = vector.shape_cast %get3A_592 : vector<1x1x1x16xf32> to vector<16xf32>
        %select_n3A_594 = arith.select %eq3A_32, %get3A_593, %select_n3A_577 : vector<16xi1>, vector<16xf32>
        %sub3A_595 = arith.constant 7 : i32
        %sub3A_596 = arith.subi %and3A_200, %sub3A_595 : i32
        %shift_right_arithmetic3A_597 = arith.constant 31 : i32
        %shift_right_arithmetic3A_598 = arith.shrsi %sub3A_596, %shift_right_arithmetic3A_597 : i32
        %add3A_599 = arith.constant 23 : i32
        %add3A_600 = arith.addi %add3A_599, %shift_right_arithmetic3A_598 : i32
        %shift_left3A_601 = arith.constant 7 : i32
        %shift_left3A_602 = arith.shli %shift_right_arithmetic3A_598, %shift_left3A_601 : i32
        %sub3A_603 = arith.subi %sub3A_596, %shift_left3A_602 : i32
        %get3A_604 = arith.constant 0 : i32
        %get3A_605 = arith.index_cast %get3A_604 : i32 to index
        %get3A_606 = arith.index_cast %scan3A_160 : i32 to index
        %get3A_607 = arith.index_cast %add3A_600 : i32 to index
        %get3A_608 = arith.index_cast %sub3A_603 : i32 to index
        %get3A_609 = tpu.vector_load %arg10[%get3A_605, %get3A_606, %get3A_607, %get3A_608] {strides = array<i32>} : memref<4x2x32x128xf32, #tpu.memory_space<vmem>>, vector<1x1x1x16xf32>,
        %get3A_610 = vector.shape_cast %get3A_609 : vector<1x1x1x16xf32> to vector<16xf32>
        %select_n3A_611 = arith.select %eq3A_35, %get3A_610, %select_n3A_594 : vector<16xi1>, vector<16xf32>
        %sub3A_612 = arith.constant 8 : i32
        %sub3A_613 = arith.subi %and3A_200, %sub3A_612 : i32
        %shift_right_arithmetic3A_614 = arith.constant 31 : i32
        %shift_right_arithmetic3A_615 = arith.shrsi %sub3A_613, %shift_right_arithmetic3A_614 : i32
        %add3A_616 = arith.constant 24 : i32
        %add3A_617 = arith.addi %add3A_616, %shift_right_arithmetic3A_615 : i32
        %shift_left3A_618 = arith.constant 7 : i32
        %shift_left3A_619 = arith.shli %shift_right_arithmetic3A_615, %shift_left3A_618 : i32
        %sub3A_620 = arith.subi %sub3A_613, %shift_left3A_619 : i32
        %get3A_621 = arith.constant 0 : i32
        %get3A_622 = arith.index_cast %get3A_621 : i32 to index
        %get3A_623 = arith.index_cast %scan3A_160 : i32 to index
        %get3A_624 = arith.index_cast %add3A_617 : i32 to index
        %get3A_625 = arith.index_cast %sub3A_620 : i32 to index
        %get3A_626 = tpu.vector_load %arg10[%get3A_622, %get3A_623, %get3A_624, %get3A_625] {strides = array<i32>} : memref<4x2x32x128xf32, #tpu.memory_space<vmem>>, vector<1x1x1x16xf32>,
        %get3A_627 = vector.shape_cast %get3A_626 : vector<1x1x1x16xf32> to vector<16xf32>
        %select_n3A_628 = arith.select %eq3A_38, %get3A_627, %select_n3A_611 : vector<16xi1>, vector<16xf32>
        %sub3A_629 = arith.constant 9 : i32
        %sub3A_630 = arith.subi %and3A_200, %sub3A_629 : i32
        %shift_right_arithmetic3A_631 = arith.constant 31 : i32
        %shift_right_arithmetic3A_632 = arith.shrsi %sub3A_630, %shift_right_arithmetic3A_631 : i32
        %add3A_633 = arith.constant 25 : i32
        %add3A_634 = arith.addi %add3A_633, %shift_right_arithmetic3A_632 : i32
        %shift_left3A_635 = arith.constant 7 : i32
        %shift_left3A_636 = arith.shli %shift_right_arithmetic3A_632, %shift_left3A_635 : i32
        %sub3A_637 = arith.subi %sub3A_630, %shift_left3A_636 : i32
        %get3A_638 = arith.constant 0 : i32
        %get3A_639 = arith.index_cast %get3A_638 : i32 to index
        %get3A_640 = arith.index_cast %scan3A_160 : i32 to index
        %get3A_641 = arith.index_cast %add3A_634 : i32 to index
        %get3A_642 = arith.index_cast %sub3A_637 : i32 to index
        %get3A_643 = tpu.vector_load %arg10[%get3A_639, %get3A_640, %get3A_641, %get3A_642] {strides = array<i32>} : memref<4x2x32x128xf32, #tpu.memory_space<vmem>>, vector<1x1x1x16xf32>,
        %get3A_644 = vector.shape_cast %get3A_643 : vector<1x1x1x16xf32> to vector<16xf32>
        %select_n3A_645 = arith.select %eq3A_41, %get3A_644, %select_n3A_628 : vector<16xi1>, vector<16xf32>
        %sub3A_646 = arith.constant 10 : i32
        %sub3A_647 = arith.subi %and3A_200, %sub3A_646 : i32
        %shift_right_arithmetic3A_648 = arith.constant 31 : i32
        %shift_right_arithmetic3A_649 = arith.shrsi %sub3A_647, %shift_right_arithmetic3A_648 : i32
        %add3A_650 = arith.constant 26 : i32
        %add3A_651 = arith.addi %add3A_650, %shift_right_arithmetic3A_649 : i32
        %shift_left3A_652 = arith.constant 7 : i32
        %shift_left3A_653 = arith.shli %shift_right_arithmetic3A_649, %shift_left3A_652 : i32
        %sub3A_654 = arith.subi %sub3A_647, %shift_left3A_653 : i32
        %get3A_655 = arith.constant 0 : i32
        %get3A_656 = arith.index_cast %get3A_655 : i32 to index
        %get3A_657 = arith.index_cast %scan3A_160 : i32 to index
        %get3A_658 = arith.index_cast %add3A_651 : i32 to index
        %get3A_659 = arith.index_cast %sub3A_654 : i32 to index
        %get3A_660 = tpu.vector_load %arg10[%get3A_656, %get3A_657, %get3A_658, %get3A_659] {strides = array<i32>} : memref<4x2x32x128xf32, #tpu.memory_space<vmem>>, vector<1x1x1x16xf32>,
        %get3A_661 = vector.shape_cast %get3A_660 : vector<1x1x1x16xf32> to vector<16xf32>
        %select_n3A_662 = arith.select %eq3A_44, %get3A_661, %select_n3A_645 : vector<16xi1>, vector<16xf32>
        %sub3A_663 = arith.constant 11 : i32
        %sub3A_664 = arith.subi %and3A_200, %sub3A_663 : i32
        %shift_right_arithmetic3A_665 = arith.constant 31 : i32
        %shift_right_arithmetic3A_666 = arith.shrsi %sub3A_664, %shift_right_arithmetic3A_665 : i32
        %add3A_667 = arith.constant 27 : i32
        %add3A_668 = arith.addi %add3A_667, %shift_right_arithmetic3A_666 : i32
        %shift_left3A_669 = arith.constant 7 : i32
        %shift_left3A_670 = arith.shli %shift_right_arithmetic3A_666, %shift_left3A_669 : i32
        %sub3A_671 = arith.subi %sub3A_664, %shift_left3A_670 : i32
        %get3A_672 = arith.constant 0 : i32
        %get3A_673 = arith.index_cast %get3A_672 : i32 to index
        %get3A_674 = arith.index_cast %scan3A_160 : i32 to index
        %get3A_675 = arith.index_cast %add3A_668 : i32 to index
        %get3A_676 = arith.index_cast %sub3A_671 : i32 to index
        %get3A_677 = tpu.vector_load %arg10[%get3A_673, %get3A_674, %get3A_675, %get3A_676] {strides = array<i32>} : memref<4x2x32x128xf32, #tpu.memory_space<vmem>>, vector<1x1x1x16xf32>,
        %get3A_678 = vector.shape_cast %get3A_677 : vector<1x1x1x16xf32> to vector<16xf32>
        %select_n3A_679 = arith.select %eq3A_47, %get3A_678, %select_n3A_662 : vector<16xi1>, vector<16xf32>
        %sub3A_680 = arith.constant 12 : i32
        %sub3A_681 = arith.subi %and3A_200, %sub3A_680 : i32
        %shift_right_arithmetic3A_682 = arith.constant 31 : i32
        %shift_right_arithmetic3A_683 = arith.shrsi %sub3A_681, %shift_right_arithmetic3A_682 : i32
        %add3A_684 = arith.constant 28 : i32
        %add3A_685 = arith.addi %add3A_684, %shift_right_arithmetic3A_683 : i32
        %shift_left3A_686 = arith.constant 7 : i32
        %shift_left3A_687 = arith.shli %shift_right_arithmetic3A_683, %shift_left3A_686 : i32
        %sub3A_688 = arith.subi %sub3A_681, %shift_left3A_687 : i32
        %get3A_689 = arith.constant 0 : i32
        %get3A_690 = arith.index_cast %get3A_689 : i32 to index
        %get3A_691 = arith.index_cast %scan3A_160 : i32 to index
        %get3A_692 = arith.index_cast %add3A_685 : i32 to index
        %get3A_693 = arith.index_cast %sub3A_688 : i32 to index
        %get3A_694 = tpu.vector_load %arg10[%get3A_690, %get3A_691, %get3A_692, %get3A_693] {strides = array<i32>} : memref<4x2x32x128xf32, #tpu.memory_space<vmem>>, vector<1x1x1x16xf32>,
        %get3A_695 = vector.shape_cast %get3A_694 : vector<1x1x1x16xf32> to vector<16xf32>
        %select_n3A_696 = arith.select %eq3A_50, %get3A_695, %select_n3A_679 : vector<16xi1>, vector<16xf32>
        %sub3A_697 = arith.constant 13 : i32
        %sub3A_698 = arith.subi %and3A_200, %sub3A_697 : i32
        %shift_right_arithmetic3A_699 = arith.constant 31 : i32
        %shift_right_arithmetic3A_700 = arith.shrsi %sub3A_698, %shift_right_arithmetic3A_699 : i32
        %add3A_701 = arith.constant 29 : i32
        %add3A_702 = arith.addi %add3A_701, %shift_right_arithmetic3A_700 : i32
        %shift_left3A_703 = arith.constant 7 : i32
        %shift_left3A_704 = arith.shli %shift_right_arithmetic3A_700, %shift_left3A_703 : i32
        %sub3A_705 = arith.subi %sub3A_698, %shift_left3A_704 : i32
        %get3A_706 = arith.constant 0 : i32
        %get3A_707 = arith.index_cast %get3A_706 : i32 to index
        %get3A_708 = arith.index_cast %scan3A_160 : i32 to index
        %get3A_709 = arith.index_cast %add3A_702 : i32 to index
        %get3A_710 = arith.index_cast %sub3A_705 : i32 to index
        %get3A_711 = tpu.vector_load %arg10[%get3A_707, %get3A_708, %get3A_709, %get3A_710] {strides = array<i32>} : memref<4x2x32x128xf32, #tpu.memory_space<vmem>>, vector<1x1x1x16xf32>,
        %get3A_712 = vector.shape_cast %get3A_711 : vector<1x1x1x16xf32> to vector<16xf32>
        %select_n3A_713 = arith.select %eq3A_53, %get3A_712, %select_n3A_696 : vector<16xi1>, vector<16xf32>
        %sub3A_714 = arith.constant 14 : i32
        %sub3A_715 = arith.subi %and3A_200, %sub3A_714 : i32
        %shift_right_arithmetic3A_716 = arith.constant 31 : i32
        %shift_right_arithmetic3A_717 = arith.shrsi %sub3A_715, %shift_right_arithmetic3A_716 : i32
        %add3A_718 = arith.constant 30 : i32
        %add3A_719 = arith.addi %add3A_718, %shift_right_arithmetic3A_717 : i32
        %shift_left3A_720 = arith.constant 7 : i32
        %shift_left3A_721 = arith.shli %shift_right_arithmetic3A_717, %shift_left3A_720 : i32
        %sub3A_722 = arith.subi %sub3A_715, %shift_left3A_721 : i32
        %get3A_723 = arith.constant 0 : i32
        %get3A_724 = arith.index_cast %get3A_723 : i32 to index
        %get3A_725 = arith.index_cast %scan3A_160 : i32 to index
        %get3A_726 = arith.index_cast %add3A_719 : i32 to index
        %get3A_727 = arith.index_cast %sub3A_722 : i32 to index
        %get3A_728 = tpu.vector_load %arg10[%get3A_724, %get3A_725, %get3A_726, %get3A_727] {strides = array<i32>} : memref<4x2x32x128xf32, #tpu.memory_space<vmem>>, vector<1x1x1x16xf32>,
        %get3A_729 = vector.shape_cast %get3A_728 : vector<1x1x1x16xf32> to vector<16xf32>
        %select_n3A_730 = arith.select %eq3A_56, %get3A_729, %select_n3A_713 : vector<16xi1>, vector<16xf32>
        %sub3A_731 = arith.constant 15 : i32
        %sub3A_732 = arith.subi %and3A_200, %sub3A_731 : i32
        %shift_right_arithmetic3A_733 = arith.constant 31 : i32
        %shift_right_arithmetic3A_734 = arith.shrsi %sub3A_732, %shift_right_arithmetic3A_733 : i32
        %add3A_735 = arith.constant 31 : i32
        %add3A_736 = arith.addi %add3A_735, %shift_right_arithmetic3A_734 : i32
        %shift_left3A_737 = arith.constant 7 : i32
        %shift_left3A_738 = arith.shli %shift_right_arithmetic3A_734, %shift_left3A_737 : i32
        %sub3A_739 = arith.subi %sub3A_732, %shift_left3A_738 : i32
        %get3A_740 = arith.constant 0 : i32
        %get3A_741 = arith.index_cast %get3A_740 : i32 to index
        %get3A_742 = arith.index_cast %scan3A_160 : i32 to index
        %get3A_743 = arith.index_cast %add3A_736 : i32 to index
        %get3A_744 = arith.index_cast %sub3A_739 : i32 to index
        %get3A_745 = tpu.vector_load %arg10[%get3A_741, %get3A_742, %get3A_743, %get3A_744] {strides = array<i32>} : memref<4x2x32x128xf32, #tpu.memory_space<vmem>>, vector<1x1x1x16xf32>,
        %get3A_746 = vector.shape_cast %get3A_745 : vector<1x1x1x16xf32> to vector<16xf32>
        %select_n3A_747 = arith.select %eq3A_59, %get3A_746, %select_n3A_730 : vector<16xi1>, vector<16xf32>
        %mul3A_748 = arith.constant 32 : i32
        %mul3A_749 = arith.muli %add3A_192, %mul3A_748 : i32
        %add3A_750 = arith.constant 16 : i32
        %add3A_751 = arith.addi %mul3A_749, %add3A_750 : i32
        %swap3A_752 = arith.index_cast %add3A_751 : i32 to index
        %swap3A_753 = tpu.vector_load %arg12[%swap3A_752] {strides = array<i32>} : memref<4096xf32, #tpu.memory_space<vmem>>, vector<16xf32>,
        %swap3A_754 = vector.shape_cast %swap3A_753 : vector<16xf32> to vector<16xf32>
        %swap3A_755 = vector.shape_cast %select_n3A_747 : vector<16xf32> to vector<16xf32>
        tpu.vector_store %arg12[%swap3A_752], %swap3A_755 {strides = array<i32>} : memref<4096xf32, #tpu.memory_space<vmem>>, vector<16xf32>,
        %and3A_756 = arith.constant 127 : i32
        %and3A_757 = arith.andi %squeeze3A_199, %and3A_756 : i32
        %sub3A_758 = arith.constant 0 : i32
        %sub3A_759 = arith.subi %and3A_757, %sub3A_758 : i32
        %shift_right_arithmetic3A_760 = arith.constant 31 : i32
        %shift_right_arithmetic3A_761 = arith.shrsi %sub3A_759, %shift_right_arithmetic3A_760 : i32
        %add3A_762 = arith.constant 0 : i32
        %add3A_763 = arith.addi %add3A_762, %shift_right_arithmetic3A_761 : i32
        %shift_left3A_764 = arith.constant 7 : i32
        %shift_left3A_765 = arith.shli %shift_right_arithmetic3A_761, %shift_left3A_764 : i32
        %sub3A_766 = arith.subi %sub3A_759, %shift_left3A_765 : i32
        %get3A_767 = arith.constant 0 : i32
        %get3A_768 = arith.index_cast %get3A_767 : i32 to index
        %get3A_769 = arith.index_cast %scan3A_160 : i32 to index
        %get3A_770 = arith.index_cast %add3A_763 : i32 to index
        %get3A_771 = arith.index_cast %sub3A_766 : i32 to index
        %get3A_772 = tpu.vector_load %arg11[%get3A_768, %get3A_769, %get3A_770, %get3A_771] {strides = array<i32>} : memref<4x2x32x128xf32, #tpu.memory_space<vmem>>, vector<1x1x1x16xf32>,
        %get3A_773 = vector.shape_cast %get3A_772 : vector<1x1x1x16xf32> to vector<16xf32>
        %sub3A_774 = arith.constant 1 : i32
        %sub3A_775 = arith.subi %and3A_757, %sub3A_774 : i32
        %shift_right_arithmetic3A_776 = arith.constant 31 : i32
        %shift_right_arithmetic3A_777 = arith.shrsi %sub3A_775, %shift_right_arithmetic3A_776 : i32
        %add3A_778 = arith.constant 1 : i32
        %add3A_779 = arith.addi %add3A_778, %shift_right_arithmetic3A_777 : i32
        %shift_left3A_780 = arith.constant 7 : i32
        %shift_left3A_781 = arith.shli %shift_right_arithmetic3A_777, %shift_left3A_780 : i32
        %sub3A_782 = arith.subi %sub3A_775, %shift_left3A_781 : i32
        %get3A_783 = arith.constant 0 : i32
        %get3A_784 = arith.index_cast %get3A_783 : i32 to index
        %get3A_785 = arith.index_cast %scan3A_160 : i32 to index
        %get3A_786 = arith.index_cast %add3A_779 : i32 to index
        %get3A_787 = arith.index_cast %sub3A_782 : i32 to index
        %get3A_788 = tpu.vector_load %arg11[%get3A_784, %get3A_785, %get3A_786, %get3A_787] {strides = array<i32>} : memref<4x2x32x128xf32, #tpu.memory_space<vmem>>, vector<1x1x1x16xf32>,
        %get3A_789 = vector.shape_cast %get3A_788 : vector<1x1x1x16xf32> to vector<16xf32>
        %select_n3A_790 = arith.select %eq3A_17, %get3A_789, %get3A_773 : vector<16xi1>, vector<16xf32>
        %sub3A_791 = arith.constant 2 : i32
        %sub3A_792 = arith.subi %and3A_757, %sub3A_791 : i32
        %shift_right_arithmetic3A_793 = arith.constant 31 : i32
        %shift_right_arithmetic3A_794 = arith.shrsi %sub3A_792, %shift_right_arithmetic3A_793 : i32
        %add3A_795 = arith.constant 2 : i32
        %add3A_796 = arith.addi %add3A_795, %shift_right_arithmetic3A_794 : i32
        %shift_left3A_797 = arith.constant 7 : i32
        %shift_left3A_798 = arith.shli %shift_right_arithmetic3A_794, %shift_left3A_797 : i32
        %sub3A_799 = arith.subi %sub3A_792, %shift_left3A_798 : i32
        %get3A_800 = arith.constant 0 : i32
        %get3A_801 = arith.index_cast %get3A_800 : i32 to index
        %get3A_802 = arith.index_cast %scan3A_160 : i32 to index
        %get3A_803 = arith.index_cast %add3A_796 : i32 to index
        %get3A_804 = arith.index_cast %sub3A_799 : i32 to index
        %get3A_805 = tpu.vector_load %arg11[%get3A_801, %get3A_802, %get3A_803, %get3A_804] {strides = array<i32>} : memref<4x2x32x128xf32, #tpu.memory_space<vmem>>, vector<1x1x1x16xf32>,
        %get3A_806 = vector.shape_cast %get3A_805 : vector<1x1x1x16xf32> to vector<16xf32>
        %select_n3A_807 = arith.select %eq3A_20, %get3A_806, %select_n3A_790 : vector<16xi1>, vector<16xf32>
        %sub3A_808 = arith.constant 3 : i32
        %sub3A_809 = arith.subi %and3A_757, %sub3A_808 : i32
        %shift_right_arithmetic3A_810 = arith.constant 31 : i32
        %shift_right_arithmetic3A_811 = arith.shrsi %sub3A_809, %shift_right_arithmetic3A_810 : i32
        %add3A_812 = arith.constant 3 : i32
        %add3A_813 = arith.addi %add3A_812, %shift_right_arithmetic3A_811 : i32
        %shift_left3A_814 = arith.constant 7 : i32
        %shift_left3A_815 = arith.shli %shift_right_arithmetic3A_811, %shift_left3A_814 : i32
        %sub3A_816 = arith.subi %sub3A_809, %shift_left3A_815 : i32
        %get3A_817 = arith.constant 0 : i32
        %get3A_818 = arith.index_cast %get3A_817 : i32 to index
        %get3A_819 = arith.index_cast %scan3A_160 : i32 to index
        %get3A_820 = arith.index_cast %add3A_813 : i32 to index
        %get3A_821 = arith.index_cast %sub3A_816 : i32 to index
        %get3A_822 = tpu.vector_load %arg11[%get3A_818, %get3A_819, %get3A_820, %get3A_821] {strides = array<i32>} : memref<4x2x32x128xf32, #tpu.memory_space<vmem>>, vector<1x1x1x16xf32>,
        %get3A_823 = vector.shape_cast %get3A_822 : vector<1x1x1x16xf32> to vector<16xf32>
        %select_n3A_824 = arith.select %eq3A_23, %get3A_823, %select_n3A_807 : vector<16xi1>, vector<16xf32>
        %sub3A_825 = arith.constant 4 : i32
        %sub3A_826 = arith.subi %and3A_757, %sub3A_825 : i32
        %shift_right_arithmetic3A_827 = arith.constant 31 : i32
        %shift_right_arithmetic3A_828 = arith.shrsi %sub3A_826, %shift_right_arithmetic3A_827 : i32
        %add3A_829 = arith.constant 4 : i32
        %add3A_830 = arith.addi %add3A_829, %shift_right_arithmetic3A_828 : i32
        %shift_left3A_831 = arith.constant 7 : i32
        %shift_left3A_832 = arith.shli %shift_right_arithmetic3A_828, %shift_left3A_831 : i32
        %sub3A_833 = arith.subi %sub3A_826, %shift_left3A_832 : i32
        %get3A_834 = arith.constant 0 : i32
        %get3A_835 = arith.index_cast %get3A_834 : i32 to index
        %get3A_836 = arith.index_cast %scan3A_160 : i32 to index
        %get3A_837 = arith.index_cast %add3A_830 : i32 to index
        %get3A_838 = arith.index_cast %sub3A_833 : i32 to index
        %get3A_839 = tpu.vector_load %arg11[%get3A_835, %get3A_836, %get3A_837, %get3A_838] {strides = array<i32>} : memref<4x2x32x128xf32, #tpu.memory_space<vmem>>, vector<1x1x1x16xf32>,
        %get3A_840 = vector.shape_cast %get3A_839 : vector<1x1x1x16xf32> to vector<16xf32>
        %select_n3A_841 = arith.select %eq3A_26, %get3A_840, %select_n3A_824 : vector<16xi1>, vector<16xf32>
        %sub3A_842 = arith.constant 5 : i32
        %sub3A_843 = arith.subi %and3A_757, %sub3A_842 : i32
        %shift_right_arithmetic3A_844 = arith.constant 31 : i32
        %shift_right_arithmetic3A_845 = arith.shrsi %sub3A_843, %shift_right_arithmetic3A_844 : i32
        %add3A_846 = arith.constant 5 : i32
        %add3A_847 = arith.addi %add3A_846, %shift_right_arithmetic3A_845 : i32
        %shift_left3A_848 = arith.constant 7 : i32
        %shift_left3A_849 = arith.shli %shift_right_arithmetic3A_845, %shift_left3A_848 : i32
        %sub3A_850 = arith.subi %sub3A_843, %shift_left3A_849 : i32
        %get3A_851 = arith.constant 0 : i32
        %get3A_852 = arith.index_cast %get3A_851 : i32 to index
        %get3A_853 = arith.index_cast %scan3A_160 : i32 to index
        %get3A_854 = arith.index_cast %add3A_847 : i32 to index
        %get3A_855 = arith.index_cast %sub3A_850 : i32 to index
        %get3A_856 = tpu.vector_load %arg11[%get3A_852, %get3A_853, %get3A_854, %get3A_855] {strides = array<i32>} : memref<4x2x32x128xf32, #tpu.memory_space<vmem>>, vector<1x1x1x16xf32>,
        %get3A_857 = vector.shape_cast %get3A_856 : vector<1x1x1x16xf32> to vector<16xf32>
        %select_n3A_858 = arith.select %eq3A_29, %get3A_857, %select_n3A_841 : vector<16xi1>, vector<16xf32>
        %sub3A_859 = arith.constant 6 : i32
        %sub3A_860 = arith.subi %and3A_757, %sub3A_859 : i32
        %shift_right_arithmetic3A_861 = arith.constant 31 : i32
        %shift_right_arithmetic3A_862 = arith.shrsi %sub3A_860, %shift_right_arithmetic3A_861 : i32
        %add3A_863 = arith.constant 6 : i32
        %add3A_864 = arith.addi %add3A_863, %shift_right_arithmetic3A_862 : i32
        %shift_left3A_865 = arith.constant 7 : i32
        %shift_left3A_866 = arith.shli %shift_right_arithmetic3A_862, %shift_left3A_865 : i32
        %sub3A_867 = arith.subi %sub3A_860, %shift_left3A_866 : i32
        %get3A_868 = arith.constant 0 : i32
        %get3A_869 = arith.index_cast %get3A_868 : i32 to index
        %get3A_870 = arith.index_cast %scan3A_160 : i32 to index
        %get3A_871 = arith.index_cast %add3A_864 : i32 to index
        %get3A_872 = arith.index_cast %sub3A_867 : i32 to index
        %get3A_873 = tpu.vector_load %arg11[%get3A_869, %get3A_870, %get3A_871, %get3A_872] {strides = array<i32>} : memref<4x2x32x128xf32, #tpu.memory_space<vmem>>, vector<1x1x1x16xf32>,
        %get3A_874 = vector.shape_cast %get3A_873 : vector<1x1x1x16xf32> to vector<16xf32>
        %select_n3A_875 = arith.select %eq3A_32, %get3A_874, %select_n3A_858 : vector<16xi1>, vector<16xf32>
        %sub3A_876 = arith.constant 7 : i32
        %sub3A_877 = arith.subi %and3A_757, %sub3A_876 : i32
        %shift_right_arithmetic3A_878 = arith.constant 31 : i32
        %shift_right_arithmetic3A_879 = arith.shrsi %sub3A_877, %shift_right_arithmetic3A_878 : i32
        %add3A_880 = arith.constant 7 : i32
        %add3A_881 = arith.addi %add3A_880, %shift_right_arithmetic3A_879 : i32
        %shift_left3A_882 = arith.constant 7 : i32
        %shift_left3A_883 = arith.shli %shift_right_arithmetic3A_879, %shift_left3A_882 : i32
        %sub3A_884 = arith.subi %sub3A_877, %shift_left3A_883 : i32
        %get3A_885 = arith.constant 0 : i32
        %get3A_886 = arith.index_cast %get3A_885 : i32 to index
        %get3A_887 = arith.index_cast %scan3A_160 : i32 to index
        %get3A_888 = arith.index_cast %add3A_881 : i32 to index
        %get3A_889 = arith.index_cast %sub3A_884 : i32 to index
        %get3A_890 = tpu.vector_load %arg11[%get3A_886, %get3A_887, %get3A_888, %get3A_889] {strides = array<i32>} : memref<4x2x32x128xf32, #tpu.memory_space<vmem>>, vector<1x1x1x16xf32>,
        %get3A_891 = vector.shape_cast %get3A_890 : vector<1x1x1x16xf32> to vector<16xf32>
        %select_n3A_892 = arith.select %eq3A_35, %get3A_891, %select_n3A_875 : vector<16xi1>, vector<16xf32>
        %sub3A_893 = arith.constant 8 : i32
        %sub3A_894 = arith.subi %and3A_757, %sub3A_893 : i32
        %shift_right_arithmetic3A_895 = arith.constant 31 : i32
        %shift_right_arithmetic3A_896 = arith.shrsi %sub3A_894, %shift_right_arithmetic3A_895 : i32
        %add3A_897 = arith.constant 8 : i32
        %add3A_898 = arith.addi %add3A_897, %shift_right_arithmetic3A_896 : i32
        %shift_left3A_899 = arith.constant 7 : i32
        %shift_left3A_900 = arith.shli %shift_right_arithmetic3A_896, %shift_left3A_899 : i32
        %sub3A_901 = arith.subi %sub3A_894, %shift_left3A_900 : i32
        %get3A_902 = arith.constant 0 : i32
        %get3A_903 = arith.index_cast %get3A_902 : i32 to index
        %get3A_904 = arith.index_cast %scan3A_160 : i32 to index
        %get3A_905 = arith.index_cast %add3A_898 : i32 to index
        %get3A_906 = arith.index_cast %sub3A_901 : i32 to index
        %get3A_907 = tpu.vector_load %arg11[%get3A_903, %get3A_904, %get3A_905, %get3A_906] {strides = array<i32>} : memref<4x2x32x128xf32, #tpu.memory_space<vmem>>, vector<1x1x1x16xf32>,
        %get3A_908 = vector.shape_cast %get3A_907 : vector<1x1x1x16xf32> to vector<16xf32>
        %select_n3A_909 = arith.select %eq3A_38, %get3A_908, %select_n3A_892 : vector<16xi1>, vector<16xf32>
        %sub3A_910 = arith.constant 9 : i32
        %sub3A_911 = arith.subi %and3A_757, %sub3A_910 : i32
        %shift_right_arithmetic3A_912 = arith.constant 31 : i32
        %shift_right_arithmetic3A_913 = arith.shrsi %sub3A_911, %shift_right_arithmetic3A_912 : i32
        %add3A_914 = arith.constant 9 : i32
        %add3A_915 = arith.addi %add3A_914, %shift_right_arithmetic3A_913 : i32
        %shift_left3A_916 = arith.constant 7 : i32
        %shift_left3A_917 = arith.shli %shift_right_arithmetic3A_913, %shift_left3A_916 : i32
        %sub3A_918 = arith.subi %sub3A_911, %shift_left3A_917 : i32
        %get3A_919 = arith.constant 0 : i32
        %get3A_920 = arith.index_cast %get3A_919 : i32 to index
        %get3A_921 = arith.index_cast %scan3A_160 : i32 to index
        %get3A_922 = arith.index_cast %add3A_915 : i32 to index
        %get3A_923 = arith.index_cast %sub3A_918 : i32 to index
        %get3A_924 = tpu.vector_load %arg11[%get3A_920, %get3A_921, %get3A_922, %get3A_923] {strides = array<i32>} : memref<4x2x32x128xf32, #tpu.memory_space<vmem>>, vector<1x1x1x16xf32>,
        %get3A_925 = vector.shape_cast %get3A_924 : vector<1x1x1x16xf32> to vector<16xf32>
        %select_n3A_926 = arith.select %eq3A_41, %get3A_925, %select_n3A_909 : vector<16xi1>, vector<16xf32>
        %sub3A_927 = arith.constant 10 : i32
        %sub3A_928 = arith.subi %and3A_757, %sub3A_927 : i32
        %shift_right_arithmetic3A_929 = arith.constant 31 : i32
        %shift_right_arithmetic3A_930 = arith.shrsi %sub3A_928, %shift_right_arithmetic3A_929 : i32
        %add3A_931 = arith.constant 10 : i32
        %add3A_932 = arith.addi %add3A_931, %shift_right_arithmetic3A_930 : i32
        %shift_left3A_933 = arith.constant 7 : i32
        %shift_left3A_934 = arith.shli %shift_right_arithmetic3A_930, %shift_left3A_933 : i32
        %sub3A_935 = arith.subi %sub3A_928, %shift_left3A_934 : i32
        %get3A_936 = arith.constant 0 : i32
        %get3A_937 = arith.index_cast %get3A_936 : i32 to index
        %get3A_938 = arith.index_cast %scan3A_160 : i32 to index
        %get3A_939 = arith.index_cast %add3A_932 : i32 to index
        %get3A_940 = arith.index_cast %sub3A_935 : i32 to index
        %get3A_941 = tpu.vector_load %arg11[%get3A_937, %get3A_938, %get3A_939, %get3A_940] {strides = array<i32>} : memref<4x2x32x128xf32, #tpu.memory_space<vmem>>, vector<1x1x1x16xf32>,
        %get3A_942 = vector.shape_cast %get3A_941 : vector<1x1x1x16xf32> to vector<16xf32>
        %select_n3A_943 = arith.select %eq3A_44, %get3A_942, %select_n3A_926 : vector<16xi1>, vector<16xf32>
        %sub3A_944 = arith.constant 11 : i32
        %sub3A_945 = arith.subi %and3A_757, %sub3A_944 : i32
        %shift_right_arithmetic3A_946 = arith.constant 31 : i32
        %shift_right_arithmetic3A_947 = arith.shrsi %sub3A_945, %shift_right_arithmetic3A_946 : i32
        %add3A_948 = arith.constant 11 : i32
        %add3A_949 = arith.addi %add3A_948, %shift_right_arithmetic3A_947 : i32
        %shift_left3A_950 = arith.constant 7 : i32
        %shift_left3A_951 = arith.shli %shift_right_arithmetic3A_947, %shift_left3A_950 : i32
        %sub3A_952 = arith.subi %sub3A_945, %shift_left3A_951 : i32
        %get3A_953 = arith.constant 0 : i32
        %get3A_954 = arith.index_cast %get3A_953 : i32 to index
        %get3A_955 = arith.index_cast %scan3A_160 : i32 to index
        %get3A_956 = arith.index_cast %add3A_949 : i32 to index
        %get3A_957 = arith.index_cast %sub3A_952 : i32 to index
        %get3A_958 = tpu.vector_load %arg11[%get3A_954, %get3A_955, %get3A_956, %get3A_957] {strides = array<i32>} : memref<4x2x32x128xf32, #tpu.memory_space<vmem>>, vector<1x1x1x16xf32>,
        %get3A_959 = vector.shape_cast %get3A_958 : vector<1x1x1x16xf32> to vector<16xf32>
        %select_n3A_960 = arith.select %eq3A_47, %get3A_959, %select_n3A_943 : vector<16xi1>, vector<16xf32>
        %sub3A_961 = arith.constant 12 : i32
        %sub3A_962 = arith.subi %and3A_757, %sub3A_961 : i32
        %shift_right_arithmetic3A_963 = arith.constant 31 : i32
        %shift_right_arithmetic3A_964 = arith.shrsi %sub3A_962, %shift_right_arithmetic3A_963 : i32
        %add3A_965 = arith.constant 12 : i32
        %add3A_966 = arith.addi %add3A_965, %shift_right_arithmetic3A_964 : i32
        %shift_left3A_967 = arith.constant 7 : i32
        %shift_left3A_968 = arith.shli %shift_right_arithmetic3A_964, %shift_left3A_967 : i32
        %sub3A_969 = arith.subi %sub3A_962, %shift_left3A_968 : i32
        %get3A_970 = arith.constant 0 : i32
        %get3A_971 = arith.index_cast %get3A_970 : i32 to index
        %get3A_972 = arith.index_cast %scan3A_160 : i32 to index
        %get3A_973 = arith.index_cast %add3A_966 : i32 to index
        %get3A_974 = arith.index_cast %sub3A_969 : i32 to index
        %get3A_975 = tpu.vector_load %arg11[%get3A_971, %get3A_972, %get3A_973, %get3A_974] {strides = array<i32>} : memref<4x2x32x128xf32, #tpu.memory_space<vmem>>, vector<1x1x1x16xf32>,
        %get3A_976 = vector.shape_cast %get3A_975 : vector<1x1x1x16xf32> to vector<16xf32>
        %select_n3A_977 = arith.select %eq3A_50, %get3A_976, %select_n3A_960 : vector<16xi1>, vector<16xf32>
        %sub3A_978 = arith.constant 13 : i32
        %sub3A_979 = arith.subi %and3A_757, %sub3A_978 : i32
        %shift_right_arithmetic3A_980 = arith.constant 31 : i32
        %shift_right_arithmetic3A_981 = arith.shrsi %sub3A_979, %shift_right_arithmetic3A_980 : i32
        %add3A_982 = arith.constant 13 : i32
        %add3A_983 = arith.addi %add3A_982, %shift_right_arithmetic3A_981 : i32
        %shift_left3A_984 = arith.constant 7 : i32
        %shift_left3A_985 = arith.shli %shift_right_arithmetic3A_981, %shift_left3A_984 : i32
        %sub3A_986 = arith.subi %sub3A_979, %shift_left3A_985 : i32
        %get3A_987 = arith.constant 0 : i32
        %get3A_988 = arith.index_cast %get3A_987 : i32 to index
        %get3A_989 = arith.index_cast %scan3A_160 : i32 to index
        %get3A_990 = arith.index_cast %add3A_983 : i32 to index
        %get3A_991 = arith.index_cast %sub3A_986 : i32 to index
        %get3A_992 = tpu.vector_load %arg11[%get3A_988, %get3A_989, %get3A_990, %get3A_991] {strides = array<i32>} : memref<4x2x32x128xf32, #tpu.memory_space<vmem>>, vector<1x1x1x16xf32>,
        %get3A_993 = vector.shape_cast %get3A_992 : vector<1x1x1x16xf32> to vector<16xf32>
        %select_n3A_994 = arith.select %eq3A_53, %get3A_993, %select_n3A_977 : vector<16xi1>, vector<16xf32>
        %sub3A_995 = arith.constant 14 : i32
        %sub3A_996 = arith.subi %and3A_757, %sub3A_995 : i32
        %shift_right_arithmetic3A_997 = arith.constant 31 : i32
        %shift_right_arithmetic3A_998 = arith.shrsi %sub3A_996, %shift_right_arithmetic3A_997 : i32
        %add3A_999 = arith.constant 14 : i32
        %add3A_1000 = arith.addi %add3A_999, %shift_right_arithmetic3A_998 : i32
        %shift_left3A_1001 = arith.constant 7 : i32
        %shift_left3A_1002 = arith.shli %shift_right_arithmetic3A_998, %shift_left3A_1001 : i32
        %sub3A_1003 = arith.subi %sub3A_996, %shift_left3A_1002 : i32
        %get3A_1004 = arith.constant 0 : i32
        %get3A_1005 = arith.index_cast %get3A_1004 : i32 to index
        %get3A_1006 = arith.index_cast %scan3A_160 : i32 to index
        %get3A_1007 = arith.index_cast %add3A_1000 : i32 to index
        %get3A_1008 = arith.index_cast %sub3A_1003 : i32 to index
        %get3A_1009 = tpu.vector_load %arg11[%get3A_1005, %get3A_1006, %get3A_1007, %get3A_1008] {strides = array<i32>} : memref<4x2x32x128xf32, #tpu.memory_space<vmem>>, vector<1x1x1x16xf32>,
        %get3A_1010 = vector.shape_cast %get3A_1009 : vector<1x1x1x16xf32> to vector<16xf32>
        %select_n3A_1011 = arith.select %eq3A_56, %get3A_1010, %select_n3A_994 : vector<16xi1>, vector<16xf32>
        %sub3A_1012 = arith.constant 15 : i32
        %sub3A_1013 = arith.subi %and3A_757, %sub3A_1012 : i32
        %shift_right_arithmetic3A_1014 = arith.constant 31 : i32
        %shift_right_arithmetic3A_1015 = arith.shrsi %sub3A_1013, %shift_right_arithmetic3A_1014 : i32
        %add3A_1016 = arith.constant 15 : i32
        %add3A_1017 = arith.addi %add3A_1016, %shift_right_arithmetic3A_1015 : i32
        %shift_left3A_1018 = arith.constant 7 : i32
        %shift_left3A_1019 = arith.shli %shift_right_arithmetic3A_1015, %shift_left3A_1018 : i32
        %sub3A_1020 = arith.subi %sub3A_1013, %shift_left3A_1019 : i32
        %get3A_1021 = arith.constant 0 : i32
        %get3A_1022 = arith.index_cast %get3A_1021 : i32 to index
        %get3A_1023 = arith.index_cast %scan3A_160 : i32 to index
        %get3A_1024 = arith.index_cast %add3A_1017 : i32 to index
        %get3A_1025 = arith.index_cast %sub3A_1020 : i32 to index
        %get3A_1026 = tpu.vector_load %arg11[%get3A_1022, %get3A_1023, %get3A_1024, %get3A_1025] {strides = array<i32>} : memref<4x2x32x128xf32, #tpu.memory_space<vmem>>, vector<1x1x1x16xf32>,
        %get3A_1027 = vector.shape_cast %get3A_1026 : vector<1x1x1x16xf32> to vector<16xf32>
        %select_n3A_1028 = arith.select %eq3A_59, %get3A_1027, %select_n3A_1011 : vector<16xi1>, vector<16xf32>
        %mul3A_1029 = arith.constant 32 : i32
        %mul3A_1030 = arith.muli %add3A_192, %mul3A_1029 : i32
        %add3A_1031 = arith.constant 0 : i32
        %add3A_1032 = arith.addi %mul3A_1030, %add3A_1031 : i32
        %swap3A_1033 = arith.index_cast %add3A_1032 : i32 to index
        %swap3A_1034 = tpu.vector_load %arg13[%swap3A_1033] {strides = array<i32>} : memref<4096xf32, #tpu.memory_space<vmem>>, vector<16xf32>,
        %swap3A_1035 = vector.shape_cast %swap3A_1034 : vector<16xf32> to vector<16xf32>
        %swap3A_1036 = vector.shape_cast %select_n3A_1028 : vector<16xf32> to vector<16xf32>
        tpu.vector_store %arg13[%swap3A_1033], %swap3A_1036 {strides = array<i32>} : memref<4096xf32, #tpu.memory_space<vmem>>, vector<16xf32>,
        %sub3A_1037 = arith.constant 0 : i32
        %sub3A_1038 = arith.subi %and3A_757, %sub3A_1037 : i32
        %shift_right_arithmetic3A_1039 = arith.constant 31 : i32
        %shift_right_arithmetic3A_1040 = arith.shrsi %sub3A_1038, %shift_right_arithmetic3A_1039 : i32
        %add3A_1041 = arith.constant 16 : i32
        %add3A_1042 = arith.addi %add3A_1041, %shift_right_arithmetic3A_1040 : i32
        %shift_left3A_1043 = arith.constant 7 : i32
        %shift_left3A_1044 = arith.shli %shift_right_arithmetic3A_1040, %shift_left3A_1043 : i32
        %sub3A_1045 = arith.subi %sub3A_1038, %shift_left3A_1044 : i32
        %get3A_1046 = arith.constant 0 : i32
        %get3A_1047 = arith.index_cast %get3A_1046 : i32 to index
        %get3A_1048 = arith.index_cast %scan3A_160 : i32 to index
        %get3A_1049 = arith.index_cast %add3A_1042 : i32 to index
        %get3A_1050 = arith.index_cast %sub3A_1045 : i32 to index
        %get3A_1051 = tpu.vector_load %arg11[%get3A_1047, %get3A_1048, %get3A_1049, %get3A_1050] {strides = array<i32>} : memref<4x2x32x128xf32, #tpu.memory_space<vmem>>, vector<1x1x1x16xf32>,
        %get3A_1052 = vector.shape_cast %get3A_1051 : vector<1x1x1x16xf32> to vector<16xf32>
        %sub3A_1053 = arith.constant 1 : i32
        %sub3A_1054 = arith.subi %and3A_757, %sub3A_1053 : i32
        %shift_right_arithmetic3A_1055 = arith.constant 31 : i32
        %shift_right_arithmetic3A_1056 = arith.shrsi %sub3A_1054, %shift_right_arithmetic3A_1055 : i32
        %add3A_1057 = arith.constant 17 : i32
        %add3A_1058 = arith.addi %add3A_1057, %shift_right_arithmetic3A_1056 : i32
        %shift_left3A_1059 = arith.constant 7 : i32
        %shift_left3A_1060 = arith.shli %shift_right_arithmetic3A_1056, %shift_left3A_1059 : i32
        %sub3A_1061 = arith.subi %sub3A_1054, %shift_left3A_1060 : i32
        %get3A_1062 = arith.constant 0 : i32
        %get3A_1063 = arith.index_cast %get3A_1062 : i32 to index
        %get3A_1064 = arith.index_cast %scan3A_160 : i32 to index
        %get3A_1065 = arith.index_cast %add3A_1058 : i32 to index
        %get3A_1066 = arith.index_cast %sub3A_1061 : i32 to index
        %get3A_1067 = tpu.vector_load %arg11[%get3A_1063, %get3A_1064, %get3A_1065, %get3A_1066] {strides = array<i32>} : memref<4x2x32x128xf32, #tpu.memory_space<vmem>>, vector<1x1x1x16xf32>,
        %get3A_1068 = vector.shape_cast %get3A_1067 : vector<1x1x1x16xf32> to vector<16xf32>
        %select_n3A_1069 = arith.select %eq3A_17, %get3A_1068, %get3A_1052 : vector<16xi1>, vector<16xf32>
        %sub3A_1070 = arith.constant 2 : i32
        %sub3A_1071 = arith.subi %and3A_757, %sub3A_1070 : i32
        %shift_right_arithmetic3A_1072 = arith.constant 31 : i32
        %shift_right_arithmetic3A_1073 = arith.shrsi %sub3A_1071, %shift_right_arithmetic3A_1072 : i32
        %add3A_1074 = arith.constant 18 : i32
        %add3A_1075 = arith.addi %add3A_1074, %shift_right_arithmetic3A_1073 : i32
        %shift_left3A_1076 = arith.constant 7 : i32
        %shift_left3A_1077 = arith.shli %shift_right_arithmetic3A_1073, %shift_left3A_1076 : i32
        %sub3A_1078 = arith.subi %sub3A_1071, %shift_left3A_1077 : i32
        %get3A_1079 = arith.constant 0 : i32
        %get3A_1080 = arith.index_cast %get3A_1079 : i32 to index
        %get3A_1081 = arith.index_cast %scan3A_160 : i32 to index
        %get3A_1082 = arith.index_cast %add3A_1075 : i32 to index
        %get3A_1083 = arith.index_cast %sub3A_1078 : i32 to index
        %get3A_1084 = tpu.vector_load %arg11[%get3A_1080, %get3A_1081, %get3A_1082, %get3A_1083] {strides = array<i32>} : memref<4x2x32x128xf32, #tpu.memory_space<vmem>>, vector<1x1x1x16xf32>,
        %get3A_1085 = vector.shape_cast %get3A_1084 : vector<1x1x1x16xf32> to vector<16xf32>
        %select_n3A_1086 = arith.select %eq3A_20, %get3A_1085, %select_n3A_1069 : vector<16xi1>, vector<16xf32>
        %sub3A_1087 = arith.constant 3 : i32
        %sub3A_1088 = arith.subi %and3A_757, %sub3A_1087 : i32
        %shift_right_arithmetic3A_1089 = arith.constant 31 : i32
        %shift_right_arithmetic3A_1090 = arith.shrsi %sub3A_1088, %shift_right_arithmetic3A_1089 : i32
        %add3A_1091 = arith.constant 19 : i32
        %add3A_1092 = arith.addi %add3A_1091, %shift_right_arithmetic3A_1090 : i32
        %shift_left3A_1093 = arith.constant 7 : i32
        %shift_left3A_1094 = arith.shli %shift_right_arithmetic3A_1090, %shift_left3A_1093 : i32
        %sub3A_1095 = arith.subi %sub3A_1088, %shift_left3A_1094 : i32
        %get3A_1096 = arith.constant 0 : i32
        %get3A_1097 = arith.index_cast %get3A_1096 : i32 to index
        %get3A_1098 = arith.index_cast %scan3A_160 : i32 to index
        %get3A_1099 = arith.index_cast %add3A_1092 : i32 to index
        %get3A_1100 = arith.index_cast %sub3A_1095 : i32 to index
        %get3A_1101 = tpu.vector_load %arg11[%get3A_1097, %get3A_1098, %get3A_1099, %get3A_1100] {strides = array<i32>} : memref<4x2x32x128xf32, #tpu.memory_space<vmem>>, vector<1x1x1x16xf32>,
        %get3A_1102 = vector.shape_cast %get3A_1101 : vector<1x1x1x16xf32> to vector<16xf32>
        %select_n3A_1103 = arith.select %eq3A_23, %get3A_1102, %select_n3A_1086 : vector<16xi1>, vector<16xf32>
        %sub3A_1104 = arith.constant 4 : i32
        %sub3A_1105 = arith.subi %and3A_757, %sub3A_1104 : i32
        %shift_right_arithmetic3A_1106 = arith.constant 31 : i32
        %shift_right_arithmetic3A_1107 = arith.shrsi %sub3A_1105, %shift_right_arithmetic3A_1106 : i32
        %add3A_1108 = arith.constant 20 : i32
        %add3A_1109 = arith.addi %add3A_1108, %shift_right_arithmetic3A_1107 : i32
        %shift_left3A_1110 = arith.constant 7 : i32
        %shift_left3A_1111 = arith.shli %shift_right_arithmetic3A_1107, %shift_left3A_1110 : i32
        %sub3A_1112 = arith.subi %sub3A_1105, %shift_left3A_1111 : i32
        %get3A_1113 = arith.constant 0 : i32
        %get3A_1114 = arith.index_cast %get3A_1113 : i32 to index
        %get3A_1115 = arith.index_cast %scan3A_160 : i32 to index
        %get3A_1116 = arith.index_cast %add3A_1109 : i32 to index
        %get3A_1117 = arith.index_cast %sub3A_1112 : i32 to index
        %get3A_1118 = tpu.vector_load %arg11[%get3A_1114, %get3A_1115, %get3A_1116, %get3A_1117] {strides = array<i32>} : memref<4x2x32x128xf32, #tpu.memory_space<vmem>>, vector<1x1x1x16xf32>,
        %get3A_1119 = vector.shape_cast %get3A_1118 : vector<1x1x1x16xf32> to vector<16xf32>
        %select_n3A_1120 = arith.select %eq3A_26, %get3A_1119, %select_n3A_1103 : vector<16xi1>, vector<16xf32>
        %sub3A_1121 = arith.constant 5 : i32
        %sub3A_1122 = arith.subi %and3A_757, %sub3A_1121 : i32
        %shift_right_arithmetic3A_1123 = arith.constant 31 : i32
        %shift_right_arithmetic3A_1124 = arith.shrsi %sub3A_1122, %shift_right_arithmetic3A_1123 : i32
        %add3A_1125 = arith.constant 21 : i32
        %add3A_1126 = arith.addi %add3A_1125, %shift_right_arithmetic3A_1124 : i32
        %shift_left3A_1127 = arith.constant 7 : i32
        %shift_left3A_1128 = arith.shli %shift_right_arithmetic3A_1124, %shift_left3A_1127 : i32
        %sub3A_1129 = arith.subi %sub3A_1122, %shift_left3A_1128 : i32
        %get3A_1130 = arith.constant 0 : i32
        %get3A_1131 = arith.index_cast %get3A_1130 : i32 to index
        %get3A_1132 = arith.index_cast %scan3A_160 : i32 to index
        %get3A_1133 = arith.index_cast %add3A_1126 : i32 to index
        %get3A_1134 = arith.index_cast %sub3A_1129 : i32 to index
        %get3A_1135 = tpu.vector_load %arg11[%get3A_1131, %get3A_1132, %get3A_1133, %get3A_1134] {strides = array<i32>} : memref<4x2x32x128xf32, #tpu.memory_space<vmem>>, vector<1x1x1x16xf32>,
        %get3A_1136 = vector.shape_cast %get3A_1135 : vector<1x1x1x16xf32> to vector<16xf32>
        %select_n3A_1137 = arith.select %eq3A_29, %get3A_1136, %select_n3A_1120 : vector<16xi1>, vector<16xf32>
        %sub3A_1138 = arith.constant 6 : i32
        %sub3A_1139 = arith.subi %and3A_757, %sub3A_1138 : i32
        %shift_right_arithmetic3A_1140 = arith.constant 31 : i32
        %shift_right_arithmetic3A_1141 = arith.shrsi %sub3A_1139, %shift_right_arithmetic3A_1140 : i32
        %add3A_1142 = arith.constant 22 : i32
        %add3A_1143 = arith.addi %add3A_1142, %shift_right_arithmetic3A_1141 : i32
        %shift_left3A_1144 = arith.constant 7 : i32
        %shift_left3A_1145 = arith.shli %shift_right_arithmetic3A_1141, %shift_left3A_1144 : i32
        %sub3A_1146 = arith.subi %sub3A_1139, %shift_left3A_1145 : i32
        %get3A_1147 = arith.constant 0 : i32
        %get3A_1148 = arith.index_cast %get3A_1147 : i32 to index
        %get3A_1149 = arith.index_cast %scan3A_160 : i32 to index
        %get3A_1150 = arith.index_cast %add3A_1143 : i32 to index
        %get3A_1151 = arith.index_cast %sub3A_1146 : i32 to index
        %get3A_1152 = tpu.vector_load %arg11[%get3A_1148, %get3A_1149, %get3A_1150, %get3A_1151] {strides = array<i32>} : memref<4x2x32x128xf32, #tpu.memory_space<vmem>>, vector<1x1x1x16xf32>,
        %get3A_1153 = vector.shape_cast %get3A_1152 : vector<1x1x1x16xf32> to vector<16xf32>
        %select_n3A_1154 = arith.select %eq3A_32, %get3A_1153, %select_n3A_1137 : vector<16xi1>, vector<16xf32>
        %sub3A_1155 = arith.constant 7 : i32
        %sub3A_1156 = arith.subi %and3A_757, %sub3A_1155 : i32
        %shift_right_arithmetic3A_1157 = arith.constant 31 : i32
        %shift_right_arithmetic3A_1158 = arith.shrsi %sub3A_1156, %shift_right_arithmetic3A_1157 : i32
        %add3A_1159 = arith.constant 23 : i32
        %add3A_1160 = arith.addi %add3A_1159, %shift_right_arithmetic3A_1158 : i32
        %shift_left3A_1161 = arith.constant 7 : i32
        %shift_left3A_1162 = arith.shli %shift_right_arithmetic3A_1158, %shift_left3A_1161 : i32
        %sub3A_1163 = arith.subi %sub3A_1156, %shift_left3A_1162 : i32
        %get3A_1164 = arith.constant 0 : i32
        %get3A_1165 = arith.index_cast %get3A_1164 : i32 to index
        %get3A_1166 = arith.index_cast %scan3A_160 : i32 to index
        %get3A_1167 = arith.index_cast %add3A_1160 : i32 to index
        %get3A_1168 = arith.index_cast %sub3A_1163 : i32 to index
        %get3A_1169 = tpu.vector_load %arg11[%get3A_1165, %get3A_1166, %get3A_1167, %get3A_1168] {strides = array<i32>} : memref<4x2x32x128xf32, #tpu.memory_space<vmem>>, vector<1x1x1x16xf32>,
        %get3A_1170 = vector.shape_cast %get3A_1169 : vector<1x1x1x16xf32> to vector<16xf32>
        %select_n3A_1171 = arith.select %eq3A_35, %get3A_1170, %select_n3A_1154 : vector<16xi1>, vector<16xf32>
        %sub3A_1172 = arith.constant 8 : i32
        %sub3A_1173 = arith.subi %and3A_757, %sub3A_1172 : i32
        %shift_right_arithmetic3A_1174 = arith.constant 31 : i32
        %shift_right_arithmetic3A_1175 = arith.shrsi %sub3A_1173, %shift_right_arithmetic3A_1174 : i32
        %add3A_1176 = arith.constant 24 : i32
        %add3A_1177 = arith.addi %add3A_1176, %shift_right_arithmetic3A_1175 : i32
        %shift_left3A_1178 = arith.constant 7 : i32
        %shift_left3A_1179 = arith.shli %shift_right_arithmetic3A_1175, %shift_left3A_1178 : i32
        %sub3A_1180 = arith.subi %sub3A_1173, %shift_left3A_1179 : i32
        %get3A_1181 = arith.constant 0 : i32
        %get3A_1182 = arith.index_cast %get3A_1181 : i32 to index
        %get3A_1183 = arith.index_cast %scan3A_160 : i32 to index
        %get3A_1184 = arith.index_cast %add3A_1177 : i32 to index
        %get3A_1185 = arith.index_cast %sub3A_1180 : i32 to index
        %get3A_1186 = tpu.vector_load %arg11[%get3A_1182, %get3A_1183, %get3A_1184, %get3A_1185] {strides = array<i32>} : memref<4x2x32x128xf32, #tpu.memory_space<vmem>>, vector<1x1x1x16xf32>,
        %get3A_1187 = vector.shape_cast %get3A_1186 : vector<1x1x1x16xf32> to vector<16xf32>
        %select_n3A_1188 = arith.select %eq3A_38, %get3A_1187, %select_n3A_1171 : vector<16xi1>, vector<16xf32>
        %sub3A_1189 = arith.constant 9 : i32
        %sub3A_1190 = arith.subi %and3A_757, %sub3A_1189 : i32
        %shift_right_arithmetic3A_1191 = arith.constant 31 : i32
        %shift_right_arithmetic3A_1192 = arith.shrsi %sub3A_1190, %shift_right_arithmetic3A_1191 : i32
        %add3A_1193 = arith.constant 25 : i32
        %add3A_1194 = arith.addi %add3A_1193, %shift_right_arithmetic3A_1192 : i32
        %shift_left3A_1195 = arith.constant 7 : i32
        %shift_left3A_1196 = arith.shli %shift_right_arithmetic3A_1192, %shift_left3A_1195 : i32
        %sub3A_1197 = arith.subi %sub3A_1190, %shift_left3A_1196 : i32
        %get3A_1198 = arith.constant 0 : i32
        %get3A_1199 = arith.index_cast %get3A_1198 : i32 to index
        %get3A_1200 = arith.index_cast %scan3A_160 : i32 to index
        %get3A_1201 = arith.index_cast %add3A_1194 : i32 to index
        %get3A_1202 = arith.index_cast %sub3A_1197 : i32 to index
        %get3A_1203 = tpu.vector_load %arg11[%get3A_1199, %get3A_1200, %get3A_1201, %get3A_1202] {strides = array<i32>} : memref<4x2x32x128xf32, #tpu.memory_space<vmem>>, vector<1x1x1x16xf32>,
        %get3A_1204 = vector.shape_cast %get3A_1203 : vector<1x1x1x16xf32> to vector<16xf32>
        %select_n3A_1205 = arith.select %eq3A_41, %get3A_1204, %select_n3A_1188 : vector<16xi1>, vector<16xf32>
        %sub3A_1206 = arith.constant 10 : i32
        %sub3A_1207 = arith.subi %and3A_757, %sub3A_1206 : i32
        %shift_right_arithmetic3A_1208 = arith.constant 31 : i32
        %shift_right_arithmetic3A_1209 = arith.shrsi %sub3A_1207, %shift_right_arithmetic3A_1208 : i32
        %add3A_1210 = arith.constant 26 : i32
        %add3A_1211 = arith.addi %add3A_1210, %shift_right_arithmetic3A_1209 : i32
        %shift_left3A_1212 = arith.constant 7 : i32
        %shift_left3A_1213 = arith.shli %shift_right_arithmetic3A_1209, %shift_left3A_1212 : i32
        %sub3A_1214 = arith.subi %sub3A_1207, %shift_left3A_1213 : i32
        %get3A_1215 = arith.constant 0 : i32
        %get3A_1216 = arith.index_cast %get3A_1215 : i32 to index
        %get3A_1217 = arith.index_cast %scan3A_160 : i32 to index
        %get3A_1218 = arith.index_cast %add3A_1211 : i32 to index
        %get3A_1219 = arith.index_cast %sub3A_1214 : i32 to index
        %get3A_1220 = tpu.vector_load %arg11[%get3A_1216, %get3A_1217, %get3A_1218, %get3A_1219] {strides = array<i32>} : memref<4x2x32x128xf32, #tpu.memory_space<vmem>>, vector<1x1x1x16xf32>,
        %get3A_1221 = vector.shape_cast %get3A_1220 : vector<1x1x1x16xf32> to vector<16xf32>
        %select_n3A_1222 = arith.select %eq3A_44, %get3A_1221, %select_n3A_1205 : vector<16xi1>, vector<16xf32>
        %sub3A_1223 = arith.constant 11 : i32
        %sub3A_1224 = arith.subi %and3A_757, %sub3A_1223 : i32
        %shift_right_arithmetic3A_1225 = arith.constant 31 : i32
        %shift_right_arithmetic3A_1226 = arith.shrsi %sub3A_1224, %shift_right_arithmetic3A_1225 : i32
        %add3A_1227 = arith.constant 27 : i32
        %add3A_1228 = arith.addi %add3A_1227, %shift_right_arithmetic3A_1226 : i32
        %shift_left3A_1229 = arith.constant 7 : i32
        %shift_left3A_1230 = arith.shli %shift_right_arithmetic3A_1226, %shift_left3A_1229 : i32
        %sub3A_1231 = arith.subi %sub3A_1224, %shift_left3A_1230 : i32
        %get3A_1232 = arith.constant 0 : i32
        %get3A_1233 = arith.index_cast %get3A_1232 : i32 to index
        %get3A_1234 = arith.index_cast %scan3A_160 : i32 to index
        %get3A_1235 = arith.index_cast %add3A_1228 : i32 to index
        %get3A_1236 = arith.index_cast %sub3A_1231 : i32 to index
        %get3A_1237 = tpu.vector_load %arg11[%get3A_1233, %get3A_1234, %get3A_1235, %get3A_1236] {strides = array<i32>} : memref<4x2x32x128xf32, #tpu.memory_space<vmem>>, vector<1x1x1x16xf32>,
        %get3A_1238 = vector.shape_cast %get3A_1237 : vector<1x1x1x16xf32> to vector<16xf32>
        %select_n3A_1239 = arith.select %eq3A_47, %get3A_1238, %select_n3A_1222 : vector<16xi1>, vector<16xf32>
        %sub3A_1240 = arith.constant 12 : i32
        %sub3A_1241 = arith.subi %and3A_757, %sub3A_1240 : i32
        %shift_right_arithmetic3A_1242 = arith.constant 31 : i32
        %shift_right_arithmetic3A_1243 = arith.shrsi %sub3A_1241, %shift_right_arithmetic3A_1242 : i32
        %add3A_1244 = arith.constant 28 : i32
        %add3A_1245 = arith.addi %add3A_1244, %shift_right_arithmetic3A_1243 : i32
        %shift_left3A_1246 = arith.constant 7 : i32
        %shift_left3A_1247 = arith.shli %shift_right_arithmetic3A_1243, %shift_left3A_1246 : i32
        %sub3A_1248 = arith.subi %sub3A_1241, %shift_left3A_1247 : i32
        %get3A_1249 = arith.constant 0 : i32
        %get3A_1250 = arith.index_cast %get3A_1249 : i32 to index
        %get3A_1251 = arith.index_cast %scan3A_160 : i32 to index
        %get3A_1252 = arith.index_cast %add3A_1245 : i32 to index
        %get3A_1253 = arith.index_cast %sub3A_1248 : i32 to index
        %get3A_1254 = tpu.vector_load %arg11[%get3A_1250, %get3A_1251, %get3A_1252, %get3A_1253] {strides = array<i32>} : memref<4x2x32x128xf32, #tpu.memory_space<vmem>>, vector<1x1x1x16xf32>,
        %get3A_1255 = vector.shape_cast %get3A_1254 : vector<1x1x1x16xf32> to vector<16xf32>
        %select_n3A_1256 = arith.select %eq3A_50, %get3A_1255, %select_n3A_1239 : vector<16xi1>, vector<16xf32>
        %sub3A_1257 = arith.constant 13 : i32
        %sub3A_1258 = arith.subi %and3A_757, %sub3A_1257 : i32
        %shift_right_arithmetic3A_1259 = arith.constant 31 : i32
        %shift_right_arithmetic3A_1260 = arith.shrsi %sub3A_1258, %shift_right_arithmetic3A_1259 : i32
        %add3A_1261 = arith.constant 29 : i32
        %add3A_1262 = arith.addi %add3A_1261, %shift_right_arithmetic3A_1260 : i32
        %shift_left3A_1263 = arith.constant 7 : i32
        %shift_left3A_1264 = arith.shli %shift_right_arithmetic3A_1260, %shift_left3A_1263 : i32
        %sub3A_1265 = arith.subi %sub3A_1258, %shift_left3A_1264 : i32
        %get3A_1266 = arith.constant 0 : i32
        %get3A_1267 = arith.index_cast %get3A_1266 : i32 to index
        %get3A_1268 = arith.index_cast %scan3A_160 : i32 to index
        %get3A_1269 = arith.index_cast %add3A_1262 : i32 to index
        %get3A_1270 = arith.index_cast %sub3A_1265 : i32 to index
        %get3A_1271 = tpu.vector_load %arg11[%get3A_1267, %get3A_1268, %get3A_1269, %get3A_1270] {strides = array<i32>} : memref<4x2x32x128xf32, #tpu.memory_space<vmem>>, vector<1x1x1x16xf32>,
        %get3A_1272 = vector.shape_cast %get3A_1271 : vector<1x1x1x16xf32> to vector<16xf32>
        %select_n3A_1273 = arith.select %eq3A_53, %get3A_1272, %select_n3A_1256 : vector<16xi1>, vector<16xf32>
        %sub3A_1274 = arith.constant 14 : i32
        %sub3A_1275 = arith.subi %and3A_757, %sub3A_1274 : i32
        %shift_right_arithmetic3A_1276 = arith.constant 31 : i32
        %shift_right_arithmetic3A_1277 = arith.shrsi %sub3A_1275, %shift_right_arithmetic3A_1276 : i32
        %add3A_1278 = arith.constant 30 : i32
        %add3A_1279 = arith.addi %add3A_1278, %shift_right_arithmetic3A_1277 : i32
        %shift_left3A_1280 = arith.constant 7 : i32
        %shift_left3A_1281 = arith.shli %shift_right_arithmetic3A_1277, %shift_left3A_1280 : i32
        %sub3A_1282 = arith.subi %sub3A_1275, %shift_left3A_1281 : i32
        %get3A_1283 = arith.constant 0 : i32
        %get3A_1284 = arith.index_cast %get3A_1283 : i32 to index
        %get3A_1285 = arith.index_cast %scan3A_160 : i32 to index
        %get3A_1286 = arith.index_cast %add3A_1279 : i32 to index
        %get3A_1287 = arith.index_cast %sub3A_1282 : i32 to index
        %get3A_1288 = tpu.vector_load %arg11[%get3A_1284, %get3A_1285, %get3A_1286, %get3A_1287] {strides = array<i32>} : memref<4x2x32x128xf32, #tpu.memory_space<vmem>>, vector<1x1x1x16xf32>,
        %get3A_1289 = vector.shape_cast %get3A_1288 : vector<1x1x1x16xf32> to vector<16xf32>
        %select_n3A_1290 = arith.select %eq3A_56, %get3A_1289, %select_n3A_1273 : vector<16xi1>, vector<16xf32>
        %sub3A_1291 = arith.constant 15 : i32
        %sub3A_1292 = arith.subi %and3A_757, %sub3A_1291 : i32
        %shift_right_arithmetic3A_1293 = arith.constant 31 : i32
        %shift_right_arithmetic3A_1294 = arith.shrsi %sub3A_1292, %shift_right_arithmetic3A_1293 : i32
        %add3A_1295 = arith.constant 31 : i32
        %add3A_1296 = arith.addi %add3A_1295, %shift_right_arithmetic3A_1294 : i32
        %shift_left3A_1297 = arith.constant 7 : i32
        %shift_left3A_1298 = arith.shli %shift_right_arithmetic3A_1294, %shift_left3A_1297 : i32
        %sub3A_1299 = arith.subi %sub3A_1292, %shift_left3A_1298 : i32
        %get3A_1300 = arith.constant 0 : i32
        %get3A_1301 = arith.index_cast %get3A_1300 : i32 to index
        %get3A_1302 = arith.index_cast %scan3A_160 : i32 to index
        %get3A_1303 = arith.index_cast %add3A_1296 : i32 to index
        %get3A_1304 = arith.index_cast %sub3A_1299 : i32 to index
        %get3A_1305 = tpu.vector_load %arg11[%get3A_1301, %get3A_1302, %get3A_1303, %get3A_1304] {strides = array<i32>} : memref<4x2x32x128xf32, #tpu.memory_space<vmem>>, vector<1x1x1x16xf32>,
        %get3A_1306 = vector.shape_cast %get3A_1305 : vector<1x1x1x16xf32> to vector<16xf32>
        %select_n3A_1307 = arith.select %eq3A_59, %get3A_1306, %select_n3A_1290 : vector<16xi1>, vector<16xf32>
        %mul3A_1308 = arith.constant 32 : i32
        %mul3A_1309 = arith.muli %add3A_192, %mul3A_1308 : i32
        %add3A_1310 = arith.constant 16 : i32
        %add3A_1311 = arith.addi %mul3A_1309, %add3A_1310 : i32
        %swap3A_1312 = arith.index_cast %add3A_1311 : i32 to index
        %swap3A_1313 = tpu.vector_load %arg13[%swap3A_1312] {strides = array<i32>} : memref<4096xf32, #tpu.memory_space<vmem>>, vector<16xf32>,
        %swap3A_1314 = vector.shape_cast %swap3A_1313 : vector<16xf32> to vector<16xf32>
        %swap3A_1315 = vector.shape_cast %select_n3A_1307 : vector<16xf32> to vector<16xf32>
        tpu.vector_store %arg13[%swap3A_1312], %swap3A_1315 {strides = array<i32>} : memref<4096xf32, #tpu.memory_space<vmem>>, vector<16xf32>,
      }
      %scan3A_102 = arith.constant 2 : i32
      %mul3A_103 = arith.constant 4 : i32
      %mul3A_104 = arith.muli %scan3A_87, %mul3A_103 : i32
      %add3A_105 = arith.constant 1 : i32
      %add3A_106 = arith.addi %mul3A_104, %add3A_105 : i32
      %add3A_107 = arith.constant 4 : i32
      %add3A_108 = arith.addi %add3A_106, %add3A_107 : i32
      %sub3A_109 = arith.constant 1 : i32
      %sub3A_110 = arith.subi %add3A_108, %sub3A_109 : i32
      %lt3A_111 = arith.constant 64 : i32
      %lt3A_112 = arith.cmpi slt, %sub3A_110, %lt3A_111 : i32
      %convert_element_type3A_113 = arith.extui %lt3A_112 : i1 to i32
      %cond3A_114 = arith.constant 0 : i32
      %cond3A_115 = arith.cmpi ne, %convert_element_type3A_113, %cond3A_114 : i32
      scf.if %cond3A_115 {
        %add3A_160 = arith.constant 4 : i32
        %add3A_161 = arith.addi %add3A_106, %add3A_160 : i32
        %sub3A_162 = arith.constant 1 : i32
        %sub3A_163 = arith.subi %add3A_161, %sub3A_162 : i32
        %scan3A_164 = arith.constant 0 : i32
        %scan3A_165 = arith.constant 0 : i32
        %scan3A_166 = arith.constant 2 : i32
        %scan3A_167 = arith.addi %scan3A_165, %scan3A_166 : i32
        %scan3A_168 = arith.constant 1 : i32
        scf.for %scan3A_170 = %scan3A_165 to %scan3A_167 step %scan3A_168  : i32 {
          %mul3A_171 = arith.constant 2 : i32
          %mul3A_172 = arith.muli %sub3A_163, %mul3A_171 : i32
          %add3A_173 = arith.addi %mul3A_172, %scan3A_170 : i32
          %get3A = arith.index_cast %add3A_173 : i32 to index
          %get3A_174 = tpu.vector_load %arg8[%get3A] {strides = array<i32>} : memref<144xi32, #tpu.memory_space<vmem>>, vector<16xi32>,
          %get3A_175 = vector.shape_cast %get3A_174 : vector<16xi32> to vector<16xi32>
          %slice3A = vector.extract_strided_slice %get3A_175 {offsets = [0], sizes = [1], strides = [1]} : vector<16xi32> to vector<1xi32>
          %squeeze3A = vector.extract %slice3A[0] : i32 from vector<1xi32>
          %get3A_176 = arith.index_cast %add3A_173 : i32 to index
          %get3A_177 = tpu.vector_load %arg9[%get3A_176] {strides = array<i32>} : memref<144xi32, #tpu.memory_space<vmem>>, vector<16xi32>,
          %get3A_178 = vector.shape_cast %get3A_177 : vector<16xi32> to vector<16xi32>
          %slice3A_179 = vector.extract_strided_slice %get3A_178 {offsets = [0], sizes = [1], strides = [1]} : vector<16xi32> to vector<1xi32>
          %squeeze3A_180 = vector.extract %slice3A_179[0] : i32 from vector<1xi32>
          %shift_right_arithmetic3A = arith.constant 7 : i32
          %shift_right_arithmetic3A_181 = arith.shrsi %squeeze3A, %shift_right_arithmetic3A : i32
          %mul3A_182 = arith.constant 128 : i32
          %mul3A_183 = arith.muli %shift_right_arithmetic3A_181, %mul3A_182 : i32
          %multiple_of3A = tpu.assume_multiple %mul3A_183, 128 : i32
          %shift_right_arithmetic3A_184 = arith.constant 7 : i32
          %shift_right_arithmetic3A_185 = arith.shrsi %squeeze3A_180, %shift_right_arithmetic3A_184 : i32
          %mul3A_186 = arith.constant 128 : i32
          %mul3A_187 = arith.muli %shift_right_arithmetic3A_185, %mul3A_186 : i32
          %multiple_of3A_188 = tpu.assume_multiple %mul3A_187, 128 : i32
          %dma_start3A = arith.constant 0 : i32
          %dma_start3A_189 = arith.constant 0 : i32
          %dma_start3A_190 = arith.constant 0 : i32
          %dma_start3A_191 = tpu.memref_slice %arg10[%dma_start3A, %scan3A_170, %dma_start3A_189, %dma_start3A_190] : memref<4x2x32x128xf32, #tpu.memory_space<vmem>> -> memref<1x1x32x128xf32, #tpu.memory_space<vmem>>
          %dma_start3A_192 = tpu.memref_squeeze %dma_start3A_191 : memref<1x1x32x128xf32, #tpu.memory_space<vmem>> -> memref<32x128xf32, #tpu.memory_space<vmem>>
          %dma_start3A_193 = arith.constant 0 : i32
          %dma_start3A_194 = tpu.memref_slice %arg4[%dma_start3A_193, %multiple_of3A] : memref<32x1000000xf32, #tpu.memory_space<hbm>> -> memref<32x128xf32, #tpu.memory_space<hbm>>
          %dma_start3A_195 = arith.constant 0 : i32
          %dma_start3A_196 = arith.constant 0 : i32
          %dma_start3A_197 = tpu.memref_slice %arg10[%dma_start3A, %scan3A_170, %dma_start3A_195, %dma_start3A_196] : memref<4x2x32x128xf32, #tpu.memory_space<vmem>> -> memref<1x1x32x128xf32, #tpu.memory_space<vmem>>
          %dma_start3A_198 = tpu.memref_squeeze %dma_start3A_197 : memref<1x1x32x128xf32, #tpu.memory_space<vmem>> -> memref<32x128xf32, #tpu.memory_space<vmem>>
          %dma_start3A_199 = arith.constant 0 : i32
          %dma_start3A_200 = tpu.memref_slice %arg4[%dma_start3A_199, %multiple_of3A] : memref<32x1000000xf32, #tpu.memory_space<hbm>> -> memref<32x128xf32, #tpu.memory_space<hbm>>
          tpu.enqueue_dma source(%dma_start3A_200 : memref<32x128xf32, #tpu.memory_space<hbm>>) target(%dma_start3A_198 : memref<32x128xf32, #tpu.memory_space<vmem>>) target_semaphore(%arg14 : memref<!tpu.dma_semaphore, #tpu.memory_space<semaphore_mem>>)
          %dma_start3A_201 = arith.constant 0 : i32
          %dma_start3A_202 = arith.constant 0 : i32
          %dma_start3A_203 = arith.constant 0 : i32
          %dma_start3A_204 = tpu.memref_slice %arg11[%dma_start3A_201, %scan3A_170, %dma_start3A_202, %dma_start3A_203] : memref<4x2x32x128xf32, #tpu.memory_space<vmem>> -> memref<1x1x32x128xf32, #tpu.memory_space<vmem>>
          %dma_start3A_205 = tpu.memref_squeeze %dma_start3A_204 : memref<1x1x32x128xf32, #tpu.memory_space<vmem>> -> memref<32x128xf32, #tpu.memory_space<vmem>>
          %dma_start3A_206 = arith.constant 0 : i32
          %dma_start3A_207 = tpu.memref_slice %arg5[%dma_start3A_206, %multiple_of3A_188] : memref<32x1000000xf32, #tpu.memory_space<hbm>> -> memref<32x128xf32, #tpu.memory_space<hbm>>
          %dma_start3A_208 = arith.constant 0 : i32
          %dma_start3A_209 = arith.constant 0 : i32
          %dma_start3A_210 = tpu.memref_slice %arg11[%dma_start3A_201, %scan3A_170, %dma_start3A_208, %dma_start3A_209] : memref<4x2x32x128xf32, #tpu.memory_space<vmem>> -> memref<1x1x32x128xf32, #tpu.memory_space<vmem>>
          %dma_start3A_211 = tpu.memref_squeeze %dma_start3A_210 : memref<1x1x32x128xf32, #tpu.memory_space<vmem>> -> memref<32x128xf32, #tpu.memory_space<vmem>>
          %dma_start3A_212 = arith.constant 0 : i32
          %dma_start3A_213 = tpu.memref_slice %arg5[%dma_start3A_212, %multiple_of3A_188] : memref<32x1000000xf32, #tpu.memory_space<hbm>> -> memref<32x128xf32, #tpu.memory_space<hbm>>
          tpu.enqueue_dma source(%dma_start3A_213 : memref<32x128xf32, #tpu.memory_space<hbm>>) target(%dma_start3A_211 : memref<32x128xf32, #tpu.memory_space<vmem>>) target_semaphore(%arg18 : memref<!tpu.dma_semaphore, #tpu.memory_space<semaphore_mem>>)
        }
        %scan3A_169 = arith.constant 2 : i32
      } else {
      }
      %scan3A_116 = arith.constant 0 : i32
      %scan3A_117 = arith.constant 0 : i32
      %scan3A_118 = arith.constant 2 : i32
      %scan3A_119 = arith.addi %scan3A_117, %scan3A_118 : i32
      %scan3A_120 = arith.constant 1 : i32
      scf.for %scan3A_160 = %scan3A_117 to %scan3A_119 step %scan3A_120  : i32 {
        %dma_wait3A = arith.constant 1 : i32
        %dma_wait3A_161 = arith.constant 0 : i32
        %dma_wait3A_162 = arith.constant 0 : i32
        %dma_wait3A_163 = tpu.memref_slice %arg10[%dma_wait3A, %scan3A_160, %dma_wait3A_161, %dma_wait3A_162] : memref<4x2x32x128xf32, #tpu.memory_space<vmem>> -> memref<1x1x32x128xf32, #tpu.memory_space<vmem>>
        %dma_wait3A_164 = tpu.memref_squeeze %dma_wait3A_163 : memref<1x1x32x128xf32, #tpu.memory_space<vmem>> -> memref<32x128xf32, #tpu.memory_space<vmem>>
        %dma_wait3A_165 = arith.constant 0 : i32
        %dma_wait3A_166 = arith.constant 0 : i32
        %dma_wait3A_167 = tpu.memref_slice %arg4[%dma_wait3A_165, %dma_wait3A_166] : memref<32x1000000xf32, #tpu.memory_space<hbm>> -> memref<32x128xf32, #tpu.memory_space<hbm>>
        %dma_wait3A_168 = arith.constant 0 : i32
        %dma_wait3A_169 = arith.constant 0 : i32
        %dma_wait3A_170 = tpu.memref_slice %arg10[%dma_wait3A, %scan3A_160, %dma_wait3A_168, %dma_wait3A_169] : memref<4x2x32x128xf32, #tpu.memory_space<vmem>> -> memref<1x1x32x128xf32, #tpu.memory_space<vmem>>
        %dma_wait3A_171 = tpu.memref_squeeze %dma_wait3A_170 : memref<1x1x32x128xf32, #tpu.memory_space<vmem>> -> memref<32x128xf32, #tpu.memory_space<vmem>>
        %dma_wait3A_172 = arith.constant 0 : i32
        %dma_wait3A_173 = arith.constant 0 : i32
        %dma_wait3A_174 = tpu.memref_slice %arg4[%dma_wait3A_172, %dma_wait3A_173] : memref<32x1000000xf32, #tpu.memory_space<hbm>> -> memref<32x128xf32, #tpu.memory_space<hbm>>
        tpu.wait_dma2 semaphore(%arg15 : memref<!tpu.dma_semaphore, #tpu.memory_space<semaphore_mem>>) src(%dma_wait3A_174 : memref<32x128xf32, #tpu.memory_space<hbm>>) dst(%dma_wait3A_171 : memref<32x128xf32, #tpu.memory_space<vmem>>)
        %dma_wait3A_175 = arith.constant 1 : i32
        %dma_wait3A_176 = arith.constant 0 : i32
        %dma_wait3A_177 = arith.constant 0 : i32
        %dma_wait3A_178 = tpu.memref_slice %arg11[%dma_wait3A_175, %scan3A_160, %dma_wait3A_176, %dma_wait3A_177] : memref<4x2x32x128xf32, #tpu.memory_space<vmem>> -> memref<1x1x32x128xf32, #tpu.memory_space<vmem>>
        %dma_wait3A_179 = tpu.memref_squeeze %dma_wait3A_178 : memref<1x1x32x128xf32, #tpu.memory_space<vmem>> -> memref<32x128xf32, #tpu.memory_space<vmem>>
        %dma_wait3A_180 = arith.constant 0 : i32
        %dma_wait3A_181 = arith.constant 0 : i32
        %dma_wait3A_182 = tpu.memref_slice %arg5[%dma_wait3A_180, %dma_wait3A_181] : memref<32x1000000xf32, #tpu.memory_space<hbm>> -> memref<32x128xf32, #tpu.memory_space<hbm>>
        %dma_wait3A_183 = arith.constant 0 : i32
        %dma_wait3A_184 = arith.constant 0 : i32
        %dma_wait3A_185 = tpu.memref_slice %arg11[%dma_wait3A_175, %scan3A_160, %dma_wait3A_183, %dma_wait3A_184] : memref<4x2x32x128xf32, #tpu.memory_space<vmem>> -> memref<1x1x32x128xf32, #tpu.memory_space<vmem>>
        %dma_wait3A_186 = tpu.memref_squeeze %dma_wait3A_185 : memref<1x1x32x128xf32, #tpu.memory_space<vmem>> -> memref<32x128xf32, #tpu.memory_space<vmem>>
        %dma_wait3A_187 = arith.constant 0 : i32
        %dma_wait3A_188 = arith.constant 0 : i32
        %dma_wait3A_189 = tpu.memref_slice %arg5[%dma_wait3A_187, %dma_wait3A_188] : memref<32x1000000xf32, #tpu.memory_space<hbm>> -> memref<32x128xf32, #tpu.memory_space<hbm>>
        tpu.wait_dma2 semaphore(%arg19 : memref<!tpu.dma_semaphore, #tpu.memory_space<semaphore_mem>>) src(%dma_wait3A_189 : memref<32x128xf32, #tpu.memory_space<hbm>>) dst(%dma_wait3A_186 : memref<32x128xf32, #tpu.memory_space<vmem>>)
        %mul3A_190 = arith.constant 2 : i32
        %mul3A_191 = arith.muli %add3A_106, %mul3A_190 : i32
        %add3A_192 = arith.addi %mul3A_191, %scan3A_160 : i32
        %get3A = arith.index_cast %add3A_192 : i32 to index
        %get3A_193 = tpu.vector_load %arg8[%get3A] {strides = array<i32>} : memref<144xi32, #tpu.memory_space<vmem>>, vector<16xi32>,
        %get3A_194 = vector.shape_cast %get3A_193 : vector<16xi32> to vector<16xi32>
        %slice3A = vector.extract_strided_slice %get3A_194 {offsets = [0], sizes = [1], strides = [1]} : vector<16xi32> to vector<1xi32>
        %squeeze3A = vector.extract %slice3A[0] : i32 from vector<1xi32>
        %get3A_195 = arith.index_cast %add3A_192 : i32 to index
        %get3A_196 = tpu.vector_load %arg9[%get3A_195] {strides = array<i32>} : memref<144xi32, #tpu.memory_space<vmem>>, vector<16xi32>,
        %get3A_197 = vector.shape_cast %get3A_196 : vector<16xi32> to vector<16xi32>
        %slice3A_198 = vector.extract_strided_slice %get3A_197 {offsets = [0], sizes = [1], strides = [1]} : vector<16xi32> to vector<1xi32>
        %squeeze3A_199 = vector.extract %slice3A_198[0] : i32 from vector<1xi32>
        %and3A = arith.constant 127 : i32
        %and3A_200 = arith.andi %squeeze3A, %and3A : i32
        %sub3A_201 = arith.constant 0 : i32
        %sub3A_202 = arith.subi %and3A_200, %sub3A_201 : i32
        %shift_right_arithmetic3A = arith.constant 31 : i32
        %shift_right_arithmetic3A_203 = arith.shrsi %sub3A_202, %shift_right_arithmetic3A : i32
        %add3A_204 = arith.constant 0 : i32
        %add3A_205 = arith.addi %add3A_204, %shift_right_arithmetic3A_203 : i32
        %shift_left3A = arith.constant 7 : i32
        %shift_left3A_206 = arith.shli %shift_right_arithmetic3A_203, %shift_left3A : i32
        %sub3A_207 = arith.subi %sub3A_202, %shift_left3A_206 : i32
        %get3A_208 = arith.constant 1 : i32
        %get3A_209 = arith.index_cast %get3A_208 : i32 to index
        %get3A_210 = arith.index_cast %scan3A_160 : i32 to index
        %get3A_211 = arith.index_cast %add3A_205 : i32 to index
        %get3A_212 = arith.index_cast %sub3A_207 : i32 to index
        %get3A_213 = tpu.vector_load %arg10[%get3A_209, %get3A_210, %get3A_211, %get3A_212] {strides = array<i32>} : memref<4x2x32x128xf32, #tpu.memory_space<vmem>>, vector<1x1x1x16xf32>,
        %get3A_214 = vector.shape_cast %get3A_213 : vector<1x1x1x16xf32> to vector<16xf32>
        %sub3A_215 = arith.constant 1 : i32
        %sub3A_216 = arith.subi %and3A_200, %sub3A_215 : i32
        %shift_right_arithmetic3A_217 = arith.constant 31 : i32
        %shift_right_arithmetic3A_218 = arith.shrsi %sub3A_216, %shift_right_arithmetic3A_217 : i32
        %add3A_219 = arith.constant 1 : i32
        %add3A_220 = arith.addi %add3A_219, %shift_right_arithmetic3A_218 : i32
        %shift_left3A_221 = arith.constant 7 : i32
        %shift_left3A_222 = arith.shli %shift_right_arithmetic3A_218, %shift_left3A_221 : i32
        %sub3A_223 = arith.subi %sub3A_216, %shift_left3A_222 : i32
        %get3A_224 = arith.constant 1 : i32
        %get3A_225 = arith.index_cast %get3A_224 : i32 to index
        %get3A_226 = arith.index_cast %scan3A_160 : i32 to index
        %get3A_227 = arith.index_cast %add3A_220 : i32 to index
        %get3A_228 = arith.index_cast %sub3A_223 : i32 to index
        %get3A_229 = tpu.vector_load %arg10[%get3A_225, %get3A_226, %get3A_227, %get3A_228] {strides = array<i32>} : memref<4x2x32x128xf32, #tpu.memory_space<vmem>>, vector<1x1x1x16xf32>,
        %get3A_230 = vector.shape_cast %get3A_229 : vector<1x1x1x16xf32> to vector<16xf32>
        %select_n3A = arith.select %eq3A_17, %get3A_230, %get3A_214 : vector<16xi1>, vector<16xf32>
        %sub3A_231 = arith.constant 2 : i32
        %sub3A_232 = arith.subi %and3A_200, %sub3A_231 : i32
        %shift_right_arithmetic3A_233 = arith.constant 31 : i32
        %shift_right_arithmetic3A_234 = arith.shrsi %sub3A_232, %shift_right_arithmetic3A_233 : i32
        %add3A_235 = arith.constant 2 : i32
        %add3A_236 = arith.addi %add3A_235, %shift_right_arithmetic3A_234 : i32
        %shift_left3A_237 = arith.constant 7 : i32
        %shift_left3A_238 = arith.shli %shift_right_arithmetic3A_234, %shift_left3A_237 : i32
        %sub3A_239 = arith.subi %sub3A_232, %shift_left3A_238 : i32
        %get3A_240 = arith.constant 1 : i32
        %get3A_241 = arith.index_cast %get3A_240 : i32 to index
        %get3A_242 = arith.index_cast %scan3A_160 : i32 to index
        %get3A_243 = arith.index_cast %add3A_236 : i32 to index
        %get3A_244 = arith.index_cast %sub3A_239 : i32 to index
        %get3A_245 = tpu.vector_load %arg10[%get3A_241, %get3A_242, %get3A_243, %get3A_244] {strides = array<i32>} : memref<4x2x32x128xf32, #tpu.memory_space<vmem>>, vector<1x1x1x16xf32>,
        %get3A_246 = vector.shape_cast %get3A_245 : vector<1x1x1x16xf32> to vector<16xf32>
        %select_n3A_247 = arith.select %eq3A_20, %get3A_246, %select_n3A : vector<16xi1>, vector<16xf32>
        %sub3A_248 = arith.constant 3 : i32
        %sub3A_249 = arith.subi %and3A_200, %sub3A_248 : i32
        %shift_right_arithmetic3A_250 = arith.constant 31 : i32
        %shift_right_arithmetic3A_251 = arith.shrsi %sub3A_249, %shift_right_arithmetic3A_250 : i32
        %add3A_252 = arith.constant 3 : i32
        %add3A_253 = arith.addi %add3A_252, %shift_right_arithmetic3A_251 : i32
        %shift_left3A_254 = arith.constant 7 : i32
        %shift_left3A_255 = arith.shli %shift_right_arithmetic3A_251, %shift_left3A_254 : i32
        %sub3A_256 = arith.subi %sub3A_249, %shift_left3A_255 : i32
        %get3A_257 = arith.constant 1 : i32
        %get3A_258 = arith.index_cast %get3A_257 : i32 to index
        %get3A_259 = arith.index_cast %scan3A_160 : i32 to index
        %get3A_260 = arith.index_cast %add3A_253 : i32 to index
        %get3A_261 = arith.index_cast %sub3A_256 : i32 to index
        %get3A_262 = tpu.vector_load %arg10[%get3A_258, %get3A_259, %get3A_260, %get3A_261] {strides = array<i32>} : memref<4x2x32x128xf32, #tpu.memory_space<vmem>>, vector<1x1x1x16xf32>,
        %get3A_263 = vector.shape_cast %get3A_262 : vector<1x1x1x16xf32> to vector<16xf32>
        %select_n3A_264 = arith.select %eq3A_23, %get3A_263, %select_n3A_247 : vector<16xi1>, vector<16xf32>
        %sub3A_265 = arith.constant 4 : i32
        %sub3A_266 = arith.subi %and3A_200, %sub3A_265 : i32
        %shift_right_arithmetic3A_267 = arith.constant 31 : i32
        %shift_right_arithmetic3A_268 = arith.shrsi %sub3A_266, %shift_right_arithmetic3A_267 : i32
        %add3A_269 = arith.constant 4 : i32
        %add3A_270 = arith.addi %add3A_269, %shift_right_arithmetic3A_268 : i32
        %shift_left3A_271 = arith.constant 7 : i32
        %shift_left3A_272 = arith.shli %shift_right_arithmetic3A_268, %shift_left3A_271 : i32
        %sub3A_273 = arith.subi %sub3A_266, %shift_left3A_272 : i32
        %get3A_274 = arith.constant 1 : i32
        %get3A_275 = arith.index_cast %get3A_274 : i32 to index
        %get3A_276 = arith.index_cast %scan3A_160 : i32 to index
        %get3A_277 = arith.index_cast %add3A_270 : i32 to index
        %get3A_278 = arith.index_cast %sub3A_273 : i32 to index
        %get3A_279 = tpu.vector_load %arg10[%get3A_275, %get3A_276, %get3A_277, %get3A_278] {strides = array<i32>} : memref<4x2x32x128xf32, #tpu.memory_space<vmem>>, vector<1x1x1x16xf32>,
        %get3A_280 = vector.shape_cast %get3A_279 : vector<1x1x1x16xf32> to vector<16xf32>
        %select_n3A_281 = arith.select %eq3A_26, %get3A_280, %select_n3A_264 : vector<16xi1>, vector<16xf32>
        %sub3A_282 = arith.constant 5 : i32
        %sub3A_283 = arith.subi %and3A_200, %sub3A_282 : i32
        %shift_right_arithmetic3A_284 = arith.constant 31 : i32
        %shift_right_arithmetic3A_285 = arith.shrsi %sub3A_283, %shift_right_arithmetic3A_284 : i32
        %add3A_286 = arith.constant 5 : i32
        %add3A_287 = arith.addi %add3A_286, %shift_right_arithmetic3A_285 : i32
        %shift_left3A_288 = arith.constant 7 : i32
        %shift_left3A_289 = arith.shli %shift_right_arithmetic3A_285, %shift_left3A_288 : i32
        %sub3A_290 = arith.subi %sub3A_283, %shift_left3A_289 : i32
        %get3A_291 = arith.constant 1 : i32
        %get3A_292 = arith.index_cast %get3A_291 : i32 to index
        %get3A_293 = arith.index_cast %scan3A_160 : i32 to index
        %get3A_294 = arith.index_cast %add3A_287 : i32 to index
        %get3A_295 = arith.index_cast %sub3A_290 : i32 to index
        %get3A_296 = tpu.vector_load %arg10[%get3A_292, %get3A_293, %get3A_294, %get3A_295] {strides = array<i32>} : memref<4x2x32x128xf32, #tpu.memory_space<vmem>>, vector<1x1x1x16xf32>,
        %get3A_297 = vector.shape_cast %get3A_296 : vector<1x1x1x16xf32> to vector<16xf32>
        %select_n3A_298 = arith.select %eq3A_29, %get3A_297, %select_n3A_281 : vector<16xi1>, vector<16xf32>
        %sub3A_299 = arith.constant 6 : i32
        %sub3A_300 = arith.subi %and3A_200, %sub3A_299 : i32
        %shift_right_arithmetic3A_301 = arith.constant 31 : i32
        %shift_right_arithmetic3A_302 = arith.shrsi %sub3A_300, %shift_right_arithmetic3A_301 : i32
        %add3A_303 = arith.constant 6 : i32
        %add3A_304 = arith.addi %add3A_303, %shift_right_arithmetic3A_302 : i32
        %shift_left3A_305 = arith.constant 7 : i32
        %shift_left3A_306 = arith.shli %shift_right_arithmetic3A_302, %shift_left3A_305 : i32
        %sub3A_307 = arith.subi %sub3A_300, %shift_left3A_306 : i32
        %get3A_308 = arith.constant 1 : i32
        %get3A_309 = arith.index_cast %get3A_308 : i32 to index
        %get3A_310 = arith.index_cast %scan3A_160 : i32 to index
        %get3A_311 = arith.index_cast %add3A_304 : i32 to index
        %get3A_312 = arith.index_cast %sub3A_307 : i32 to index
        %get3A_313 = tpu.vector_load %arg10[%get3A_309, %get3A_310, %get3A_311, %get3A_312] {strides = array<i32>} : memref<4x2x32x128xf32, #tpu.memory_space<vmem>>, vector<1x1x1x16xf32>,
        %get3A_314 = vector.shape_cast %get3A_313 : vector<1x1x1x16xf32> to vector<16xf32>
        %select_n3A_315 = arith.select %eq3A_32, %get3A_314, %select_n3A_298 : vector<16xi1>, vector<16xf32>
        %sub3A_316 = arith.constant 7 : i32
        %sub3A_317 = arith.subi %and3A_200, %sub3A_316 : i32
        %shift_right_arithmetic3A_318 = arith.constant 31 : i32
        %shift_right_arithmetic3A_319 = arith.shrsi %sub3A_317, %shift_right_arithmetic3A_318 : i32
        %add3A_320 = arith.constant 7 : i32
        %add3A_321 = arith.addi %add3A_320, %shift_right_arithmetic3A_319 : i32
        %shift_left3A_322 = arith.constant 7 : i32
        %shift_left3A_323 = arith.shli %shift_right_arithmetic3A_319, %shift_left3A_322 : i32
        %sub3A_324 = arith.subi %sub3A_317, %shift_left3A_323 : i32
        %get3A_325 = arith.constant 1 : i32
        %get3A_326 = arith.index_cast %get3A_325 : i32 to index
        %get3A_327 = arith.index_cast %scan3A_160 : i32 to index
        %get3A_328 = arith.index_cast %add3A_321 : i32 to index
        %get3A_329 = arith.index_cast %sub3A_324 : i32 to index
        %get3A_330 = tpu.vector_load %arg10[%get3A_326, %get3A_327, %get3A_328, %get3A_329] {strides = array<i32>} : memref<4x2x32x128xf32, #tpu.memory_space<vmem>>, vector<1x1x1x16xf32>,
        %get3A_331 = vector.shape_cast %get3A_330 : vector<1x1x1x16xf32> to vector<16xf32>
        %select_n3A_332 = arith.select %eq3A_35, %get3A_331, %select_n3A_315 : vector<16xi1>, vector<16xf32>
        %sub3A_333 = arith.constant 8 : i32
        %sub3A_334 = arith.subi %and3A_200, %sub3A_333 : i32
        %shift_right_arithmetic3A_335 = arith.constant 31 : i32
        %shift_right_arithmetic3A_336 = arith.shrsi %sub3A_334, %shift_right_arithmetic3A_335 : i32
        %add3A_337 = arith.constant 8 : i32
        %add3A_338 = arith.addi %add3A_337, %shift_right_arithmetic3A_336 : i32
        %shift_left3A_339 = arith.constant 7 : i32
        %shift_left3A_340 = arith.shli %shift_right_arithmetic3A_336, %shift_left3A_339 : i32
        %sub3A_341 = arith.subi %sub3A_334, %shift_left3A_340 : i32
        %get3A_342 = arith.constant 1 : i32
        %get3A_343 = arith.index_cast %get3A_342 : i32 to index
        %get3A_344 = arith.index_cast %scan3A_160 : i32 to index
        %get3A_345 = arith.index_cast %add3A_338 : i32 to index
        %get3A_346 = arith.index_cast %sub3A_341 : i32 to index
        %get3A_347 = tpu.vector_load %arg10[%get3A_343, %get3A_344, %get3A_345, %get3A_346] {strides = array<i32>} : memref<4x2x32x128xf32, #tpu.memory_space<vmem>>, vector<1x1x1x16xf32>,
        %get3A_348 = vector.shape_cast %get3A_347 : vector<1x1x1x16xf32> to vector<16xf32>
        %select_n3A_349 = arith.select %eq3A_38, %get3A_348, %select_n3A_332 : vector<16xi1>, vector<16xf32>
        %sub3A_350 = arith.constant 9 : i32
        %sub3A_351 = arith.subi %and3A_200, %sub3A_350 : i32
        %shift_right_arithmetic3A_352 = arith.constant 31 : i32
        %shift_right_arithmetic3A_353 = arith.shrsi %sub3A_351, %shift_right_arithmetic3A_352 : i32
        %add3A_354 = arith.constant 9 : i32
        %add3A_355 = arith.addi %add3A_354, %shift_right_arithmetic3A_353 : i32
        %shift_left3A_356 = arith.constant 7 : i32
        %shift_left3A_357 = arith.shli %shift_right_arithmetic3A_353, %shift_left3A_356 : i32
        %sub3A_358 = arith.subi %sub3A_351, %shift_left3A_357 : i32
        %get3A_359 = arith.constant 1 : i32
        %get3A_360 = arith.index_cast %get3A_359 : i32 to index
        %get3A_361 = arith.index_cast %scan3A_160 : i32 to index
        %get3A_362 = arith.index_cast %add3A_355 : i32 to index
        %get3A_363 = arith.index_cast %sub3A_358 : i32 to index
        %get3A_364 = tpu.vector_load %arg10[%get3A_360, %get3A_361, %get3A_362, %get3A_363] {strides = array<i32>} : memref<4x2x32x128xf32, #tpu.memory_space<vmem>>, vector<1x1x1x16xf32>,
        %get3A_365 = vector.shape_cast %get3A_364 : vector<1x1x1x16xf32> to vector<16xf32>
        %select_n3A_366 = arith.select %eq3A_41, %get3A_365, %select_n3A_349 : vector<16xi1>, vector<16xf32>
        %sub3A_367 = arith.constant 10 : i32
        %sub3A_368 = arith.subi %and3A_200, %sub3A_367 : i32
        %shift_right_arithmetic3A_369 = arith.constant 31 : i32
        %shift_right_arithmetic3A_370 = arith.shrsi %sub3A_368, %shift_right_arithmetic3A_369 : i32
        %add3A_371 = arith.constant 10 : i32
        %add3A_372 = arith.addi %add3A_371, %shift_right_arithmetic3A_370 : i32
        %shift_left3A_373 = arith.constant 7 : i32
        %shift_left3A_374 = arith.shli %shift_right_arithmetic3A_370, %shift_left3A_373 : i32
        %sub3A_375 = arith.subi %sub3A_368, %shift_left3A_374 : i32
        %get3A_376 = arith.constant 1 : i32
        %get3A_377 = arith.index_cast %get3A_376 : i32 to index
        %get3A_378 = arith.index_cast %scan3A_160 : i32 to index
        %get3A_379 = arith.index_cast %add3A_372 : i32 to index
        %get3A_380 = arith.index_cast %sub3A_375 : i32 to index
        %get3A_381 = tpu.vector_load %arg10[%get3A_377, %get3A_378, %get3A_379, %get3A_380] {strides = array<i32>} : memref<4x2x32x128xf32, #tpu.memory_space<vmem>>, vector<1x1x1x16xf32>,
        %get3A_382 = vector.shape_cast %get3A_381 : vector<1x1x1x16xf32> to vector<16xf32>
        %select_n3A_383 = arith.select %eq3A_44, %get3A_382, %select_n3A_366 : vector<16xi1>, vector<16xf32>
        %sub3A_384 = arith.constant 11 : i32
        %sub3A_385 = arith.subi %and3A_200, %sub3A_384 : i32
        %shift_right_arithmetic3A_386 = arith.constant 31 : i32
        %shift_right_arithmetic3A_387 = arith.shrsi %sub3A_385, %shift_right_arithmetic3A_386 : i32
        %add3A_388 = arith.constant 11 : i32
        %add3A_389 = arith.addi %add3A_388, %shift_right_arithmetic3A_387 : i32
        %shift_left3A_390 = arith.constant 7 : i32
        %shift_left3A_391 = arith.shli %shift_right_arithmetic3A_387, %shift_left3A_390 : i32
        %sub3A_392 = arith.subi %sub3A_385, %shift_left3A_391 : i32
        %get3A_393 = arith.constant 1 : i32
        %get3A_394 = arith.index_cast %get3A_393 : i32 to index
        %get3A_395 = arith.index_cast %scan3A_160 : i32 to index
        %get3A_396 = arith.index_cast %add3A_389 : i32 to index
        %get3A_397 = arith.index_cast %sub3A_392 : i32 to index
        %get3A_398 = tpu.vector_load %arg10[%get3A_394, %get3A_395, %get3A_396, %get3A_397] {strides = array<i32>} : memref<4x2x32x128xf32, #tpu.memory_space<vmem>>, vector<1x1x1x16xf32>,
        %get3A_399 = vector.shape_cast %get3A_398 : vector<1x1x1x16xf32> to vector<16xf32>
        %select_n3A_400 = arith.select %eq3A_47, %get3A_399, %select_n3A_383 : vector<16xi1>, vector<16xf32>
        %sub3A_401 = arith.constant 12 : i32
        %sub3A_402 = arith.subi %and3A_200, %sub3A_401 : i32
        %shift_right_arithmetic3A_403 = arith.constant 31 : i32
        %shift_right_arithmetic3A_404 = arith.shrsi %sub3A_402, %shift_right_arithmetic3A_403 : i32
        %add3A_405 = arith.constant 12 : i32
        %add3A_406 = arith.addi %add3A_405, %shift_right_arithmetic3A_404 : i32
        %shift_left3A_407 = arith.constant 7 : i32
        %shift_left3A_408 = arith.shli %shift_right_arithmetic3A_404, %shift_left3A_407 : i32
        %sub3A_409 = arith.subi %sub3A_402, %shift_left3A_408 : i32
        %get3A_410 = arith.constant 1 : i32
        %get3A_411 = arith.index_cast %get3A_410 : i32 to index
        %get3A_412 = arith.index_cast %scan3A_160 : i32 to index
        %get3A_413 = arith.index_cast %add3A_406 : i32 to index
        %get3A_414 = arith.index_cast %sub3A_409 : i32 to index
        %get3A_415 = tpu.vector_load %arg10[%get3A_411, %get3A_412, %get3A_413, %get3A_414] {strides = array<i32>} : memref<4x2x32x128xf32, #tpu.memory_space<vmem>>, vector<1x1x1x16xf32>,
        %get3A_416 = vector.shape_cast %get3A_415 : vector<1x1x1x16xf32> to vector<16xf32>
        %select_n3A_417 = arith.select %eq3A_50, %get3A_416, %select_n3A_400 : vector<16xi1>, vector<16xf32>
        %sub3A_418 = arith.constant 13 : i32
        %sub3A_419 = arith.subi %and3A_200, %sub3A_418 : i32
        %shift_right_arithmetic3A_420 = arith.constant 31 : i32
        %shift_right_arithmetic3A_421 = arith.shrsi %sub3A_419, %shift_right_arithmetic3A_420 : i32
        %add3A_422 = arith.constant 13 : i32
        %add3A_423 = arith.addi %add3A_422, %shift_right_arithmetic3A_421 : i32
        %shift_left3A_424 = arith.constant 7 : i32
        %shift_left3A_425 = arith.shli %shift_right_arithmetic3A_421, %shift_left3A_424 : i32
        %sub3A_426 = arith.subi %sub3A_419, %shift_left3A_425 : i32
        %get3A_427 = arith.constant 1 : i32
        %get3A_428 = arith.index_cast %get3A_427 : i32 to index
        %get3A_429 = arith.index_cast %scan3A_160 : i32 to index
        %get3A_430 = arith.index_cast %add3A_423 : i32 to index
        %get3A_431 = arith.index_cast %sub3A_426 : i32 to index
        %get3A_432 = tpu.vector_load %arg10[%get3A_428, %get3A_429, %get3A_430, %get3A_431] {strides = array<i32>} : memref<4x2x32x128xf32, #tpu.memory_space<vmem>>, vector<1x1x1x16xf32>,
        %get3A_433 = vector.shape_cast %get3A_432 : vector<1x1x1x16xf32> to vector<16xf32>
        %select_n3A_434 = arith.select %eq3A_53, %get3A_433, %select_n3A_417 : vector<16xi1>, vector<16xf32>
        %sub3A_435 = arith.constant 14 : i32
        %sub3A_436 = arith.subi %and3A_200, %sub3A_435 : i32
        %shift_right_arithmetic3A_437 = arith.constant 31 : i32
        %shift_right_arithmetic3A_438 = arith.shrsi %sub3A_436, %shift_right_arithmetic3A_437 : i32
        %add3A_439 = arith.constant 14 : i32
        %add3A_440 = arith.addi %add3A_439, %shift_right_arithmetic3A_438 : i32
        %shift_left3A_441 = arith.constant 7 : i32
        %shift_left3A_442 = arith.shli %shift_right_arithmetic3A_438, %shift_left3A_441 : i32
        %sub3A_443 = arith.subi %sub3A_436, %shift_left3A_442 : i32
        %get3A_444 = arith.constant 1 : i32
        %get3A_445 = arith.index_cast %get3A_444 : i32 to index
        %get3A_446 = arith.index_cast %scan3A_160 : i32 to index
        %get3A_447 = arith.index_cast %add3A_440 : i32 to index
        %get3A_448 = arith.index_cast %sub3A_443 : i32 to index
        %get3A_449 = tpu.vector_load %arg10[%get3A_445, %get3A_446, %get3A_447, %get3A_448] {strides = array<i32>} : memref<4x2x32x128xf32, #tpu.memory_space<vmem>>, vector<1x1x1x16xf32>,
        %get3A_450 = vector.shape_cast %get3A_449 : vector<1x1x1x16xf32> to vector<16xf32>
        %select_n3A_451 = arith.select %eq3A_56, %get3A_450, %select_n3A_434 : vector<16xi1>, vector<16xf32>
        %sub3A_452 = arith.constant 15 : i32
        %sub3A_453 = arith.subi %and3A_200, %sub3A_452 : i32
        %shift_right_arithmetic3A_454 = arith.constant 31 : i32
        %shift_right_arithmetic3A_455 = arith.shrsi %sub3A_453, %shift_right_arithmetic3A_454 : i32
        %add3A_456 = arith.constant 15 : i32
        %add3A_457 = arith.addi %add3A_456, %shift_right_arithmetic3A_455 : i32
        %shift_left3A_458 = arith.constant 7 : i32
        %shift_left3A_459 = arith.shli %shift_right_arithmetic3A_455, %shift_left3A_458 : i32
        %sub3A_460 = arith.subi %sub3A_453, %shift_left3A_459 : i32
        %get3A_461 = arith.constant 1 : i32
        %get3A_462 = arith.index_cast %get3A_461 : i32 to index
        %get3A_463 = arith.index_cast %scan3A_160 : i32 to index
        %get3A_464 = arith.index_cast %add3A_457 : i32 to index
        %get3A_465 = arith.index_cast %sub3A_460 : i32 to index
        %get3A_466 = tpu.vector_load %arg10[%get3A_462, %get3A_463, %get3A_464, %get3A_465] {strides = array<i32>} : memref<4x2x32x128xf32, #tpu.memory_space<vmem>>, vector<1x1x1x16xf32>,
        %get3A_467 = vector.shape_cast %get3A_466 : vector<1x1x1x16xf32> to vector<16xf32>
        %select_n3A_468 = arith.select %eq3A_59, %get3A_467, %select_n3A_451 : vector<16xi1>, vector<16xf32>
        %mul3A_469 = arith.constant 32 : i32
        %mul3A_470 = arith.muli %add3A_192, %mul3A_469 : i32
        %add3A_471 = arith.constant 0 : i32
        %add3A_472 = arith.addi %mul3A_470, %add3A_471 : i32
        %swap3A_473 = arith.index_cast %add3A_472 : i32 to index
        %swap3A_474 = tpu.vector_load %arg12[%swap3A_473] {strides = array<i32>} : memref<4096xf32, #tpu.memory_space<vmem>>, vector<16xf32>,
        %swap3A_475 = vector.shape_cast %swap3A_474 : vector<16xf32> to vector<16xf32>
        %swap3A_476 = vector.shape_cast %select_n3A_468 : vector<16xf32> to vector<16xf32>
        tpu.vector_store %arg12[%swap3A_473], %swap3A_476 {strides = array<i32>} : memref<4096xf32, #tpu.memory_space<vmem>>, vector<16xf32>,
        %sub3A_477 = arith.constant 0 : i32
        %sub3A_478 = arith.subi %and3A_200, %sub3A_477 : i32
        %shift_right_arithmetic3A_479 = arith.constant 31 : i32
        %shift_right_arithmetic3A_480 = arith.shrsi %sub3A_478, %shift_right_arithmetic3A_479 : i32
        %add3A_481 = arith.constant 16 : i32
        %add3A_482 = arith.addi %add3A_481, %shift_right_arithmetic3A_480 : i32
        %shift_left3A_483 = arith.constant 7 : i32
        %shift_left3A_484 = arith.shli %shift_right_arithmetic3A_480, %shift_left3A_483 : i32
        %sub3A_485 = arith.subi %sub3A_478, %shift_left3A_484 : i32
        %get3A_486 = arith.constant 1 : i32
        %get3A_487 = arith.index_cast %get3A_486 : i32 to index
        %get3A_488 = arith.index_cast %scan3A_160 : i32 to index
        %get3A_489 = arith.index_cast %add3A_482 : i32 to index
        %get3A_490 = arith.index_cast %sub3A_485 : i32 to index
        %get3A_491 = tpu.vector_load %arg10[%get3A_487, %get3A_488, %get3A_489, %get3A_490] {strides = array<i32>} : memref<4x2x32x128xf32, #tpu.memory_space<vmem>>, vector<1x1x1x16xf32>,
        %get3A_492 = vector.shape_cast %get3A_491 : vector<1x1x1x16xf32> to vector<16xf32>
        %sub3A_493 = arith.constant 1 : i32
        %sub3A_494 = arith.subi %and3A_200, %sub3A_493 : i32
        %shift_right_arithmetic3A_495 = arith.constant 31 : i32
        %shift_right_arithmetic3A_496 = arith.shrsi %sub3A_494, %shift_right_arithmetic3A_495 : i32
        %add3A_497 = arith.constant 17 : i32
        %add3A_498 = arith.addi %add3A_497, %shift_right_arithmetic3A_496 : i32
        %shift_left3A_499 = arith.constant 7 : i32
        %shift_left3A_500 = arith.shli %shift_right_arithmetic3A_496, %shift_left3A_499 : i32
        %sub3A_501 = arith.subi %sub3A_494, %shift_left3A_500 : i32
        %get3A_502 = arith.constant 1 : i32
        %get3A_503 = arith.index_cast %get3A_502 : i32 to index
        %get3A_504 = arith.index_cast %scan3A_160 : i32 to index
        %get3A_505 = arith.index_cast %add3A_498 : i32 to index
        %get3A_506 = arith.index_cast %sub3A_501 : i32 to index
        %get3A_507 = tpu.vector_load %arg10[%get3A_503, %get3A_504, %get3A_505, %get3A_506] {strides = array<i32>} : memref<4x2x32x128xf32, #tpu.memory_space<vmem>>, vector<1x1x1x16xf32>,
        %get3A_508 = vector.shape_cast %get3A_507 : vector<1x1x1x16xf32> to vector<16xf32>
        %select_n3A_509 = arith.select %eq3A_17, %get3A_508, %get3A_492 : vector<16xi1>, vector<16xf32>
        %sub3A_510 = arith.constant 2 : i32
        %sub3A_511 = arith.subi %and3A_200, %sub3A_510 : i32
        %shift_right_arithmetic3A_512 = arith.constant 31 : i32
        %shift_right_arithmetic3A_513 = arith.shrsi %sub3A_511, %shift_right_arithmetic3A_512 : i32
        %add3A_514 = arith.constant 18 : i32
        %add3A_515 = arith.addi %add3A_514, %shift_right_arithmetic3A_513 : i32
        %shift_left3A_516 = arith.constant 7 : i32
        %shift_left3A_517 = arith.shli %shift_right_arithmetic3A_513, %shift_left3A_516 : i32
        %sub3A_518 = arith.subi %sub3A_511, %shift_left3A_517 : i32
        %get3A_519 = arith.constant 1 : i32
        %get3A_520 = arith.index_cast %get3A_519 : i32 to index
        %get3A_521 = arith.index_cast %scan3A_160 : i32 to index
        %get3A_522 = arith.index_cast %add3A_515 : i32 to index
        %get3A_523 = arith.index_cast %sub3A_518 : i32 to index
        %get3A_524 = tpu.vector_load %arg10[%get3A_520, %get3A_521, %get3A_522, %get3A_523] {strides = array<i32>} : memref<4x2x32x128xf32, #tpu.memory_space<vmem>>, vector<1x1x1x16xf32>,
        %get3A_525 = vector.shape_cast %get3A_524 : vector<1x1x1x16xf32> to vector<16xf32>
        %select_n3A_526 = arith.select %eq3A_20, %get3A_525, %select_n3A_509 : vector<16xi1>, vector<16xf32>
        %sub3A_527 = arith.constant 3 : i32
        %sub3A_528 = arith.subi %and3A_200, %sub3A_527 : i32
        %shift_right_arithmetic3A_529 = arith.constant 31 : i32
        %shift_right_arithmetic3A_530 = arith.shrsi %sub3A_528, %shift_right_arithmetic3A_529 : i32
        %add3A_531 = arith.constant 19 : i32
        %add3A_532 = arith.addi %add3A_531, %shift_right_arithmetic3A_530 : i32
        %shift_left3A_533 = arith.constant 7 : i32
        %shift_left3A_534 = arith.shli %shift_right_arithmetic3A_530, %shift_left3A_533 : i32
        %sub3A_535 = arith.subi %sub3A_528, %shift_left3A_534 : i32
        %get3A_536 = arith.constant 1 : i32
        %get3A_537 = arith.index_cast %get3A_536 : i32 to index
        %get3A_538 = arith.index_cast %scan3A_160 : i32 to index
        %get3A_539 = arith.index_cast %add3A_532 : i32 to index
        %get3A_540 = arith.index_cast %sub3A_535 : i32 to index
        %get3A_541 = tpu.vector_load %arg10[%get3A_537, %get3A_538, %get3A_539, %get3A_540] {strides = array<i32>} : memref<4x2x32x128xf32, #tpu.memory_space<vmem>>, vector<1x1x1x16xf32>,
        %get3A_542 = vector.shape_cast %get3A_541 : vector<1x1x1x16xf32> to vector<16xf32>
        %select_n3A_543 = arith.select %eq3A_23, %get3A_542, %select_n3A_526 : vector<16xi1>, vector<16xf32>
        %sub3A_544 = arith.constant 4 : i32
        %sub3A_545 = arith.subi %and3A_200, %sub3A_544 : i32
        %shift_right_arithmetic3A_546 = arith.constant 31 : i32
        %shift_right_arithmetic3A_547 = arith.shrsi %sub3A_545, %shift_right_arithmetic3A_546 : i32
        %add3A_548 = arith.constant 20 : i32
        %add3A_549 = arith.addi %add3A_548, %shift_right_arithmetic3A_547 : i32
        %shift_left3A_550 = arith.constant 7 : i32
        %shift_left3A_551 = arith.shli %shift_right_arithmetic3A_547, %shift_left3A_550 : i32
        %sub3A_552 = arith.subi %sub3A_545, %shift_left3A_551 : i32
        %get3A_553 = arith.constant 1 : i32
        %get3A_554 = arith.index_cast %get3A_553 : i32 to index
        %get3A_555 = arith.index_cast %scan3A_160 : i32 to index
        %get3A_556 = arith.index_cast %add3A_549 : i32 to index
        %get3A_557 = arith.index_cast %sub3A_552 : i32 to index
        %get3A_558 = tpu.vector_load %arg10[%get3A_554, %get3A_555, %get3A_556, %get3A_557] {strides = array<i32>} : memref<4x2x32x128xf32, #tpu.memory_space<vmem>>, vector<1x1x1x16xf32>,
        %get3A_559 = vector.shape_cast %get3A_558 : vector<1x1x1x16xf32> to vector<16xf32>
        %select_n3A_560 = arith.select %eq3A_26, %get3A_559, %select_n3A_543 : vector<16xi1>, vector<16xf32>
        %sub3A_561 = arith.constant 5 : i32
        %sub3A_562 = arith.subi %and3A_200, %sub3A_561 : i32
        %shift_right_arithmetic3A_563 = arith.constant 31 : i32
        %shift_right_arithmetic3A_564 = arith.shrsi %sub3A_562, %shift_right_arithmetic3A_563 : i32
        %add3A_565 = arith.constant 21 : i32
        %add3A_566 = arith.addi %add3A_565, %shift_right_arithmetic3A_564 : i32
        %shift_left3A_567 = arith.constant 7 : i32
        %shift_left3A_568 = arith.shli %shift_right_arithmetic3A_564, %shift_left3A_567 : i32
        %sub3A_569 = arith.subi %sub3A_562, %shift_left3A_568 : i32
        %get3A_570 = arith.constant 1 : i32
        %get3A_571 = arith.index_cast %get3A_570 : i32 to index
        %get3A_572 = arith.index_cast %scan3A_160 : i32 to index
        %get3A_573 = arith.index_cast %add3A_566 : i32 to index
        %get3A_574 = arith.index_cast %sub3A_569 : i32 to index
        %get3A_575 = tpu.vector_load %arg10[%get3A_571, %get3A_572, %get3A_573, %get3A_574] {strides = array<i32>} : memref<4x2x32x128xf32, #tpu.memory_space<vmem>>, vector<1x1x1x16xf32>,
        %get3A_576 = vector.shape_cast %get3A_575 : vector<1x1x1x16xf32> to vector<16xf32>
        %select_n3A_577 = arith.select %eq3A_29, %get3A_576, %select_n3A_560 : vector<16xi1>, vector<16xf32>
        %sub3A_578 = arith.constant 6 : i32
        %sub3A_579 = arith.subi %and3A_200, %sub3A_578 : i32
        %shift_right_arithmetic3A_580 = arith.constant 31 : i32
        %shift_right_arithmetic3A_581 = arith.shrsi %sub3A_579, %shift_right_arithmetic3A_580 : i32
        %add3A_582 = arith.constant 22 : i32
        %add3A_583 = arith.addi %add3A_582, %shift_right_arithmetic3A_581 : i32
        %shift_left3A_584 = arith.constant 7 : i32
        %shift_left3A_585 = arith.shli %shift_right_arithmetic3A_581, %shift_left3A_584 : i32
        %sub3A_586 = arith.subi %sub3A_579, %shift_left3A_585 : i32
        %get3A_587 = arith.constant 1 : i32
        %get3A_588 = arith.index_cast %get3A_587 : i32 to index
        %get3A_589 = arith.index_cast %scan3A_160 : i32 to index
        %get3A_590 = arith.index_cast %add3A_583 : i32 to index
        %get3A_591 = arith.index_cast %sub3A_586 : i32 to index
        %get3A_592 = tpu.vector_load %arg10[%get3A_588, %get3A_589, %get3A_590, %get3A_591] {strides = array<i32>} : memref<4x2x32x128xf32, #tpu.memory_space<vmem>>, vector<1x1x1x16xf32>,
        %get3A_593 = vector.shape_cast %get3A_592 : vector<1x1x1x16xf32> to vector<16xf32>
        %select_n3A_594 = arith.select %eq3A_32, %get3A_593, %select_n3A_577 : vector<16xi1>, vector<16xf32>
        %sub3A_595 = arith.constant 7 : i32
        %sub3A_596 = arith.subi %and3A_200, %sub3A_595 : i32
        %shift_right_arithmetic3A_597 = arith.constant 31 : i32
        %shift_right_arithmetic3A_598 = arith.shrsi %sub3A_596, %shift_right_arithmetic3A_597 : i32
        %add3A_599 = arith.constant 23 : i32
        %add3A_600 = arith.addi %add3A_599, %shift_right_arithmetic3A_598 : i32
        %shift_left3A_601 = arith.constant 7 : i32
        %shift_left3A_602 = arith.shli %shift_right_arithmetic3A_598, %shift_left3A_601 : i32
        %sub3A_603 = arith.subi %sub3A_596, %shift_left3A_602 : i32
        %get3A_604 = arith.constant 1 : i32
        %get3A_605 = arith.index_cast %get3A_604 : i32 to index
        %get3A_606 = arith.index_cast %scan3A_160 : i32 to index
        %get3A_607 = arith.index_cast %add3A_600 : i32 to index
        %get3A_608 = arith.index_cast %sub3A_603 : i32 to index
        %get3A_609 = tpu.vector_load %arg10[%get3A_605, %get3A_606, %get3A_607, %get3A_608] {strides = array<i32>} : memref<4x2x32x128xf32, #tpu.memory_space<vmem>>, vector<1x1x1x16xf32>,
        %get3A_610 = vector.shape_cast %get3A_609 : vector<1x1x1x16xf32> to vector<16xf32>
        %select_n3A_611 = arith.select %eq3A_35, %get3A_610, %select_n3A_594 : vector<16xi1>, vector<16xf32>
        %sub3A_612 = arith.constant 8 : i32
        %sub3A_613 = arith.subi %and3A_200, %sub3A_612 : i32
        %shift_right_arithmetic3A_614 = arith.constant 31 : i32
        %shift_right_arithmetic3A_615 = arith.shrsi %sub3A_613, %shift_right_arithmetic3A_614 : i32
        %add3A_616 = arith.constant 24 : i32
        %add3A_617 = arith.addi %add3A_616, %shift_right_arithmetic3A_615 : i32
        %shift_left3A_618 = arith.constant 7 : i32
        %shift_left3A_619 = arith.shli %shift_right_arithmetic3A_615, %shift_left3A_618 : i32
        %sub3A_620 = arith.subi %sub3A_613, %shift_left3A_619 : i32
        %get3A_621 = arith.constant 1 : i32
        %get3A_622 = arith.index_cast %get3A_621 : i32 to index
        %get3A_623 = arith.index_cast %scan3A_160 : i32 to index
        %get3A_624 = arith.index_cast %add3A_617 : i32 to index
        %get3A_625 = arith.index_cast %sub3A_620 : i32 to index
        %get3A_626 = tpu.vector_load %arg10[%get3A_622, %get3A_623, %get3A_624, %get3A_625] {strides = array<i32>} : memref<4x2x32x128xf32, #tpu.memory_space<vmem>>, vector<1x1x1x16xf32>,
        %get3A_627 = vector.shape_cast %get3A_626 : vector<1x1x1x16xf32> to vector<16xf32>
        %select_n3A_628 = arith.select %eq3A_38, %get3A_627, %select_n3A_611 : vector<16xi1>, vector<16xf32>
        %sub3A_629 = arith.constant 9 : i32
        %sub3A_630 = arith.subi %and3A_200, %sub3A_629 : i32
        %shift_right_arithmetic3A_631 = arith.constant 31 : i32
        %shift_right_arithmetic3A_632 = arith.shrsi %sub3A_630, %shift_right_arithmetic3A_631 : i32
        %add3A_633 = arith.constant 25 : i32
        %add3A_634 = arith.addi %add3A_633, %shift_right_arithmetic3A_632 : i32
        %shift_left3A_635 = arith.constant 7 : i32
        %shift_left3A_636 = arith.shli %shift_right_arithmetic3A_632, %shift_left3A_635 : i32
        %sub3A_637 = arith.subi %sub3A_630, %shift_left3A_636 : i32
        %get3A_638 = arith.constant 1 : i32
        %get3A_639 = arith.index_cast %get3A_638 : i32 to index
        %get3A_640 = arith.index_cast %scan3A_160 : i32 to index
        %get3A_641 = arith.index_cast %add3A_634 : i32 to index
        %get3A_642 = arith.index_cast %sub3A_637 : i32 to index
        %get3A_643 = tpu.vector_load %arg10[%get3A_639, %get3A_640, %get3A_641, %get3A_642] {strides = array<i32>} : memref<4x2x32x128xf32, #tpu.memory_space<vmem>>, vector<1x1x1x16xf32>,
        %get3A_644 = vector.shape_cast %get3A_643 : vector<1x1x1x16xf32> to vector<16xf32>
        %select_n3A_645 = arith.select %eq3A_41, %get3A_644, %select_n3A_628 : vector<16xi1>, vector<16xf32>
        %sub3A_646 = arith.constant 10 : i32
        %sub3A_647 = arith.subi %and3A_200, %sub3A_646 : i32
        %shift_right_arithmetic3A_648 = arith.constant 31 : i32
        %shift_right_arithmetic3A_649 = arith.shrsi %sub3A_647, %shift_right_arithmetic3A_648 : i32
        %add3A_650 = arith.constant 26 : i32
        %add3A_651 = arith.addi %add3A_650, %shift_right_arithmetic3A_649 : i32
        %shift_left3A_652 = arith.constant 7 : i32
        %shift_left3A_653 = arith.shli %shift_right_arithmetic3A_649, %shift_left3A_652 : i32
        %sub3A_654 = arith.subi %sub3A_647, %shift_left3A_653 : i32
        %get3A_655 = arith.constant 1 : i32
        %get3A_656 = arith.index_cast %get3A_655 : i32 to index
        %get3A_657 = arith.index_cast %scan3A_160 : i32 to index
        %get3A_658 = arith.index_cast %add3A_651 : i32 to index
        %get3A_659 = arith.index_cast %sub3A_654 : i32 to index
        %get3A_660 = tpu.vector_load %arg10[%get3A_656, %get3A_657, %get3A_658, %get3A_659] {strides = array<i32>} : memref<4x2x32x128xf32, #tpu.memory_space<vmem>>, vector<1x1x1x16xf32>,
        %get3A_661 = vector.shape_cast %get3A_660 : vector<1x1x1x16xf32> to vector<16xf32>
        %select_n3A_662 = arith.select %eq3A_44, %get3A_661, %select_n3A_645 : vector<16xi1>, vector<16xf32>
        %sub3A_663 = arith.constant 11 : i32
        %sub3A_664 = arith.subi %and3A_200, %sub3A_663 : i32
        %shift_right_arithmetic3A_665 = arith.constant 31 : i32
        %shift_right_arithmetic3A_666 = arith.shrsi %sub3A_664, %shift_right_arithmetic3A_665 : i32
        %add3A_667 = arith.constant 27 : i32
        %add3A_668 = arith.addi %add3A_667, %shift_right_arithmetic3A_666 : i32
        %shift_left3A_669 = arith.constant 7 : i32
        %shift_left3A_670 = arith.shli %shift_right_arithmetic3A_666, %shift_left3A_669 : i32
        %sub3A_671 = arith.subi %sub3A_664, %shift_left3A_670 : i32
        %get3A_672 = arith.constant 1 : i32
        %get3A_673 = arith.index_cast %get3A_672 : i32 to index
        %get3A_674 = arith.index_cast %scan3A_160 : i32 to index
        %get3A_675 = arith.index_cast %add3A_668 : i32 to index
        %get3A_676 = arith.index_cast %sub3A_671 : i32 to index
        %get3A_677 = tpu.vector_load %arg10[%get3A_673, %get3A_674, %get3A_675, %get3A_676] {strides = array<i32>} : memref<4x2x32x128xf32, #tpu.memory_space<vmem>>, vector<1x1x1x16xf32>,
        %get3A_678 = vector.shape_cast %get3A_677 : vector<1x1x1x16xf32> to vector<16xf32>
        %select_n3A_679 = arith.select %eq3A_47, %get3A_678, %select_n3A_662 : vector<16xi1>, vector<16xf32>
        %sub3A_680 = arith.constant 12 : i32
        %sub3A_681 = arith.subi %and3A_200, %sub3A_680 : i32
        %shift_right_arithmetic3A_682 = arith.constant 31 : i32
        %shift_right_arithmetic3A_683 = arith.shrsi %sub3A_681, %shift_right_arithmetic3A_682 : i32
        %add3A_684 = arith.constant 28 : i32
        %add3A_685 = arith.addi %add3A_684, %shift_right_arithmetic3A_683 : i32
        %shift_left3A_686 = arith.constant 7 : i32
        %shift_left3A_687 = arith.shli %shift_right_arithmetic3A_683, %shift_left3A_686 : i32
        %sub3A_688 = arith.subi %sub3A_681, %shift_left3A_687 : i32
        %get3A_689 = arith.constant 1 : i32
        %get3A_690 = arith.index_cast %get3A_689 : i32 to index
        %get3A_691 = arith.index_cast %scan3A_160 : i32 to index
        %get3A_692 = arith.index_cast %add3A_685 : i32 to index
        %get3A_693 = arith.index_cast %sub3A_688 : i32 to index
        %get3A_694 = tpu.vector_load %arg10[%get3A_690, %get3A_691, %get3A_692, %get3A_693] {strides = array<i32>} : memref<4x2x32x128xf32, #tpu.memory_space<vmem>>, vector<1x1x1x16xf32>,
        %get3A_695 = vector.shape_cast %get3A_694 : vector<1x1x1x16xf32> to vector<16xf32>
        %select_n3A_696 = arith.select %eq3A_50, %get3A_695, %select_n3A_679 : vector<16xi1>, vector<16xf32>
        %sub3A_697 = arith.constant 13 : i32
        %sub3A_698 = arith.subi %and3A_200, %sub3A_697 : i32
        %shift_right_arithmetic3A_699 = arith.constant 31 : i32
        %shift_right_arithmetic3A_700 = arith.shrsi %sub3A_698, %shift_right_arithmetic3A_699 : i32
        %add3A_701 = arith.constant 29 : i32
        %add3A_702 = arith.addi %add3A_701, %shift_right_arithmetic3A_700 : i32
        %shift_left3A_703 = arith.constant 7 : i32
        %shift_left3A_704 = arith.shli %shift_right_arithmetic3A_700, %shift_left3A_703 : i32
        %sub3A_705 = arith.subi %sub3A_698, %shift_left3A_704 : i32
        %get3A_706 = arith.constant 1 : i32
        %get3A_707 = arith.index_cast %get3A_706 : i32 to index
        %get3A_708 = arith.index_cast %scan3A_160 : i32 to index
        %get3A_709 = arith.index_cast %add3A_702 : i32 to index
        %get3A_710 = arith.index_cast %sub3A_705 : i32 to index
        %get3A_711 = tpu.vector_load %arg10[%get3A_707, %get3A_708, %get3A_709, %get3A_710] {strides = array<i32>} : memref<4x2x32x128xf32, #tpu.memory_space<vmem>>, vector<1x1x1x16xf32>,
        %get3A_712 = vector.shape_cast %get3A_711 : vector<1x1x1x16xf32> to vector<16xf32>
        %select_n3A_713 = arith.select %eq3A_53, %get3A_712, %select_n3A_696 : vector<16xi1>, vector<16xf32>
        %sub3A_714 = arith.constant 14 : i32
        %sub3A_715 = arith.subi %and3A_200, %sub3A_714 : i32
        %shift_right_arithmetic3A_716 = arith.constant 31 : i32
        %shift_right_arithmetic3A_717 = arith.shrsi %sub3A_715, %shift_right_arithmetic3A_716 : i32
        %add3A_718 = arith.constant 30 : i32
        %add3A_719 = arith.addi %add3A_718, %shift_right_arithmetic3A_717 : i32
        %shift_left3A_720 = arith.constant 7 : i32
        %shift_left3A_721 = arith.shli %shift_right_arithmetic3A_717, %shift_left3A_720 : i32
        %sub3A_722 = arith.subi %sub3A_715, %shift_left3A_721 : i32
        %get3A_723 = arith.constant 1 : i32
        %get3A_724 = arith.index_cast %get3A_723 : i32 to index
        %get3A_725 = arith.index_cast %scan3A_160 : i32 to index
        %get3A_726 = arith.index_cast %add3A_719 : i32 to index
        %get3A_727 = arith.index_cast %sub3A_722 : i32 to index
        %get3A_728 = tpu.vector_load %arg10[%get3A_724, %get3A_725, %get3A_726, %get3A_727] {strides = array<i32>} : memref<4x2x32x128xf32, #tpu.memory_space<vmem>>, vector<1x1x1x16xf32>,
        %get3A_729 = vector.shape_cast %get3A_728 : vector<1x1x1x16xf32> to vector<16xf32>
        %select_n3A_730 = arith.select %eq3A_56, %get3A_729, %select_n3A_713 : vector<16xi1>, vector<16xf32>
        %sub3A_731 = arith.constant 15 : i32
        %sub3A_732 = arith.subi %and3A_200, %sub3A_731 : i32
        %shift_right_arithmetic3A_733 = arith.constant 31 : i32
        %shift_right_arithmetic3A_734 = arith.shrsi %sub3A_732, %shift_right_arithmetic3A_733 : i32
        %add3A_735 = arith.constant 31 : i32
        %add3A_736 = arith.addi %add3A_735, %shift_right_arithmetic3A_734 : i32
        %shift_left3A_737 = arith.constant 7 : i32
        %shift_left3A_738 = arith.shli %shift_right_arithmetic3A_734, %shift_left3A_737 : i32
        %sub3A_739 = arith.subi %sub3A_732, %shift_left3A_738 : i32
        %get3A_740 = arith.constant 1 : i32
        %get3A_741 = arith.index_cast %get3A_740 : i32 to index
        %get3A_742 = arith.index_cast %scan3A_160 : i32 to index
        %get3A_743 = arith.index_cast %add3A_736 : i32 to index
        %get3A_744 = arith.index_cast %sub3A_739 : i32 to index
        %get3A_745 = tpu.vector_load %arg10[%get3A_741, %get3A_742, %get3A_743, %get3A_744] {strides = array<i32>} : memref<4x2x32x128xf32, #tpu.memory_space<vmem>>, vector<1x1x1x16xf32>,
        %get3A_746 = vector.shape_cast %get3A_745 : vector<1x1x1x16xf32> to vector<16xf32>
        %select_n3A_747 = arith.select %eq3A_59, %get3A_746, %select_n3A_730 : vector<16xi1>, vector<16xf32>
        %mul3A_748 = arith.constant 32 : i32
        %mul3A_749 = arith.muli %add3A_192, %mul3A_748 : i32
        %add3A_750 = arith.constant 16 : i32
        %add3A_751 = arith.addi %mul3A_749, %add3A_750 : i32
        %swap3A_752 = arith.index_cast %add3A_751 : i32 to index
        %swap3A_753 = tpu.vector_load %arg12[%swap3A_752] {strides = array<i32>} : memref<4096xf32, #tpu.memory_space<vmem>>, vector<16xf32>,
        %swap3A_754 = vector.shape_cast %swap3A_753 : vector<16xf32> to vector<16xf32>
        %swap3A_755 = vector.shape_cast %select_n3A_747 : vector<16xf32> to vector<16xf32>
        tpu.vector_store %arg12[%swap3A_752], %swap3A_755 {strides = array<i32>} : memref<4096xf32, #tpu.memory_space<vmem>>, vector<16xf32>,
        %and3A_756 = arith.constant 127 : i32
        %and3A_757 = arith.andi %squeeze3A_199, %and3A_756 : i32
        %sub3A_758 = arith.constant 0 : i32
        %sub3A_759 = arith.subi %and3A_757, %sub3A_758 : i32
        %shift_right_arithmetic3A_760 = arith.constant 31 : i32
        %shift_right_arithmetic3A_761 = arith.shrsi %sub3A_759, %shift_right_arithmetic3A_760 : i32
        %add3A_762 = arith.constant 0 : i32
        %add3A_763 = arith.addi %add3A_762, %shift_right_arithmetic3A_761 : i32
        %shift_left3A_764 = arith.constant 7 : i32
        %shift_left3A_765 = arith.shli %shift_right_arithmetic3A_761, %shift_left3A_764 : i32
        %sub3A_766 = arith.subi %sub3A_759, %shift_left3A_765 : i32
        %get3A_767 = arith.constant 1 : i32
        %get3A_768 = arith.index_cast %get3A_767 : i32 to index
        %get3A_769 = arith.index_cast %scan3A_160 : i32 to index
        %get3A_770 = arith.index_cast %add3A_763 : i32 to index
        %get3A_771 = arith.index_cast %sub3A_766 : i32 to index
        %get3A_772 = tpu.vector_load %arg11[%get3A_768, %get3A_769, %get3A_770, %get3A_771] {strides = array<i32>} : memref<4x2x32x128xf32, #tpu.memory_space<vmem>>, vector<1x1x1x16xf32>,
        %get3A_773 = vector.shape_cast %get3A_772 : vector<1x1x1x16xf32> to vector<16xf32>
        %sub3A_774 = arith.constant 1 : i32
        %sub3A_775 = arith.subi %and3A_757, %sub3A_774 : i32
        %shift_right_arithmetic3A_776 = arith.constant 31 : i32
        %shift_right_arithmetic3A_777 = arith.shrsi %sub3A_775, %shift_right_arithmetic3A_776 : i32
        %add3A_778 = arith.constant 1 : i32
        %add3A_779 = arith.addi %add3A_778, %shift_right_arithmetic3A_777 : i32
        %shift_left3A_780 = arith.constant 7 : i32
        %shift_left3A_781 = arith.shli %shift_right_arithmetic3A_777, %shift_left3A_780 : i32
        %sub3A_782 = arith.subi %sub3A_775, %shift_left3A_781 : i32
        %get3A_783 = arith.constant 1 : i32
        %get3A_784 = arith.index_cast %get3A_783 : i32 to index
        %get3A_785 = arith.index_cast %scan3A_160 : i32 to index
        %get3A_786 = arith.index_cast %add3A_779 : i32 to index
        %get3A_787 = arith.index_cast %sub3A_782 : i32 to index
        %get3A_788 = tpu.vector_load %arg11[%get3A_784, %get3A_785, %get3A_786, %get3A_787] {strides = array<i32>} : memref<4x2x32x128xf32, #tpu.memory_space<vmem>>, vector<1x1x1x16xf32>,
        %get3A_789 = vector.shape_cast %get3A_788 : vector<1x1x1x16xf32> to vector<16xf32>
        %select_n3A_790 = arith.select %eq3A_17, %get3A_789, %get3A_773 : vector<16xi1>, vector<16xf32>
        %sub3A_791 = arith.constant 2 : i32
        %sub3A_792 = arith.subi %and3A_757, %sub3A_791 : i32
        %shift_right_arithmetic3A_793 = arith.constant 31 : i32
        %shift_right_arithmetic3A_794 = arith.shrsi %sub3A_792, %shift_right_arithmetic3A_793 : i32
        %add3A_795 = arith.constant 2 : i32
        %add3A_796 = arith.addi %add3A_795, %shift_right_arithmetic3A_794 : i32
        %shift_left3A_797 = arith.constant 7 : i32
        %shift_left3A_798 = arith.shli %shift_right_arithmetic3A_794, %shift_left3A_797 : i32
        %sub3A_799 = arith.subi %sub3A_792, %shift_left3A_798 : i32
        %get3A_800 = arith.constant 1 : i32
        %get3A_801 = arith.index_cast %get3A_800 : i32 to index
        %get3A_802 = arith.index_cast %scan3A_160 : i32 to index
        %get3A_803 = arith.index_cast %add3A_796 : i32 to index
        %get3A_804 = arith.index_cast %sub3A_799 : i32 to index
        %get3A_805 = tpu.vector_load %arg11[%get3A_801, %get3A_802, %get3A_803, %get3A_804] {strides = array<i32>} : memref<4x2x32x128xf32, #tpu.memory_space<vmem>>, vector<1x1x1x16xf32>,
        %get3A_806 = vector.shape_cast %get3A_805 : vector<1x1x1x16xf32> to vector<16xf32>
        %select_n3A_807 = arith.select %eq3A_20, %get3A_806, %select_n3A_790 : vector<16xi1>, vector<16xf32>
        %sub3A_808 = arith.constant 3 : i32
        %sub3A_809 = arith.subi %and3A_757, %sub3A_808 : i32
        %shift_right_arithmetic3A_810 = arith.constant 31 : i32
        %shift_right_arithmetic3A_811 = arith.shrsi %sub3A_809, %shift_right_arithmetic3A_810 : i32
        %add3A_812 = arith.constant 3 : i32
        %add3A_813 = arith.addi %add3A_812, %shift_right_arithmetic3A_811 : i32
        %shift_left3A_814 = arith.constant 7 : i32
        %shift_left3A_815 = arith.shli %shift_right_arithmetic3A_811, %shift_left3A_814 : i32
        %sub3A_816 = arith.subi %sub3A_809, %shift_left3A_815 : i32
        %get3A_817 = arith.constant 1 : i32
        %get3A_818 = arith.index_cast %get3A_817 : i32 to index
        %get3A_819 = arith.index_cast %scan3A_160 : i32 to index
        %get3A_820 = arith.index_cast %add3A_813 : i32 to index
        %get3A_821 = arith.index_cast %sub3A_816 : i32 to index
        %get3A_822 = tpu.vector_load %arg11[%get3A_818, %get3A_819, %get3A_820, %get3A_821] {strides = array<i32>} : memref<4x2x32x128xf32, #tpu.memory_space<vmem>>, vector<1x1x1x16xf32>,
        %get3A_823 = vector.shape_cast %get3A_822 : vector<1x1x1x16xf32> to vector<16xf32>
        %select_n3A_824 = arith.select %eq3A_23, %get3A_823, %select_n3A_807 : vector<16xi1>, vector<16xf32>
        %sub3A_825 = arith.constant 4 : i32
        %sub3A_826 = arith.subi %and3A_757, %sub3A_825 : i32
        %shift_right_arithmetic3A_827 = arith.constant 31 : i32
        %shift_right_arithmetic3A_828 = arith.shrsi %sub3A_826, %shift_right_arithmetic3A_827 : i32
        %add3A_829 = arith.constant 4 : i32
        %add3A_830 = arith.addi %add3A_829, %shift_right_arithmetic3A_828 : i32
        %shift_left3A_831 = arith.constant 7 : i32
        %shift_left3A_832 = arith.shli %shift_right_arithmetic3A_828, %shift_left3A_831 : i32
        %sub3A_833 = arith.subi %sub3A_826, %shift_left3A_832 : i32
        %get3A_834 = arith.constant 1 : i32
        %get3A_835 = arith.index_cast %get3A_834 : i32 to index
        %get3A_836 = arith.index_cast %scan3A_160 : i32 to index
        %get3A_837 = arith.index_cast %add3A_830 : i32 to index
        %get3A_838 = arith.index_cast %sub3A_833 : i32 to index
        %get3A_839 = tpu.vector_load %arg11[%get3A_835, %get3A_836, %get3A_837, %get3A_838] {strides = array<i32>} : memref<4x2x32x128xf32, #tpu.memory_space<vmem>>, vector<1x1x1x16xf32>,
        %get3A_840 = vector.shape_cast %get3A_839 : vector<1x1x1x16xf32> to vector<16xf32>
        %select_n3A_841 = arith.select %eq3A_26, %get3A_840, %select_n3A_824 : vector<16xi1>, vector<16xf32>
        %sub3A_842 = arith.constant 5 : i32
        %sub3A_843 = arith.subi %and3A_757, %sub3A_842 : i32
        %shift_right_arithmetic3A_844 = arith.constant 31 : i32
        %shift_right_arithmetic3A_845 = arith.shrsi %sub3A_843, %shift_right_arithmetic3A_844 : i32
        %add3A_846 = arith.constant 5 : i32
        %add3A_847 = arith.addi %add3A_846, %shift_right_arithmetic3A_845 : i32
        %shift_left3A_848 = arith.constant 7 : i32
        %shift_left3A_849 = arith.shli %shift_right_arithmetic3A_845, %shift_left3A_848 : i32
        %sub3A_850 = arith.subi %sub3A_843, %shift_left3A_849 : i32
        %get3A_851 = arith.constant 1 : i32
        %get3A_852 = arith.index_cast %get3A_851 : i32 to index
        %get3A_853 = arith.index_cast %scan3A_160 : i32 to index
        %get3A_854 = arith.index_cast %add3A_847 : i32 to index
        %get3A_855 = arith.index_cast %sub3A_850 : i32 to index
        %get3A_856 = tpu.vector_load %arg11[%get3A_852, %get3A_853, %get3A_854, %get3A_855] {strides = array<i32>} : memref<4x2x32x128xf32, #tpu.memory_space<vmem>>, vector<1x1x1x16xf32>,
        %get3A_857 = vector.shape_cast %get3A_856 : vector<1x1x1x16xf32> to vector<16xf32>
        %select_n3A_858 = arith.select %eq3A_29, %get3A_857, %select_n3A_841 : vector<16xi1>, vector<16xf32>
        %sub3A_859 = arith.constant 6 : i32
        %sub3A_860 = arith.subi %and3A_757, %sub3A_859 : i32
        %shift_right_arithmetic3A_861 = arith.constant 31 : i32
        %shift_right_arithmetic3A_862 = arith.shrsi %sub3A_860, %shift_right_arithmetic3A_861 : i32
        %add3A_863 = arith.constant 6 : i32
        %add3A_864 = arith.addi %add3A_863, %shift_right_arithmetic3A_862 : i32
        %shift_left3A_865 = arith.constant 7 : i32
        %shift_left3A_866 = arith.shli %shift_right_arithmetic3A_862, %shift_left3A_865 : i32
        %sub3A_867 = arith.subi %sub3A_860, %shift_left3A_866 : i32
        %get3A_868 = arith.constant 1 : i32
        %get3A_869 = arith.index_cast %get3A_868 : i32 to index
        %get3A_870 = arith.index_cast %scan3A_160 : i32 to index
        %get3A_871 = arith.index_cast %add3A_864 : i32 to index
        %get3A_872 = arith.index_cast %sub3A_867 : i32 to index
        %get3A_873 = tpu.vector_load %arg11[%get3A_869, %get3A_870, %get3A_871, %get3A_872] {strides = array<i32>} : memref<4x2x32x128xf32, #tpu.memory_space<vmem>>, vector<1x1x1x16xf32>,
        %get3A_874 = vector.shape_cast %get3A_873 : vector<1x1x1x16xf32> to vector<16xf32>
        %select_n3A_875 = arith.select %eq3A_32, %get3A_874, %select_n3A_858 : vector<16xi1>, vector<16xf32>
        %sub3A_876 = arith.constant 7 : i32
        %sub3A_877 = arith.subi %and3A_757, %sub3A_876 : i32
        %shift_right_arithmetic3A_878 = arith.constant 31 : i32
        %shift_right_arithmetic3A_879 = arith.shrsi %sub3A_877, %shift_right_arithmetic3A_878 : i32
        %add3A_880 = arith.constant 7 : i32
        %add3A_881 = arith.addi %add3A_880, %shift_right_arithmetic3A_879 : i32
        %shift_left3A_882 = arith.constant 7 : i32
        %shift_left3A_883 = arith.shli %shift_right_arithmetic3A_879, %shift_left3A_882 : i32
        %sub3A_884 = arith.subi %sub3A_877, %shift_left3A_883 : i32
        %get3A_885 = arith.constant 1 : i32
        %get3A_886 = arith.index_cast %get3A_885 : i32 to index
        %get3A_887 = arith.index_cast %scan3A_160 : i32 to index
        %get3A_888 = arith.index_cast %add3A_881 : i32 to index
        %get3A_889 = arith.index_cast %sub3A_884 : i32 to index
        %get3A_890 = tpu.vector_load %arg11[%get3A_886, %get3A_887, %get3A_888, %get3A_889] {strides = array<i32>} : memref<4x2x32x128xf32, #tpu.memory_space<vmem>>, vector<1x1x1x16xf32>,
        %get3A_891 = vector.shape_cast %get3A_890 : vector<1x1x1x16xf32> to vector<16xf32>
        %select_n3A_892 = arith.select %eq3A_35, %get3A_891, %select_n3A_875 : vector<16xi1>, vector<16xf32>
        %sub3A_893 = arith.constant 8 : i32
        %sub3A_894 = arith.subi %and3A_757, %sub3A_893 : i32
        %shift_right_arithmetic3A_895 = arith.constant 31 : i32
        %shift_right_arithmetic3A_896 = arith.shrsi %sub3A_894, %shift_right_arithmetic3A_895 : i32
        %add3A_897 = arith.constant 8 : i32
        %add3A_898 = arith.addi %add3A_897, %shift_right_arithmetic3A_896 : i32
        %shift_left3A_899 = arith.constant 7 : i32
        %shift_left3A_900 = arith.shli %shift_right_arithmetic3A_896, %shift_left3A_899 : i32
        %sub3A_901 = arith.subi %sub3A_894, %shift_left3A_900 : i32
        %get3A_902 = arith.constant 1 : i32
        %get3A_903 = arith.index_cast %get3A_902 : i32 to index
        %get3A_904 = arith.index_cast %scan3A_160 : i32 to index
        %get3A_905 = arith.index_cast %add3A_898 : i32 to index
        %get3A_906 = arith.index_cast %sub3A_901 : i32 to index
        %get3A_907 = tpu.vector_load %arg11[%get3A_903, %get3A_904, %get3A_905, %get3A_906] {strides = array<i32>} : memref<4x2x32x128xf32, #tpu.memory_space<vmem>>, vector<1x1x1x16xf32>,
        %get3A_908 = vector.shape_cast %get3A_907 : vector<1x1x1x16xf32> to vector<16xf32>
        %select_n3A_909 = arith.select %eq3A_38, %get3A_908, %select_n3A_892 : vector<16xi1>, vector<16xf32>
        %sub3A_910 = arith.constant 9 : i32
        %sub3A_911 = arith.subi %and3A_757, %sub3A_910 : i32
        %shift_right_arithmetic3A_912 = arith.constant 31 : i32
        %shift_right_arithmetic3A_913 = arith.shrsi %sub3A_911, %shift_right_arithmetic3A_912 : i32
        %add3A_914 = arith.constant 9 : i32
        %add3A_915 = arith.addi %add3A_914, %shift_right_arithmetic3A_913 : i32
        %shift_left3A_916 = arith.constant 7 : i32
        %shift_left3A_917 = arith.shli %shift_right_arithmetic3A_913, %shift_left3A_916 : i32
        %sub3A_918 = arith.subi %sub3A_911, %shift_left3A_917 : i32
        %get3A_919 = arith.constant 1 : i32
        %get3A_920 = arith.index_cast %get3A_919 : i32 to index
        %get3A_921 = arith.index_cast %scan3A_160 : i32 to index
        %get3A_922 = arith.index_cast %add3A_915 : i32 to index
        %get3A_923 = arith.index_cast %sub3A_918 : i32 to index
        %get3A_924 = tpu.vector_load %arg11[%get3A_920, %get3A_921, %get3A_922, %get3A_923] {strides = array<i32>} : memref<4x2x32x128xf32, #tpu.memory_space<vmem>>, vector<1x1x1x16xf32>,
        %get3A_925 = vector.shape_cast %get3A_924 : vector<1x1x1x16xf32> to vector<16xf32>
        %select_n3A_926 = arith.select %eq3A_41, %get3A_925, %select_n3A_909 : vector<16xi1>, vector<16xf32>
        %sub3A_927 = arith.constant 10 : i32
        %sub3A_928 = arith.subi %and3A_757, %sub3A_927 : i32
        %shift_right_arithmetic3A_929 = arith.constant 31 : i32
        %shift_right_arithmetic3A_930 = arith.shrsi %sub3A_928, %shift_right_arithmetic3A_929 : i32
        %add3A_931 = arith.constant 10 : i32
        %add3A_932 = arith.addi %add3A_931, %shift_right_arithmetic3A_930 : i32
        %shift_left3A_933 = arith.constant 7 : i32
        %shift_left3A_934 = arith.shli %shift_right_arithmetic3A_930, %shift_left3A_933 : i32
        %sub3A_935 = arith.subi %sub3A_928, %shift_left3A_934 : i32
        %get3A_936 = arith.constant 1 : i32
        %get3A_937 = arith.index_cast %get3A_936 : i32 to index
        %get3A_938 = arith.index_cast %scan3A_160 : i32 to index
        %get3A_939 = arith.index_cast %add3A_932 : i32 to index
        %get3A_940 = arith.index_cast %sub3A_935 : i32 to index
        %get3A_941 = tpu.vector_load %arg11[%get3A_937, %get3A_938, %get3A_939, %get3A_940] {strides = array<i32>} : memref<4x2x32x128xf32, #tpu.memory_space<vmem>>, vector<1x1x1x16xf32>,
        %get3A_942 = vector.shape_cast %get3A_941 : vector<1x1x1x16xf32> to vector<16xf32>
        %select_n3A_943 = arith.select %eq3A_44, %get3A_942, %select_n3A_926 : vector<16xi1>, vector<16xf32>
        %sub3A_944 = arith.constant 11 : i32
        %sub3A_945 = arith.subi %and3A_757, %sub3A_944 : i32
        %shift_right_arithmetic3A_946 = arith.constant 31 : i32
        %shift_right_arithmetic3A_947 = arith.shrsi %sub3A_945, %shift_right_arithmetic3A_946 : i32
        %add3A_948 = arith.constant 11 : i32
        %add3A_949 = arith.addi %add3A_948, %shift_right_arithmetic3A_947 : i32
        %shift_left3A_950 = arith.constant 7 : i32
        %shift_left3A_951 = arith.shli %shift_right_arithmetic3A_947, %shift_left3A_950 : i32
        %sub3A_952 = arith.subi %sub3A_945, %shift_left3A_951 : i32
        %get3A_953 = arith.constant 1 : i32
        %get3A_954 = arith.index_cast %get3A_953 : i32 to index
        %get3A_955 = arith.index_cast %scan3A_160 : i32 to index
        %get3A_956 = arith.index_cast %add3A_949 : i32 to index
        %get3A_957 = arith.index_cast %sub3A_952 : i32 to index
        %get3A_958 = tpu.vector_load %arg11[%get3A_954, %get3A_955, %get3A_956, %get3A_957] {strides = array<i32>} : memref<4x2x32x128xf32, #tpu.memory_space<vmem>>, vector<1x1x1x16xf32>,
        %get3A_959 = vector.shape_cast %get3A_958 : vector<1x1x1x16xf32> to vector<16xf32>
        %select_n3A_960 = arith.select %eq3A_47, %get3A_959, %select_n3A_943 : vector<16xi1>, vector<16xf32>
        %sub3A_961 = arith.constant 12 : i32
        %sub3A_962 = arith.subi %and3A_757, %sub3A_961 : i32
        %shift_right_arithmetic3A_963 = arith.constant 31 : i32
        %shift_right_arithmetic3A_964 = arith.shrsi %sub3A_962, %shift_right_arithmetic3A_963 : i32
        %add3A_965 = arith.constant 12 : i32
        %add3A_966 = arith.addi %add3A_965, %shift_right_arithmetic3A_964 : i32
        %shift_left3A_967 = arith.constant 7 : i32
        %shift_left3A_968 = arith.shli %shift_right_arithmetic3A_964, %shift_left3A_967 : i32
        %sub3A_969 = arith.subi %sub3A_962, %shift_left3A_968 : i32
        %get3A_970 = arith.constant 1 : i32
        %get3A_971 = arith.index_cast %get3A_970 : i32 to index
        %get3A_972 = arith.index_cast %scan3A_160 : i32 to index
        %get3A_973 = arith.index_cast %add3A_966 : i32 to index
        %get3A_974 = arith.index_cast %sub3A_969 : i32 to index
        %get3A_975 = tpu.vector_load %arg11[%get3A_971, %get3A_972, %get3A_973, %get3A_974] {strides = array<i32>} : memref<4x2x32x128xf32, #tpu.memory_space<vmem>>, vector<1x1x1x16xf32>,
        %get3A_976 = vector.shape_cast %get3A_975 : vector<1x1x1x16xf32> to vector<16xf32>
        %select_n3A_977 = arith.select %eq3A_50, %get3A_976, %select_n3A_960 : vector<16xi1>, vector<16xf32>
        %sub3A_978 = arith.constant 13 : i32
        %sub3A_979 = arith.subi %and3A_757, %sub3A_978 : i32
        %shift_right_arithmetic3A_980 = arith.constant 31 : i32
        %shift_right_arithmetic3A_981 = arith.shrsi %sub3A_979, %shift_right_arithmetic3A_980 : i32
        %add3A_982 = arith.constant 13 : i32
        %add3A_983 = arith.addi %add3A_982, %shift_right_arithmetic3A_981 : i32
        %shift_left3A_984 = arith.constant 7 : i32
        %shift_left3A_985 = arith.shli %shift_right_arithmetic3A_981, %shift_left3A_984 : i32
        %sub3A_986 = arith.subi %sub3A_979, %shift_left3A_985 : i32
        %get3A_987 = arith.constant 1 : i32
        %get3A_988 = arith.index_cast %get3A_987 : i32 to index
        %get3A_989 = arith.index_cast %scan3A_160 : i32 to index
        %get3A_990 = arith.index_cast %add3A_983 : i32 to index
        %get3A_991 = arith.index_cast %sub3A_986 : i32 to index
        %get3A_992 = tpu.vector_load %arg11[%get3A_988, %get3A_989, %get3A_990, %get3A_991] {strides = array<i32>} : memref<4x2x32x128xf32, #tpu.memory_space<vmem>>, vector<1x1x1x16xf32>,
        %get3A_993 = vector.shape_cast %get3A_992 : vector<1x1x1x16xf32> to vector<16xf32>
        %select_n3A_994 = arith.select %eq3A_53, %get3A_993, %select_n3A_977 : vector<16xi1>, vector<16xf32>
        %sub3A_995 = arith.constant 14 : i32
        %sub3A_996 = arith.subi %and3A_757, %sub3A_995 : i32
        %shift_right_arithmetic3A_997 = arith.constant 31 : i32
        %shift_right_arithmetic3A_998 = arith.shrsi %sub3A_996, %shift_right_arithmetic3A_997 : i32
        %add3A_999 = arith.constant 14 : i32
        %add3A_1000 = arith.addi %add3A_999, %shift_right_arithmetic3A_998 : i32
        %shift_left3A_1001 = arith.constant 7 : i32
        %shift_left3A_1002 = arith.shli %shift_right_arithmetic3A_998, %shift_left3A_1001 : i32
        %sub3A_1003 = arith.subi %sub3A_996, %shift_left3A_1002 : i32
        %get3A_1004 = arith.constant 1 : i32
        %get3A_1005 = arith.index_cast %get3A_1004 : i32 to index
        %get3A_1006 = arith.index_cast %scan3A_160 : i32 to index
        %get3A_1007 = arith.index_cast %add3A_1000 : i32 to index
        %get3A_1008 = arith.index_cast %sub3A_1003 : i32 to index
        %get3A_1009 = tpu.vector_load %arg11[%get3A_1005, %get3A_1006, %get3A_1007, %get3A_1008] {strides = array<i32>} : memref<4x2x32x128xf32, #tpu.memory_space<vmem>>, vector<1x1x1x16xf32>,
        %get3A_1010 = vector.shape_cast %get3A_1009 : vector<1x1x1x16xf32> to vector<16xf32>
        %select_n3A_1011 = arith.select %eq3A_56, %get3A_1010, %select_n3A_994 : vector<16xi1>, vector<16xf32>
        %sub3A_1012 = arith.constant 15 : i32
        %sub3A_1013 = arith.subi %and3A_757, %sub3A_1012 : i32
        %shift_right_arithmetic3A_1014 = arith.constant 31 : i32
        %shift_right_arithmetic3A_1015 = arith.shrsi %sub3A_1013, %shift_right_arithmetic3A_1014 : i32
        %add3A_1016 = arith.constant 15 : i32
        %add3A_1017 = arith.addi %add3A_1016, %shift_right_arithmetic3A_1015 : i32
        %shift_left3A_1018 = arith.constant 7 : i32
        %shift_left3A_1019 = arith.shli %shift_right_arithmetic3A_1015, %shift_left3A_1018 : i32
        %sub3A_1020 = arith.subi %sub3A_1013, %shift_left3A_1019 : i32
        %get3A_1021 = arith.constant 1 : i32
        %get3A_1022 = arith.index_cast %get3A_1021 : i32 to index
        %get3A_1023 = arith.index_cast %scan3A_160 : i32 to index
        %get3A_1024 = arith.index_cast %add3A_1017 : i32 to index
        %get3A_1025 = arith.index_cast %sub3A_1020 : i32 to index
        %get3A_1026 = tpu.vector_load %arg11[%get3A_1022, %get3A_1023, %get3A_1024, %get3A_1025] {strides = array<i32>} : memref<4x2x32x128xf32, #tpu.memory_space<vmem>>, vector<1x1x1x16xf32>,
        %get3A_1027 = vector.shape_cast %get3A_1026 : vector<1x1x1x16xf32> to vector<16xf32>
        %select_n3A_1028 = arith.select %eq3A_59, %get3A_1027, %select_n3A_1011 : vector<16xi1>, vector<16xf32>
        %mul3A_1029 = arith.constant 32 : i32
        %mul3A_1030 = arith.muli %add3A_192, %mul3A_1029 : i32
        %add3A_1031 = arith.constant 0 : i32
        %add3A_1032 = arith.addi %mul3A_1030, %add3A_1031 : i32
        %swap3A_1033 = arith.index_cast %add3A_1032 : i32 to index
        %swap3A_1034 = tpu.vector_load %arg13[%swap3A_1033] {strides = array<i32>} : memref<4096xf32, #tpu.memory_space<vmem>>, vector<16xf32>,
        %swap3A_1035 = vector.shape_cast %swap3A_1034 : vector<16xf32> to vector<16xf32>
        %swap3A_1036 = vector.shape_cast %select_n3A_1028 : vector<16xf32> to vector<16xf32>
        tpu.vector_store %arg13[%swap3A_1033], %swap3A_1036 {strides = array<i32>} : memref<4096xf32, #tpu.memory_space<vmem>>, vector<16xf32>,
        %sub3A_1037 = arith.constant 0 : i32
        %sub3A_1038 = arith.subi %and3A_757, %sub3A_1037 : i32
        %shift_right_arithmetic3A_1039 = arith.constant 31 : i32
        %shift_right_arithmetic3A_1040 = arith.shrsi %sub3A_1038, %shift_right_arithmetic3A_1039 : i32
        %add3A_1041 = arith.constant 16 : i32
        %add3A_1042 = arith.addi %add3A_1041, %shift_right_arithmetic3A_1040 : i32
        %shift_left3A_1043 = arith.constant 7 : i32
        %shift_left3A_1044 = arith.shli %shift_right_arithmetic3A_1040, %shift_left3A_1043 : i32
        %sub3A_1045 = arith.subi %sub3A_1038, %shift_left3A_1044 : i32
        %get3A_1046 = arith.constant 1 : i32
        %get3A_1047 = arith.index_cast %get3A_1046 : i32 to index
        %get3A_1048 = arith.index_cast %scan3A_160 : i32 to index
        %get3A_1049 = arith.index_cast %add3A_1042 : i32 to index
        %get3A_1050 = arith.index_cast %sub3A_1045 : i32 to index
        %get3A_1051 = tpu.vector_load %arg11[%get3A_1047, %get3A_1048, %get3A_1049, %get3A_1050] {strides = array<i32>} : memref<4x2x32x128xf32, #tpu.memory_space<vmem>>, vector<1x1x1x16xf32>,
        %get3A_1052 = vector.shape_cast %get3A_1051 : vector<1x1x1x16xf32> to vector<16xf32>
        %sub3A_1053 = arith.constant 1 : i32
        %sub3A_1054 = arith.subi %and3A_757, %sub3A_1053 : i32
        %shift_right_arithmetic3A_1055 = arith.constant 31 : i32
        %shift_right_arithmetic3A_1056 = arith.shrsi %sub3A_1054, %shift_right_arithmetic3A_1055 : i32
        %add3A_1057 = arith.constant 17 : i32
        %add3A_1058 = arith.addi %add3A_1057, %shift_right_arithmetic3A_1056 : i32
        %shift_left3A_1059 = arith.constant 7 : i32
        %shift_left3A_1060 = arith.shli %shift_right_arithmetic3A_1056, %shift_left3A_1059 : i32
        %sub3A_1061 = arith.subi %sub3A_1054, %shift_left3A_1060 : i32
        %get3A_1062 = arith.constant 1 : i32
        %get3A_1063 = arith.index_cast %get3A_1062 : i32 to index
        %get3A_1064 = arith.index_cast %scan3A_160 : i32 to index
        %get3A_1065 = arith.index_cast %add3A_1058 : i32 to index
        %get3A_1066 = arith.index_cast %sub3A_1061 : i32 to index
        %get3A_1067 = tpu.vector_load %arg11[%get3A_1063, %get3A_1064, %get3A_1065, %get3A_1066] {strides = array<i32>} : memref<4x2x32x128xf32, #tpu.memory_space<vmem>>, vector<1x1x1x16xf32>,
        %get3A_1068 = vector.shape_cast %get3A_1067 : vector<1x1x1x16xf32> to vector<16xf32>
        %select_n3A_1069 = arith.select %eq3A_17, %get3A_1068, %get3A_1052 : vector<16xi1>, vector<16xf32>
        %sub3A_1070 = arith.constant 2 : i32
        %sub3A_1071 = arith.subi %and3A_757, %sub3A_1070 : i32
        %shift_right_arithmetic3A_1072 = arith.constant 31 : i32
        %shift_right_arithmetic3A_1073 = arith.shrsi %sub3A_1071, %shift_right_arithmetic3A_1072 : i32
        %add3A_1074 = arith.constant 18 : i32
        %add3A_1075 = arith.addi %add3A_1074, %shift_right_arithmetic3A_1073 : i32
        %shift_left3A_1076 = arith.constant 7 : i32
        %shift_left3A_1077 = arith.shli %shift_right_arithmetic3A_1073, %shift_left3A_1076 : i32
        %sub3A_1078 = arith.subi %sub3A_1071, %shift_left3A_1077 : i32
        %get3A_1079 = arith.constant 1 : i32
        %get3A_1080 = arith.index_cast %get3A_1079 : i32 to index
        %get3A_1081 = arith.index_cast %scan3A_160 : i32 to index
        %get3A_1082 = arith.index_cast %add3A_1075 : i32 to index
        %get3A_1083 = arith.index_cast %sub3A_1078 : i32 to index
        %get3A_1084 = tpu.vector_load %arg11[%get3A_1080, %get3A_1081, %get3A_1082, %get3A_1083] {strides = array<i32>} : memref<4x2x32x128xf32, #tpu.memory_space<vmem>>, vector<1x1x1x16xf32>,
        %get3A_1085 = vector.shape_cast %get3A_1084 : vector<1x1x1x16xf32> to vector<16xf32>
        %select_n3A_1086 = arith.select %eq3A_20, %get3A_1085, %select_n3A_1069 : vector<16xi1>, vector<16xf32>
        %sub3A_1087 = arith.constant 3 : i32
        %sub3A_1088 = arith.subi %and3A_757, %sub3A_1087 : i32
        %shift_right_arithmetic3A_1089 = arith.constant 31 : i32
        %shift_right_arithmetic3A_1090 = arith.shrsi %sub3A_1088, %shift_right_arithmetic3A_1089 : i32
        %add3A_1091 = arith.constant 19 : i32
        %add3A_1092 = arith.addi %add3A_1091, %shift_right_arithmetic3A_1090 : i32
        %shift_left3A_1093 = arith.constant 7 : i32
        %shift_left3A_1094 = arith.shli %shift_right_arithmetic3A_1090, %shift_left3A_1093 : i32
        %sub3A_1095 = arith.subi %sub3A_1088, %shift_left3A_1094 : i32
        %get3A_1096 = arith.constant 1 : i32
        %get3A_1097 = arith.index_cast %get3A_1096 : i32 to index
        %get3A_1098 = arith.index_cast %scan3A_160 : i32 to index
        %get3A_1099 = arith.index_cast %add3A_1092 : i32 to index
        %get3A_1100 = arith.index_cast %sub3A_1095 : i32 to index
        %get3A_1101 = tpu.vector_load %arg11[%get3A_1097, %get3A_1098, %get3A_1099, %get3A_1100] {strides = array<i32>} : memref<4x2x32x128xf32, #tpu.memory_space<vmem>>, vector<1x1x1x16xf32>,
        %get3A_1102 = vector.shape_cast %get3A_1101 : vector<1x1x1x16xf32> to vector<16xf32>
        %select_n3A_1103 = arith.select %eq3A_23, %get3A_1102, %select_n3A_1086 : vector<16xi1>, vector<16xf32>
        %sub3A_1104 = arith.constant 4 : i32
        %sub3A_1105 = arith.subi %and3A_757, %sub3A_1104 : i32
        %shift_right_arithmetic3A_1106 = arith.constant 31 : i32
        %shift_right_arithmetic3A_1107 = arith.shrsi %sub3A_1105, %shift_right_arithmetic3A_1106 : i32
        %add3A_1108 = arith.constant 20 : i32
        %add3A_1109 = arith.addi %add3A_1108, %shift_right_arithmetic3A_1107 : i32
        %shift_left3A_1110 = arith.constant 7 : i32
        %shift_left3A_1111 = arith.shli %shift_right_arithmetic3A_1107, %shift_left3A_1110 : i32
        %sub3A_1112 = arith.subi %sub3A_1105, %shift_left3A_1111 : i32
        %get3A_1113 = arith.constant 1 : i32
        %get3A_1114 = arith.index_cast %get3A_1113 : i32 to index
        %get3A_1115 = arith.index_cast %scan3A_160 : i32 to index
        %get3A_1116 = arith.index_cast %add3A_1109 : i32 to index
        %get3A_1117 = arith.index_cast %sub3A_1112 : i32 to index
        %get3A_1118 = tpu.vector_load %arg11[%get3A_1114, %get3A_1115, %get3A_1116, %get3A_1117] {strides = array<i32>} : memref<4x2x32x128xf32, #tpu.memory_space<vmem>>, vector<1x1x1x16xf32>,
        %get3A_1119 = vector.shape_cast %get3A_1118 : vector<1x1x1x16xf32> to vector<16xf32>
        %select_n3A_1120 = arith.select %eq3A_26, %get3A_1119, %select_n3A_1103 : vector<16xi1>, vector<16xf32>
        %sub3A_1121 = arith.constant 5 : i32
        %sub3A_1122 = arith.subi %and3A_757, %sub3A_1121 : i32
        %shift_right_arithmetic3A_1123 = arith.constant 31 : i32
        %shift_right_arithmetic3A_1124 = arith.shrsi %sub3A_1122, %shift_right_arithmetic3A_1123 : i32
        %add3A_1125 = arith.constant 21 : i32
        %add3A_1126 = arith.addi %add3A_1125, %shift_right_arithmetic3A_1124 : i32
        %shift_left3A_1127 = arith.constant 7 : i32
        %shift_left3A_1128 = arith.shli %shift_right_arithmetic3A_1124, %shift_left3A_1127 : i32
        %sub3A_1129 = arith.subi %sub3A_1122, %shift_left3A_1128 : i32
        %get3A_1130 = arith.constant 1 : i32
        %get3A_1131 = arith.index_cast %get3A_1130 : i32 to index
        %get3A_1132 = arith.index_cast %scan3A_160 : i32 to index
        %get3A_1133 = arith.index_cast %add3A_1126 : i32 to index
        %get3A_1134 = arith.index_cast %sub3A_1129 : i32 to index
        %get3A_1135 = tpu.vector_load %arg11[%get3A_1131, %get3A_1132, %get3A_1133, %get3A_1134] {strides = array<i32>} : memref<4x2x32x128xf32, #tpu.memory_space<vmem>>, vector<1x1x1x16xf32>,
        %get3A_1136 = vector.shape_cast %get3A_1135 : vector<1x1x1x16xf32> to vector<16xf32>
        %select_n3A_1137 = arith.select %eq3A_29, %get3A_1136, %select_n3A_1120 : vector<16xi1>, vector<16xf32>
        %sub3A_1138 = arith.constant 6 : i32
        %sub3A_1139 = arith.subi %and3A_757, %sub3A_1138 : i32
        %shift_right_arithmetic3A_1140 = arith.constant 31 : i32
        %shift_right_arithmetic3A_1141 = arith.shrsi %sub3A_1139, %shift_right_arithmetic3A_1140 : i32
        %add3A_1142 = arith.constant 22 : i32
        %add3A_1143 = arith.addi %add3A_1142, %shift_right_arithmetic3A_1141 : i32
        %shift_left3A_1144 = arith.constant 7 : i32
        %shift_left3A_1145 = arith.shli %shift_right_arithmetic3A_1141, %shift_left3A_1144 : i32
        %sub3A_1146 = arith.subi %sub3A_1139, %shift_left3A_1145 : i32
        %get3A_1147 = arith.constant 1 : i32
        %get3A_1148 = arith.index_cast %get3A_1147 : i32 to index
        %get3A_1149 = arith.index_cast %scan3A_160 : i32 to index
        %get3A_1150 = arith.index_cast %add3A_1143 : i32 to index
        %get3A_1151 = arith.index_cast %sub3A_1146 : i32 to index
        %get3A_1152 = tpu.vector_load %arg11[%get3A_1148, %get3A_1149, %get3A_1150, %get3A_1151] {strides = array<i32>} : memref<4x2x32x128xf32, #tpu.memory_space<vmem>>, vector<1x1x1x16xf32>,
        %get3A_1153 = vector.shape_cast %get3A_1152 : vector<1x1x1x16xf32> to vector<16xf32>
        %select_n3A_1154 = arith.select %eq3A_32, %get3A_1153, %select_n3A_1137 : vector<16xi1>, vector<16xf32>
        %sub3A_1155 = arith.constant 7 : i32
        %sub3A_1156 = arith.subi %and3A_757, %sub3A_1155 : i32
        %shift_right_arithmetic3A_1157 = arith.constant 31 : i32
        %shift_right_arithmetic3A_1158 = arith.shrsi %sub3A_1156, %shift_right_arithmetic3A_1157 : i32
        %add3A_1159 = arith.constant 23 : i32
        %add3A_1160 = arith.addi %add3A_1159, %shift_right_arithmetic3A_1158 : i32
        %shift_left3A_1161 = arith.constant 7 : i32
        %shift_left3A_1162 = arith.shli %shift_right_arithmetic3A_1158, %shift_left3A_1161 : i32
        %sub3A_1163 = arith.subi %sub3A_1156, %shift_left3A_1162 : i32
        %get3A_1164 = arith.constant 1 : i32
        %get3A_1165 = arith.index_cast %get3A_1164 : i32 to index
        %get3A_1166 = arith.index_cast %scan3A_160 : i32 to index
        %get3A_1167 = arith.index_cast %add3A_1160 : i32 to index
        %get3A_1168 = arith.index_cast %sub3A_1163 : i32 to index
        %get3A_1169 = tpu.vector_load %arg11[%get3A_1165, %get3A_1166, %get3A_1167, %get3A_1168] {strides = array<i32>} : memref<4x2x32x128xf32, #tpu.memory_space<vmem>>, vector<1x1x1x16xf32>,
        %get3A_1170 = vector.shape_cast %get3A_1169 : vector<1x1x1x16xf32> to vector<16xf32>
        %select_n3A_1171 = arith.select %eq3A_35, %get3A_1170, %select_n3A_1154 : vector<16xi1>, vector<16xf32>
        %sub3A_1172 = arith.constant 8 : i32
        %sub3A_1173 = arith.subi %and3A_757, %sub3A_1172 : i32
        %shift_right_arithmetic3A_1174 = arith.constant 31 : i32
        %shift_right_arithmetic3A_1175 = arith.shrsi %sub3A_1173, %shift_right_arithmetic3A_1174 : i32
        %add3A_1176 = arith.constant 24 : i32
        %add3A_1177 = arith.addi %add3A_1176, %shift_right_arithmetic3A_1175 : i32
        %shift_left3A_1178 = arith.constant 7 : i32
        %shift_left3A_1179 = arith.shli %shift_right_arithmetic3A_1175, %shift_left3A_1178 : i32
        %sub3A_1180 = arith.subi %sub3A_1173, %shift_left3A_1179 : i32
        %get3A_1181 = arith.constant 1 : i32
        %get3A_1182 = arith.index_cast %get3A_1181 : i32 to index
        %get3A_1183 = arith.index_cast %scan3A_160 : i32 to index
        %get3A_1184 = arith.index_cast %add3A_1177 : i32 to index
        %get3A_1185 = arith.index_cast %sub3A_1180 : i32 to index
        %get3A_1186 = tpu.vector_load %arg11[%get3A_1182, %get3A_1183, %get3A_1184, %get3A_1185] {strides = array<i32>} : memref<4x2x32x128xf32, #tpu.memory_space<vmem>>, vector<1x1x1x16xf32>,
        %get3A_1187 = vector.shape_cast %get3A_1186 : vector<1x1x1x16xf32> to vector<16xf32>
        %select_n3A_1188 = arith.select %eq3A_38, %get3A_1187, %select_n3A_1171 : vector<16xi1>, vector<16xf32>
        %sub3A_1189 = arith.constant 9 : i32
        %sub3A_1190 = arith.subi %and3A_757, %sub3A_1189 : i32
        %shift_right_arithmetic3A_1191 = arith.constant 31 : i32
        %shift_right_arithmetic3A_1192 = arith.shrsi %sub3A_1190, %shift_right_arithmetic3A_1191 : i32
        %add3A_1193 = arith.constant 25 : i32
        %add3A_1194 = arith.addi %add3A_1193, %shift_right_arithmetic3A_1192 : i32
        %shift_left3A_1195 = arith.constant 7 : i32
        %shift_left3A_1196 = arith.shli %shift_right_arithmetic3A_1192, %shift_left3A_1195 : i32
        %sub3A_1197 = arith.subi %sub3A_1190, %shift_left3A_1196 : i32
        %get3A_1198 = arith.constant 1 : i32
        %get3A_1199 = arith.index_cast %get3A_1198 : i32 to index
        %get3A_1200 = arith.index_cast %scan3A_160 : i32 to index
        %get3A_1201 = arith.index_cast %add3A_1194 : i32 to index
        %get3A_1202 = arith.index_cast %sub3A_1197 : i32 to index
        %get3A_1203 = tpu.vector_load %arg11[%get3A_1199, %get3A_1200, %get3A_1201, %get3A_1202] {strides = array<i32>} : memref<4x2x32x128xf32, #tpu.memory_space<vmem>>, vector<1x1x1x16xf32>,
        %get3A_1204 = vector.shape_cast %get3A_1203 : vector<1x1x1x16xf32> to vector<16xf32>
        %select_n3A_1205 = arith.select %eq3A_41, %get3A_1204, %select_n3A_1188 : vector<16xi1>, vector<16xf32>
        %sub3A_1206 = arith.constant 10 : i32
        %sub3A_1207 = arith.subi %and3A_757, %sub3A_1206 : i32
        %shift_right_arithmetic3A_1208 = arith.constant 31 : i32
        %shift_right_arithmetic3A_1209 = arith.shrsi %sub3A_1207, %shift_right_arithmetic3A_1208 : i32
        %add3A_1210 = arith.constant 26 : i32
        %add3A_1211 = arith.addi %add3A_1210, %shift_right_arithmetic3A_1209 : i32
        %shift_left3A_1212 = arith.constant 7 : i32
        %shift_left3A_1213 = arith.shli %shift_right_arithmetic3A_1209, %shift_left3A_1212 : i32
        %sub3A_1214 = arith.subi %sub3A_1207, %shift_left3A_1213 : i32
        %get3A_1215 = arith.constant 1 : i32
        %get3A_1216 = arith.index_cast %get3A_1215 : i32 to index
        %get3A_1217 = arith.index_cast %scan3A_160 : i32 to index
        %get3A_1218 = arith.index_cast %add3A_1211 : i32 to index
        %get3A_1219 = arith.index_cast %sub3A_1214 : i32 to index
        %get3A_1220 = tpu.vector_load %arg11[%get3A_1216, %get3A_1217, %get3A_1218, %get3A_1219] {strides = array<i32>} : memref<4x2x32x128xf32, #tpu.memory_space<vmem>>, vector<1x1x1x16xf32>,
        %get3A_1221 = vector.shape_cast %get3A_1220 : vector<1x1x1x16xf32> to vector<16xf32>
        %select_n3A_1222 = arith.select %eq3A_44, %get3A_1221, %select_n3A_1205 : vector<16xi1>, vector<16xf32>
        %sub3A_1223 = arith.constant 11 : i32
        %sub3A_1224 = arith.subi %and3A_757, %sub3A_1223 : i32
        %shift_right_arithmetic3A_1225 = arith.constant 31 : i32
        %shift_right_arithmetic3A_1226 = arith.shrsi %sub3A_1224, %shift_right_arithmetic3A_1225 : i32
        %add3A_1227 = arith.constant 27 : i32
        %add3A_1228 = arith.addi %add3A_1227, %shift_right_arithmetic3A_1226 : i32
        %shift_left3A_1229 = arith.constant 7 : i32
        %shift_left3A_1230 = arith.shli %shift_right_arithmetic3A_1226, %shift_left3A_1229 : i32
        %sub3A_1231 = arith.subi %sub3A_1224, %shift_left3A_1230 : i32
        %get3A_1232 = arith.constant 1 : i32
        %get3A_1233 = arith.index_cast %get3A_1232 : i32 to index
        %get3A_1234 = arith.index_cast %scan3A_160 : i32 to index
        %get3A_1235 = arith.index_cast %add3A_1228 : i32 to index
        %get3A_1236 = arith.index_cast %sub3A_1231 : i32 to index
        %get3A_1237 = tpu.vector_load %arg11[%get3A_1233, %get3A_1234, %get3A_1235, %get3A_1236] {strides = array<i32>} : memref<4x2x32x128xf32, #tpu.memory_space<vmem>>, vector<1x1x1x16xf32>,
        %get3A_1238 = vector.shape_cast %get3A_1237 : vector<1x1x1x16xf32> to vector<16xf32>
        %select_n3A_1239 = arith.select %eq3A_47, %get3A_1238, %select_n3A_1222 : vector<16xi1>, vector<16xf32>
        %sub3A_1240 = arith.constant 12 : i32
        %sub3A_1241 = arith.subi %and3A_757, %sub3A_1240 : i32
        %shift_right_arithmetic3A_1242 = arith.constant 31 : i32
        %shift_right_arithmetic3A_1243 = arith.shrsi %sub3A_1241, %shift_right_arithmetic3A_1242 : i32
        %add3A_1244 = arith.constant 28 : i32
        %add3A_1245 = arith.addi %add3A_1244, %shift_right_arithmetic3A_1243 : i32
        %shift_left3A_1246 = arith.constant 7 : i32
        %shift_left3A_1247 = arith.shli %shift_right_arithmetic3A_1243, %shift_left3A_1246 : i32
        %sub3A_1248 = arith.subi %sub3A_1241, %shift_left3A_1247 : i32
        %get3A_1249 = arith.constant 1 : i32
        %get3A_1250 = arith.index_cast %get3A_1249 : i32 to index
        %get3A_1251 = arith.index_cast %scan3A_160 : i32 to index
        %get3A_1252 = arith.index_cast %add3A_1245 : i32 to index
        %get3A_1253 = arith.index_cast %sub3A_1248 : i32 to index
        %get3A_1254 = tpu.vector_load %arg11[%get3A_1250, %get3A_1251, %get3A_1252, %get3A_1253] {strides = array<i32>} : memref<4x2x32x128xf32, #tpu.memory_space<vmem>>, vector<1x1x1x16xf32>,
        %get3A_1255 = vector.shape_cast %get3A_1254 : vector<1x1x1x16xf32> to vector<16xf32>
        %select_n3A_1256 = arith.select %eq3A_50, %get3A_1255, %select_n3A_1239 : vector<16xi1>, vector<16xf32>
        %sub3A_1257 = arith.constant 13 : i32
        %sub3A_1258 = arith.subi %and3A_757, %sub3A_1257 : i32
        %shift_right_arithmetic3A_1259 = arith.constant 31 : i32
        %shift_right_arithmetic3A_1260 = arith.shrsi %sub3A_1258, %shift_right_arithmetic3A_1259 : i32
        %add3A_1261 = arith.constant 29 : i32
        %add3A_1262 = arith.addi %add3A_1261, %shift_right_arithmetic3A_1260 : i32
        %shift_left3A_1263 = arith.constant 7 : i32
        %shift_left3A_1264 = arith.shli %shift_right_arithmetic3A_1260, %shift_left3A_1263 : i32
        %sub3A_1265 = arith.subi %sub3A_1258, %shift_left3A_1264 : i32
        %get3A_1266 = arith.constant 1 : i32
        %get3A_1267 = arith.index_cast %get3A_1266 : i32 to index
        %get3A_1268 = arith.index_cast %scan3A_160 : i32 to index
        %get3A_1269 = arith.index_cast %add3A_1262 : i32 to index
        %get3A_1270 = arith.index_cast %sub3A_1265 : i32 to index
        %get3A_1271 = tpu.vector_load %arg11[%get3A_1267, %get3A_1268, %get3A_1269, %get3A_1270] {strides = array<i32>} : memref<4x2x32x128xf32, #tpu.memory_space<vmem>>, vector<1x1x1x16xf32>,
        %get3A_1272 = vector.shape_cast %get3A_1271 : vector<1x1x1x16xf32> to vector<16xf32>
        %select_n3A_1273 = arith.select %eq3A_53, %get3A_1272, %select_n3A_1256 : vector<16xi1>, vector<16xf32>
        %sub3A_1274 = arith.constant 14 : i32
        %sub3A_1275 = arith.subi %and3A_757, %sub3A_1274 : i32
        %shift_right_arithmetic3A_1276 = arith.constant 31 : i32
        %shift_right_arithmetic3A_1277 = arith.shrsi %sub3A_1275, %shift_right_arithmetic3A_1276 : i32
        %add3A_1278 = arith.constant 30 : i32
        %add3A_1279 = arith.addi %add3A_1278, %shift_right_arithmetic3A_1277 : i32
        %shift_left3A_1280 = arith.constant 7 : i32
        %shift_left3A_1281 = arith.shli %shift_right_arithmetic3A_1277, %shift_left3A_1280 : i32
        %sub3A_1282 = arith.subi %sub3A_1275, %shift_left3A_1281 : i32
        %get3A_1283 = arith.constant 1 : i32
        %get3A_1284 = arith.index_cast %get3A_1283 : i32 to index
        %get3A_1285 = arith.index_cast %scan3A_160 : i32 to index
        %get3A_1286 = arith.index_cast %add3A_1279 : i32 to index
        %get3A_1287 = arith.index_cast %sub3A_1282 : i32 to index
        %get3A_1288 = tpu.vector_load %arg11[%get3A_1284, %get3A_1285, %get3A_1286, %get3A_1287] {strides = array<i32>} : memref<4x2x32x128xf32, #tpu.memory_space<vmem>>, vector<1x1x1x16xf32>,
        %get3A_1289 = vector.shape_cast %get3A_1288 : vector<1x1x1x16xf32> to vector<16xf32>
        %select_n3A_1290 = arith.select %eq3A_56, %get3A_1289, %select_n3A_1273 : vector<16xi1>, vector<16xf32>
        %sub3A_1291 = arith.constant 15 : i32
        %sub3A_1292 = arith.subi %and3A_757, %sub3A_1291 : i32
        %shift_right_arithmetic3A_1293 = arith.constant 31 : i32
        %shift_right_arithmetic3A_1294 = arith.shrsi %sub3A_1292, %shift_right_arithmetic3A_1293 : i32
        %add3A_1295 = arith.constant 31 : i32
        %add3A_1296 = arith.addi %add3A_1295, %shift_right_arithmetic3A_1294 : i32
        %shift_left3A_1297 = arith.constant 7 : i32
        %shift_left3A_1298 = arith.shli %shift_right_arithmetic3A_1294, %shift_left3A_1297 : i32
        %sub3A_1299 = arith.subi %sub3A_1292, %shift_left3A_1298 : i32
        %get3A_1300 = arith.constant 1 : i32
        %get3A_1301 = arith.index_cast %get3A_1300 : i32 to index
        %get3A_1302 = arith.index_cast %scan3A_160 : i32 to index
        %get3A_1303 = arith.index_cast %add3A_1296 : i32 to index
        %get3A_1304 = arith.index_cast %sub3A_1299 : i32 to index
        %get3A_1305 = tpu.vector_load %arg11[%get3A_1301, %get3A_1302, %get3A_1303, %get3A_1304] {strides = array<i32>} : memref<4x2x32x128xf32, #tpu.memory_space<vmem>>, vector<1x1x1x16xf32>,
        %get3A_1306 = vector.shape_cast %get3A_1305 : vector<1x1x1x16xf32> to vector<16xf32>
        %select_n3A_1307 = arith.select %eq3A_59, %get3A_1306, %select_n3A_1290 : vector<16xi1>, vector<16xf32>
        %mul3A_1308 = arith.constant 32 : i32
        %mul3A_1309 = arith.muli %add3A_192, %mul3A_1308 : i32
        %add3A_1310 = arith.constant 16 : i32
        %add3A_1311 = arith.addi %mul3A_1309, %add3A_1310 : i32
        %swap3A_1312 = arith.index_cast %add3A_1311 : i32 to index
        %swap3A_1313 = tpu.vector_load %arg13[%swap3A_1312] {strides = array<i32>} : memref<4096xf32, #tpu.memory_space<vmem>>, vector<16xf32>,
        %swap3A_1314 = vector.shape_cast %swap3A_1313 : vector<16xf32> to vector<16xf32>
        %swap3A_1315 = vector.shape_cast %select_n3A_1307 : vector<16xf32> to vector<16xf32>
        tpu.vector_store %arg13[%swap3A_1312], %swap3A_1315 {strides = array<i32>} : memref<4096xf32, #tpu.memory_space<vmem>>, vector<16xf32>,
      }
      %scan3A_121 = arith.constant 2 : i32
      %mul3A_122 = arith.constant 4 : i32
      %mul3A_123 = arith.muli %scan3A_87, %mul3A_122 : i32
      %add3A_124 = arith.constant 2 : i32
      %add3A_125 = arith.addi %mul3A_123, %add3A_124 : i32
      %add3A_126 = arith.constant 4 : i32
      %add3A_127 = arith.addi %add3A_125, %add3A_126 : i32
      %sub3A_128 = arith.constant 1 : i32
      %sub3A_129 = arith.subi %add3A_127, %sub3A_128 : i32
      %lt3A_130 = arith.constant 64 : i32
      %lt3A_131 = arith.cmpi slt, %sub3A_129, %lt3A_130 : i32
      %convert_element_type3A_132 = arith.extui %lt3A_131 : i1 to i32
      %cond3A_133 = arith.constant 0 : i32
      %cond3A_134 = arith.cmpi ne, %convert_element_type3A_132, %cond3A_133 : i32
      scf.if %cond3A_134 {
        %add3A_160 = arith.constant 4 : i32
        %add3A_161 = arith.addi %add3A_125, %add3A_160 : i32
        %sub3A_162 = arith.constant 1 : i32
        %sub3A_163 = arith.subi %add3A_161, %sub3A_162 : i32
        %scan3A_164 = arith.constant 0 : i32
        %scan3A_165 = arith.constant 0 : i32
        %scan3A_166 = arith.constant 2 : i32
        %scan3A_167 = arith.addi %scan3A_165, %scan3A_166 : i32
        %scan3A_168 = arith.constant 1 : i32
        scf.for %scan3A_170 = %scan3A_165 to %scan3A_167 step %scan3A_168  : i32 {
          %mul3A_171 = arith.constant 2 : i32
          %mul3A_172 = arith.muli %sub3A_163, %mul3A_171 : i32
          %add3A_173 = arith.addi %mul3A_172, %scan3A_170 : i32
          %get3A = arith.index_cast %add3A_173 : i32 to index
          %get3A_174 = tpu.vector_load %arg8[%get3A] {strides = array<i32>} : memref<144xi32, #tpu.memory_space<vmem>>, vector<16xi32>,
          %get3A_175 = vector.shape_cast %get3A_174 : vector<16xi32> to vector<16xi32>
          %slice3A = vector.extract_strided_slice %get3A_175 {offsets = [0], sizes = [1], strides = [1]} : vector<16xi32> to vector<1xi32>
          %squeeze3A = vector.extract %slice3A[0] : i32 from vector<1xi32>
          %get3A_176 = arith.index_cast %add3A_173 : i32 to index
          %get3A_177 = tpu.vector_load %arg9[%get3A_176] {strides = array<i32>} : memref<144xi32, #tpu.memory_space<vmem>>, vector<16xi32>,
          %get3A_178 = vector.shape_cast %get3A_177 : vector<16xi32> to vector<16xi32>
          %slice3A_179 = vector.extract_strided_slice %get3A_178 {offsets = [0], sizes = [1], strides = [1]} : vector<16xi32> to vector<1xi32>
          %squeeze3A_180 = vector.extract %slice3A_179[0] : i32 from vector<1xi32>
          %shift_right_arithmetic3A = arith.constant 7 : i32
          %shift_right_arithmetic3A_181 = arith.shrsi %squeeze3A, %shift_right_arithmetic3A : i32
          %mul3A_182 = arith.constant 128 : i32
          %mul3A_183 = arith.muli %shift_right_arithmetic3A_181, %mul3A_182 : i32
          %multiple_of3A = tpu.assume_multiple %mul3A_183, 128 : i32
          %shift_right_arithmetic3A_184 = arith.constant 7 : i32
          %shift_right_arithmetic3A_185 = arith.shrsi %squeeze3A_180, %shift_right_arithmetic3A_184 : i32
          %mul3A_186 = arith.constant 128 : i32
          %mul3A_187 = arith.muli %shift_right_arithmetic3A_185, %mul3A_186 : i32
          %multiple_of3A_188 = tpu.assume_multiple %mul3A_187, 128 : i32
          %dma_start3A = arith.constant 1 : i32
          %dma_start3A_189 = arith.constant 0 : i32
          %dma_start3A_190 = arith.constant 0 : i32
          %dma_start3A_191 = tpu.memref_slice %arg10[%dma_start3A, %scan3A_170, %dma_start3A_189, %dma_start3A_190] : memref<4x2x32x128xf32, #tpu.memory_space<vmem>> -> memref<1x1x32x128xf32, #tpu.memory_space<vmem>>
          %dma_start3A_192 = tpu.memref_squeeze %dma_start3A_191 : memref<1x1x32x128xf32, #tpu.memory_space<vmem>> -> memref<32x128xf32, #tpu.memory_space<vmem>>
          %dma_start3A_193 = arith.constant 0 : i32
          %dma_start3A_194 = tpu.memref_slice %arg4[%dma_start3A_193, %multiple_of3A] : memref<32x1000000xf32, #tpu.memory_space<hbm>> -> memref<32x128xf32, #tpu.memory_space<hbm>>
          %dma_start3A_195 = arith.constant 0 : i32
          %dma_start3A_196 = arith.constant 0 : i32
          %dma_start3A_197 = tpu.memref_slice %arg10[%dma_start3A, %scan3A_170, %dma_start3A_195, %dma_start3A_196] : memref<4x2x32x128xf32, #tpu.memory_space<vmem>> -> memref<1x1x32x128xf32, #tpu.memory_space<vmem>>
          %dma_start3A_198 = tpu.memref_squeeze %dma_start3A_197 : memref<1x1x32x128xf32, #tpu.memory_space<vmem>> -> memref<32x128xf32, #tpu.memory_space<vmem>>
          %dma_start3A_199 = arith.constant 0 : i32
          %dma_start3A_200 = tpu.memref_slice %arg4[%dma_start3A_199, %multiple_of3A] : memref<32x1000000xf32, #tpu.memory_space<hbm>> -> memref<32x128xf32, #tpu.memory_space<hbm>>
          tpu.enqueue_dma source(%dma_start3A_200 : memref<32x128xf32, #tpu.memory_space<hbm>>) target(%dma_start3A_198 : memref<32x128xf32, #tpu.memory_space<vmem>>) target_semaphore(%arg15 : memref<!tpu.dma_semaphore, #tpu.memory_space<semaphore_mem>>)
          %dma_start3A_201 = arith.constant 1 : i32
          %dma_start3A_202 = arith.constant 0 : i32
          %dma_start3A_203 = arith.constant 0 : i32
          %dma_start3A_204 = tpu.memref_slice %arg11[%dma_start3A_201, %scan3A_170, %dma_start3A_202, %dma_start3A_203] : memref<4x2x32x128xf32, #tpu.memory_space<vmem>> -> memref<1x1x32x128xf32, #tpu.memory_space<vmem>>
          %dma_start3A_205 = tpu.memref_squeeze %dma_start3A_204 : memref<1x1x32x128xf32, #tpu.memory_space<vmem>> -> memref<32x128xf32, #tpu.memory_space<vmem>>
          %dma_start3A_206 = arith.constant 0 : i32
          %dma_start3A_207 = tpu.memref_slice %arg5[%dma_start3A_206, %multiple_of3A_188] : memref<32x1000000xf32, #tpu.memory_space<hbm>> -> memref<32x128xf32, #tpu.memory_space<hbm>>
          %dma_start3A_208 = arith.constant 0 : i32
          %dma_start3A_209 = arith.constant 0 : i32
          %dma_start3A_210 = tpu.memref_slice %arg11[%dma_start3A_201, %scan3A_170, %dma_start3A_208, %dma_start3A_209] : memref<4x2x32x128xf32, #tpu.memory_space<vmem>> -> memref<1x1x32x128xf32, #tpu.memory_space<vmem>>
          %dma_start3A_211 = tpu.memref_squeeze %dma_start3A_210 : memref<1x1x32x128xf32, #tpu.memory_space<vmem>> -> memref<32x128xf32, #tpu.memory_space<vmem>>
          %dma_start3A_212 = arith.constant 0 : i32
          %dma_start3A_213 = tpu.memref_slice %arg5[%dma_start3A_212, %multiple_of3A_188] : memref<32x1000000xf32, #tpu.memory_space<hbm>> -> memref<32x128xf32, #tpu.memory_space<hbm>>
          tpu.enqueue_dma source(%dma_start3A_213 : memref<32x128xf32, #tpu.memory_space<hbm>>) target(%dma_start3A_211 : memref<32x128xf32, #tpu.memory_space<vmem>>) target_semaphore(%arg19 : memref<!tpu.dma_semaphore, #tpu.memory_space<semaphore_mem>>)
        }
        %scan3A_169 = arith.constant 2 : i32
      } else {
      }
      %scan3A_135 = arith.constant 0 : i32
      %scan3A_136 = arith.constant 0 : i32
      %scan3A_137 = arith.constant 2 : i32
      %scan3A_138 = arith.addi %scan3A_136, %scan3A_137 : i32
      %scan3A_139 = arith.constant 1 : i32
      scf.for %scan3A_160 = %scan3A_136 to %scan3A_138 step %scan3A_139  : i32 {
        %dma_wait3A = arith.constant 2 : i32
        %dma_wait3A_161 = arith.constant 0 : i32
        %dma_wait3A_162 = arith.constant 0 : i32
        %dma_wait3A_163 = tpu.memref_slice %arg10[%dma_wait3A, %scan3A_160, %dma_wait3A_161, %dma_wait3A_162] : memref<4x2x32x128xf32, #tpu.memory_space<vmem>> -> memref<1x1x32x128xf32, #tpu.memory_space<vmem>>
        %dma_wait3A_164 = tpu.memref_squeeze %dma_wait3A_163 : memref<1x1x32x128xf32, #tpu.memory_space<vmem>> -> memref<32x128xf32, #tpu.memory_space<vmem>>
        %dma_wait3A_165 = arith.constant 0 : i32
        %dma_wait3A_166 = arith.constant 0 : i32
        %dma_wait3A_167 = tpu.memref_slice %arg4[%dma_wait3A_165, %dma_wait3A_166] : memref<32x1000000xf32, #tpu.memory_space<hbm>> -> memref<32x128xf32, #tpu.memory_space<hbm>>
        %dma_wait3A_168 = arith.constant 0 : i32
        %dma_wait3A_169 = arith.constant 0 : i32
        %dma_wait3A_170 = tpu.memref_slice %arg10[%dma_wait3A, %scan3A_160, %dma_wait3A_168, %dma_wait3A_169] : memref<4x2x32x128xf32, #tpu.memory_space<vmem>> -> memref<1x1x32x128xf32, #tpu.memory_space<vmem>>
        %dma_wait3A_171 = tpu.memref_squeeze %dma_wait3A_170 : memref<1x1x32x128xf32, #tpu.memory_space<vmem>> -> memref<32x128xf32, #tpu.memory_space<vmem>>
        %dma_wait3A_172 = arith.constant 0 : i32
        %dma_wait3A_173 = arith.constant 0 : i32
        %dma_wait3A_174 = tpu.memref_slice %arg4[%dma_wait3A_172, %dma_wait3A_173] : memref<32x1000000xf32, #tpu.memory_space<hbm>> -> memref<32x128xf32, #tpu.memory_space<hbm>>
        tpu.wait_dma2 semaphore(%arg16 : memref<!tpu.dma_semaphore, #tpu.memory_space<semaphore_mem>>) src(%dma_wait3A_174 : memref<32x128xf32, #tpu.memory_space<hbm>>) dst(%dma_wait3A_171 : memref<32x128xf32, #tpu.memory_space<vmem>>)
        %dma_wait3A_175 = arith.constant 2 : i32
        %dma_wait3A_176 = arith.constant 0 : i32
        %dma_wait3A_177 = arith.constant 0 : i32
        %dma_wait3A_178 = tpu.memref_slice %arg11[%dma_wait3A_175, %scan3A_160, %dma_wait3A_176, %dma_wait3A_177] : memref<4x2x32x128xf32, #tpu.memory_space<vmem>> -> memref<1x1x32x128xf32, #tpu.memory_space<vmem>>
        %dma_wait3A_179 = tpu.memref_squeeze %dma_wait3A_178 : memref<1x1x32x128xf32, #tpu.memory_space<vmem>> -> memref<32x128xf32, #tpu.memory_space<vmem>>
        %dma_wait3A_180 = arith.constant 0 : i32
        %dma_wait3A_181 = arith.constant 0 : i32
        %dma_wait3A_182 = tpu.memref_slice %arg5[%dma_wait3A_180, %dma_wait3A_181] : memref<32x1000000xf32, #tpu.memory_space<hbm>> -> memref<32x128xf32, #tpu.memory_space<hbm>>
        %dma_wait3A_183 = arith.constant 0 : i32
        %dma_wait3A_184 = arith.constant 0 : i32
        %dma_wait3A_185 = tpu.memref_slice %arg11[%dma_wait3A_175, %scan3A_160, %dma_wait3A_183, %dma_wait3A_184] : memref<4x2x32x128xf32, #tpu.memory_space<vmem>> -> memref<1x1x32x128xf32, #tpu.memory_space<vmem>>
        %dma_wait3A_186 = tpu.memref_squeeze %dma_wait3A_185 : memref<1x1x32x128xf32, #tpu.memory_space<vmem>> -> memref<32x128xf32, #tpu.memory_space<vmem>>
        %dma_wait3A_187 = arith.constant 0 : i32
        %dma_wait3A_188 = arith.constant 0 : i32
        %dma_wait3A_189 = tpu.memref_slice %arg5[%dma_wait3A_187, %dma_wait3A_188] : memref<32x1000000xf32, #tpu.memory_space<hbm>> -> memref<32x128xf32, #tpu.memory_space<hbm>>
        tpu.wait_dma2 semaphore(%arg20 : memref<!tpu.dma_semaphore, #tpu.memory_space<semaphore_mem>>) src(%dma_wait3A_189 : memref<32x128xf32, #tpu.memory_space<hbm>>) dst(%dma_wait3A_186 : memref<32x128xf32, #tpu.memory_space<vmem>>)
        %mul3A_190 = arith.constant 2 : i32
        %mul3A_191 = arith.muli %add3A_125, %mul3A_190 : i32
        %add3A_192 = arith.addi %mul3A_191, %scan3A_160 : i32
        %get3A = arith.index_cast %add3A_192 : i32 to index
        %get3A_193 = tpu.vector_load %arg8[%get3A] {strides = array<i32>} : memref<144xi32, #tpu.memory_space<vmem>>, vector<16xi32>,
        %get3A_194 = vector.shape_cast %get3A_193 : vector<16xi32> to vector<16xi32>
        %slice3A = vector.extract_strided_slice %get3A_194 {offsets = [0], sizes = [1], strides = [1]} : vector<16xi32> to vector<1xi32>
        %squeeze3A = vector.extract %slice3A[0] : i32 from vector<1xi32>
        %get3A_195 = arith.index_cast %add3A_192 : i32 to index
        %get3A_196 = tpu.vector_load %arg9[%get3A_195] {strides = array<i32>} : memref<144xi32, #tpu.memory_space<vmem>>, vector<16xi32>,
        %get3A_197 = vector.shape_cast %get3A_196 : vector<16xi32> to vector<16xi32>
        %slice3A_198 = vector.extract_strided_slice %get3A_197 {offsets = [0], sizes = [1], strides = [1]} : vector<16xi32> to vector<1xi32>
        %squeeze3A_199 = vector.extract %slice3A_198[0] : i32 from vector<1xi32>
        %and3A = arith.constant 127 : i32
        %and3A_200 = arith.andi %squeeze3A, %and3A : i32
        %sub3A_201 = arith.constant 0 : i32
        %sub3A_202 = arith.subi %and3A_200, %sub3A_201 : i32
        %shift_right_arithmetic3A = arith.constant 31 : i32
        %shift_right_arithmetic3A_203 = arith.shrsi %sub3A_202, %shift_right_arithmetic3A : i32
        %add3A_204 = arith.constant 0 : i32
        %add3A_205 = arith.addi %add3A_204, %shift_right_arithmetic3A_203 : i32
        %shift_left3A = arith.constant 7 : i32
        %shift_left3A_206 = arith.shli %shift_right_arithmetic3A_203, %shift_left3A : i32
        %sub3A_207 = arith.subi %sub3A_202, %shift_left3A_206 : i32
        %get3A_208 = arith.constant 2 : i32
        %get3A_209 = arith.index_cast %get3A_208 : i32 to index
        %get3A_210 = arith.index_cast %scan3A_160 : i32 to index
        %get3A_211 = arith.index_cast %add3A_205 : i32 to index
        %get3A_212 = arith.index_cast %sub3A_207 : i32 to index
        %get3A_213 = tpu.vector_load %arg10[%get3A_209, %get3A_210, %get3A_211, %get3A_212] {strides = array<i32>} : memref<4x2x32x128xf32, #tpu.memory_space<vmem>>, vector<1x1x1x16xf32>,
        %get3A_214 = vector.shape_cast %get3A_213 : vector<1x1x1x16xf32> to vector<16xf32>
        %sub3A_215 = arith.constant 1 : i32
        %sub3A_216 = arith.subi %and3A_200, %sub3A_215 : i32
        %shift_right_arithmetic3A_217 = arith.constant 31 : i32
        %shift_right_arithmetic3A_218 = arith.shrsi %sub3A_216, %shift_right_arithmetic3A_217 : i32
        %add3A_219 = arith.constant 1 : i32
        %add3A_220 = arith.addi %add3A_219, %shift_right_arithmetic3A_218 : i32
        %shift_left3A_221 = arith.constant 7 : i32
        %shift_left3A_222 = arith.shli %shift_right_arithmetic3A_218, %shift_left3A_221 : i32
        %sub3A_223 = arith.subi %sub3A_216, %shift_left3A_222 : i32
        %get3A_224 = arith.constant 2 : i32
        %get3A_225 = arith.index_cast %get3A_224 : i32 to index
        %get3A_226 = arith.index_cast %scan3A_160 : i32 to index
        %get3A_227 = arith.index_cast %add3A_220 : i32 to index
        %get3A_228 = arith.index_cast %sub3A_223 : i32 to index
        %get3A_229 = tpu.vector_load %arg10[%get3A_225, %get3A_226, %get3A_227, %get3A_228] {strides = array<i32>} : memref<4x2x32x128xf32, #tpu.memory_space<vmem>>, vector<1x1x1x16xf32>,
        %get3A_230 = vector.shape_cast %get3A_229 : vector<1x1x1x16xf32> to vector<16xf32>
        %select_n3A = arith.select %eq3A_17, %get3A_230, %get3A_214 : vector<16xi1>, vector<16xf32>
        %sub3A_231 = arith.constant 2 : i32
        %sub3A_232 = arith.subi %and3A_200, %sub3A_231 : i32
        %shift_right_arithmetic3A_233 = arith.constant 31 : i32
        %shift_right_arithmetic3A_234 = arith.shrsi %sub3A_232, %shift_right_arithmetic3A_233 : i32
        %add3A_235 = arith.constant 2 : i32
        %add3A_236 = arith.addi %add3A_235, %shift_right_arithmetic3A_234 : i32
        %shift_left3A_237 = arith.constant 7 : i32
        %shift_left3A_238 = arith.shli %shift_right_arithmetic3A_234, %shift_left3A_237 : i32
        %sub3A_239 = arith.subi %sub3A_232, %shift_left3A_238 : i32
        %get3A_240 = arith.constant 2 : i32
        %get3A_241 = arith.index_cast %get3A_240 : i32 to index
        %get3A_242 = arith.index_cast %scan3A_160 : i32 to index
        %get3A_243 = arith.index_cast %add3A_236 : i32 to index
        %get3A_244 = arith.index_cast %sub3A_239 : i32 to index
        %get3A_245 = tpu.vector_load %arg10[%get3A_241, %get3A_242, %get3A_243, %get3A_244] {strides = array<i32>} : memref<4x2x32x128xf32, #tpu.memory_space<vmem>>, vector<1x1x1x16xf32>,
        %get3A_246 = vector.shape_cast %get3A_245 : vector<1x1x1x16xf32> to vector<16xf32>
        %select_n3A_247 = arith.select %eq3A_20, %get3A_246, %select_n3A : vector<16xi1>, vector<16xf32>
        %sub3A_248 = arith.constant 3 : i32
        %sub3A_249 = arith.subi %and3A_200, %sub3A_248 : i32
        %shift_right_arithmetic3A_250 = arith.constant 31 : i32
        %shift_right_arithmetic3A_251 = arith.shrsi %sub3A_249, %shift_right_arithmetic3A_250 : i32
        %add3A_252 = arith.constant 3 : i32
        %add3A_253 = arith.addi %add3A_252, %shift_right_arithmetic3A_251 : i32
        %shift_left3A_254 = arith.constant 7 : i32
        %shift_left3A_255 = arith.shli %shift_right_arithmetic3A_251, %shift_left3A_254 : i32
        %sub3A_256 = arith.subi %sub3A_249, %shift_left3A_255 : i32
        %get3A_257 = arith.constant 2 : i32
        %get3A_258 = arith.index_cast %get3A_257 : i32 to index
        %get3A_259 = arith.index_cast %scan3A_160 : i32 to index
        %get3A_260 = arith.index_cast %add3A_253 : i32 to index
        %get3A_261 = arith.index_cast %sub3A_256 : i32 to index
        %get3A_262 = tpu.vector_load %arg10[%get3A_258, %get3A_259, %get3A_260, %get3A_261] {strides = array<i32>} : memref<4x2x32x128xf32, #tpu.memory_space<vmem>>, vector<1x1x1x16xf32>,
        %get3A_263 = vector.shape_cast %get3A_262 : vector<1x1x1x16xf32> to vector<16xf32>
        %select_n3A_264 = arith.select %eq3A_23, %get3A_263, %select_n3A_247 : vector<16xi1>, vector<16xf32>
        %sub3A_265 = arith.constant 4 : i32
        %sub3A_266 = arith.subi %and3A_200, %sub3A_265 : i32
        %shift_right_arithmetic3A_267 = arith.constant 31 : i32
        %shift_right_arithmetic3A_268 = arith.shrsi %sub3A_266, %shift_right_arithmetic3A_267 : i32
        %add3A_269 = arith.constant 4 : i32
        %add3A_270 = arith.addi %add3A_269, %shift_right_arithmetic3A_268 : i32
        %shift_left3A_271 = arith.constant 7 : i32
        %shift_left3A_272 = arith.shli %shift_right_arithmetic3A_268, %shift_left3A_271 : i32
        %sub3A_273 = arith.subi %sub3A_266, %shift_left3A_272 : i32
        %get3A_274 = arith.constant 2 : i32
        %get3A_275 = arith.index_cast %get3A_274 : i32 to index
        %get3A_276 = arith.index_cast %scan3A_160 : i32 to index
        %get3A_277 = arith.index_cast %add3A_270 : i32 to index
        %get3A_278 = arith.index_cast %sub3A_273 : i32 to index
        %get3A_279 = tpu.vector_load %arg10[%get3A_275, %get3A_276, %get3A_277, %get3A_278] {strides = array<i32>} : memref<4x2x32x128xf32, #tpu.memory_space<vmem>>, vector<1x1x1x16xf32>,
        %get3A_280 = vector.shape_cast %get3A_279 : vector<1x1x1x16xf32> to vector<16xf32>
        %select_n3A_281 = arith.select %eq3A_26, %get3A_280, %select_n3A_264 : vector<16xi1>, vector<16xf32>
        %sub3A_282 = arith.constant 5 : i32
        %sub3A_283 = arith.subi %and3A_200, %sub3A_282 : i32
        %shift_right_arithmetic3A_284 = arith.constant 31 : i32
        %shift_right_arithmetic3A_285 = arith.shrsi %sub3A_283, %shift_right_arithmetic3A_284 : i32
        %add3A_286 = arith.constant 5 : i32
        %add3A_287 = arith.addi %add3A_286, %shift_right_arithmetic3A_285 : i32
        %shift_left3A_288 = arith.constant 7 : i32
        %shift_left3A_289 = arith.shli %shift_right_arithmetic3A_285, %shift_left3A_288 : i32
        %sub3A_290 = arith.subi %sub3A_283, %shift_left3A_289 : i32
        %get3A_291 = arith.constant 2 : i32
        %get3A_292 = arith.index_cast %get3A_291 : i32 to index
        %get3A_293 = arith.index_cast %scan3A_160 : i32 to index
        %get3A_294 = arith.index_cast %add3A_287 : i32 to index
        %get3A_295 = arith.index_cast %sub3A_290 : i32 to index
        %get3A_296 = tpu.vector_load %arg10[%get3A_292, %get3A_293, %get3A_294, %get3A_295] {strides = array<i32>} : memref<4x2x32x128xf32, #tpu.memory_space<vmem>>, vector<1x1x1x16xf32>,
        %get3A_297 = vector.shape_cast %get3A_296 : vector<1x1x1x16xf32> to vector<16xf32>
        %select_n3A_298 = arith.select %eq3A_29, %get3A_297, %select_n3A_281 : vector<16xi1>, vector<16xf32>
        %sub3A_299 = arith.constant 6 : i32
        %sub3A_300 = arith.subi %and3A_200, %sub3A_299 : i32
        %shift_right_arithmetic3A_301 = arith.constant 31 : i32
        %shift_right_arithmetic3A_302 = arith.shrsi %sub3A_300, %shift_right_arithmetic3A_301 : i32
        %add3A_303 = arith.constant 6 : i32
        %add3A_304 = arith.addi %add3A_303, %shift_right_arithmetic3A_302 : i32
        %shift_left3A_305 = arith.constant 7 : i32
        %shift_left3A_306 = arith.shli %shift_right_arithmetic3A_302, %shift_left3A_305 : i32
        %sub3A_307 = arith.subi %sub3A_300, %shift_left3A_306 : i32
        %get3A_308 = arith.constant 2 : i32
        %get3A_309 = arith.index_cast %get3A_308 : i32 to index
        %get3A_310 = arith.index_cast %scan3A_160 : i32 to index
        %get3A_311 = arith.index_cast %add3A_304 : i32 to index
        %get3A_312 = arith.index_cast %sub3A_307 : i32 to index
        %get3A_313 = tpu.vector_load %arg10[%get3A_309, %get3A_310, %get3A_311, %get3A_312] {strides = array<i32>} : memref<4x2x32x128xf32, #tpu.memory_space<vmem>>, vector<1x1x1x16xf32>,
        %get3A_314 = vector.shape_cast %get3A_313 : vector<1x1x1x16xf32> to vector<16xf32>
        %select_n3A_315 = arith.select %eq3A_32, %get3A_314, %select_n3A_298 : vector<16xi1>, vector<16xf32>
        %sub3A_316 = arith.constant 7 : i32
        %sub3A_317 = arith.subi %and3A_200, %sub3A_316 : i32
        %shift_right_arithmetic3A_318 = arith.constant 31 : i32
        %shift_right_arithmetic3A_319 = arith.shrsi %sub3A_317, %shift_right_arithmetic3A_318 : i32
        %add3A_320 = arith.constant 7 : i32
        %add3A_321 = arith.addi %add3A_320, %shift_right_arithmetic3A_319 : i32
        %shift_left3A_322 = arith.constant 7 : i32
        %shift_left3A_323 = arith.shli %shift_right_arithmetic3A_319, %shift_left3A_322 : i32
        %sub3A_324 = arith.subi %sub3A_317, %shift_left3A_323 : i32
        %get3A_325 = arith.constant 2 : i32
        %get3A_326 = arith.index_cast %get3A_325 : i32 to index
        %get3A_327 = arith.index_cast %scan3A_160 : i32 to index
        %get3A_328 = arith.index_cast %add3A_321 : i32 to index
        %get3A_329 = arith.index_cast %sub3A_324 : i32 to index
        %get3A_330 = tpu.vector_load %arg10[%get3A_326, %get3A_327, %get3A_328, %get3A_329] {strides = array<i32>} : memref<4x2x32x128xf32, #tpu.memory_space<vmem>>, vector<1x1x1x16xf32>,
        %get3A_331 = vector.shape_cast %get3A_330 : vector<1x1x1x16xf32> to vector<16xf32>
        %select_n3A_332 = arith.select %eq3A_35, %get3A_331, %select_n3A_315 : vector<16xi1>, vector<16xf32>
        %sub3A_333 = arith.constant 8 : i32
        %sub3A_334 = arith.subi %and3A_200, %sub3A_333 : i32
        %shift_right_arithmetic3A_335 = arith.constant 31 : i32
        %shift_right_arithmetic3A_336 = arith.shrsi %sub3A_334, %shift_right_arithmetic3A_335 : i32
        %add3A_337 = arith.constant 8 : i32
        %add3A_338 = arith.addi %add3A_337, %shift_right_arithmetic3A_336 : i32
        %shift_left3A_339 = arith.constant 7 : i32
        %shift_left3A_340 = arith.shli %shift_right_arithmetic3A_336, %shift_left3A_339 : i32
        %sub3A_341 = arith.subi %sub3A_334, %shift_left3A_340 : i32
        %get3A_342 = arith.constant 2 : i32
        %get3A_343 = arith.index_cast %get3A_342 : i32 to index
        %get3A_344 = arith.index_cast %scan3A_160 : i32 to index
        %get3A_345 = arith.index_cast %add3A_338 : i32 to index
        %get3A_346 = arith.index_cast %sub3A_341 : i32 to index
        %get3A_347 = tpu.vector_load %arg10[%get3A_343, %get3A_344, %get3A_345, %get3A_346] {strides = array<i32>} : memref<4x2x32x128xf32, #tpu.memory_space<vmem>>, vector<1x1x1x16xf32>,
        %get3A_348 = vector.shape_cast %get3A_347 : vector<1x1x1x16xf32> to vector<16xf32>
        %select_n3A_349 = arith.select %eq3A_38, %get3A_348, %select_n3A_332 : vector<16xi1>, vector<16xf32>
        %sub3A_350 = arith.constant 9 : i32
        %sub3A_351 = arith.subi %and3A_200, %sub3A_350 : i32
        %shift_right_arithmetic3A_352 = arith.constant 31 : i32
        %shift_right_arithmetic3A_353 = arith.shrsi %sub3A_351, %shift_right_arithmetic3A_352 : i32
        %add3A_354 = arith.constant 9 : i32
        %add3A_355 = arith.addi %add3A_354, %shift_right_arithmetic3A_353 : i32
        %shift_left3A_356 = arith.constant 7 : i32
        %shift_left3A_357 = arith.shli %shift_right_arithmetic3A_353, %shift_left3A_356 : i32
        %sub3A_358 = arith.subi %sub3A_351, %shift_left3A_357 : i32
        %get3A_359 = arith.constant 2 : i32
        %get3A_360 = arith.index_cast %get3A_359 : i32 to index
        %get3A_361 = arith.index_cast %scan3A_160 : i32 to index
        %get3A_362 = arith.index_cast %add3A_355 : i32 to index
        %get3A_363 = arith.index_cast %sub3A_358 : i32 to index
        %get3A_364 = tpu.vector_load %arg10[%get3A_360, %get3A_361, %get3A_362, %get3A_363] {strides = array<i32>} : memref<4x2x32x128xf32, #tpu.memory_space<vmem>>, vector<1x1x1x16xf32>,
        %get3A_365 = vector.shape_cast %get3A_364 : vector<1x1x1x16xf32> to vector<16xf32>
        %select_n3A_366 = arith.select %eq3A_41, %get3A_365, %select_n3A_349 : vector<16xi1>, vector<16xf32>
        %sub3A_367 = arith.constant 10 : i32
        %sub3A_368 = arith.subi %and3A_200, %sub3A_367 : i32
        %shift_right_arithmetic3A_369 = arith.constant 31 : i32
        %shift_right_arithmetic3A_370 = arith.shrsi %sub3A_368, %shift_right_arithmetic3A_369 : i32
        %add3A_371 = arith.constant 10 : i32
        %add3A_372 = arith.addi %add3A_371, %shift_right_arithmetic3A_370 : i32
        %shift_left3A_373 = arith.constant 7 : i32
        %shift_left3A_374 = arith.shli %shift_right_arithmetic3A_370, %shift_left3A_373 : i32
        %sub3A_375 = arith.subi %sub3A_368, %shift_left3A_374 : i32
        %get3A_376 = arith.constant 2 : i32
        %get3A_377 = arith.index_cast %get3A_376 : i32 to index
        %get3A_378 = arith.index_cast %scan3A_160 : i32 to index
        %get3A_379 = arith.index_cast %add3A_372 : i32 to index
        %get3A_380 = arith.index_cast %sub3A_375 : i32 to index
        %get3A_381 = tpu.vector_load %arg10[%get3A_377, %get3A_378, %get3A_379, %get3A_380] {strides = array<i32>} : memref<4x2x32x128xf32, #tpu.memory_space<vmem>>, vector<1x1x1x16xf32>,
        %get3A_382 = vector.shape_cast %get3A_381 : vector<1x1x1x16xf32> to vector<16xf32>
        %select_n3A_383 = arith.select %eq3A_44, %get3A_382, %select_n3A_366 : vector<16xi1>, vector<16xf32>
        %sub3A_384 = arith.constant 11 : i32
        %sub3A_385 = arith.subi %and3A_200, %sub3A_384 : i32
        %shift_right_arithmetic3A_386 = arith.constant 31 : i32
        %shift_right_arithmetic3A_387 = arith.shrsi %sub3A_385, %shift_right_arithmetic3A_386 : i32
        %add3A_388 = arith.constant 11 : i32
        %add3A_389 = arith.addi %add3A_388, %shift_right_arithmetic3A_387 : i32
        %shift_left3A_390 = arith.constant 7 : i32
        %shift_left3A_391 = arith.shli %shift_right_arithmetic3A_387, %shift_left3A_390 : i32
        %sub3A_392 = arith.subi %sub3A_385, %shift_left3A_391 : i32
        %get3A_393 = arith.constant 2 : i32
        %get3A_394 = arith.index_cast %get3A_393 : i32 to index
        %get3A_395 = arith.index_cast %scan3A_160 : i32 to index
        %get3A_396 = arith.index_cast %add3A_389 : i32 to index
        %get3A_397 = arith.index_cast %sub3A_392 : i32 to index
        %get3A_398 = tpu.vector_load %arg10[%get3A_394, %get3A_395, %get3A_396, %get3A_397] {strides = array<i32>} : memref<4x2x32x128xf32, #tpu.memory_space<vmem>>, vector<1x1x1x16xf32>,
        %get3A_399 = vector.shape_cast %get3A_398 : vector<1x1x1x16xf32> to vector<16xf32>
        %select_n3A_400 = arith.select %eq3A_47, %get3A_399, %select_n3A_383 : vector<16xi1>, vector<16xf32>
        %sub3A_401 = arith.constant 12 : i32
        %sub3A_402 = arith.subi %and3A_200, %sub3A_401 : i32
        %shift_right_arithmetic3A_403 = arith.constant 31 : i32
        %shift_right_arithmetic3A_404 = arith.shrsi %sub3A_402, %shift_right_arithmetic3A_403 : i32
        %add3A_405 = arith.constant 12 : i32
        %add3A_406 = arith.addi %add3A_405, %shift_right_arithmetic3A_404 : i32
        %shift_left3A_407 = arith.constant 7 : i32
        %shift_left3A_408 = arith.shli %shift_right_arithmetic3A_404, %shift_left3A_407 : i32
        %sub3A_409 = arith.subi %sub3A_402, %shift_left3A_408 : i32
        %get3A_410 = arith.constant 2 : i32
        %get3A_411 = arith.index_cast %get3A_410 : i32 to index
        %get3A_412 = arith.index_cast %scan3A_160 : i32 to index
        %get3A_413 = arith.index_cast %add3A_406 : i32 to index
        %get3A_414 = arith.index_cast %sub3A_409 : i32 to index
        %get3A_415 = tpu.vector_load %arg10[%get3A_411, %get3A_412, %get3A_413, %get3A_414] {strides = array<i32>} : memref<4x2x32x128xf32, #tpu.memory_space<vmem>>, vector<1x1x1x16xf32>,
        %get3A_416 = vector.shape_cast %get3A_415 : vector<1x1x1x16xf32> to vector<16xf32>
        %select_n3A_417 = arith.select %eq3A_50, %get3A_416, %select_n3A_400 : vector<16xi1>, vector<16xf32>
        %sub3A_418 = arith.constant 13 : i32
        %sub3A_419 = arith.subi %and3A_200, %sub3A_418 : i32
        %shift_right_arithmetic3A_420 = arith.constant 31 : i32
        %shift_right_arithmetic3A_421 = arith.shrsi %sub3A_419, %shift_right_arithmetic3A_420 : i32
        %add3A_422 = arith.constant 13 : i32
        %add3A_423 = arith.addi %add3A_422, %shift_right_arithmetic3A_421 : i32
        %shift_left3A_424 = arith.constant 7 : i32
        %shift_left3A_425 = arith.shli %shift_right_arithmetic3A_421, %shift_left3A_424 : i32
        %sub3A_426 = arith.subi %sub3A_419, %shift_left3A_425 : i32
        %get3A_427 = arith.constant 2 : i32
        %get3A_428 = arith.index_cast %get3A_427 : i32 to index
        %get3A_429 = arith.index_cast %scan3A_160 : i32 to index
        %get3A_430 = arith.index_cast %add3A_423 : i32 to index
        %get3A_431 = arith.index_cast %sub3A_426 : i32 to index
        %get3A_432 = tpu.vector_load %arg10[%get3A_428, %get3A_429, %get3A_430, %get3A_431] {strides = array<i32>} : memref<4x2x32x128xf32, #tpu.memory_space<vmem>>, vector<1x1x1x16xf32>,
        %get3A_433 = vector.shape_cast %get3A_432 : vector<1x1x1x16xf32> to vector<16xf32>
        %select_n3A_434 = arith.select %eq3A_53, %get3A_433, %select_n3A_417 : vector<16xi1>, vector<16xf32>
        %sub3A_435 = arith.constant 14 : i32
        %sub3A_436 = arith.subi %and3A_200, %sub3A_435 : i32
        %shift_right_arithmetic3A_437 = arith.constant 31 : i32
        %shift_right_arithmetic3A_438 = arith.shrsi %sub3A_436, %shift_right_arithmetic3A_437 : i32
        %add3A_439 = arith.constant 14 : i32
        %add3A_440 = arith.addi %add3A_439, %shift_right_arithmetic3A_438 : i32
        %shift_left3A_441 = arith.constant 7 : i32
        %shift_left3A_442 = arith.shli %shift_right_arithmetic3A_438, %shift_left3A_441 : i32
        %sub3A_443 = arith.subi %sub3A_436, %shift_left3A_442 : i32
        %get3A_444 = arith.constant 2 : i32
        %get3A_445 = arith.index_cast %get3A_444 : i32 to index
        %get3A_446 = arith.index_cast %scan3A_160 : i32 to index
        %get3A_447 = arith.index_cast %add3A_440 : i32 to index
        %get3A_448 = arith.index_cast %sub3A_443 : i32 to index
        %get3A_449 = tpu.vector_load %arg10[%get3A_445, %get3A_446, %get3A_447, %get3A_448] {strides = array<i32>} : memref<4x2x32x128xf32, #tpu.memory_space<vmem>>, vector<1x1x1x16xf32>,
        %get3A_450 = vector.shape_cast %get3A_449 : vector<1x1x1x16xf32> to vector<16xf32>
        %select_n3A_451 = arith.select %eq3A_56, %get3A_450, %select_n3A_434 : vector<16xi1>, vector<16xf32>
        %sub3A_452 = arith.constant 15 : i32
        %sub3A_453 = arith.subi %and3A_200, %sub3A_452 : i32
        %shift_right_arithmetic3A_454 = arith.constant 31 : i32
        %shift_right_arithmetic3A_455 = arith.shrsi %sub3A_453, %shift_right_arithmetic3A_454 : i32
        %add3A_456 = arith.constant 15 : i32
        %add3A_457 = arith.addi %add3A_456, %shift_right_arithmetic3A_455 : i32
        %shift_left3A_458 = arith.constant 7 : i32
        %shift_left3A_459 = arith.shli %shift_right_arithmetic3A_455, %shift_left3A_458 : i32
        %sub3A_460 = arith.subi %sub3A_453, %shift_left3A_459 : i32
        %get3A_461 = arith.constant 2 : i32
        %get3A_462 = arith.index_cast %get3A_461 : i32 to index
        %get3A_463 = arith.index_cast %scan3A_160 : i32 to index
        %get3A_464 = arith.index_cast %add3A_457 : i32 to index
        %get3A_465 = arith.index_cast %sub3A_460 : i32 to index
        %get3A_466 = tpu.vector_load %arg10[%get3A_462, %get3A_463, %get3A_464, %get3A_465] {strides = array<i32>} : memref<4x2x32x128xf32, #tpu.memory_space<vmem>>, vector<1x1x1x16xf32>,
        %get3A_467 = vector.shape_cast %get3A_466 : vector<1x1x1x16xf32> to vector<16xf32>
        %select_n3A_468 = arith.select %eq3A_59, %get3A_467, %select_n3A_451 : vector<16xi1>, vector<16xf32>
        %mul3A_469 = arith.constant 32 : i32
        %mul3A_470 = arith.muli %add3A_192, %mul3A_469 : i32
        %add3A_471 = arith.constant 0 : i32
        %add3A_472 = arith.addi %mul3A_470, %add3A_471 : i32
        %swap3A_473 = arith.index_cast %add3A_472 : i32 to index
        %swap3A_474 = tpu.vector_load %arg12[%swap3A_473] {strides = array<i32>} : memref<4096xf32, #tpu.memory_space<vmem>>, vector<16xf32>,
        %swap3A_475 = vector.shape_cast %swap3A_474 : vector<16xf32> to vector<16xf32>
        %swap3A_476 = vector.shape_cast %select_n3A_468 : vector<16xf32> to vector<16xf32>
        tpu.vector_store %arg12[%swap3A_473], %swap3A_476 {strides = array<i32>} : memref<4096xf32, #tpu.memory_space<vmem>>, vector<16xf32>,
        %sub3A_477 = arith.constant 0 : i32
        %sub3A_478 = arith.subi %and3A_200, %sub3A_477 : i32
        %shift_right_arithmetic3A_479 = arith.constant 31 : i32
        %shift_right_arithmetic3A_480 = arith.shrsi %sub3A_478, %shift_right_arithmetic3A_479 : i32
        %add3A_481 = arith.constant 16 : i32
        %add3A_482 = arith.addi %add3A_481, %shift_right_arithmetic3A_480 : i32
        %shift_left3A_483 = arith.constant 7 : i32
        %shift_left3A_484 = arith.shli %shift_right_arithmetic3A_480, %shift_left3A_483 : i32
        %sub3A_485 = arith.subi %sub3A_478, %shift_left3A_484 : i32
        %get3A_486 = arith.constant 2 : i32
        %get3A_487 = arith.index_cast %get3A_486 : i32 to index
        %get3A_488 = arith.index_cast %scan3A_160 : i32 to index
        %get3A_489 = arith.index_cast %add3A_482 : i32 to index
        %get3A_490 = arith.index_cast %sub3A_485 : i32 to index
        %get3A_491 = tpu.vector_load %arg10[%get3A_487, %get3A_488, %get3A_489, %get3A_490] {strides = array<i32>} : memref<4x2x32x128xf32, #tpu.memory_space<vmem>>, vector<1x1x1x16xf32>,
        %get3A_492 = vector.shape_cast %get3A_491 : vector<1x1x1x16xf32> to vector<16xf32>
        %sub3A_493 = arith.constant 1 : i32
        %sub3A_494 = arith.subi %and3A_200, %sub3A_493 : i32
        %shift_right_arithmetic3A_495 = arith.constant 31 : i32
        %shift_right_arithmetic3A_496 = arith.shrsi %sub3A_494, %shift_right_arithmetic3A_495 : i32
        %add3A_497 = arith.constant 17 : i32
        %add3A_498 = arith.addi %add3A_497, %shift_right_arithmetic3A_496 : i32
        %shift_left3A_499 = arith.constant 7 : i32
        %shift_left3A_500 = arith.shli %shift_right_arithmetic3A_496, %shift_left3A_499 : i32
        %sub3A_501 = arith.subi %sub3A_494, %shift_left3A_500 : i32
        %get3A_502 = arith.constant 2 : i32
        %get3A_503 = arith.index_cast %get3A_502 : i32 to index
        %get3A_504 = arith.index_cast %scan3A_160 : i32 to index
        %get3A_505 = arith.index_cast %add3A_498 : i32 to index
        %get3A_506 = arith.index_cast %sub3A_501 : i32 to index
        %get3A_507 = tpu.vector_load %arg10[%get3A_503, %get3A_504, %get3A_505, %get3A_506] {strides = array<i32>} : memref<4x2x32x128xf32, #tpu.memory_space<vmem>>, vector<1x1x1x16xf32>,
        %get3A_508 = vector.shape_cast %get3A_507 : vector<1x1x1x16xf32> to vector<16xf32>
        %select_n3A_509 = arith.select %eq3A_17, %get3A_508, %get3A_492 : vector<16xi1>, vector<16xf32>
        %sub3A_510 = arith.constant 2 : i32
        %sub3A_511 = arith.subi %and3A_200, %sub3A_510 : i32
        %shift_right_arithmetic3A_512 = arith.constant 31 : i32
        %shift_right_arithmetic3A_513 = arith.shrsi %sub3A_511, %shift_right_arithmetic3A_512 : i32
        %add3A_514 = arith.constant 18 : i32
        %add3A_515 = arith.addi %add3A_514, %shift_right_arithmetic3A_513 : i32
        %shift_left3A_516 = arith.constant 7 : i32
        %shift_left3A_517 = arith.shli %shift_right_arithmetic3A_513, %shift_left3A_516 : i32
        %sub3A_518 = arith.subi %sub3A_511, %shift_left3A_517 : i32
        %get3A_519 = arith.constant 2 : i32
        %get3A_520 = arith.index_cast %get3A_519 : i32 to index
        %get3A_521 = arith.index_cast %scan3A_160 : i32 to index
        %get3A_522 = arith.index_cast %add3A_515 : i32 to index
        %get3A_523 = arith.index_cast %sub3A_518 : i32 to index
        %get3A_524 = tpu.vector_load %arg10[%get3A_520, %get3A_521, %get3A_522, %get3A_523] {strides = array<i32>} : memref<4x2x32x128xf32, #tpu.memory_space<vmem>>, vector<1x1x1x16xf32>,
        %get3A_525 = vector.shape_cast %get3A_524 : vector<1x1x1x16xf32> to vector<16xf32>
        %select_n3A_526 = arith.select %eq3A_20, %get3A_525, %select_n3A_509 : vector<16xi1>, vector<16xf32>
        %sub3A_527 = arith.constant 3 : i32
        %sub3A_528 = arith.subi %and3A_200, %sub3A_527 : i32
        %shift_right_arithmetic3A_529 = arith.constant 31 : i32
        %shift_right_arithmetic3A_530 = arith.shrsi %sub3A_528, %shift_right_arithmetic3A_529 : i32
        %add3A_531 = arith.constant 19 : i32
        %add3A_532 = arith.addi %add3A_531, %shift_right_arithmetic3A_530 : i32
        %shift_left3A_533 = arith.constant 7 : i32
        %shift_left3A_534 = arith.shli %shift_right_arithmetic3A_530, %shift_left3A_533 : i32
        %sub3A_535 = arith.subi %sub3A_528, %shift_left3A_534 : i32
        %get3A_536 = arith.constant 2 : i32
        %get3A_537 = arith.index_cast %get3A_536 : i32 to index
        %get3A_538 = arith.index_cast %scan3A_160 : i32 to index
        %get3A_539 = arith.index_cast %add3A_532 : i32 to index
        %get3A_540 = arith.index_cast %sub3A_535 : i32 to index
        %get3A_541 = tpu.vector_load %arg10[%get3A_537, %get3A_538, %get3A_539, %get3A_540] {strides = array<i32>} : memref<4x2x32x128xf32, #tpu.memory_space<vmem>>, vector<1x1x1x16xf32>,
        %get3A_542 = vector.shape_cast %get3A_541 : vector<1x1x1x16xf32> to vector<16xf32>
        %select_n3A_543 = arith.select %eq3A_23, %get3A_542, %select_n3A_526 : vector<16xi1>, vector<16xf32>
        %sub3A_544 = arith.constant 4 : i32
        %sub3A_545 = arith.subi %and3A_200, %sub3A_544 : i32
        %shift_right_arithmetic3A_546 = arith.constant 31 : i32
        %shift_right_arithmetic3A_547 = arith.shrsi %sub3A_545, %shift_right_arithmetic3A_546 : i32
        %add3A_548 = arith.constant 20 : i32
        %add3A_549 = arith.addi %add3A_548, %shift_right_arithmetic3A_547 : i32
        %shift_left3A_550 = arith.constant 7 : i32
        %shift_left3A_551 = arith.shli %shift_right_arithmetic3A_547, %shift_left3A_550 : i32
        %sub3A_552 = arith.subi %sub3A_545, %shift_left3A_551 : i32
        %get3A_553 = arith.constant 2 : i32
        %get3A_554 = arith.index_cast %get3A_553 : i32 to index
        %get3A_555 = arith.index_cast %scan3A_160 : i32 to index
        %get3A_556 = arith.index_cast %add3A_549 : i32 to index
        %get3A_557 = arith.index_cast %sub3A_552 : i32 to index
        %get3A_558 = tpu.vector_load %arg10[%get3A_554, %get3A_555, %get3A_556, %get3A_557] {strides = array<i32>} : memref<4x2x32x128xf32, #tpu.memory_space<vmem>>, vector<1x1x1x16xf32>,
        %get3A_559 = vector.shape_cast %get3A_558 : vector<1x1x1x16xf32> to vector<16xf32>
        %select_n3A_560 = arith.select %eq3A_26, %get3A_559, %select_n3A_543 : vector<16xi1>, vector<16xf32>
        %sub3A_561 = arith.constant 5 : i32
        %sub3A_562 = arith.subi %and3A_200, %sub3A_561 : i32
        %shift_right_arithmetic3A_563 = arith.constant 31 : i32
        %shift_right_arithmetic3A_564 = arith.shrsi %sub3A_562, %shift_right_arithmetic3A_563 : i32
        %add3A_565 = arith.constant 21 : i32
        %add3A_566 = arith.addi %add3A_565, %shift_right_arithmetic3A_564 : i32
        %shift_left3A_567 = arith.constant 7 : i32
        %shift_left3A_568 = arith.shli %shift_right_arithmetic3A_564, %shift_left3A_567 : i32
        %sub3A_569 = arith.subi %sub3A_562, %shift_left3A_568 : i32
        %get3A_570 = arith.constant 2 : i32
        %get3A_571 = arith.index_cast %get3A_570 : i32 to index
        %get3A_572 = arith.index_cast %scan3A_160 : i32 to index
        %get3A_573 = arith.index_cast %add3A_566 : i32 to index
        %get3A_574 = arith.index_cast %sub3A_569 : i32 to index
        %get3A_575 = tpu.vector_load %arg10[%get3A_571, %get3A_572, %get3A_573, %get3A_574] {strides = array<i32>} : memref<4x2x32x128xf32, #tpu.memory_space<vmem>>, vector<1x1x1x16xf32>,
        %get3A_576 = vector.shape_cast %get3A_575 : vector<1x1x1x16xf32> to vector<16xf32>
        %select_n3A_577 = arith.select %eq3A_29, %get3A_576, %select_n3A_560 : vector<16xi1>, vector<16xf32>
        %sub3A_578 = arith.constant 6 : i32
        %sub3A_579 = arith.subi %and3A_200, %sub3A_578 : i32
        %shift_right_arithmetic3A_580 = arith.constant 31 : i32
        %shift_right_arithmetic3A_581 = arith.shrsi %sub3A_579, %shift_right_arithmetic3A_580 : i32
        %add3A_582 = arith.constant 22 : i32
        %add3A_583 = arith.addi %add3A_582, %shift_right_arithmetic3A_581 : i32
        %shift_left3A_584 = arith.constant 7 : i32
        %shift_left3A_585 = arith.shli %shift_right_arithmetic3A_581, %shift_left3A_584 : i32
        %sub3A_586 = arith.subi %sub3A_579, %shift_left3A_585 : i32
        %get3A_587 = arith.constant 2 : i32
        %get3A_588 = arith.index_cast %get3A_587 : i32 to index
        %get3A_589 = arith.index_cast %scan3A_160 : i32 to index
        %get3A_590 = arith.index_cast %add3A_583 : i32 to index
        %get3A_591 = arith.index_cast %sub3A_586 : i32 to index
        %get3A_592 = tpu.vector_load %arg10[%get3A_588, %get3A_589, %get3A_590, %get3A_591] {strides = array<i32>} : memref<4x2x32x128xf32, #tpu.memory_space<vmem>>, vector<1x1x1x16xf32>,
        %get3A_593 = vector.shape_cast %get3A_592 : vector<1x1x1x16xf32> to vector<16xf32>
        %select_n3A_594 = arith.select %eq3A_32, %get3A_593, %select_n3A_577 : vector<16xi1>, vector<16xf32>
        %sub3A_595 = arith.constant 7 : i32
        %sub3A_596 = arith.subi %and3A_200, %sub3A_595 : i32
        %shift_right_arithmetic3A_597 = arith.constant 31 : i32
        %shift_right_arithmetic3A_598 = arith.shrsi %sub3A_596, %shift_right_arithmetic3A_597 : i32
        %add3A_599 = arith.constant 23 : i32
        %add3A_600 = arith.addi %add3A_599, %shift_right_arithmetic3A_598 : i32
        %shift_left3A_601 = arith.constant 7 : i32
        %shift_left3A_602 = arith.shli %shift_right_arithmetic3A_598, %shift_left3A_601 : i32
        %sub3A_603 = arith.subi %sub3A_596, %shift_left3A_602 : i32
        %get3A_604 = arith.constant 2 : i32
        %get3A_605 = arith.index_cast %get3A_604 : i32 to index
        %get3A_606 = arith.index_cast %scan3A_160 : i32 to index
        %get3A_607 = arith.index_cast %add3A_600 : i32 to index
        %get3A_608 = arith.index_cast %sub3A_603 : i32 to index
        %get3A_609 = tpu.vector_load %arg10[%get3A_605, %get3A_606, %get3A_607, %get3A_608] {strides = array<i32>} : memref<4x2x32x128xf32, #tpu.memory_space<vmem>>, vector<1x1x1x16xf32>,
        %get3A_610 = vector.shape_cast %get3A_609 : vector<1x1x1x16xf32> to vector<16xf32>
        %select_n3A_611 = arith.select %eq3A_35, %get3A_610, %select_n3A_594 : vector<16xi1>, vector<16xf32>
        %sub3A_612 = arith.constant 8 : i32
        %sub3A_613 = arith.subi %and3A_200, %sub3A_612 : i32
        %shift_right_arithmetic3A_614 = arith.constant 31 : i32
        %shift_right_arithmetic3A_615 = arith.shrsi %sub3A_613, %shift_right_arithmetic3A_614 : i32
        %add3A_616 = arith.constant 24 : i32
        %add3A_617 = arith.addi %add3A_616, %shift_right_arithmetic3A_615 : i32
        %shift_left3A_618 = arith.constant 7 : i32
        %shift_left3A_619 = arith.shli %shift_right_arithmetic3A_615, %shift_left3A_618 : i32
        %sub3A_620 = arith.subi %sub3A_613, %shift_left3A_619 : i32
        %get3A_621 = arith.constant 2 : i32
        %get3A_622 = arith.index_cast %get3A_621 : i32 to index
        %get3A_623 = arith.index_cast %scan3A_160 : i32 to index
        %get3A_624 = arith.index_cast %add3A_617 : i32 to index
        %get3A_625 = arith.index_cast %sub3A_620 : i32 to index
        %get3A_626 = tpu.vector_load %arg10[%get3A_622, %get3A_623, %get3A_624, %get3A_625] {strides = array<i32>} : memref<4x2x32x128xf32, #tpu.memory_space<vmem>>, vector<1x1x1x16xf32>,
        %get3A_627 = vector.shape_cast %get3A_626 : vector<1x1x1x16xf32> to vector<16xf32>
        %select_n3A_628 = arith.select %eq3A_38, %get3A_627, %select_n3A_611 : vector<16xi1>, vector<16xf32>
        %sub3A_629 = arith.constant 9 : i32
        %sub3A_630 = arith.subi %and3A_200, %sub3A_629 : i32
        %shift_right_arithmetic3A_631 = arith.constant 31 : i32
        %shift_right_arithmetic3A_632 = arith.shrsi %sub3A_630, %shift_right_arithmetic3A_631 : i32
        %add3A_633 = arith.constant 25 : i32
        %add3A_634 = arith.addi %add3A_633, %shift_right_arithmetic3A_632 : i32
        %shift_left3A_635 = arith.constant 7 : i32
        %shift_left3A_636 = arith.shli %shift_right_arithmetic3A_632, %shift_left3A_635 : i32
        %sub3A_637 = arith.subi %sub3A_630, %shift_left3A_636 : i32
        %get3A_638 = arith.constant 2 : i32
        %get3A_639 = arith.index_cast %get3A_638 : i32 to index
        %get3A_640 = arith.index_cast %scan3A_160 : i32 to index
        %get3A_641 = arith.index_cast %add3A_634 : i32 to index
        %get3A_642 = arith.index_cast %sub3A_637 : i32 to index
        %get3A_643 = tpu.vector_load %arg10[%get3A_639, %get3A_640, %get3A_641, %get3A_642] {strides = array<i32>} : memref<4x2x32x128xf32, #tpu.memory_space<vmem>>, vector<1x1x1x16xf32>,
        %get3A_644 = vector.shape_cast %get3A_643 : vector<1x1x1x16xf32> to vector<16xf32>
        %select_n3A_645 = arith.select %eq3A_41, %get3A_644, %select_n3A_628 : vector<16xi1>, vector<16xf32>
        %sub3A_646 = arith.constant 10 : i32
        %sub3A_647 = arith.subi %and3A_200, %sub3A_646 : i32
        %shift_right_arithmetic3A_648 = arith.constant 31 : i32
        %shift_right_arithmetic3A_649 = arith.shrsi %sub3A_647, %shift_right_arithmetic3A_648 : i32
        %add3A_650 = arith.constant 26 : i32
        %add3A_651 = arith.addi %add3A_650, %shift_right_arithmetic3A_649 : i32
        %shift_left3A_652 = arith.constant 7 : i32
        %shift_left3A_653 = arith.shli %shift_right_arithmetic3A_649, %shift_left3A_652 : i32
        %sub3A_654 = arith.subi %sub3A_647, %shift_left3A_653 : i32
        %get3A_655 = arith.constant 2 : i32
        %get3A_656 = arith.index_cast %get3A_655 : i32 to index
        %get3A_657 = arith.index_cast %scan3A_160 : i32 to index
        %get3A_658 = arith.index_cast %add3A_651 : i32 to index
        %get3A_659 = arith.index_cast %sub3A_654 : i32 to index
        %get3A_660 = tpu.vector_load %arg10[%get3A_656, %get3A_657, %get3A_658, %get3A_659] {strides = array<i32>} : memref<4x2x32x128xf32, #tpu.memory_space<vmem>>, vector<1x1x1x16xf32>,
        %get3A_661 = vector.shape_cast %get3A_660 : vector<1x1x1x16xf32> to vector<16xf32>
        %select_n3A_662 = arith.select %eq3A_44, %get3A_661, %select_n3A_645 : vector<16xi1>, vector<16xf32>
        %sub3A_663 = arith.constant 11 : i32
        %sub3A_664 = arith.subi %and3A_200, %sub3A_663 : i32
        %shift_right_arithmetic3A_665 = arith.constant 31 : i32
        %shift_right_arithmetic3A_666 = arith.shrsi %sub3A_664, %shift_right_arithmetic3A_665 : i32
        %add3A_667 = arith.constant 27 : i32
        %add3A_668 = arith.addi %add3A_667, %shift_right_arithmetic3A_666 : i32
        %shift_left3A_669 = arith.constant 7 : i32
        %shift_left3A_670 = arith.shli %shift_right_arithmetic3A_666, %shift_left3A_669 : i32
        %sub3A_671 = arith.subi %sub3A_664, %shift_left3A_670 : i32
        %get3A_672 = arith.constant 2 : i32
        %get3A_673 = arith.index_cast %get3A_672 : i32 to index
        %get3A_674 = arith.index_cast %scan3A_160 : i32 to index
        %get3A_675 = arith.index_cast %add3A_668 : i32 to index
        %get3A_676 = arith.index_cast %sub3A_671 : i32 to index
        %get3A_677 = tpu.vector_load %arg10[%get3A_673, %get3A_674, %get3A_675, %get3A_676] {strides = array<i32>} : memref<4x2x32x128xf32, #tpu.memory_space<vmem>>, vector<1x1x1x16xf32>,
        %get3A_678 = vector.shape_cast %get3A_677 : vector<1x1x1x16xf32> to vector<16xf32>
        %select_n3A_679 = arith.select %eq3A_47, %get3A_678, %select_n3A_662 : vector<16xi1>, vector<16xf32>
        %sub3A_680 = arith.constant 12 : i32
        %sub3A_681 = arith.subi %and3A_200, %sub3A_680 : i32
        %shift_right_arithmetic3A_682 = arith.constant 31 : i32
        %shift_right_arithmetic3A_683 = arith.shrsi %sub3A_681, %shift_right_arithmetic3A_682 : i32
        %add3A_684 = arith.constant 28 : i32
        %add3A_685 = arith.addi %add3A_684, %shift_right_arithmetic3A_683 : i32
        %shift_left3A_686 = arith.constant 7 : i32
        %shift_left3A_687 = arith.shli %shift_right_arithmetic3A_683, %shift_left3A_686 : i32
        %sub3A_688 = arith.subi %sub3A_681, %shift_left3A_687 : i32
        %get3A_689 = arith.constant 2 : i32
        %get3A_690 = arith.index_cast %get3A_689 : i32 to index
        %get3A_691 = arith.index_cast %scan3A_160 : i32 to index
        %get3A_692 = arith.index_cast %add3A_685 : i32 to index
        %get3A_693 = arith.index_cast %sub3A_688 : i32 to index
        %get3A_694 = tpu.vector_load %arg10[%get3A_690, %get3A_691, %get3A_692, %get3A_693] {strides = array<i32>} : memref<4x2x32x128xf32, #tpu.memory_space<vmem>>, vector<1x1x1x16xf32>,
        %get3A_695 = vector.shape_cast %get3A_694 : vector<1x1x1x16xf32> to vector<16xf32>
        %select_n3A_696 = arith.select %eq3A_50, %get3A_695, %select_n3A_679 : vector<16xi1>, vector<16xf32>
        %sub3A_697 = arith.constant 13 : i32
        %sub3A_698 = arith.subi %and3A_200, %sub3A_697 : i32
        %shift_right_arithmetic3A_699 = arith.constant 31 : i32
        %shift_right_arithmetic3A_700 = arith.shrsi %sub3A_698, %shift_right_arithmetic3A_699 : i32
        %add3A_701 = arith.constant 29 : i32
        %add3A_702 = arith.addi %add3A_701, %shift_right_arithmetic3A_700 : i32
        %shift_left3A_703 = arith.constant 7 : i32
        %shift_left3A_704 = arith.shli %shift_right_arithmetic3A_700, %shift_left3A_703 : i32
        %sub3A_705 = arith.subi %sub3A_698, %shift_left3A_704 : i32
        %get3A_706 = arith.constant 2 : i32
        %get3A_707 = arith.index_cast %get3A_706 : i32 to index
        %get3A_708 = arith.index_cast %scan3A_160 : i32 to index
        %get3A_709 = arith.index_cast %add3A_702 : i32 to index
        %get3A_710 = arith.index_cast %sub3A_705 : i32 to index
        %get3A_711 = tpu.vector_load %arg10[%get3A_707, %get3A_708, %get3A_709, %get3A_710] {strides = array<i32>} : memref<4x2x32x128xf32, #tpu.memory_space<vmem>>, vector<1x1x1x16xf32>,
        %get3A_712 = vector.shape_cast %get3A_711 : vector<1x1x1x16xf32> to vector<16xf32>
        %select_n3A_713 = arith.select %eq3A_53, %get3A_712, %select_n3A_696 : vector<16xi1>, vector<16xf32>
        %sub3A_714 = arith.constant 14 : i32
        %sub3A_715 = arith.subi %and3A_200, %sub3A_714 : i32
        %shift_right_arithmetic3A_716 = arith.constant 31 : i32
        %shift_right_arithmetic3A_717 = arith.shrsi %sub3A_715, %shift_right_arithmetic3A_716 : i32
        %add3A_718 = arith.constant 30 : i32
        %add3A_719 = arith.addi %add3A_718, %shift_right_arithmetic3A_717 : i32
        %shift_left3A_720 = arith.constant 7 : i32
        %shift_left3A_721 = arith.shli %shift_right_arithmetic3A_717, %shift_left3A_720 : i32
        %sub3A_722 = arith.subi %sub3A_715, %shift_left3A_721 : i32
        %get3A_723 = arith.constant 2 : i32
        %get3A_724 = arith.index_cast %get3A_723 : i32 to index
        %get3A_725 = arith.index_cast %scan3A_160 : i32 to index
        %get3A_726 = arith.index_cast %add3A_719 : i32 to index
        %get3A_727 = arith.index_cast %sub3A_722 : i32 to index
        %get3A_728 = tpu.vector_load %arg10[%get3A_724, %get3A_725, %get3A_726, %get3A_727] {strides = array<i32>} : memref<4x2x32x128xf32, #tpu.memory_space<vmem>>, vector<1x1x1x16xf32>,
        %get3A_729 = vector.shape_cast %get3A_728 : vector<1x1x1x16xf32> to vector<16xf32>
        %select_n3A_730 = arith.select %eq3A_56, %get3A_729, %select_n3A_713 : vector<16xi1>, vector<16xf32>
        %sub3A_731 = arith.constant 15 : i32
        %sub3A_732 = arith.subi %and3A_200, %sub3A_731 : i32
        %shift_right_arithmetic3A_733 = arith.constant 31 : i32
        %shift_right_arithmetic3A_734 = arith.shrsi %sub3A_732, %shift_right_arithmetic3A_733 : i32
        %add3A_735 = arith.constant 31 : i32
        %add3A_736 = arith.addi %add3A_735, %shift_right_arithmetic3A_734 : i32
        %shift_left3A_737 = arith.constant 7 : i32
        %shift_left3A_738 = arith.shli %shift_right_arithmetic3A_734, %shift_left3A_737 : i32
        %sub3A_739 = arith.subi %sub3A_732, %shift_left3A_738 : i32
        %get3A_740 = arith.constant 2 : i32
        %get3A_741 = arith.index_cast %get3A_740 : i32 to index
        %get3A_742 = arith.index_cast %scan3A_160 : i32 to index
        %get3A_743 = arith.index_cast %add3A_736 : i32 to index
        %get3A_744 = arith.index_cast %sub3A_739 : i32 to index
        %get3A_745 = tpu.vector_load %arg10[%get3A_741, %get3A_742, %get3A_743, %get3A_744] {strides = array<i32>} : memref<4x2x32x128xf32, #tpu.memory_space<vmem>>, vector<1x1x1x16xf32>,
        %get3A_746 = vector.shape_cast %get3A_745 : vector<1x1x1x16xf32> to vector<16xf32>
        %select_n3A_747 = arith.select %eq3A_59, %get3A_746, %select_n3A_730 : vector<16xi1>, vector<16xf32>
        %mul3A_748 = arith.constant 32 : i32
        %mul3A_749 = arith.muli %add3A_192, %mul3A_748 : i32
        %add3A_750 = arith.constant 16 : i32
        %add3A_751 = arith.addi %mul3A_749, %add3A_750 : i32
        %swap3A_752 = arith.index_cast %add3A_751 : i32 to index
        %swap3A_753 = tpu.vector_load %arg12[%swap3A_752] {strides = array<i32>} : memref<4096xf32, #tpu.memory_space<vmem>>, vector<16xf32>,
        %swap3A_754 = vector.shape_cast %swap3A_753 : vector<16xf32> to vector<16xf32>
        %swap3A_755 = vector.shape_cast %select_n3A_747 : vector<16xf32> to vector<16xf32>
        tpu.vector_store %arg12[%swap3A_752], %swap3A_755 {strides = array<i32>} : memref<4096xf32, #tpu.memory_space<vmem>>, vector<16xf32>,
        %and3A_756 = arith.constant 127 : i32
        %and3A_757 = arith.andi %squeeze3A_199, %and3A_756 : i32
        %sub3A_758 = arith.constant 0 : i32
        %sub3A_759 = arith.subi %and3A_757, %sub3A_758 : i32
        %shift_right_arithmetic3A_760 = arith.constant 31 : i32
        %shift_right_arithmetic3A_761 = arith.shrsi %sub3A_759, %shift_right_arithmetic3A_760 : i32
        %add3A_762 = arith.constant 0 : i32
        %add3A_763 = arith.addi %add3A_762, %shift_right_arithmetic3A_761 : i32
        %shift_left3A_764 = arith.constant 7 : i32
        %shift_left3A_765 = arith.shli %shift_right_arithmetic3A_761, %shift_left3A_764 : i32
        %sub3A_766 = arith.subi %sub3A_759, %shift_left3A_765 : i32
        %get3A_767 = arith.constant 2 : i32
        %get3A_768 = arith.index_cast %get3A_767 : i32 to index
        %get3A_769 = arith.index_cast %scan3A_160 : i32 to index
        %get3A_770 = arith.index_cast %add3A_763 : i32 to index
        %get3A_771 = arith.index_cast %sub3A_766 : i32 to index
        %get3A_772 = tpu.vector_load %arg11[%get3A_768, %get3A_769, %get3A_770, %get3A_771] {strides = array<i32>} : memref<4x2x32x128xf32, #tpu.memory_space<vmem>>, vector<1x1x1x16xf32>,
        %get3A_773 = vector.shape_cast %get3A_772 : vector<1x1x1x16xf32> to vector<16xf32>
        %sub3A_774 = arith.constant 1 : i32
        %sub3A_775 = arith.subi %and3A_757, %sub3A_774 : i32
        %shift_right_arithmetic3A_776 = arith.constant 31 : i32
        %shift_right_arithmetic3A_777 = arith.shrsi %sub3A_775, %shift_right_arithmetic3A_776 : i32
        %add3A_778 = arith.constant 1 : i32
        %add3A_779 = arith.addi %add3A_778, %shift_right_arithmetic3A_777 : i32
        %shift_left3A_780 = arith.constant 7 : i32
        %shift_left3A_781 = arith.shli %shift_right_arithmetic3A_777, %shift_left3A_780 : i32
        %sub3A_782 = arith.subi %sub3A_775, %shift_left3A_781 : i32
        %get3A_783 = arith.constant 2 : i32
        %get3A_784 = arith.index_cast %get3A_783 : i32 to index
        %get3A_785 = arith.index_cast %scan3A_160 : i32 to index
        %get3A_786 = arith.index_cast %add3A_779 : i32 to index
        %get3A_787 = arith.index_cast %sub3A_782 : i32 to index
        %get3A_788 = tpu.vector_load %arg11[%get3A_784, %get3A_785, %get3A_786, %get3A_787] {strides = array<i32>} : memref<4x2x32x128xf32, #tpu.memory_space<vmem>>, vector<1x1x1x16xf32>,
        %get3A_789 = vector.shape_cast %get3A_788 : vector<1x1x1x16xf32> to vector<16xf32>
        %select_n3A_790 = arith.select %eq3A_17, %get3A_789, %get3A_773 : vector<16xi1>, vector<16xf32>
        %sub3A_791 = arith.constant 2 : i32
        %sub3A_792 = arith.subi %and3A_757, %sub3A_791 : i32
        %shift_right_arithmetic3A_793 = arith.constant 31 : i32
        %shift_right_arithmetic3A_794 = arith.shrsi %sub3A_792, %shift_right_arithmetic3A_793 : i32
        %add3A_795 = arith.constant 2 : i32
        %add3A_796 = arith.addi %add3A_795, %shift_right_arithmetic3A_794 : i32
        %shift_left3A_797 = arith.constant 7 : i32
        %shift_left3A_798 = arith.shli %shift_right_arithmetic3A_794, %shift_left3A_797 : i32
        %sub3A_799 = arith.subi %sub3A_792, %shift_left3A_798 : i32
        %get3A_800 = arith.constant 2 : i32
        %get3A_801 = arith.index_cast %get3A_800 : i32 to index
        %get3A_802 = arith.index_cast %scan3A_160 : i32 to index
        %get3A_803 = arith.index_cast %add3A_796 : i32 to index
        %get3A_804 = arith.index_cast %sub3A_799 : i32 to index
        %get3A_805 = tpu.vector_load %arg11[%get3A_801, %get3A_802, %get3A_803, %get3A_804] {strides = array<i32>} : memref<4x2x32x128xf32, #tpu.memory_space<vmem>>, vector<1x1x1x16xf32>,
        %get3A_806 = vector.shape_cast %get3A_805 : vector<1x1x1x16xf32> to vector<16xf32>
        %select_n3A_807 = arith.select %eq3A_20, %get3A_806, %select_n3A_790 : vector<16xi1>, vector<16xf32>
        %sub3A_808 = arith.constant 3 : i32
        %sub3A_809 = arith.subi %and3A_757, %sub3A_808 : i32
        %shift_right_arithmetic3A_810 = arith.constant 31 : i32
        %shift_right_arithmetic3A_811 = arith.shrsi %sub3A_809, %shift_right_arithmetic3A_810 : i32
        %add3A_812 = arith.constant 3 : i32
        %add3A_813 = arith.addi %add3A_812, %shift_right_arithmetic3A_811 : i32
        %shift_left3A_814 = arith.constant 7 : i32
        %shift_left3A_815 = arith.shli %shift_right_arithmetic3A_811, %shift_left3A_814 : i32
        %sub3A_816 = arith.subi %sub3A_809, %shift_left3A_815 : i32
        %get3A_817 = arith.constant 2 : i32
        %get3A_818 = arith.index_cast %get3A_817 : i32 to index
        %get3A_819 = arith.index_cast %scan3A_160 : i32 to index
        %get3A_820 = arith.index_cast %add3A_813 : i32 to index
        %get3A_821 = arith.index_cast %sub3A_816 : i32 to index
        %get3A_822 = tpu.vector_load %arg11[%get3A_818, %get3A_819, %get3A_820, %get3A_821] {strides = array<i32>} : memref<4x2x32x128xf32, #tpu.memory_space<vmem>>, vector<1x1x1x16xf32>,
        %get3A_823 = vector.shape_cast %get3A_822 : vector<1x1x1x16xf32> to vector<16xf32>
        %select_n3A_824 = arith.select %eq3A_23, %get3A_823, %select_n3A_807 : vector<16xi1>, vector<16xf32>
        %sub3A_825 = arith.constant 4 : i32
        %sub3A_826 = arith.subi %and3A_757, %sub3A_825 : i32
        %shift_right_arithmetic3A_827 = arith.constant 31 : i32
        %shift_right_arithmetic3A_828 = arith.shrsi %sub3A_826, %shift_right_arithmetic3A_827 : i32
        %add3A_829 = arith.constant 4 : i32
        %add3A_830 = arith.addi %add3A_829, %shift_right_arithmetic3A_828 : i32
        %shift_left3A_831 = arith.constant 7 : i32
        %shift_left3A_832 = arith.shli %shift_right_arithmetic3A_828, %shift_left3A_831 : i32
        %sub3A_833 = arith.subi %sub3A_826, %shift_left3A_832 : i32
        %get3A_834 = arith.constant 2 : i32
        %get3A_835 = arith.index_cast %get3A_834 : i32 to index
        %get3A_836 = arith.index_cast %scan3A_160 : i32 to index
        %get3A_837 = arith.index_cast %add3A_830 : i32 to index
        %get3A_838 = arith.index_cast %sub3A_833 : i32 to index
        %get3A_839 = tpu.vector_load %arg11[%get3A_835, %get3A_836, %get3A_837, %get3A_838] {strides = array<i32>} : memref<4x2x32x128xf32, #tpu.memory_space<vmem>>, vector<1x1x1x16xf32>,
        %get3A_840 = vector.shape_cast %get3A_839 : vector<1x1x1x16xf32> to vector<16xf32>
        %select_n3A_841 = arith.select %eq3A_26, %get3A_840, %select_n3A_824 : vector<16xi1>, vector<16xf32>
        %sub3A_842 = arith.constant 5 : i32
        %sub3A_843 = arith.subi %and3A_757, %sub3A_842 : i32
        %shift_right_arithmetic3A_844 = arith.constant 31 : i32
        %shift_right_arithmetic3A_845 = arith.shrsi %sub3A_843, %shift_right_arithmetic3A_844 : i32
        %add3A_846 = arith.constant 5 : i32
        %add3A_847 = arith.addi %add3A_846, %shift_right_arithmetic3A_845 : i32
        %shift_left3A_848 = arith.constant 7 : i32
        %shift_left3A_849 = arith.shli %shift_right_arithmetic3A_845, %shift_left3A_848 : i32
        %sub3A_850 = arith.subi %sub3A_843, %shift_left3A_849 : i32
        %get3A_851 = arith.constant 2 : i32
        %get3A_852 = arith.index_cast %get3A_851 : i32 to index
        %get3A_853 = arith.index_cast %scan3A_160 : i32 to index
        %get3A_854 = arith.index_cast %add3A_847 : i32 to index
        %get3A_855 = arith.index_cast %sub3A_850 : i32 to index
        %get3A_856 = tpu.vector_load %arg11[%get3A_852, %get3A_853, %get3A_854, %get3A_855] {strides = array<i32>} : memref<4x2x32x128xf32, #tpu.memory_space<vmem>>, vector<1x1x1x16xf32>,
        %get3A_857 = vector.shape_cast %get3A_856 : vector<1x1x1x16xf32> to vector<16xf32>
        %select_n3A_858 = arith.select %eq3A_29, %get3A_857, %select_n3A_841 : vector<16xi1>, vector<16xf32>
        %sub3A_859 = arith.constant 6 : i32
        %sub3A_860 = arith.subi %and3A_757, %sub3A_859 : i32
        %shift_right_arithmetic3A_861 = arith.constant 31 : i32
        %shift_right_arithmetic3A_862 = arith.shrsi %sub3A_860, %shift_right_arithmetic3A_861 : i32
        %add3A_863 = arith.constant 6 : i32
        %add3A_864 = arith.addi %add3A_863, %shift_right_arithmetic3A_862 : i32
        %shift_left3A_865 = arith.constant 7 : i32
        %shift_left3A_866 = arith.shli %shift_right_arithmetic3A_862, %shift_left3A_865 : i32
        %sub3A_867 = arith.subi %sub3A_860, %shift_left3A_866 : i32
        %get3A_868 = arith.constant 2 : i32
        %get3A_869 = arith.index_cast %get3A_868 : i32 to index
        %get3A_870 = arith.index_cast %scan3A_160 : i32 to index
        %get3A_871 = arith.index_cast %add3A_864 : i32 to index
        %get3A_872 = arith.index_cast %sub3A_867 : i32 to index
        %get3A_873 = tpu.vector_load %arg11[%get3A_869, %get3A_870, %get3A_871, %get3A_872] {strides = array<i32>} : memref<4x2x32x128xf32, #tpu.memory_space<vmem>>, vector<1x1x1x16xf32>,
        %get3A_874 = vector.shape_cast %get3A_873 : vector<1x1x1x16xf32> to vector<16xf32>
        %select_n3A_875 = arith.select %eq3A_32, %get3A_874, %select_n3A_858 : vector<16xi1>, vector<16xf32>
        %sub3A_876 = arith.constant 7 : i32
        %sub3A_877 = arith.subi %and3A_757, %sub3A_876 : i32
        %shift_right_arithmetic3A_878 = arith.constant 31 : i32
        %shift_right_arithmetic3A_879 = arith.shrsi %sub3A_877, %shift_right_arithmetic3A_878 : i32
        %add3A_880 = arith.constant 7 : i32
        %add3A_881 = arith.addi %add3A_880, %shift_right_arithmetic3A_879 : i32
        %shift_left3A_882 = arith.constant 7 : i32
        %shift_left3A_883 = arith.shli %shift_right_arithmetic3A_879, %shift_left3A_882 : i32
        %sub3A_884 = arith.subi %sub3A_877, %shift_left3A_883 : i32
        %get3A_885 = arith.constant 2 : i32
        %get3A_886 = arith.index_cast %get3A_885 : i32 to index
        %get3A_887 = arith.index_cast %scan3A_160 : i32 to index
        %get3A_888 = arith.index_cast %add3A_881 : i32 to index
        %get3A_889 = arith.index_cast %sub3A_884 : i32 to index
        %get3A_890 = tpu.vector_load %arg11[%get3A_886, %get3A_887, %get3A_888, %get3A_889] {strides = array<i32>} : memref<4x2x32x128xf32, #tpu.memory_space<vmem>>, vector<1x1x1x16xf32>,
        %get3A_891 = vector.shape_cast %get3A_890 : vector<1x1x1x16xf32> to vector<16xf32>
        %select_n3A_892 = arith.select %eq3A_35, %get3A_891, %select_n3A_875 : vector<16xi1>, vector<16xf32>
        %sub3A_893 = arith.constant 8 : i32
        %sub3A_894 = arith.subi %and3A_757, %sub3A_893 : i32
        %shift_right_arithmetic3A_895 = arith.constant 31 : i32
        %shift_right_arithmetic3A_896 = arith.shrsi %sub3A_894, %shift_right_arithmetic3A_895 : i32
        %add3A_897 = arith.constant 8 : i32
        %add3A_898 = arith.addi %add3A_897, %shift_right_arithmetic3A_896 : i32
        %shift_left3A_899 = arith.constant 7 : i32
        %shift_left3A_900 = arith.shli %shift_right_arithmetic3A_896, %shift_left3A_899 : i32
        %sub3A_901 = arith.subi %sub3A_894, %shift_left3A_900 : i32
        %get3A_902 = arith.constant 2 : i32
        %get3A_903 = arith.index_cast %get3A_902 : i32 to index
        %get3A_904 = arith.index_cast %scan3A_160 : i32 to index
        %get3A_905 = arith.index_cast %add3A_898 : i32 to index
        %get3A_906 = arith.index_cast %sub3A_901 : i32 to index
        %get3A_907 = tpu.vector_load %arg11[%get3A_903, %get3A_904, %get3A_905, %get3A_906] {strides = array<i32>} : memref<4x2x32x128xf32, #tpu.memory_space<vmem>>, vector<1x1x1x16xf32>,
        %get3A_908 = vector.shape_cast %get3A_907 : vector<1x1x1x16xf32> to vector<16xf32>
        %select_n3A_909 = arith.select %eq3A_38, %get3A_908, %select_n3A_892 : vector<16xi1>, vector<16xf32>
        %sub3A_910 = arith.constant 9 : i32
        %sub3A_911 = arith.subi %and3A_757, %sub3A_910 : i32
        %shift_right_arithmetic3A_912 = arith.constant 31 : i32
        %shift_right_arithmetic3A_913 = arith.shrsi %sub3A_911, %shift_right_arithmetic3A_912 : i32
        %add3A_914 = arith.constant 9 : i32
        %add3A_915 = arith.addi %add3A_914, %shift_right_arithmetic3A_913 : i32
        %shift_left3A_916 = arith.constant 7 : i32
        %shift_left3A_917 = arith.shli %shift_right_arithmetic3A_913, %shift_left3A_916 : i32
        %sub3A_918 = arith.subi %sub3A_911, %shift_left3A_917 : i32
        %get3A_919 = arith.constant 2 : i32
        %get3A_920 = arith.index_cast %get3A_919 : i32 to index
        %get3A_921 = arith.index_cast %scan3A_160 : i32 to index
        %get3A_922 = arith.index_cast %add3A_915 : i32 to index
        %get3A_923 = arith.index_cast %sub3A_918 : i32 to index
        %get3A_924 = tpu.vector_load %arg11[%get3A_920, %get3A_921, %get3A_922, %get3A_923] {strides = array<i32>} : memref<4x2x32x128xf32, #tpu.memory_space<vmem>>, vector<1x1x1x16xf32>,
        %get3A_925 = vector.shape_cast %get3A_924 : vector<1x1x1x16xf32> to vector<16xf32>
        %select_n3A_926 = arith.select %eq3A_41, %get3A_925, %select_n3A_909 : vector<16xi1>, vector<16xf32>
        %sub3A_927 = arith.constant 10 : i32
        %sub3A_928 = arith.subi %and3A_757, %sub3A_927 : i32
        %shift_right_arithmetic3A_929 = arith.constant 31 : i32
        %shift_right_arithmetic3A_930 = arith.shrsi %sub3A_928, %shift_right_arithmetic3A_929 : i32
        %add3A_931 = arith.constant 10 : i32
        %add3A_932 = arith.addi %add3A_931, %shift_right_arithmetic3A_930 : i32
        %shift_left3A_933 = arith.constant 7 : i32
        %shift_left3A_934 = arith.shli %shift_right_arithmetic3A_930, %shift_left3A_933 : i32
        %sub3A_935 = arith.subi %sub3A_928, %shift_left3A_934 : i32
        %get3A_936 = arith.constant 2 : i32
        %get3A_937 = arith.index_cast %get3A_936 : i32 to index
        %get3A_938 = arith.index_cast %scan3A_160 : i32 to index
        %get3A_939 = arith.index_cast %add3A_932 : i32 to index
        %get3A_940 = arith.index_cast %sub3A_935 : i32 to index
        %get3A_941 = tpu.vector_load %arg11[%get3A_937, %get3A_938, %get3A_939, %get3A_940] {strides = array<i32>} : memref<4x2x32x128xf32, #tpu.memory_space<vmem>>, vector<1x1x1x16xf32>,
        %get3A_942 = vector.shape_cast %get3A_941 : vector<1x1x1x16xf32> to vector<16xf32>
        %select_n3A_943 = arith.select %eq3A_44, %get3A_942, %select_n3A_926 : vector<16xi1>, vector<16xf32>
        %sub3A_944 = arith.constant 11 : i32
        %sub3A_945 = arith.subi %and3A_757, %sub3A_944 : i32
        %shift_right_arithmetic3A_946 = arith.constant 31 : i32
        %shift_right_arithmetic3A_947 = arith.shrsi %sub3A_945, %shift_right_arithmetic3A_946 : i32
        %add3A_948 = arith.constant 11 : i32
        %add3A_949 = arith.addi %add3A_948, %shift_right_arithmetic3A_947 : i32
        %shift_left3A_950 = arith.constant 7 : i32
        %shift_left3A_951 = arith.shli %shift_right_arithmetic3A_947, %shift_left3A_950 : i32
        %sub3A_952 = arith.subi %sub3A_945, %shift_left3A_951 : i32
        %get3A_953 = arith.constant 2 : i32
        %get3A_954 = arith.index_cast %get3A_953 : i32 to index
        %get3A_955 = arith.index_cast %scan3A_160 : i32 to index
        %get3A_956 = arith.index_cast %add3A_949 : i32 to index
        %get3A_957 = arith.index_cast %sub3A_952 : i32 to index
        %get3A_958 = tpu.vector_load %arg11[%get3A_954, %get3A_955, %get3A_956, %get3A_957] {strides = array<i32>} : memref<4x2x32x128xf32, #tpu.memory_space<vmem>>, vector<1x1x1x16xf32>,
        %get3A_959 = vector.shape_cast %get3A_958 : vector<1x1x1x16xf32> to vector<16xf32>
        %select_n3A_960 = arith.select %eq3A_47, %get3A_959, %select_n3A_943 : vector<16xi1>, vector<16xf32>
        %sub3A_961 = arith.constant 12 : i32
        %sub3A_962 = arith.subi %and3A_757, %sub3A_961 : i32
        %shift_right_arithmetic3A_963 = arith.constant 31 : i32
        %shift_right_arithmetic3A_964 = arith.shrsi %sub3A_962, %shift_right_arithmetic3A_963 : i32
        %add3A_965 = arith.constant 12 : i32
        %add3A_966 = arith.addi %add3A_965, %shift_right_arithmetic3A_964 : i32
        %shift_left3A_967 = arith.constant 7 : i32
        %shift_left3A_968 = arith.shli %shift_right_arithmetic3A_964, %shift_left3A_967 : i32
        %sub3A_969 = arith.subi %sub3A_962, %shift_left3A_968 : i32
        %get3A_970 = arith.constant 2 : i32
        %get3A_971 = arith.index_cast %get3A_970 : i32 to index
        %get3A_972 = arith.index_cast %scan3A_160 : i32 to index
        %get3A_973 = arith.index_cast %add3A_966 : i32 to index
        %get3A_974 = arith.index_cast %sub3A_969 : i32 to index
        %get3A_975 = tpu.vector_load %arg11[%get3A_971, %get3A_972, %get3A_973, %get3A_974] {strides = array<i32>} : memref<4x2x32x128xf32, #tpu.memory_space<vmem>>, vector<1x1x1x16xf32>,
        %get3A_976 = vector.shape_cast %get3A_975 : vector<1x1x1x16xf32> to vector<16xf32>
        %select_n3A_977 = arith.select %eq3A_50, %get3A_976, %select_n3A_960 : vector<16xi1>, vector<16xf32>
        %sub3A_978 = arith.constant 13 : i32
        %sub3A_979 = arith.subi %and3A_757, %sub3A_978 : i32
        %shift_right_arithmetic3A_980 = arith.constant 31 : i32
        %shift_right_arithmetic3A_981 = arith.shrsi %sub3A_979, %shift_right_arithmetic3A_980 : i32
        %add3A_982 = arith.constant 13 : i32
        %add3A_983 = arith.addi %add3A_982, %shift_right_arithmetic3A_981 : i32
        %shift_left3A_984 = arith.constant 7 : i32
        %shift_left3A_985 = arith.shli %shift_right_arithmetic3A_981, %shift_left3A_984 : i32
        %sub3A_986 = arith.subi %sub3A_979, %shift_left3A_985 : i32
        %get3A_987 = arith.constant 2 : i32
        %get3A_988 = arith.index_cast %get3A_987 : i32 to index
        %get3A_989 = arith.index_cast %scan3A_160 : i32 to index
        %get3A_990 = arith.index_cast %add3A_983 : i32 to index
        %get3A_991 = arith.index_cast %sub3A_986 : i32 to index
        %get3A_992 = tpu.vector_load %arg11[%get3A_988, %get3A_989, %get3A_990, %get3A_991] {strides = array<i32>} : memref<4x2x32x128xf32, #tpu.memory_space<vmem>>, vector<1x1x1x16xf32>,
        %get3A_993 = vector.shape_cast %get3A_992 : vector<1x1x1x16xf32> to vector<16xf32>
        %select_n3A_994 = arith.select %eq3A_53, %get3A_993, %select_n3A_977 : vector<16xi1>, vector<16xf32>
        %sub3A_995 = arith.constant 14 : i32
        %sub3A_996 = arith.subi %and3A_757, %sub3A_995 : i32
        %shift_right_arithmetic3A_997 = arith.constant 31 : i32
        %shift_right_arithmetic3A_998 = arith.shrsi %sub3A_996, %shift_right_arithmetic3A_997 : i32
        %add3A_999 = arith.constant 14 : i32
        %add3A_1000 = arith.addi %add3A_999, %shift_right_arithmetic3A_998 : i32
        %shift_left3A_1001 = arith.constant 7 : i32
        %shift_left3A_1002 = arith.shli %shift_right_arithmetic3A_998, %shift_left3A_1001 : i32
        %sub3A_1003 = arith.subi %sub3A_996, %shift_left3A_1002 : i32
        %get3A_1004 = arith.constant 2 : i32
        %get3A_1005 = arith.index_cast %get3A_1004 : i32 to index
        %get3A_1006 = arith.index_cast %scan3A_160 : i32 to index
        %get3A_1007 = arith.index_cast %add3A_1000 : i32 to index
        %get3A_1008 = arith.index_cast %sub3A_1003 : i32 to index
        %get3A_1009 = tpu.vector_load %arg11[%get3A_1005, %get3A_1006, %get3A_1007, %get3A_1008] {strides = array<i32>} : memref<4x2x32x128xf32, #tpu.memory_space<vmem>>, vector<1x1x1x16xf32>,
        %get3A_1010 = vector.shape_cast %get3A_1009 : vector<1x1x1x16xf32> to vector<16xf32>
        %select_n3A_1011 = arith.select %eq3A_56, %get3A_1010, %select_n3A_994 : vector<16xi1>, vector<16xf32>
        %sub3A_1012 = arith.constant 15 : i32
        %sub3A_1013 = arith.subi %and3A_757, %sub3A_1012 : i32
        %shift_right_arithmetic3A_1014 = arith.constant 31 : i32
        %shift_right_arithmetic3A_1015 = arith.shrsi %sub3A_1013, %shift_right_arithmetic3A_1014 : i32
        %add3A_1016 = arith.constant 15 : i32
        %add3A_1017 = arith.addi %add3A_1016, %shift_right_arithmetic3A_1015 : i32
        %shift_left3A_1018 = arith.constant 7 : i32
        %shift_left3A_1019 = arith.shli %shift_right_arithmetic3A_1015, %shift_left3A_1018 : i32
        %sub3A_1020 = arith.subi %sub3A_1013, %shift_left3A_1019 : i32
        %get3A_1021 = arith.constant 2 : i32
        %get3A_1022 = arith.index_cast %get3A_1021 : i32 to index
        %get3A_1023 = arith.index_cast %scan3A_160 : i32 to index
        %get3A_1024 = arith.index_cast %add3A_1017 : i32 to index
        %get3A_1025 = arith.index_cast %sub3A_1020 : i32 to index
        %get3A_1026 = tpu.vector_load %arg11[%get3A_1022, %get3A_1023, %get3A_1024, %get3A_1025] {strides = array<i32>} : memref<4x2x32x128xf32, #tpu.memory_space<vmem>>, vector<1x1x1x16xf32>,
        %get3A_1027 = vector.shape_cast %get3A_1026 : vector<1x1x1x16xf32> to vector<16xf32>
        %select_n3A_1028 = arith.select %eq3A_59, %get3A_1027, %select_n3A_1011 : vector<16xi1>, vector<16xf32>
        %mul3A_1029 = arith.constant 32 : i32
        %mul3A_1030 = arith.muli %add3A_192, %mul3A_1029 : i32
        %add3A_1031 = arith.constant 0 : i32
        %add3A_1032 = arith.addi %mul3A_1030, %add3A_1031 : i32
        %swap3A_1033 = arith.index_cast %add3A_1032 : i32 to index
        %swap3A_1034 = tpu.vector_load %arg13[%swap3A_1033] {strides = array<i32>} : memref<4096xf32, #tpu.memory_space<vmem>>, vector<16xf32>,
        %swap3A_1035 = vector.shape_cast %swap3A_1034 : vector<16xf32> to vector<16xf32>
        %swap3A_1036 = vector.shape_cast %select_n3A_1028 : vector<16xf32> to vector<16xf32>
        tpu.vector_store %arg13[%swap3A_1033], %swap3A_1036 {strides = array<i32>} : memref<4096xf32, #tpu.memory_space<vmem>>, vector<16xf32>,
        %sub3A_1037 = arith.constant 0 : i32
        %sub3A_1038 = arith.subi %and3A_757, %sub3A_1037 : i32
        %shift_right_arithmetic3A_1039 = arith.constant 31 : i32
        %shift_right_arithmetic3A_1040 = arith.shrsi %sub3A_1038, %shift_right_arithmetic3A_1039 : i32
        %add3A_1041 = arith.constant 16 : i32
        %add3A_1042 = arith.addi %add3A_1041, %shift_right_arithmetic3A_1040 : i32
        %shift_left3A_1043 = arith.constant 7 : i32
        %shift_left3A_1044 = arith.shli %shift_right_arithmetic3A_1040, %shift_left3A_1043 : i32
        %sub3A_1045 = arith.subi %sub3A_1038, %shift_left3A_1044 : i32
        %get3A_1046 = arith.constant 2 : i32
        %get3A_1047 = arith.index_cast %get3A_1046 : i32 to index
        %get3A_1048 = arith.index_cast %scan3A_160 : i32 to index
        %get3A_1049 = arith.index_cast %add3A_1042 : i32 to index
        %get3A_1050 = arith.index_cast %sub3A_1045 : i32 to index
        %get3A_1051 = tpu.vector_load %arg11[%get3A_1047, %get3A_1048, %get3A_1049, %get3A_1050] {strides = array<i32>} : memref<4x2x32x128xf32, #tpu.memory_space<vmem>>, vector<1x1x1x16xf32>,
        %get3A_1052 = vector.shape_cast %get3A_1051 : vector<1x1x1x16xf32> to vector<16xf32>
        %sub3A_1053 = arith.constant 1 : i32
        %sub3A_1054 = arith.subi %and3A_757, %sub3A_1053 : i32
        %shift_right_arithmetic3A_1055 = arith.constant 31 : i32
        %shift_right_arithmetic3A_1056 = arith.shrsi %sub3A_1054, %shift_right_arithmetic3A_1055 : i32
        %add3A_1057 = arith.constant 17 : i32
        %add3A_1058 = arith.addi %add3A_1057, %shift_right_arithmetic3A_1056 : i32
        %shift_left3A_1059 = arith.constant 7 : i32
        %shift_left3A_1060 = arith.shli %shift_right_arithmetic3A_1056, %shift_left3A_1059 : i32
        %sub3A_1061 = arith.subi %sub3A_1054, %shift_left3A_1060 : i32
        %get3A_1062 = arith.constant 2 : i32
        %get3A_1063 = arith.index_cast %get3A_1062 : i32 to index
        %get3A_1064 = arith.index_cast %scan3A_160 : i32 to index
        %get3A_1065 = arith.index_cast %add3A_1058 : i32 to index
        %get3A_1066 = arith.index_cast %sub3A_1061 : i32 to index
        %get3A_1067 = tpu.vector_load %arg11[%get3A_1063, %get3A_1064, %get3A_1065, %get3A_1066] {strides = array<i32>} : memref<4x2x32x128xf32, #tpu.memory_space<vmem>>, vector<1x1x1x16xf32>,
        %get3A_1068 = vector.shape_cast %get3A_1067 : vector<1x1x1x16xf32> to vector<16xf32>
        %select_n3A_1069 = arith.select %eq3A_17, %get3A_1068, %get3A_1052 : vector<16xi1>, vector<16xf32>
        %sub3A_1070 = arith.constant 2 : i32
        %sub3A_1071 = arith.subi %and3A_757, %sub3A_1070 : i32
        %shift_right_arithmetic3A_1072 = arith.constant 31 : i32
        %shift_right_arithmetic3A_1073 = arith.shrsi %sub3A_1071, %shift_right_arithmetic3A_1072 : i32
        %add3A_1074 = arith.constant 18 : i32
        %add3A_1075 = arith.addi %add3A_1074, %shift_right_arithmetic3A_1073 : i32
        %shift_left3A_1076 = arith.constant 7 : i32
        %shift_left3A_1077 = arith.shli %shift_right_arithmetic3A_1073, %shift_left3A_1076 : i32
        %sub3A_1078 = arith.subi %sub3A_1071, %shift_left3A_1077 : i32
        %get3A_1079 = arith.constant 2 : i32
        %get3A_1080 = arith.index_cast %get3A_1079 : i32 to index
        %get3A_1081 = arith.index_cast %scan3A_160 : i32 to index
        %get3A_1082 = arith.index_cast %add3A_1075 : i32 to index
        %get3A_1083 = arith.index_cast %sub3A_1078 : i32 to index
        %get3A_1084 = tpu.vector_load %arg11[%get3A_1080, %get3A_1081, %get3A_1082, %get3A_1083] {strides = array<i32>} : memref<4x2x32x128xf32, #tpu.memory_space<vmem>>, vector<1x1x1x16xf32>,
        %get3A_1085 = vector.shape_cast %get3A_1084 : vector<1x1x1x16xf32> to vector<16xf32>
        %select_n3A_1086 = arith.select %eq3A_20, %get3A_1085, %select_n3A_1069 : vector<16xi1>, vector<16xf32>
        %sub3A_1087 = arith.constant 3 : i32
        %sub3A_1088 = arith.subi %and3A_757, %sub3A_1087 : i32
        %shift_right_arithmetic3A_1089 = arith.constant 31 : i32
        %shift_right_arithmetic3A_1090 = arith.shrsi %sub3A_1088, %shift_right_arithmetic3A_1089 : i32
        %add3A_1091 = arith.constant 19 : i32
        %add3A_1092 = arith.addi %add3A_1091, %shift_right_arithmetic3A_1090 : i32
        %shift_left3A_1093 = arith.constant 7 : i32
        %shift_left3A_1094 = arith.shli %shift_right_arithmetic3A_1090, %shift_left3A_1093 : i32
        %sub3A_1095 = arith.subi %sub3A_1088, %shift_left3A_1094 : i32
        %get3A_1096 = arith.constant 2 : i32
        %get3A_1097 = arith.index_cast %get3A_1096 : i32 to index
        %get3A_1098 = arith.index_cast %scan3A_160 : i32 to index
        %get3A_1099 = arith.index_cast %add3A_1092 : i32 to index
        %get3A_1100 = arith.index_cast %sub3A_1095 : i32 to index
        %get3A_1101 = tpu.vector_load %arg11[%get3A_1097, %get3A_1098, %get3A_1099, %get3A_1100] {strides = array<i32>} : memref<4x2x32x128xf32, #tpu.memory_space<vmem>>, vector<1x1x1x16xf32>,
        %get3A_1102 = vector.shape_cast %get3A_1101 : vector<1x1x1x16xf32> to vector<16xf32>
        %select_n3A_1103 = arith.select %eq3A_23, %get3A_1102, %select_n3A_1086 : vector<16xi1>, vector<16xf32>
        %sub3A_1104 = arith.constant 4 : i32
        %sub3A_1105 = arith.subi %and3A_757, %sub3A_1104 : i32
        %shift_right_arithmetic3A_1106 = arith.constant 31 : i32
        %shift_right_arithmetic3A_1107 = arith.shrsi %sub3A_1105, %shift_right_arithmetic3A_1106 : i32
        %add3A_1108 = arith.constant 20 : i32
        %add3A_1109 = arith.addi %add3A_1108, %shift_right_arithmetic3A_1107 : i32
        %shift_left3A_1110 = arith.constant 7 : i32
        %shift_left3A_1111 = arith.shli %shift_right_arithmetic3A_1107, %shift_left3A_1110 : i32
        %sub3A_1112 = arith.subi %sub3A_1105, %shift_left3A_1111 : i32
        %get3A_1113 = arith.constant 2 : i32
        %get3A_1114 = arith.index_cast %get3A_1113 : i32 to index
        %get3A_1115 = arith.index_cast %scan3A_160 : i32 to index
        %get3A_1116 = arith.index_cast %add3A_1109 : i32 to index
        %get3A_1117 = arith.index_cast %sub3A_1112 : i32 to index
        %get3A_1118 = tpu.vector_load %arg11[%get3A_1114, %get3A_1115, %get3A_1116, %get3A_1117] {strides = array<i32>} : memref<4x2x32x128xf32, #tpu.memory_space<vmem>>, vector<1x1x1x16xf32>,
        %get3A_1119 = vector.shape_cast %get3A_1118 : vector<1x1x1x16xf32> to vector<16xf32>
        %select_n3A_1120 = arith.select %eq3A_26, %get3A_1119, %select_n3A_1103 : vector<16xi1>, vector<16xf32>
        %sub3A_1121 = arith.constant 5 : i32
        %sub3A_1122 = arith.subi %and3A_757, %sub3A_1121 : i32
        %shift_right_arithmetic3A_1123 = arith.constant 31 : i32
        %shift_right_arithmetic3A_1124 = arith.shrsi %sub3A_1122, %shift_right_arithmetic3A_1123 : i32
        %add3A_1125 = arith.constant 21 : i32
        %add3A_1126 = arith.addi %add3A_1125, %shift_right_arithmetic3A_1124 : i32
        %shift_left3A_1127 = arith.constant 7 : i32
        %shift_left3A_1128 = arith.shli %shift_right_arithmetic3A_1124, %shift_left3A_1127 : i32
        %sub3A_1129 = arith.subi %sub3A_1122, %shift_left3A_1128 : i32
        %get3A_1130 = arith.constant 2 : i32
        %get3A_1131 = arith.index_cast %get3A_1130 : i32 to index
        %get3A_1132 = arith.index_cast %scan3A_160 : i32 to index
        %get3A_1133 = arith.index_cast %add3A_1126 : i32 to index
        %get3A_1134 = arith.index_cast %sub3A_1129 : i32 to index
        %get3A_1135 = tpu.vector_load %arg11[%get3A_1131, %get3A_1132, %get3A_1133, %get3A_1134] {strides = array<i32>} : memref<4x2x32x128xf32, #tpu.memory_space<vmem>>, vector<1x1x1x16xf32>,
        %get3A_1136 = vector.shape_cast %get3A_1135 : vector<1x1x1x16xf32> to vector<16xf32>
        %select_n3A_1137 = arith.select %eq3A_29, %get3A_1136, %select_n3A_1120 : vector<16xi1>, vector<16xf32>
        %sub3A_1138 = arith.constant 6 : i32
        %sub3A_1139 = arith.subi %and3A_757, %sub3A_1138 : i32
        %shift_right_arithmetic3A_1140 = arith.constant 31 : i32
        %shift_right_arithmetic3A_1141 = arith.shrsi %sub3A_1139, %shift_right_arithmetic3A_1140 : i32
        %add3A_1142 = arith.constant 22 : i32
        %add3A_1143 = arith.addi %add3A_1142, %shift_right_arithmetic3A_1141 : i32
        %shift_left3A_1144 = arith.constant 7 : i32
        %shift_left3A_1145 = arith.shli %shift_right_arithmetic3A_1141, %shift_left3A_1144 : i32
        %sub3A_1146 = arith.subi %sub3A_1139, %shift_left3A_1145 : i32
        %get3A_1147 = arith.constant 2 : i32
        %get3A_1148 = arith.index_cast %get3A_1147 : i32 to index
        %get3A_1149 = arith.index_cast %scan3A_160 : i32 to index
        %get3A_1150 = arith.index_cast %add3A_1143 : i32 to index
        %get3A_1151 = arith.index_cast %sub3A_1146 : i32 to index
        %get3A_1152 = tpu.vector_load %arg11[%get3A_1148, %get3A_1149, %get3A_1150, %get3A_1151] {strides = array<i32>} : memref<4x2x32x128xf32, #tpu.memory_space<vmem>>, vector<1x1x1x16xf32>,
        %get3A_1153 = vector.shape_cast %get3A_1152 : vector<1x1x1x16xf32> to vector<16xf32>
        %select_n3A_1154 = arith.select %eq3A_32, %get3A_1153, %select_n3A_1137 : vector<16xi1>, vector<16xf32>
        %sub3A_1155 = arith.constant 7 : i32
        %sub3A_1156 = arith.subi %and3A_757, %sub3A_1155 : i32
        %shift_right_arithmetic3A_1157 = arith.constant 31 : i32
        %shift_right_arithmetic3A_1158 = arith.shrsi %sub3A_1156, %shift_right_arithmetic3A_1157 : i32
        %add3A_1159 = arith.constant 23 : i32
        %add3A_1160 = arith.addi %add3A_1159, %shift_right_arithmetic3A_1158 : i32
        %shift_left3A_1161 = arith.constant 7 : i32
        %shift_left3A_1162 = arith.shli %shift_right_arithmetic3A_1158, %shift_left3A_1161 : i32
        %sub3A_1163 = arith.subi %sub3A_1156, %shift_left3A_1162 : i32
        %get3A_1164 = arith.constant 2 : i32
        %get3A_1165 = arith.index_cast %get3A_1164 : i32 to index
        %get3A_1166 = arith.index_cast %scan3A_160 : i32 to index
        %get3A_1167 = arith.index_cast %add3A_1160 : i32 to index
        %get3A_1168 = arith.index_cast %sub3A_1163 : i32 to index
        %get3A_1169 = tpu.vector_load %arg11[%get3A_1165, %get3A_1166, %get3A_1167, %get3A_1168] {strides = array<i32>} : memref<4x2x32x128xf32, #tpu.memory_space<vmem>>, vector<1x1x1x16xf32>,
        %get3A_1170 = vector.shape_cast %get3A_1169 : vector<1x1x1x16xf32> to vector<16xf32>
        %select_n3A_1171 = arith.select %eq3A_35, %get3A_1170, %select_n3A_1154 : vector<16xi1>, vector<16xf32>
        %sub3A_1172 = arith.constant 8 : i32
        %sub3A_1173 = arith.subi %and3A_757, %sub3A_1172 : i32
        %shift_right_arithmetic3A_1174 = arith.constant 31 : i32
        %shift_right_arithmetic3A_1175 = arith.shrsi %sub3A_1173, %shift_right_arithmetic3A_1174 : i32
        %add3A_1176 = arith.constant 24 : i32
        %add3A_1177 = arith.addi %add3A_1176, %shift_right_arithmetic3A_1175 : i32
        %shift_left3A_1178 = arith.constant 7 : i32
        %shift_left3A_1179 = arith.shli %shift_right_arithmetic3A_1175, %shift_left3A_1178 : i32
        %sub3A_1180 = arith.subi %sub3A_1173, %shift_left3A_1179 : i32
        %get3A_1181 = arith.constant 2 : i32
        %get3A_1182 = arith.index_cast %get3A_1181 : i32 to index
        %get3A_1183 = arith.index_cast %scan3A_160 : i32 to index
        %get3A_1184 = arith.index_cast %add3A_1177 : i32 to index
        %get3A_1185 = arith.index_cast %sub3A_1180 : i32 to index
        %get3A_1186 = tpu.vector_load %arg11[%get3A_1182, %get3A_1183, %get3A_1184, %get3A_1185] {strides = array<i32>} : memref<4x2x32x128xf32, #tpu.memory_space<vmem>>, vector<1x1x1x16xf32>,
        %get3A_1187 = vector.shape_cast %get3A_1186 : vector<1x1x1x16xf32> to vector<16xf32>
        %select_n3A_1188 = arith.select %eq3A_38, %get3A_1187, %select_n3A_1171 : vector<16xi1>, vector<16xf32>
        %sub3A_1189 = arith.constant 9 : i32
        %sub3A_1190 = arith.subi %and3A_757, %sub3A_1189 : i32
        %shift_right_arithmetic3A_1191 = arith.constant 31 : i32
        %shift_right_arithmetic3A_1192 = arith.shrsi %sub3A_1190, %shift_right_arithmetic3A_1191 : i32
        %add3A_1193 = arith.constant 25 : i32
        %add3A_1194 = arith.addi %add3A_1193, %shift_right_arithmetic3A_1192 : i32
        %shift_left3A_1195 = arith.constant 7 : i32
        %shift_left3A_1196 = arith.shli %shift_right_arithmetic3A_1192, %shift_left3A_1195 : i32
        %sub3A_1197 = arith.subi %sub3A_1190, %shift_left3A_1196 : i32
        %get3A_1198 = arith.constant 2 : i32
        %get3A_1199 = arith.index_cast %get3A_1198 : i32 to index
        %get3A_1200 = arith.index_cast %scan3A_160 : i32 to index
        %get3A_1201 = arith.index_cast %add3A_1194 : i32 to index
        %get3A_1202 = arith.index_cast %sub3A_1197 : i32 to index
        %get3A_1203 = tpu.vector_load %arg11[%get3A_1199, %get3A_1200, %get3A_1201, %get3A_1202] {strides = array<i32>} : memref<4x2x32x128xf32, #tpu.memory_space<vmem>>, vector<1x1x1x16xf32>,
        %get3A_1204 = vector.shape_cast %get3A_1203 : vector<1x1x1x16xf32> to vector<16xf32>
        %select_n3A_1205 = arith.select %eq3A_41, %get3A_1204, %select_n3A_1188 : vector<16xi1>, vector<16xf32>
        %sub3A_1206 = arith.constant 10 : i32
        %sub3A_1207 = arith.subi %and3A_757, %sub3A_1206 : i32
        %shift_right_arithmetic3A_1208 = arith.constant 31 : i32
        %shift_right_arithmetic3A_1209 = arith.shrsi %sub3A_1207, %shift_right_arithmetic3A_1208 : i32
        %add3A_1210 = arith.constant 26 : i32
        %add3A_1211 = arith.addi %add3A_1210, %shift_right_arithmetic3A_1209 : i32
        %shift_left3A_1212 = arith.constant 7 : i32
        %shift_left3A_1213 = arith.shli %shift_right_arithmetic3A_1209, %shift_left3A_1212 : i32
        %sub3A_1214 = arith.subi %sub3A_1207, %shift_left3A_1213 : i32
        %get3A_1215 = arith.constant 2 : i32
        %get3A_1216 = arith.index_cast %get3A_1215 : i32 to index
        %get3A_1217 = arith.index_cast %scan3A_160 : i32 to index
        %get3A_1218 = arith.index_cast %add3A_1211 : i32 to index
        %get3A_1219 = arith.index_cast %sub3A_1214 : i32 to index
        %get3A_1220 = tpu.vector_load %arg11[%get3A_1216, %get3A_1217, %get3A_1218, %get3A_1219] {strides = array<i32>} : memref<4x2x32x128xf32, #tpu.memory_space<vmem>>, vector<1x1x1x16xf32>,
        %get3A_1221 = vector.shape_cast %get3A_1220 : vector<1x1x1x16xf32> to vector<16xf32>
        %select_n3A_1222 = arith.select %eq3A_44, %get3A_1221, %select_n3A_1205 : vector<16xi1>, vector<16xf32>
        %sub3A_1223 = arith.constant 11 : i32
        %sub3A_1224 = arith.subi %and3A_757, %sub3A_1223 : i32
        %shift_right_arithmetic3A_1225 = arith.constant 31 : i32
        %shift_right_arithmetic3A_1226 = arith.shrsi %sub3A_1224, %shift_right_arithmetic3A_1225 : i32
        %add3A_1227 = arith.constant 27 : i32
        %add3A_1228 = arith.addi %add3A_1227, %shift_right_arithmetic3A_1226 : i32
        %shift_left3A_1229 = arith.constant 7 : i32
        %shift_left3A_1230 = arith.shli %shift_right_arithmetic3A_1226, %shift_left3A_1229 : i32
        %sub3A_1231 = arith.subi %sub3A_1224, %shift_left3A_1230 : i32
        %get3A_1232 = arith.constant 2 : i32
        %get3A_1233 = arith.index_cast %get3A_1232 : i32 to index
        %get3A_1234 = arith.index_cast %scan3A_160 : i32 to index
        %get3A_1235 = arith.index_cast %add3A_1228 : i32 to index
        %get3A_1236 = arith.index_cast %sub3A_1231 : i32 to index
        %get3A_1237 = tpu.vector_load %arg11[%get3A_1233, %get3A_1234, %get3A_1235, %get3A_1236] {strides = array<i32>} : memref<4x2x32x128xf32, #tpu.memory_space<vmem>>, vector<1x1x1x16xf32>,
        %get3A_1238 = vector.shape_cast %get3A_1237 : vector<1x1x1x16xf32> to vector<16xf32>
        %select_n3A_1239 = arith.select %eq3A_47, %get3A_1238, %select_n3A_1222 : vector<16xi1>, vector<16xf32>
        %sub3A_1240 = arith.constant 12 : i32
        %sub3A_1241 = arith.subi %and3A_757, %sub3A_1240 : i32
        %shift_right_arithmetic3A_1242 = arith.constant 31 : i32
        %shift_right_arithmetic3A_1243 = arith.shrsi %sub3A_1241, %shift_right_arithmetic3A_1242 : i32
        %add3A_1244 = arith.constant 28 : i32
        %add3A_1245 = arith.addi %add3A_1244, %shift_right_arithmetic3A_1243 : i32
        %shift_left3A_1246 = arith.constant 7 : i32
        %shift_left3A_1247 = arith.shli %shift_right_arithmetic3A_1243, %shift_left3A_1246 : i32
        %sub3A_1248 = arith.subi %sub3A_1241, %shift_left3A_1247 : i32
        %get3A_1249 = arith.constant 2 : i32
        %get3A_1250 = arith.index_cast %get3A_1249 : i32 to index
        %get3A_1251 = arith.index_cast %scan3A_160 : i32 to index
        %get3A_1252 = arith.index_cast %add3A_1245 : i32 to index
        %get3A_1253 = arith.index_cast %sub3A_1248 : i32 to index
        %get3A_1254 = tpu.vector_load %arg11[%get3A_1250, %get3A_1251, %get3A_1252, %get3A_1253] {strides = array<i32>} : memref<4x2x32x128xf32, #tpu.memory_space<vmem>>, vector<1x1x1x16xf32>,
        %get3A_1255 = vector.shape_cast %get3A_1254 : vector<1x1x1x16xf32> to vector<16xf32>
        %select_n3A_1256 = arith.select %eq3A_50, %get3A_1255, %select_n3A_1239 : vector<16xi1>, vector<16xf32>
        %sub3A_1257 = arith.constant 13 : i32
        %sub3A_1258 = arith.subi %and3A_757, %sub3A_1257 : i32
        %shift_right_arithmetic3A_1259 = arith.constant 31 : i32
        %shift_right_arithmetic3A_1260 = arith.shrsi %sub3A_1258, %shift_right_arithmetic3A_1259 : i32
        %add3A_1261 = arith.constant 29 : i32
        %add3A_1262 = arith.addi %add3A_1261, %shift_right_arithmetic3A_1260 : i32
        %shift_left3A_1263 = arith.constant 7 : i32
        %shift_left3A_1264 = arith.shli %shift_right_arithmetic3A_1260, %shift_left3A_1263 : i32
        %sub3A_1265 = arith.subi %sub3A_1258, %shift_left3A_1264 : i32
        %get3A_1266 = arith.constant 2 : i32
        %get3A_1267 = arith.index_cast %get3A_1266 : i32 to index
        %get3A_1268 = arith.index_cast %scan3A_160 : i32 to index
        %get3A_1269 = arith.index_cast %add3A_1262 : i32 to index
        %get3A_1270 = arith.index_cast %sub3A_1265 : i32 to index
        %get3A_1271 = tpu.vector_load %arg11[%get3A_1267, %get3A_1268, %get3A_1269, %get3A_1270] {strides = array<i32>} : memref<4x2x32x128xf32, #tpu.memory_space<vmem>>, vector<1x1x1x16xf32>,
        %get3A_1272 = vector.shape_cast %get3A_1271 : vector<1x1x1x16xf32> to vector<16xf32>
        %select_n3A_1273 = arith.select %eq3A_53, %get3A_1272, %select_n3A_1256 : vector<16xi1>, vector<16xf32>
        %sub3A_1274 = arith.constant 14 : i32
        %sub3A_1275 = arith.subi %and3A_757, %sub3A_1274 : i32
        %shift_right_arithmetic3A_1276 = arith.constant 31 : i32
        %shift_right_arithmetic3A_1277 = arith.shrsi %sub3A_1275, %shift_right_arithmetic3A_1276 : i32
        %add3A_1278 = arith.constant 30 : i32
        %add3A_1279 = arith.addi %add3A_1278, %shift_right_arithmetic3A_1277 : i32
        %shift_left3A_1280 = arith.constant 7 : i32
        %shift_left3A_1281 = arith.shli %shift_right_arithmetic3A_1277, %shift_left3A_1280 : i32
        %sub3A_1282 = arith.subi %sub3A_1275, %shift_left3A_1281 : i32
        %get3A_1283 = arith.constant 2 : i32
        %get3A_1284 = arith.index_cast %get3A_1283 : i32 to index
        %get3A_1285 = arith.index_cast %scan3A_160 : i32 to index
        %get3A_1286 = arith.index_cast %add3A_1279 : i32 to index
        %get3A_1287 = arith.index_cast %sub3A_1282 : i32 to index
        %get3A_1288 = tpu.vector_load %arg11[%get3A_1284, %get3A_1285, %get3A_1286, %get3A_1287] {strides = array<i32>} : memref<4x2x32x128xf32, #tpu.memory_space<vmem>>, vector<1x1x1x16xf32>,
        %get3A_1289 = vector.shape_cast %get3A_1288 : vector<1x1x1x16xf32> to vector<16xf32>
        %select_n3A_1290 = arith.select %eq3A_56, %get3A_1289, %select_n3A_1273 : vector<16xi1>, vector<16xf32>
        %sub3A_1291 = arith.constant 15 : i32
        %sub3A_1292 = arith.subi %and3A_757, %sub3A_1291 : i32
        %shift_right_arithmetic3A_1293 = arith.constant 31 : i32
        %shift_right_arithmetic3A_1294 = arith.shrsi %sub3A_1292, %shift_right_arithmetic3A_1293 : i32
        %add3A_1295 = arith.constant 31 : i32
        %add3A_1296 = arith.addi %add3A_1295, %shift_right_arithmetic3A_1294 : i32
        %shift_left3A_1297 = arith.constant 7 : i32
        %shift_left3A_1298 = arith.shli %shift_right_arithmetic3A_1294, %shift_left3A_1297 : i32
        %sub3A_1299 = arith.subi %sub3A_1292, %shift_left3A_1298 : i32
        %get3A_1300 = arith.constant 2 : i32
        %get3A_1301 = arith.index_cast %get3A_1300 : i32 to index
        %get3A_1302 = arith.index_cast %scan3A_160 : i32 to index
        %get3A_1303 = arith.index_cast %add3A_1296 : i32 to index
        %get3A_1304 = arith.index_cast %sub3A_1299 : i32 to index
        %get3A_1305 = tpu.vector_load %arg11[%get3A_1301, %get3A_1302, %get3A_1303, %get3A_1304] {strides = array<i32>} : memref<4x2x32x128xf32, #tpu.memory_space<vmem>>, vector<1x1x1x16xf32>,
        %get3A_1306 = vector.shape_cast %get3A_1305 : vector<1x1x1x16xf32> to vector<16xf32>
        %select_n3A_1307 = arith.select %eq3A_59, %get3A_1306, %select_n3A_1290 : vector<16xi1>, vector<16xf32>
        %mul3A_1308 = arith.constant 32 : i32
        %mul3A_1309 = arith.muli %add3A_192, %mul3A_1308 : i32
        %add3A_1310 = arith.constant 16 : i32
        %add3A_1311 = arith.addi %mul3A_1309, %add3A_1310 : i32
        %swap3A_1312 = arith.index_cast %add3A_1311 : i32 to index
        %swap3A_1313 = tpu.vector_load %arg13[%swap3A_1312] {strides = array<i32>} : memref<4096xf32, #tpu.memory_space<vmem>>, vector<16xf32>,
        %swap3A_1314 = vector.shape_cast %swap3A_1313 : vector<16xf32> to vector<16xf32>
        %swap3A_1315 = vector.shape_cast %select_n3A_1307 : vector<16xf32> to vector<16xf32>
        tpu.vector_store %arg13[%swap3A_1312], %swap3A_1315 {strides = array<i32>} : memref<4096xf32, #tpu.memory_space<vmem>>, vector<16xf32>,
      }
      %scan3A_140 = arith.constant 2 : i32
      %mul3A_141 = arith.constant 4 : i32
      %mul3A_142 = arith.muli %scan3A_87, %mul3A_141 : i32
      %add3A_143 = arith.constant 3 : i32
      %add3A_144 = arith.addi %mul3A_142, %add3A_143 : i32
      %add3A_145 = arith.constant 4 : i32
      %add3A_146 = arith.addi %add3A_144, %add3A_145 : i32
      %sub3A_147 = arith.constant 1 : i32
      %sub3A_148 = arith.subi %add3A_146, %sub3A_147 : i32
      %lt3A_149 = arith.constant 64 : i32
      %lt3A_150 = arith.cmpi slt, %sub3A_148, %lt3A_149 : i32
      %convert_element_type3A_151 = arith.extui %lt3A_150 : i1 to i32
      %cond3A_152 = arith.constant 0 : i32
      %cond3A_153 = arith.cmpi ne, %convert_element_type3A_151, %cond3A_152 : i32
      scf.if %cond3A_153 {
        %add3A_160 = arith.constant 4 : i32
        %add3A_161 = arith.addi %add3A_144, %add3A_160 : i32
        %sub3A_162 = arith.constant 1 : i32
        %sub3A_163 = arith.subi %add3A_161, %sub3A_162 : i32
        %scan3A_164 = arith.constant 0 : i32
        %scan3A_165 = arith.constant 0 : i32
        %scan3A_166 = arith.constant 2 : i32
        %scan3A_167 = arith.addi %scan3A_165, %scan3A_166 : i32
        %scan3A_168 = arith.constant 1 : i32
        scf.for %scan3A_170 = %scan3A_165 to %scan3A_167 step %scan3A_168  : i32 {
          %mul3A_171 = arith.constant 2 : i32
          %mul3A_172 = arith.muli %sub3A_163, %mul3A_171 : i32
          %add3A_173 = arith.addi %mul3A_172, %scan3A_170 : i32
          %get3A = arith.index_cast %add3A_173 : i32 to index
          %get3A_174 = tpu.vector_load %arg8[%get3A] {strides = array<i32>} : memref<144xi32, #tpu.memory_space<vmem>>, vector<16xi32>,
          %get3A_175 = vector.shape_cast %get3A_174 : vector<16xi32> to vector<16xi32>
          %slice3A = vector.extract_strided_slice %get3A_175 {offsets = [0], sizes = [1], strides = [1]} : vector<16xi32> to vector<1xi32>
          %squeeze3A = vector.extract %slice3A[0] : i32 from vector<1xi32>
          %get3A_176 = arith.index_cast %add3A_173 : i32 to index
          %get3A_177 = tpu.vector_load %arg9[%get3A_176] {strides = array<i32>} : memref<144xi32, #tpu.memory_space<vmem>>, vector<16xi32>,
          %get3A_178 = vector.shape_cast %get3A_177 : vector<16xi32> to vector<16xi32>
          %slice3A_179 = vector.extract_strided_slice %get3A_178 {offsets = [0], sizes = [1], strides = [1]} : vector<16xi32> to vector<1xi32>
          %squeeze3A_180 = vector.extract %slice3A_179[0] : i32 from vector<1xi32>
          %shift_right_arithmetic3A = arith.constant 7 : i32
          %shift_right_arithmetic3A_181 = arith.shrsi %squeeze3A, %shift_right_arithmetic3A : i32
          %mul3A_182 = arith.constant 128 : i32
          %mul3A_183 = arith.muli %shift_right_arithmetic3A_181, %mul3A_182 : i32
          %multiple_of3A = tpu.assume_multiple %mul3A_183, 128 : i32
          %shift_right_arithmetic3A_184 = arith.constant 7 : i32
          %shift_right_arithmetic3A_185 = arith.shrsi %squeeze3A_180, %shift_right_arithmetic3A_184 : i32
          %mul3A_186 = arith.constant 128 : i32
          %mul3A_187 = arith.muli %shift_right_arithmetic3A_185, %mul3A_186 : i32
          %multiple_of3A_188 = tpu.assume_multiple %mul3A_187, 128 : i32
          %dma_start3A = arith.constant 2 : i32
          %dma_start3A_189 = arith.constant 0 : i32
          %dma_start3A_190 = arith.constant 0 : i32
          %dma_start3A_191 = tpu.memref_slice %arg10[%dma_start3A, %scan3A_170, %dma_start3A_189, %dma_start3A_190] : memref<4x2x32x128xf32, #tpu.memory_space<vmem>> -> memref<1x1x32x128xf32, #tpu.memory_space<vmem>>
          %dma_start3A_192 = tpu.memref_squeeze %dma_start3A_191 : memref<1x1x32x128xf32, #tpu.memory_space<vmem>> -> memref<32x128xf32, #tpu.memory_space<vmem>>
          %dma_start3A_193 = arith.constant 0 : i32
          %dma_start3A_194 = tpu.memref_slice %arg4[%dma_start3A_193, %multiple_of3A] : memref<32x1000000xf32, #tpu.memory_space<hbm>> -> memref<32x128xf32, #tpu.memory_space<hbm>>
          %dma_start3A_195 = arith.constant 0 : i32
          %dma_start3A_196 = arith.constant 0 : i32
          %dma_start3A_197 = tpu.memref_slice %arg10[%dma_start3A, %scan3A_170, %dma_start3A_195, %dma_start3A_196] : memref<4x2x32x128xf32, #tpu.memory_space<vmem>> -> memref<1x1x32x128xf32, #tpu.memory_space<vmem>>
          %dma_start3A_198 = tpu.memref_squeeze %dma_start3A_197 : memref<1x1x32x128xf32, #tpu.memory_space<vmem>> -> memref<32x128xf32, #tpu.memory_space<vmem>>
          %dma_start3A_199 = arith.constant 0 : i32
          %dma_start3A_200 = tpu.memref_slice %arg4[%dma_start3A_199, %multiple_of3A] : memref<32x1000000xf32, #tpu.memory_space<hbm>> -> memref<32x128xf32, #tpu.memory_space<hbm>>
          tpu.enqueue_dma source(%dma_start3A_200 : memref<32x128xf32, #tpu.memory_space<hbm>>) target(%dma_start3A_198 : memref<32x128xf32, #tpu.memory_space<vmem>>) target_semaphore(%arg16 : memref<!tpu.dma_semaphore, #tpu.memory_space<semaphore_mem>>)
          %dma_start3A_201 = arith.constant 2 : i32
          %dma_start3A_202 = arith.constant 0 : i32
          %dma_start3A_203 = arith.constant 0 : i32
          %dma_start3A_204 = tpu.memref_slice %arg11[%dma_start3A_201, %scan3A_170, %dma_start3A_202, %dma_start3A_203] : memref<4x2x32x128xf32, #tpu.memory_space<vmem>> -> memref<1x1x32x128xf32, #tpu.memory_space<vmem>>
          %dma_start3A_205 = tpu.memref_squeeze %dma_start3A_204 : memref<1x1x32x128xf32, #tpu.memory_space<vmem>> -> memref<32x128xf32, #tpu.memory_space<vmem>>
          %dma_start3A_206 = arith.constant 0 : i32
          %dma_start3A_207 = tpu.memref_slice %arg5[%dma_start3A_206, %multiple_of3A_188] : memref<32x1000000xf32, #tpu.memory_space<hbm>> -> memref<32x128xf32, #tpu.memory_space<hbm>>
          %dma_start3A_208 = arith.constant 0 : i32
          %dma_start3A_209 = arith.constant 0 : i32
          %dma_start3A_210 = tpu.memref_slice %arg11[%dma_start3A_201, %scan3A_170, %dma_start3A_208, %dma_start3A_209] : memref<4x2x32x128xf32, #tpu.memory_space<vmem>> -> memref<1x1x32x128xf32, #tpu.memory_space<vmem>>
          %dma_start3A_211 = tpu.memref_squeeze %dma_start3A_210 : memref<1x1x32x128xf32, #tpu.memory_space<vmem>> -> memref<32x128xf32, #tpu.memory_space<vmem>>
          %dma_start3A_212 = arith.constant 0 : i32
          %dma_start3A_213 = tpu.memref_slice %arg5[%dma_start3A_212, %multiple_of3A_188] : memref<32x1000000xf32, #tpu.memory_space<hbm>> -> memref<32x128xf32, #tpu.memory_space<hbm>>
          tpu.enqueue_dma source(%dma_start3A_213 : memref<32x128xf32, #tpu.memory_space<hbm>>) target(%dma_start3A_211 : memref<32x128xf32, #tpu.memory_space<vmem>>) target_semaphore(%arg20 : memref<!tpu.dma_semaphore, #tpu.memory_space<semaphore_mem>>)
        }
        %scan3A_169 = arith.constant 2 : i32
      } else {
      }
      %scan3A_154 = arith.constant 0 : i32
      %scan3A_155 = arith.constant 0 : i32
      %scan3A_156 = arith.constant 2 : i32
      %scan3A_157 = arith.addi %scan3A_155, %scan3A_156 : i32
      %scan3A_158 = arith.constant 1 : i32
      scf.for %scan3A_160 = %scan3A_155 to %scan3A_157 step %scan3A_158  : i32 {
        %dma_wait3A = arith.constant 3 : i32
        %dma_wait3A_161 = arith.constant 0 : i32
        %dma_wait3A_162 = arith.constant 0 : i32
        %dma_wait3A_163 = tpu.memref_slice %arg10[%dma_wait3A, %scan3A_160, %dma_wait3A_161, %dma_wait3A_162] : memref<4x2x32x128xf32, #tpu.memory_space<vmem>> -> memref<1x1x32x128xf32, #tpu.memory_space<vmem>>
        %dma_wait3A_164 = tpu.memref_squeeze %dma_wait3A_163 : memref<1x1x32x128xf32, #tpu.memory_space<vmem>> -> memref<32x128xf32, #tpu.memory_space<vmem>>
        %dma_wait3A_165 = arith.constant 0 : i32
        %dma_wait3A_166 = arith.constant 0 : i32
        %dma_wait3A_167 = tpu.memref_slice %arg4[%dma_wait3A_165, %dma_wait3A_166] : memref<32x1000000xf32, #tpu.memory_space<hbm>> -> memref<32x128xf32, #tpu.memory_space<hbm>>
        %dma_wait3A_168 = arith.constant 0 : i32
        %dma_wait3A_169 = arith.constant 0 : i32
        %dma_wait3A_170 = tpu.memref_slice %arg10[%dma_wait3A, %scan3A_160, %dma_wait3A_168, %dma_wait3A_169] : memref<4x2x32x128xf32, #tpu.memory_space<vmem>> -> memref<1x1x32x128xf32, #tpu.memory_space<vmem>>
        %dma_wait3A_171 = tpu.memref_squeeze %dma_wait3A_170 : memref<1x1x32x128xf32, #tpu.memory_space<vmem>> -> memref<32x128xf32, #tpu.memory_space<vmem>>
        %dma_wait3A_172 = arith.constant 0 : i32
        %dma_wait3A_173 = arith.constant 0 : i32
        %dma_wait3A_174 = tpu.memref_slice %arg4[%dma_wait3A_172, %dma_wait3A_173] : memref<32x1000000xf32, #tpu.memory_space<hbm>> -> memref<32x128xf32, #tpu.memory_space<hbm>>
        tpu.wait_dma2 semaphore(%arg17 : memref<!tpu.dma_semaphore, #tpu.memory_space<semaphore_mem>>) src(%dma_wait3A_174 : memref<32x128xf32, #tpu.memory_space<hbm>>) dst(%dma_wait3A_171 : memref<32x128xf32, #tpu.memory_space<vmem>>)
        %dma_wait3A_175 = arith.constant 3 : i32
        %dma_wait3A_176 = arith.constant 0 : i32
        %dma_wait3A_177 = arith.constant 0 : i32
        %dma_wait3A_178 = tpu.memref_slice %arg11[%dma_wait3A_175, %scan3A_160, %dma_wait3A_176, %dma_wait3A_177] : memref<4x2x32x128xf32, #tpu.memory_space<vmem>> -> memref<1x1x32x128xf32, #tpu.memory_space<vmem>>
        %dma_wait3A_179 = tpu.memref_squeeze %dma_wait3A_178 : memref<1x1x32x128xf32, #tpu.memory_space<vmem>> -> memref<32x128xf32, #tpu.memory_space<vmem>>
        %dma_wait3A_180 = arith.constant 0 : i32
        %dma_wait3A_181 = arith.constant 0 : i32
        %dma_wait3A_182 = tpu.memref_slice %arg5[%dma_wait3A_180, %dma_wait3A_181] : memref<32x1000000xf32, #tpu.memory_space<hbm>> -> memref<32x128xf32, #tpu.memory_space<hbm>>
        %dma_wait3A_183 = arith.constant 0 : i32
        %dma_wait3A_184 = arith.constant 0 : i32
        %dma_wait3A_185 = tpu.memref_slice %arg11[%dma_wait3A_175, %scan3A_160, %dma_wait3A_183, %dma_wait3A_184] : memref<4x2x32x128xf32, #tpu.memory_space<vmem>> -> memref<1x1x32x128xf32, #tpu.memory_space<vmem>>
        %dma_wait3A_186 = tpu.memref_squeeze %dma_wait3A_185 : memref<1x1x32x128xf32, #tpu.memory_space<vmem>> -> memref<32x128xf32, #tpu.memory_space<vmem>>
        %dma_wait3A_187 = arith.constant 0 : i32
        %dma_wait3A_188 = arith.constant 0 : i32
        %dma_wait3A_189 = tpu.memref_slice %arg5[%dma_wait3A_187, %dma_wait3A_188] : memref<32x1000000xf32, #tpu.memory_space<hbm>> -> memref<32x128xf32, #tpu.memory_space<hbm>>
        tpu.wait_dma2 semaphore(%arg21 : memref<!tpu.dma_semaphore, #tpu.memory_space<semaphore_mem>>) src(%dma_wait3A_189 : memref<32x128xf32, #tpu.memory_space<hbm>>) dst(%dma_wait3A_186 : memref<32x128xf32, #tpu.memory_space<vmem>>)
        %mul3A_190 = arith.constant 2 : i32
        %mul3A_191 = arith.muli %add3A_144, %mul3A_190 : i32
        %add3A_192 = arith.addi %mul3A_191, %scan3A_160 : i32
        %get3A = arith.index_cast %add3A_192 : i32 to index
        %get3A_193 = tpu.vector_load %arg8[%get3A] {strides = array<i32>} : memref<144xi32, #tpu.memory_space<vmem>>, vector<16xi32>,
        %get3A_194 = vector.shape_cast %get3A_193 : vector<16xi32> to vector<16xi32>
        %slice3A = vector.extract_strided_slice %get3A_194 {offsets = [0], sizes = [1], strides = [1]} : vector<16xi32> to vector<1xi32>
        %squeeze3A = vector.extract %slice3A[0] : i32 from vector<1xi32>
        %get3A_195 = arith.index_cast %add3A_192 : i32 to index
        %get3A_196 = tpu.vector_load %arg9[%get3A_195] {strides = array<i32>} : memref<144xi32, #tpu.memory_space<vmem>>, vector<16xi32>,
        %get3A_197 = vector.shape_cast %get3A_196 : vector<16xi32> to vector<16xi32>
        %slice3A_198 = vector.extract_strided_slice %get3A_197 {offsets = [0], sizes = [1], strides = [1]} : vector<16xi32> to vector<1xi32>
        %squeeze3A_199 = vector.extract %slice3A_198[0] : i32 from vector<1xi32>
        %and3A = arith.constant 127 : i32
        %and3A_200 = arith.andi %squeeze3A, %and3A : i32
        %sub3A_201 = arith.constant 0 : i32
        %sub3A_202 = arith.subi %and3A_200, %sub3A_201 : i32
        %shift_right_arithmetic3A = arith.constant 31 : i32
        %shift_right_arithmetic3A_203 = arith.shrsi %sub3A_202, %shift_right_arithmetic3A : i32
        %add3A_204 = arith.constant 0 : i32
        %add3A_205 = arith.addi %add3A_204, %shift_right_arithmetic3A_203 : i32
        %shift_left3A = arith.constant 7 : i32
        %shift_left3A_206 = arith.shli %shift_right_arithmetic3A_203, %shift_left3A : i32
        %sub3A_207 = arith.subi %sub3A_202, %shift_left3A_206 : i32
        %get3A_208 = arith.constant 3 : i32
        %get3A_209 = arith.index_cast %get3A_208 : i32 to index
        %get3A_210 = arith.index_cast %scan3A_160 : i32 to index
        %get3A_211 = arith.index_cast %add3A_205 : i32 to index
        %get3A_212 = arith.index_cast %sub3A_207 : i32 to index
        %get3A_213 = tpu.vector_load %arg10[%get3A_209, %get3A_210, %get3A_211, %get3A_212] {strides = array<i32>} : memref<4x2x32x128xf32, #tpu.memory_space<vmem>>, vector<1x1x1x16xf32>,
        %get3A_214 = vector.shape_cast %get3A_213 : vector<1x1x1x16xf32> to vector<16xf32>
        %sub3A_215 = arith.constant 1 : i32
        %sub3A_216 = arith.subi %and3A_200, %sub3A_215 : i32
        %shift_right_arithmetic3A_217 = arith.constant 31 : i32
        %shift_right_arithmetic3A_218 = arith.shrsi %sub3A_216, %shift_right_arithmetic3A_217 : i32
        %add3A_219 = arith.constant 1 : i32
        %add3A_220 = arith.addi %add3A_219, %shift_right_arithmetic3A_218 : i32
        %shift_left3A_221 = arith.constant 7 : i32
        %shift_left3A_222 = arith.shli %shift_right_arithmetic3A_218, %shift_left3A_221 : i32
        %sub3A_223 = arith.subi %sub3A_216, %shift_left3A_222 : i32
        %get3A_224 = arith.constant 3 : i32
        %get3A_225 = arith.index_cast %get3A_224 : i32 to index
        %get3A_226 = arith.index_cast %scan3A_160 : i32 to index
        %get3A_227 = arith.index_cast %add3A_220 : i32 to index
        %get3A_228 = arith.index_cast %sub3A_223 : i32 to index
        %get3A_229 = tpu.vector_load %arg10[%get3A_225, %get3A_226, %get3A_227, %get3A_228] {strides = array<i32>} : memref<4x2x32x128xf32, #tpu.memory_space<vmem>>, vector<1x1x1x16xf32>,
        %get3A_230 = vector.shape_cast %get3A_229 : vector<1x1x1x16xf32> to vector<16xf32>
        %select_n3A = arith.select %eq3A_17, %get3A_230, %get3A_214 : vector<16xi1>, vector<16xf32>
        %sub3A_231 = arith.constant 2 : i32
        %sub3A_232 = arith.subi %and3A_200, %sub3A_231 : i32
        %shift_right_arithmetic3A_233 = arith.constant 31 : i32
        %shift_right_arithmetic3A_234 = arith.shrsi %sub3A_232, %shift_right_arithmetic3A_233 : i32
        %add3A_235 = arith.constant 2 : i32
        %add3A_236 = arith.addi %add3A_235, %shift_right_arithmetic3A_234 : i32
        %shift_left3A_237 = arith.constant 7 : i32
        %shift_left3A_238 = arith.shli %shift_right_arithmetic3A_234, %shift_left3A_237 : i32
        %sub3A_239 = arith.subi %sub3A_232, %shift_left3A_238 : i32
        %get3A_240 = arith.constant 3 : i32
        %get3A_241 = arith.index_cast %get3A_240 : i32 to index
        %get3A_242 = arith.index_cast %scan3A_160 : i32 to index
        %get3A_243 = arith.index_cast %add3A_236 : i32 to index
        %get3A_244 = arith.index_cast %sub3A_239 : i32 to index
        %get3A_245 = tpu.vector_load %arg10[%get3A_241, %get3A_242, %get3A_243, %get3A_244] {strides = array<i32>} : memref<4x2x32x128xf32, #tpu.memory_space<vmem>>, vector<1x1x1x16xf32>,
        %get3A_246 = vector.shape_cast %get3A_245 : vector<1x1x1x16xf32> to vector<16xf32>
        %select_n3A_247 = arith.select %eq3A_20, %get3A_246, %select_n3A : vector<16xi1>, vector<16xf32>
        %sub3A_248 = arith.constant 3 : i32
        %sub3A_249 = arith.subi %and3A_200, %sub3A_248 : i32
        %shift_right_arithmetic3A_250 = arith.constant 31 : i32
        %shift_right_arithmetic3A_251 = arith.shrsi %sub3A_249, %shift_right_arithmetic3A_250 : i32
        %add3A_252 = arith.constant 3 : i32
        %add3A_253 = arith.addi %add3A_252, %shift_right_arithmetic3A_251 : i32
        %shift_left3A_254 = arith.constant 7 : i32
        %shift_left3A_255 = arith.shli %shift_right_arithmetic3A_251, %shift_left3A_254 : i32
        %sub3A_256 = arith.subi %sub3A_249, %shift_left3A_255 : i32
        %get3A_257 = arith.constant 3 : i32
        %get3A_258 = arith.index_cast %get3A_257 : i32 to index
        %get3A_259 = arith.index_cast %scan3A_160 : i32 to index
        %get3A_260 = arith.index_cast %add3A_253 : i32 to index
        %get3A_261 = arith.index_cast %sub3A_256 : i32 to index
        %get3A_262 = tpu.vector_load %arg10[%get3A_258, %get3A_259, %get3A_260, %get3A_261] {strides = array<i32>} : memref<4x2x32x128xf32, #tpu.memory_space<vmem>>, vector<1x1x1x16xf32>,
        %get3A_263 = vector.shape_cast %get3A_262 : vector<1x1x1x16xf32> to vector<16xf32>
        %select_n3A_264 = arith.select %eq3A_23, %get3A_263, %select_n3A_247 : vector<16xi1>, vector<16xf32>
        %sub3A_265 = arith.constant 4 : i32
        %sub3A_266 = arith.subi %and3A_200, %sub3A_265 : i32
        %shift_right_arithmetic3A_267 = arith.constant 31 : i32
        %shift_right_arithmetic3A_268 = arith.shrsi %sub3A_266, %shift_right_arithmetic3A_267 : i32
        %add3A_269 = arith.constant 4 : i32
        %add3A_270 = arith.addi %add3A_269, %shift_right_arithmetic3A_268 : i32
        %shift_left3A_271 = arith.constant 7 : i32
        %shift_left3A_272 = arith.shli %shift_right_arithmetic3A_268, %shift_left3A_271 : i32
        %sub3A_273 = arith.subi %sub3A_266, %shift_left3A_272 : i32
        %get3A_274 = arith.constant 3 : i32
        %get3A_275 = arith.index_cast %get3A_274 : i32 to index
        %get3A_276 = arith.index_cast %scan3A_160 : i32 to index
        %get3A_277 = arith.index_cast %add3A_270 : i32 to index
        %get3A_278 = arith.index_cast %sub3A_273 : i32 to index
        %get3A_279 = tpu.vector_load %arg10[%get3A_275, %get3A_276, %get3A_277, %get3A_278] {strides = array<i32>} : memref<4x2x32x128xf32, #tpu.memory_space<vmem>>, vector<1x1x1x16xf32>,
        %get3A_280 = vector.shape_cast %get3A_279 : vector<1x1x1x16xf32> to vector<16xf32>
        %select_n3A_281 = arith.select %eq3A_26, %get3A_280, %select_n3A_264 : vector<16xi1>, vector<16xf32>
        %sub3A_282 = arith.constant 5 : i32
        %sub3A_283 = arith.subi %and3A_200, %sub3A_282 : i32
        %shift_right_arithmetic3A_284 = arith.constant 31 : i32
        %shift_right_arithmetic3A_285 = arith.shrsi %sub3A_283, %shift_right_arithmetic3A_284 : i32
        %add3A_286 = arith.constant 5 : i32
        %add3A_287 = arith.addi %add3A_286, %shift_right_arithmetic3A_285 : i32
        %shift_left3A_288 = arith.constant 7 : i32
        %shift_left3A_289 = arith.shli %shift_right_arithmetic3A_285, %shift_left3A_288 : i32
        %sub3A_290 = arith.subi %sub3A_283, %shift_left3A_289 : i32
        %get3A_291 = arith.constant 3 : i32
        %get3A_292 = arith.index_cast %get3A_291 : i32 to index
        %get3A_293 = arith.index_cast %scan3A_160 : i32 to index
        %get3A_294 = arith.index_cast %add3A_287 : i32 to index
        %get3A_295 = arith.index_cast %sub3A_290 : i32 to index
        %get3A_296 = tpu.vector_load %arg10[%get3A_292, %get3A_293, %get3A_294, %get3A_295] {strides = array<i32>} : memref<4x2x32x128xf32, #tpu.memory_space<vmem>>, vector<1x1x1x16xf32>,
        %get3A_297 = vector.shape_cast %get3A_296 : vector<1x1x1x16xf32> to vector<16xf32>
        %select_n3A_298 = arith.select %eq3A_29, %get3A_297, %select_n3A_281 : vector<16xi1>, vector<16xf32>
        %sub3A_299 = arith.constant 6 : i32
        %sub3A_300 = arith.subi %and3A_200, %sub3A_299 : i32
        %shift_right_arithmetic3A_301 = arith.constant 31 : i32
        %shift_right_arithmetic3A_302 = arith.shrsi %sub3A_300, %shift_right_arithmetic3A_301 : i32
        %add3A_303 = arith.constant 6 : i32
        %add3A_304 = arith.addi %add3A_303, %shift_right_arithmetic3A_302 : i32
        %shift_left3A_305 = arith.constant 7 : i32
        %shift_left3A_306 = arith.shli %shift_right_arithmetic3A_302, %shift_left3A_305 : i32
        %sub3A_307 = arith.subi %sub3A_300, %shift_left3A_306 : i32
        %get3A_308 = arith.constant 3 : i32
        %get3A_309 = arith.index_cast %get3A_308 : i32 to index
        %get3A_310 = arith.index_cast %scan3A_160 : i32 to index
        %get3A_311 = arith.index_cast %add3A_304 : i32 to index
        %get3A_312 = arith.index_cast %sub3A_307 : i32 to index
        %get3A_313 = tpu.vector_load %arg10[%get3A_309, %get3A_310, %get3A_311, %get3A_312] {strides = array<i32>} : memref<4x2x32x128xf32, #tpu.memory_space<vmem>>, vector<1x1x1x16xf32>,
        %get3A_314 = vector.shape_cast %get3A_313 : vector<1x1x1x16xf32> to vector<16xf32>
        %select_n3A_315 = arith.select %eq3A_32, %get3A_314, %select_n3A_298 : vector<16xi1>, vector<16xf32>
        %sub3A_316 = arith.constant 7 : i32
        %sub3A_317 = arith.subi %and3A_200, %sub3A_316 : i32
        %shift_right_arithmetic3A_318 = arith.constant 31 : i32
        %shift_right_arithmetic3A_319 = arith.shrsi %sub3A_317, %shift_right_arithmetic3A_318 : i32
        %add3A_320 = arith.constant 7 : i32
        %add3A_321 = arith.addi %add3A_320, %shift_right_arithmetic3A_319 : i32
        %shift_left3A_322 = arith.constant 7 : i32
        %shift_left3A_323 = arith.shli %shift_right_arithmetic3A_319, %shift_left3A_322 : i32
        %sub3A_324 = arith.subi %sub3A_317, %shift_left3A_323 : i32
        %get3A_325 = arith.constant 3 : i32
        %get3A_326 = arith.index_cast %get3A_325 : i32 to index
        %get3A_327 = arith.index_cast %scan3A_160 : i32 to index
        %get3A_328 = arith.index_cast %add3A_321 : i32 to index
        %get3A_329 = arith.index_cast %sub3A_324 : i32 to index
        %get3A_330 = tpu.vector_load %arg10[%get3A_326, %get3A_327, %get3A_328, %get3A_329] {strides = array<i32>} : memref<4x2x32x128xf32, #tpu.memory_space<vmem>>, vector<1x1x1x16xf32>,
        %get3A_331 = vector.shape_cast %get3A_330 : vector<1x1x1x16xf32> to vector<16xf32>
        %select_n3A_332 = arith.select %eq3A_35, %get3A_331, %select_n3A_315 : vector<16xi1>, vector<16xf32>
        %sub3A_333 = arith.constant 8 : i32
        %sub3A_334 = arith.subi %and3A_200, %sub3A_333 : i32
        %shift_right_arithmetic3A_335 = arith.constant 31 : i32
        %shift_right_arithmetic3A_336 = arith.shrsi %sub3A_334, %shift_right_arithmetic3A_335 : i32
        %add3A_337 = arith.constant 8 : i32
        %add3A_338 = arith.addi %add3A_337, %shift_right_arithmetic3A_336 : i32
        %shift_left3A_339 = arith.constant 7 : i32
        %shift_left3A_340 = arith.shli %shift_right_arithmetic3A_336, %shift_left3A_339 : i32
        %sub3A_341 = arith.subi %sub3A_334, %shift_left3A_340 : i32
        %get3A_342 = arith.constant 3 : i32
        %get3A_343 = arith.index_cast %get3A_342 : i32 to index
        %get3A_344 = arith.index_cast %scan3A_160 : i32 to index
        %get3A_345 = arith.index_cast %add3A_338 : i32 to index
        %get3A_346 = arith.index_cast %sub3A_341 : i32 to index
        %get3A_347 = tpu.vector_load %arg10[%get3A_343, %get3A_344, %get3A_345, %get3A_346] {strides = array<i32>} : memref<4x2x32x128xf32, #tpu.memory_space<vmem>>, vector<1x1x1x16xf32>,
        %get3A_348 = vector.shape_cast %get3A_347 : vector<1x1x1x16xf32> to vector<16xf32>
        %select_n3A_349 = arith.select %eq3A_38, %get3A_348, %select_n3A_332 : vector<16xi1>, vector<16xf32>
        %sub3A_350 = arith.constant 9 : i32
        %sub3A_351 = arith.subi %and3A_200, %sub3A_350 : i32
        %shift_right_arithmetic3A_352 = arith.constant 31 : i32
        %shift_right_arithmetic3A_353 = arith.shrsi %sub3A_351, %shift_right_arithmetic3A_352 : i32
        %add3A_354 = arith.constant 9 : i32
        %add3A_355 = arith.addi %add3A_354, %shift_right_arithmetic3A_353 : i32
        %shift_left3A_356 = arith.constant 7 : i32
        %shift_left3A_357 = arith.shli %shift_right_arithmetic3A_353, %shift_left3A_356 : i32
        %sub3A_358 = arith.subi %sub3A_351, %shift_left3A_357 : i32
        %get3A_359 = arith.constant 3 : i32
        %get3A_360 = arith.index_cast %get3A_359 : i32 to index
        %get3A_361 = arith.index_cast %scan3A_160 : i32 to index
        %get3A_362 = arith.index_cast %add3A_355 : i32 to index
        %get3A_363 = arith.index_cast %sub3A_358 : i32 to index
        %get3A_364 = tpu.vector_load %arg10[%get3A_360, %get3A_361, %get3A_362, %get3A_363] {strides = array<i32>} : memref<4x2x32x128xf32, #tpu.memory_space<vmem>>, vector<1x1x1x16xf32>,
        %get3A_365 = vector.shape_cast %get3A_364 : vector<1x1x1x16xf32> to vector<16xf32>
        %select_n3A_366 = arith.select %eq3A_41, %get3A_365, %select_n3A_349 : vector<16xi1>, vector<16xf32>
        %sub3A_367 = arith.constant 10 : i32
        %sub3A_368 = arith.subi %and3A_200, %sub3A_367 : i32
        %shift_right_arithmetic3A_369 = arith.constant 31 : i32
        %shift_right_arithmetic3A_370 = arith.shrsi %sub3A_368, %shift_right_arithmetic3A_369 : i32
        %add3A_371 = arith.constant 10 : i32
        %add3A_372 = arith.addi %add3A_371, %shift_right_arithmetic3A_370 : i32
        %shift_left3A_373 = arith.constant 7 : i32
        %shift_left3A_374 = arith.shli %shift_right_arithmetic3A_370, %shift_left3A_373 : i32
        %sub3A_375 = arith.subi %sub3A_368, %shift_left3A_374 : i32
        %get3A_376 = arith.constant 3 : i32
        %get3A_377 = arith.index_cast %get3A_376 : i32 to index
        %get3A_378 = arith.index_cast %scan3A_160 : i32 to index
        %get3A_379 = arith.index_cast %add3A_372 : i32 to index
        %get3A_380 = arith.index_cast %sub3A_375 : i32 to index
        %get3A_381 = tpu.vector_load %arg10[%get3A_377, %get3A_378, %get3A_379, %get3A_380] {strides = array<i32>} : memref<4x2x32x128xf32, #tpu.memory_space<vmem>>, vector<1x1x1x16xf32>,
        %get3A_382 = vector.shape_cast %get3A_381 : vector<1x1x1x16xf32> to vector<16xf32>
        %select_n3A_383 = arith.select %eq3A_44, %get3A_382, %select_n3A_366 : vector<16xi1>, vector<16xf32>
        %sub3A_384 = arith.constant 11 : i32
        %sub3A_385 = arith.subi %and3A_200, %sub3A_384 : i32
        %shift_right_arithmetic3A_386 = arith.constant 31 : i32
        %shift_right_arithmetic3A_387 = arith.shrsi %sub3A_385, %shift_right_arithmetic3A_386 : i32
        %add3A_388 = arith.constant 11 : i32
        %add3A_389 = arith.addi %add3A_388, %shift_right_arithmetic3A_387 : i32
        %shift_left3A_390 = arith.constant 7 : i32
        %shift_left3A_391 = arith.shli %shift_right_arithmetic3A_387, %shift_left3A_390 : i32
        %sub3A_392 = arith.subi %sub3A_385, %shift_left3A_391 : i32
        %get3A_393 = arith.constant 3 : i32
        %get3A_394 = arith.index_cast %get3A_393 : i32 to index
        %get3A_395 = arith.index_cast %scan3A_160 : i32 to index
        %get3A_396 = arith.index_cast %add3A_389 : i32 to index
        %get3A_397 = arith.index_cast %sub3A_392 : i32 to index
        %get3A_398 = tpu.vector_load %arg10[%get3A_394, %get3A_395, %get3A_396, %get3A_397] {strides = array<i32>} : memref<4x2x32x128xf32, #tpu.memory_space<vmem>>, vector<1x1x1x16xf32>,
        %get3A_399 = vector.shape_cast %get3A_398 : vector<1x1x1x16xf32> to vector<16xf32>
        %select_n3A_400 = arith.select %eq3A_47, %get3A_399, %select_n3A_383 : vector<16xi1>, vector<16xf32>
        %sub3A_401 = arith.constant 12 : i32
        %sub3A_402 = arith.subi %and3A_200, %sub3A_401 : i32
        %shift_right_arithmetic3A_403 = arith.constant 31 : i32
        %shift_right_arithmetic3A_404 = arith.shrsi %sub3A_402, %shift_right_arithmetic3A_403 : i32
        %add3A_405 = arith.constant 12 : i32
        %add3A_406 = arith.addi %add3A_405, %shift_right_arithmetic3A_404 : i32
        %shift_left3A_407 = arith.constant 7 : i32
        %shift_left3A_408 = arith.shli %shift_right_arithmetic3A_404, %shift_left3A_407 : i32
        %sub3A_409 = arith.subi %sub3A_402, %shift_left3A_408 : i32
        %get3A_410 = arith.constant 3 : i32
        %get3A_411 = arith.index_cast %get3A_410 : i32 to index
        %get3A_412 = arith.index_cast %scan3A_160 : i32 to index
        %get3A_413 = arith.index_cast %add3A_406 : i32 to index
        %get3A_414 = arith.index_cast %sub3A_409 : i32 to index
        %get3A_415 = tpu.vector_load %arg10[%get3A_411, %get3A_412, %get3A_413, %get3A_414] {strides = array<i32>} : memref<4x2x32x128xf32, #tpu.memory_space<vmem>>, vector<1x1x1x16xf32>,
        %get3A_416 = vector.shape_cast %get3A_415 : vector<1x1x1x16xf32> to vector<16xf32>
        %select_n3A_417 = arith.select %eq3A_50, %get3A_416, %select_n3A_400 : vector<16xi1>, vector<16xf32>
        %sub3A_418 = arith.constant 13 : i32
        %sub3A_419 = arith.subi %and3A_200, %sub3A_418 : i32
        %shift_right_arithmetic3A_420 = arith.constant 31 : i32
        %shift_right_arithmetic3A_421 = arith.shrsi %sub3A_419, %shift_right_arithmetic3A_420 : i32
        %add3A_422 = arith.constant 13 : i32
        %add3A_423 = arith.addi %add3A_422, %shift_right_arithmetic3A_421 : i32
        %shift_left3A_424 = arith.constant 7 : i32
        %shift_left3A_425 = arith.shli %shift_right_arithmetic3A_421, %shift_left3A_424 : i32
        %sub3A_426 = arith.subi %sub3A_419, %shift_left3A_425 : i32
        %get3A_427 = arith.constant 3 : i32
        %get3A_428 = arith.index_cast %get3A_427 : i32 to index
        %get3A_429 = arith.index_cast %scan3A_160 : i32 to index
        %get3A_430 = arith.index_cast %add3A_423 : i32 to index
        %get3A_431 = arith.index_cast %sub3A_426 : i32 to index
        %get3A_432 = tpu.vector_load %arg10[%get3A_428, %get3A_429, %get3A_430, %get3A_431] {strides = array<i32>} : memref<4x2x32x128xf32, #tpu.memory_space<vmem>>, vector<1x1x1x16xf32>,
        %get3A_433 = vector.shape_cast %get3A_432 : vector<1x1x1x16xf32> to vector<16xf32>
        %select_n3A_434 = arith.select %eq3A_53, %get3A_433, %select_n3A_417 : vector<16xi1>, vector<16xf32>
        %sub3A_435 = arith.constant 14 : i32
        %sub3A_436 = arith.subi %and3A_200, %sub3A_435 : i32
        %shift_right_arithmetic3A_437 = arith.constant 31 : i32
        %shift_right_arithmetic3A_438 = arith.shrsi %sub3A_436, %shift_right_arithmetic3A_437 : i32
        %add3A_439 = arith.constant 14 : i32
        %add3A_440 = arith.addi %add3A_439, %shift_right_arithmetic3A_438 : i32
        %shift_left3A_441 = arith.constant 7 : i32
        %shift_left3A_442 = arith.shli %shift_right_arithmetic3A_438, %shift_left3A_441 : i32
        %sub3A_443 = arith.subi %sub3A_436, %shift_left3A_442 : i32
        %get3A_444 = arith.constant 3 : i32
        %get3A_445 = arith.index_cast %get3A_444 : i32 to index
        %get3A_446 = arith.index_cast %scan3A_160 : i32 to index
        %get3A_447 = arith.index_cast %add3A_440 : i32 to index
        %get3A_448 = arith.index_cast %sub3A_443 : i32 to index
        %get3A_449 = tpu.vector_load %arg10[%get3A_445, %get3A_446, %get3A_447, %get3A_448] {strides = array<i32>} : memref<4x2x32x128xf32, #tpu.memory_space<vmem>>, vector<1x1x1x16xf32>,
        %get3A_450 = vector.shape_cast %get3A_449 : vector<1x1x1x16xf32> to vector<16xf32>
        %select_n3A_451 = arith.select %eq3A_56, %get3A_450, %select_n3A_434 : vector<16xi1>, vector<16xf32>
        %sub3A_452 = arith.constant 15 : i32
        %sub3A_453 = arith.subi %and3A_200, %sub3A_452 : i32
        %shift_right_arithmetic3A_454 = arith.constant 31 : i32
        %shift_right_arithmetic3A_455 = arith.shrsi %sub3A_453, %shift_right_arithmetic3A_454 : i32
        %add3A_456 = arith.constant 15 : i32
        %add3A_457 = arith.addi %add3A_456, %shift_right_arithmetic3A_455 : i32
        %shift_left3A_458 = arith.constant 7 : i32
        %shift_left3A_459 = arith.shli %shift_right_arithmetic3A_455, %shift_left3A_458 : i32
        %sub3A_460 = arith.subi %sub3A_453, %shift_left3A_459 : i32
        %get3A_461 = arith.constant 3 : i32
        %get3A_462 = arith.index_cast %get3A_461 : i32 to index
        %get3A_463 = arith.index_cast %scan3A_160 : i32 to index
        %get3A_464 = arith.index_cast %add3A_457 : i32 to index
        %get3A_465 = arith.index_cast %sub3A_460 : i32 to index
        %get3A_466 = tpu.vector_load %arg10[%get3A_462, %get3A_463, %get3A_464, %get3A_465] {strides = array<i32>} : memref<4x2x32x128xf32, #tpu.memory_space<vmem>>, vector<1x1x1x16xf32>,
        %get3A_467 = vector.shape_cast %get3A_466 : vector<1x1x1x16xf32> to vector<16xf32>
        %select_n3A_468 = arith.select %eq3A_59, %get3A_467, %select_n3A_451 : vector<16xi1>, vector<16xf32>
        %mul3A_469 = arith.constant 32 : i32
        %mul3A_470 = arith.muli %add3A_192, %mul3A_469 : i32
        %add3A_471 = arith.constant 0 : i32
        %add3A_472 = arith.addi %mul3A_470, %add3A_471 : i32
        %swap3A_473 = arith.index_cast %add3A_472 : i32 to index
        %swap3A_474 = tpu.vector_load %arg12[%swap3A_473] {strides = array<i32>} : memref<4096xf32, #tpu.memory_space<vmem>>, vector<16xf32>,
        %swap3A_475 = vector.shape_cast %swap3A_474 : vector<16xf32> to vector<16xf32>
        %swap3A_476 = vector.shape_cast %select_n3A_468 : vector<16xf32> to vector<16xf32>
        tpu.vector_store %arg12[%swap3A_473], %swap3A_476 {strides = array<i32>} : memref<4096xf32, #tpu.memory_space<vmem>>, vector<16xf32>,
        %sub3A_477 = arith.constant 0 : i32
        %sub3A_478 = arith.subi %and3A_200, %sub3A_477 : i32
        %shift_right_arithmetic3A_479 = arith.constant 31 : i32
        %shift_right_arithmetic3A_480 = arith.shrsi %sub3A_478, %shift_right_arithmetic3A_479 : i32
        %add3A_481 = arith.constant 16 : i32
        %add3A_482 = arith.addi %add3A_481, %shift_right_arithmetic3A_480 : i32
        %shift_left3A_483 = arith.constant 7 : i32
        %shift_left3A_484 = arith.shli %shift_right_arithmetic3A_480, %shift_left3A_483 : i32
        %sub3A_485 = arith.subi %sub3A_478, %shift_left3A_484 : i32
        %get3A_486 = arith.constant 3 : i32
        %get3A_487 = arith.index_cast %get3A_486 : i32 to index
        %get3A_488 = arith.index_cast %scan3A_160 : i32 to index
        %get3A_489 = arith.index_cast %add3A_482 : i32 to index
        %get3A_490 = arith.index_cast %sub3A_485 : i32 to index
        %get3A_491 = tpu.vector_load %arg10[%get3A_487, %get3A_488, %get3A_489, %get3A_490] {strides = array<i32>} : memref<4x2x32x128xf32, #tpu.memory_space<vmem>>, vector<1x1x1x16xf32>,
        %get3A_492 = vector.shape_cast %get3A_491 : vector<1x1x1x16xf32> to vector<16xf32>
        %sub3A_493 = arith.constant 1 : i32
        %sub3A_494 = arith.subi %and3A_200, %sub3A_493 : i32
        %shift_right_arithmetic3A_495 = arith.constant 31 : i32
        %shift_right_arithmetic3A_496 = arith.shrsi %sub3A_494, %shift_right_arithmetic3A_495 : i32
        %add3A_497 = arith.constant 17 : i32
        %add3A_498 = arith.addi %add3A_497, %shift_right_arithmetic3A_496 : i32
        %shift_left3A_499 = arith.constant 7 : i32
        %shift_left3A_500 = arith.shli %shift_right_arithmetic3A_496, %shift_left3A_499 : i32
        %sub3A_501 = arith.subi %sub3A_494, %shift_left3A_500 : i32
        %get3A_502 = arith.constant 3 : i32
        %get3A_503 = arith.index_cast %get3A_502 : i32 to index
        %get3A_504 = arith.index_cast %scan3A_160 : i32 to index
        %get3A_505 = arith.index_cast %add3A_498 : i32 to index
        %get3A_506 = arith.index_cast %sub3A_501 : i32 to index
        %get3A_507 = tpu.vector_load %arg10[%get3A_503, %get3A_504, %get3A_505, %get3A_506] {strides = array<i32>} : memref<4x2x32x128xf32, #tpu.memory_space<vmem>>, vector<1x1x1x16xf32>,
        %get3A_508 = vector.shape_cast %get3A_507 : vector<1x1x1x16xf32> to vector<16xf32>
        %select_n3A_509 = arith.select %eq3A_17, %get3A_508, %get3A_492 : vector<16xi1>, vector<16xf32>
        %sub3A_510 = arith.constant 2 : i32
        %sub3A_511 = arith.subi %and3A_200, %sub3A_510 : i32
        %shift_right_arithmetic3A_512 = arith.constant 31 : i32
        %shift_right_arithmetic3A_513 = arith.shrsi %sub3A_511, %shift_right_arithmetic3A_512 : i32
        %add3A_514 = arith.constant 18 : i32
        %add3A_515 = arith.addi %add3A_514, %shift_right_arithmetic3A_513 : i32
        %shift_left3A_516 = arith.constant 7 : i32
        %shift_left3A_517 = arith.shli %shift_right_arithmetic3A_513, %shift_left3A_516 : i32
        %sub3A_518 = arith.subi %sub3A_511, %shift_left3A_517 : i32
        %get3A_519 = arith.constant 3 : i32
        %get3A_520 = arith.index_cast %get3A_519 : i32 to index
        %get3A_521 = arith.index_cast %scan3A_160 : i32 to index
        %get3A_522 = arith.index_cast %add3A_515 : i32 to index
        %get3A_523 = arith.index_cast %sub3A_518 : i32 to index
        %get3A_524 = tpu.vector_load %arg10[%get3A_520, %get3A_521, %get3A_522, %get3A_523] {strides = array<i32>} : memref<4x2x32x128xf32, #tpu.memory_space<vmem>>, vector<1x1x1x16xf32>,
        %get3A_525 = vector.shape_cast %get3A_524 : vector<1x1x1x16xf32> to vector<16xf32>
        %select_n3A_526 = arith.select %eq3A_20, %get3A_525, %select_n3A_509 : vector<16xi1>, vector<16xf32>
        %sub3A_527 = arith.constant 3 : i32
        %sub3A_528 = arith.subi %and3A_200, %sub3A_527 : i32
        %shift_right_arithmetic3A_529 = arith.constant 31 : i32
        %shift_right_arithmetic3A_530 = arith.shrsi %sub3A_528, %shift_right_arithmetic3A_529 : i32
        %add3A_531 = arith.constant 19 : i32
        %add3A_532 = arith.addi %add3A_531, %shift_right_arithmetic3A_530 : i32
        %shift_left3A_533 = arith.constant 7 : i32
        %shift_left3A_534 = arith.shli %shift_right_arithmetic3A_530, %shift_left3A_533 : i32
        %sub3A_535 = arith.subi %sub3A_528, %shift_left3A_534 : i32
        %get3A_536 = arith.constant 3 : i32
        %get3A_537 = arith.index_cast %get3A_536 : i32 to index
        %get3A_538 = arith.index_cast %scan3A_160 : i32 to index
        %get3A_539 = arith.index_cast %add3A_532 : i32 to index
        %get3A_540 = arith.index_cast %sub3A_535 : i32 to index
        %get3A_541 = tpu.vector_load %arg10[%get3A_537, %get3A_538, %get3A_539, %get3A_540] {strides = array<i32>} : memref<4x2x32x128xf32, #tpu.memory_space<vmem>>, vector<1x1x1x16xf32>,
        %get3A_542 = vector.shape_cast %get3A_541 : vector<1x1x1x16xf32> to vector<16xf32>
        %select_n3A_543 = arith.select %eq3A_23, %get3A_542, %select_n3A_526 : vector<16xi1>, vector<16xf32>
        %sub3A_544 = arith.constant 4 : i32
        %sub3A_545 = arith.subi %and3A_200, %sub3A_544 : i32
        %shift_right_arithmetic3A_546 = arith.constant 31 : i32
        %shift_right_arithmetic3A_547 = arith.shrsi %sub3A_545, %shift_right_arithmetic3A_546 : i32
        %add3A_548 = arith.constant 20 : i32
        %add3A_549 = arith.addi %add3A_548, %shift_right_arithmetic3A_547 : i32
        %shift_left3A_550 = arith.constant 7 : i32
        %shift_left3A_551 = arith.shli %shift_right_arithmetic3A_547, %shift_left3A_550 : i32
        %sub3A_552 = arith.subi %sub3A_545, %shift_left3A_551 : i32
        %get3A_553 = arith.constant 3 : i32
        %get3A_554 = arith.index_cast %get3A_553 : i32 to index
        %get3A_555 = arith.index_cast %scan3A_160 : i32 to index
        %get3A_556 = arith.index_cast %add3A_549 : i32 to index
        %get3A_557 = arith.index_cast %sub3A_552 : i32 to index
        %get3A_558 = tpu.vector_load %arg10[%get3A_554, %get3A_555, %get3A_556, %get3A_557] {strides = array<i32>} : memref<4x2x32x128xf32, #tpu.memory_space<vmem>>, vector<1x1x1x16xf32>,
        %get3A_559 = vector.shape_cast %get3A_558 : vector<1x1x1x16xf32> to vector<16xf32>
        %select_n3A_560 = arith.select %eq3A_26, %get3A_559, %select_n3A_543 : vector<16xi1>, vector<16xf32>
        %sub3A_561 = arith.constant 5 : i32
        %sub3A_562 = arith.subi %and3A_200, %sub3A_561 : i32
        %shift_right_arithmetic3A_563 = arith.constant 31 : i32
        %shift_right_arithmetic3A_564 = arith.shrsi %sub3A_562, %shift_right_arithmetic3A_563 : i32
        %add3A_565 = arith.constant 21 : i32
        %add3A_566 = arith.addi %add3A_565, %shift_right_arithmetic3A_564 : i32
        %shift_left3A_567 = arith.constant 7 : i32
        %shift_left3A_568 = arith.shli %shift_right_arithmetic3A_564, %shift_left3A_567 : i32
        %sub3A_569 = arith.subi %sub3A_562, %shift_left3A_568 : i32
        %get3A_570 = arith.constant 3 : i32
        %get3A_571 = arith.index_cast %get3A_570 : i32 to index
        %get3A_572 = arith.index_cast %scan3A_160 : i32 to index
        %get3A_573 = arith.index_cast %add3A_566 : i32 to index
        %get3A_574 = arith.index_cast %sub3A_569 : i32 to index
        %get3A_575 = tpu.vector_load %arg10[%get3A_571, %get3A_572, %get3A_573, %get3A_574] {strides = array<i32>} : memref<4x2x32x128xf32, #tpu.memory_space<vmem>>, vector<1x1x1x16xf32>,
        %get3A_576 = vector.shape_cast %get3A_575 : vector<1x1x1x16xf32> to vector<16xf32>
        %select_n3A_577 = arith.select %eq3A_29, %get3A_576, %select_n3A_560 : vector<16xi1>, vector<16xf32>
        %sub3A_578 = arith.constant 6 : i32
        %sub3A_579 = arith.subi %and3A_200, %sub3A_578 : i32
        %shift_right_arithmetic3A_580 = arith.constant 31 : i32
        %shift_right_arithmetic3A_581 = arith.shrsi %sub3A_579, %shift_right_arithmetic3A_580 : i32
        %add3A_582 = arith.constant 22 : i32
        %add3A_583 = arith.addi %add3A_582, %shift_right_arithmetic3A_581 : i32
        %shift_left3A_584 = arith.constant 7 : i32
        %shift_left3A_585 = arith.shli %shift_right_arithmetic3A_581, %shift_left3A_584 : i32
        %sub3A_586 = arith.subi %sub3A_579, %shift_left3A_585 : i32
        %get3A_587 = arith.constant 3 : i32
        %get3A_588 = arith.index_cast %get3A_587 : i32 to index
        %get3A_589 = arith.index_cast %scan3A_160 : i32 to index
        %get3A_590 = arith.index_cast %add3A_583 : i32 to index
        %get3A_591 = arith.index_cast %sub3A_586 : i32 to index
        %get3A_592 = tpu.vector_load %arg10[%get3A_588, %get3A_589, %get3A_590, %get3A_591] {strides = array<i32>} : memref<4x2x32x128xf32, #tpu.memory_space<vmem>>, vector<1x1x1x16xf32>,
        %get3A_593 = vector.shape_cast %get3A_592 : vector<1x1x1x16xf32> to vector<16xf32>
        %select_n3A_594 = arith.select %eq3A_32, %get3A_593, %select_n3A_577 : vector<16xi1>, vector<16xf32>
        %sub3A_595 = arith.constant 7 : i32
        %sub3A_596 = arith.subi %and3A_200, %sub3A_595 : i32
        %shift_right_arithmetic3A_597 = arith.constant 31 : i32
        %shift_right_arithmetic3A_598 = arith.shrsi %sub3A_596, %shift_right_arithmetic3A_597 : i32
        %add3A_599 = arith.constant 23 : i32
        %add3A_600 = arith.addi %add3A_599, %shift_right_arithmetic3A_598 : i32
        %shift_left3A_601 = arith.constant 7 : i32
        %shift_left3A_602 = arith.shli %shift_right_arithmetic3A_598, %shift_left3A_601 : i32
        %sub3A_603 = arith.subi %sub3A_596, %shift_left3A_602 : i32
        %get3A_604 = arith.constant 3 : i32
        %get3A_605 = arith.index_cast %get3A_604 : i32 to index
        %get3A_606 = arith.index_cast %scan3A_160 : i32 to index
        %get3A_607 = arith.index_cast %add3A_600 : i32 to index
        %get3A_608 = arith.index_cast %sub3A_603 : i32 to index
        %get3A_609 = tpu.vector_load %arg10[%get3A_605, %get3A_606, %get3A_607, %get3A_608] {strides = array<i32>} : memref<4x2x32x128xf32, #tpu.memory_space<vmem>>, vector<1x1x1x16xf32>,
        %get3A_610 = vector.shape_cast %get3A_609 : vector<1x1x1x16xf32> to vector<16xf32>
        %select_n3A_611 = arith.select %eq3A_35, %get3A_610, %select_n3A_594 : vector<16xi1>, vector<16xf32>
        %sub3A_612 = arith.constant 8 : i32
        %sub3A_613 = arith.subi %and3A_200, %sub3A_612 : i32
        %shift_right_arithmetic3A_614 = arith.constant 31 : i32
        %shift_right_arithmetic3A_615 = arith.shrsi %sub3A_613, %shift_right_arithmetic3A_614 : i32
        %add3A_616 = arith.constant 24 : i32
        %add3A_617 = arith.addi %add3A_616, %shift_right_arithmetic3A_615 : i32
        %shift_left3A_618 = arith.constant 7 : i32
        %shift_left3A_619 = arith.shli %shift_right_arithmetic3A_615, %shift_left3A_618 : i32
        %sub3A_620 = arith.subi %sub3A_613, %shift_left3A_619 : i32
        %get3A_621 = arith.constant 3 : i32
        %get3A_622 = arith.index_cast %get3A_621 : i32 to index
        %get3A_623 = arith.index_cast %scan3A_160 : i32 to index
        %get3A_624 = arith.index_cast %add3A_617 : i32 to index
        %get3A_625 = arith.index_cast %sub3A_620 : i32 to index
        %get3A_626 = tpu.vector_load %arg10[%get3A_622, %get3A_623, %get3A_624, %get3A_625] {strides = array<i32>} : memref<4x2x32x128xf32, #tpu.memory_space<vmem>>, vector<1x1x1x16xf32>,
        %get3A_627 = vector.shape_cast %get3A_626 : vector<1x1x1x16xf32> to vector<16xf32>
        %select_n3A_628 = arith.select %eq3A_38, %get3A_627, %select_n3A_611 : vector<16xi1>, vector<16xf32>
        %sub3A_629 = arith.constant 9 : i32
        %sub3A_630 = arith.subi %and3A_200, %sub3A_629 : i32
        %shift_right_arithmetic3A_631 = arith.constant 31 : i32
        %shift_right_arithmetic3A_632 = arith.shrsi %sub3A_630, %shift_right_arithmetic3A_631 : i32
        %add3A_633 = arith.constant 25 : i32
        %add3A_634 = arith.addi %add3A_633, %shift_right_arithmetic3A_632 : i32
        %shift_left3A_635 = arith.constant 7 : i32
        %shift_left3A_636 = arith.shli %shift_right_arithmetic3A_632, %shift_left3A_635 : i32
        %sub3A_637 = arith.subi %sub3A_630, %shift_left3A_636 : i32
        %get3A_638 = arith.constant 3 : i32
        %get3A_639 = arith.index_cast %get3A_638 : i32 to index
        %get3A_640 = arith.index_cast %scan3A_160 : i32 to index
        %get3A_641 = arith.index_cast %add3A_634 : i32 to index
        %get3A_642 = arith.index_cast %sub3A_637 : i32 to index
        %get3A_643 = tpu.vector_load %arg10[%get3A_639, %get3A_640, %get3A_641, %get3A_642] {strides = array<i32>} : memref<4x2x32x128xf32, #tpu.memory_space<vmem>>, vector<1x1x1x16xf32>,
        %get3A_644 = vector.shape_cast %get3A_643 : vector<1x1x1x16xf32> to vector<16xf32>
        %select_n3A_645 = arith.select %eq3A_41, %get3A_644, %select_n3A_628 : vector<16xi1>, vector<16xf32>
        %sub3A_646 = arith.constant 10 : i32
        %sub3A_647 = arith.subi %and3A_200, %sub3A_646 : i32
        %shift_right_arithmetic3A_648 = arith.constant 31 : i32
        %shift_right_arithmetic3A_649 = arith.shrsi %sub3A_647, %shift_right_arithmetic3A_648 : i32
        %add3A_650 = arith.constant 26 : i32
        %add3A_651 = arith.addi %add3A_650, %shift_right_arithmetic3A_649 : i32
        %shift_left3A_652 = arith.constant 7 : i32
        %shift_left3A_653 = arith.shli %shift_right_arithmetic3A_649, %shift_left3A_652 : i32
        %sub3A_654 = arith.subi %sub3A_647, %shift_left3A_653 : i32
        %get3A_655 = arith.constant 3 : i32
        %get3A_656 = arith.index_cast %get3A_655 : i32 to index
        %get3A_657 = arith.index_cast %scan3A_160 : i32 to index
        %get3A_658 = arith.index_cast %add3A_651 : i32 to index
        %get3A_659 = arith.index_cast %sub3A_654 : i32 to index
        %get3A_660 = tpu.vector_load %arg10[%get3A_656, %get3A_657, %get3A_658, %get3A_659] {strides = array<i32>} : memref<4x2x32x128xf32, #tpu.memory_space<vmem>>, vector<1x1x1x16xf32>,
        %get3A_661 = vector.shape_cast %get3A_660 : vector<1x1x1x16xf32> to vector<16xf32>
        %select_n3A_662 = arith.select %eq3A_44, %get3A_661, %select_n3A_645 : vector<16xi1>, vector<16xf32>
        %sub3A_663 = arith.constant 11 : i32
        %sub3A_664 = arith.subi %and3A_200, %sub3A_663 : i32
        %shift_right_arithmetic3A_665 = arith.constant 31 : i32
        %shift_right_arithmetic3A_666 = arith.shrsi %sub3A_664, %shift_right_arithmetic3A_665 : i32
        %add3A_667 = arith.constant 27 : i32
        %add3A_668 = arith.addi %add3A_667, %shift_right_arithmetic3A_666 : i32
        %shift_left3A_669 = arith.constant 7 : i32
        %shift_left3A_670 = arith.shli %shift_right_arithmetic3A_666, %shift_left3A_669 : i32
        %sub3A_671 = arith.subi %sub3A_664, %shift_left3A_670 : i32
        %get3A_672 = arith.constant 3 : i32
        %get3A_673 = arith.index_cast %get3A_672 : i32 to index
        %get3A_674 = arith.index_cast %scan3A_160 : i32 to index
        %get3A_675 = arith.index_cast %add3A_668 : i32 to index
        %get3A_676 = arith.index_cast %sub3A_671 : i32 to index
        %get3A_677 = tpu.vector_load %arg10[%get3A_673, %get3A_674, %get3A_675, %get3A_676] {strides = array<i32>} : memref<4x2x32x128xf32, #tpu.memory_space<vmem>>, vector<1x1x1x16xf32>,
        %get3A_678 = vector.shape_cast %get3A_677 : vector<1x1x1x16xf32> to vector<16xf32>
        %select_n3A_679 = arith.select %eq3A_47, %get3A_678, %select_n3A_662 : vector<16xi1>, vector<16xf32>
        %sub3A_680 = arith.constant 12 : i32
        %sub3A_681 = arith.subi %and3A_200, %sub3A_680 : i32
        %shift_right_arithmetic3A_682 = arith.constant 31 : i32
        %shift_right_arithmetic3A_683 = arith.shrsi %sub3A_681, %shift_right_arithmetic3A_682 : i32
        %add3A_684 = arith.constant 28 : i32
        %add3A_685 = arith.addi %add3A_684, %shift_right_arithmetic3A_683 : i32
        %shift_left3A_686 = arith.constant 7 : i32
        %shift_left3A_687 = arith.shli %shift_right_arithmetic3A_683, %shift_left3A_686 : i32
        %sub3A_688 = arith.subi %sub3A_681, %shift_left3A_687 : i32
        %get3A_689 = arith.constant 3 : i32
        %get3A_690 = arith.index_cast %get3A_689 : i32 to index
        %get3A_691 = arith.index_cast %scan3A_160 : i32 to index
        %get3A_692 = arith.index_cast %add3A_685 : i32 to index
        %get3A_693 = arith.index_cast %sub3A_688 : i32 to index
        %get3A_694 = tpu.vector_load %arg10[%get3A_690, %get3A_691, %get3A_692, %get3A_693] {strides = array<i32>} : memref<4x2x32x128xf32, #tpu.memory_space<vmem>>, vector<1x1x1x16xf32>,
        %get3A_695 = vector.shape_cast %get3A_694 : vector<1x1x1x16xf32> to vector<16xf32>
        %select_n3A_696 = arith.select %eq3A_50, %get3A_695, %select_n3A_679 : vector<16xi1>, vector<16xf32>
        %sub3A_697 = arith.constant 13 : i32
        %sub3A_698 = arith.subi %and3A_200, %sub3A_697 : i32
        %shift_right_arithmetic3A_699 = arith.constant 31 : i32
        %shift_right_arithmetic3A_700 = arith.shrsi %sub3A_698, %shift_right_arithmetic3A_699 : i32
        %add3A_701 = arith.constant 29 : i32
        %add3A_702 = arith.addi %add3A_701, %shift_right_arithmetic3A_700 : i32
        %shift_left3A_703 = arith.constant 7 : i32
        %shift_left3A_704 = arith.shli %shift_right_arithmetic3A_700, %shift_left3A_703 : i32
        %sub3A_705 = arith.subi %sub3A_698, %shift_left3A_704 : i32
        %get3A_706 = arith.constant 3 : i32
        %get3A_707 = arith.index_cast %get3A_706 : i32 to index
        %get3A_708 = arith.index_cast %scan3A_160 : i32 to index
        %get3A_709 = arith.index_cast %add3A_702 : i32 to index
        %get3A_710 = arith.index_cast %sub3A_705 : i32 to index
        %get3A_711 = tpu.vector_load %arg10[%get3A_707, %get3A_708, %get3A_709, %get3A_710] {strides = array<i32>} : memref<4x2x32x128xf32, #tpu.memory_space<vmem>>, vector<1x1x1x16xf32>,
        %get3A_712 = vector.shape_cast %get3A_711 : vector<1x1x1x16xf32> to vector<16xf32>
        %select_n3A_713 = arith.select %eq3A_53, %get3A_712, %select_n3A_696 : vector<16xi1>, vector<16xf32>
        %sub3A_714 = arith.constant 14 : i32
        %sub3A_715 = arith.subi %and3A_200, %sub3A_714 : i32
        %shift_right_arithmetic3A_716 = arith.constant 31 : i32
        %shift_right_arithmetic3A_717 = arith.shrsi %sub3A_715, %shift_right_arithmetic3A_716 : i32
        %add3A_718 = arith.constant 30 : i32
        %add3A_719 = arith.addi %add3A_718, %shift_right_arithmetic3A_717 : i32
        %shift_left3A_720 = arith.constant 7 : i32
        %shift_left3A_721 = arith.shli %shift_right_arithmetic3A_717, %shift_left3A_720 : i32
        %sub3A_722 = arith.subi %sub3A_715, %shift_left3A_721 : i32
        %get3A_723 = arith.constant 3 : i32
        %get3A_724 = arith.index_cast %get3A_723 : i32 to index
        %get3A_725 = arith.index_cast %scan3A_160 : i32 to index
        %get3A_726 = arith.index_cast %add3A_719 : i32 to index
        %get3A_727 = arith.index_cast %sub3A_722 : i32 to index
        %get3A_728 = tpu.vector_load %arg10[%get3A_724, %get3A_725, %get3A_726, %get3A_727] {strides = array<i32>} : memref<4x2x32x128xf32, #tpu.memory_space<vmem>>, vector<1x1x1x16xf32>,
        %get3A_729 = vector.shape_cast %get3A_728 : vector<1x1x1x16xf32> to vector<16xf32>
        %select_n3A_730 = arith.select %eq3A_56, %get3A_729, %select_n3A_713 : vector<16xi1>, vector<16xf32>
        %sub3A_731 = arith.constant 15 : i32
        %sub3A_732 = arith.subi %and3A_200, %sub3A_731 : i32
        %shift_right_arithmetic3A_733 = arith.constant 31 : i32
        %shift_right_arithmetic3A_734 = arith.shrsi %sub3A_732, %shift_right_arithmetic3A_733 : i32
        %add3A_735 = arith.constant 31 : i32
        %add3A_736 = arith.addi %add3A_735, %shift_right_arithmetic3A_734 : i32
        %shift_left3A_737 = arith.constant 7 : i32
        %shift_left3A_738 = arith.shli %shift_right_arithmetic3A_734, %shift_left3A_737 : i32
        %sub3A_739 = arith.subi %sub3A_732, %shift_left3A_738 : i32
        %get3A_740 = arith.constant 3 : i32
        %get3A_741 = arith.index_cast %get3A_740 : i32 to index
        %get3A_742 = arith.index_cast %scan3A_160 : i32 to index
        %get3A_743 = arith.index_cast %add3A_736 : i32 to index
        %get3A_744 = arith.index_cast %sub3A_739 : i32 to index
        %get3A_745 = tpu.vector_load %arg10[%get3A_741, %get3A_742, %get3A_743, %get3A_744] {strides = array<i32>} : memref<4x2x32x128xf32, #tpu.memory_space<vmem>>, vector<1x1x1x16xf32>,
        %get3A_746 = vector.shape_cast %get3A_745 : vector<1x1x1x16xf32> to vector<16xf32>
        %select_n3A_747 = arith.select %eq3A_59, %get3A_746, %select_n3A_730 : vector<16xi1>, vector<16xf32>
        %mul3A_748 = arith.constant 32 : i32
        %mul3A_749 = arith.muli %add3A_192, %mul3A_748 : i32
        %add3A_750 = arith.constant 16 : i32
        %add3A_751 = arith.addi %mul3A_749, %add3A_750 : i32
        %swap3A_752 = arith.index_cast %add3A_751 : i32 to index
        %swap3A_753 = tpu.vector_load %arg12[%swap3A_752] {strides = array<i32>} : memref<4096xf32, #tpu.memory_space<vmem>>, vector<16xf32>,
        %swap3A_754 = vector.shape_cast %swap3A_753 : vector<16xf32> to vector<16xf32>
        %swap3A_755 = vector.shape_cast %select_n3A_747 : vector<16xf32> to vector<16xf32>
        tpu.vector_store %arg12[%swap3A_752], %swap3A_755 {strides = array<i32>} : memref<4096xf32, #tpu.memory_space<vmem>>, vector<16xf32>,
        %and3A_756 = arith.constant 127 : i32
        %and3A_757 = arith.andi %squeeze3A_199, %and3A_756 : i32
        %sub3A_758 = arith.constant 0 : i32
        %sub3A_759 = arith.subi %and3A_757, %sub3A_758 : i32
        %shift_right_arithmetic3A_760 = arith.constant 31 : i32
        %shift_right_arithmetic3A_761 = arith.shrsi %sub3A_759, %shift_right_arithmetic3A_760 : i32
        %add3A_762 = arith.constant 0 : i32
        %add3A_763 = arith.addi %add3A_762, %shift_right_arithmetic3A_761 : i32
        %shift_left3A_764 = arith.constant 7 : i32
        %shift_left3A_765 = arith.shli %shift_right_arithmetic3A_761, %shift_left3A_764 : i32
        %sub3A_766 = arith.subi %sub3A_759, %shift_left3A_765 : i32
        %get3A_767 = arith.constant 3 : i32
        %get3A_768 = arith.index_cast %get3A_767 : i32 to index
        %get3A_769 = arith.index_cast %scan3A_160 : i32 to index
        %get3A_770 = arith.index_cast %add3A_763 : i32 to index
        %get3A_771 = arith.index_cast %sub3A_766 : i32 to index
        %get3A_772 = tpu.vector_load %arg11[%get3A_768, %get3A_769, %get3A_770, %get3A_771] {strides = array<i32>} : memref<4x2x32x128xf32, #tpu.memory_space<vmem>>, vector<1x1x1x16xf32>,
        %get3A_773 = vector.shape_cast %get3A_772 : vector<1x1x1x16xf32> to vector<16xf32>
        %sub3A_774 = arith.constant 1 : i32
        %sub3A_775 = arith.subi %and3A_757, %sub3A_774 : i32
        %shift_right_arithmetic3A_776 = arith.constant 31 : i32
        %shift_right_arithmetic3A_777 = arith.shrsi %sub3A_775, %shift_right_arithmetic3A_776 : i32
        %add3A_778 = arith.constant 1 : i32
        %add3A_779 = arith.addi %add3A_778, %shift_right_arithmetic3A_777 : i32
        %shift_left3A_780 = arith.constant 7 : i32
        %shift_left3A_781 = arith.shli %shift_right_arithmetic3A_777, %shift_left3A_780 : i32
        %sub3A_782 = arith.subi %sub3A_775, %shift_left3A_781 : i32
        %get3A_783 = arith.constant 3 : i32
        %get3A_784 = arith.index_cast %get3A_783 : i32 to index
        %get3A_785 = arith.index_cast %scan3A_160 : i32 to index
        %get3A_786 = arith.index_cast %add3A_779 : i32 to index
        %get3A_787 = arith.index_cast %sub3A_782 : i32 to index
        %get3A_788 = tpu.vector_load %arg11[%get3A_784, %get3A_785, %get3A_786, %get3A_787] {strides = array<i32>} : memref<4x2x32x128xf32, #tpu.memory_space<vmem>>, vector<1x1x1x16xf32>,
        %get3A_789 = vector.shape_cast %get3A_788 : vector<1x1x1x16xf32> to vector<16xf32>
        %select_n3A_790 = arith.select %eq3A_17, %get3A_789, %get3A_773 : vector<16xi1>, vector<16xf32>
        %sub3A_791 = arith.constant 2 : i32
        %sub3A_792 = arith.subi %and3A_757, %sub3A_791 : i32
        %shift_right_arithmetic3A_793 = arith.constant 31 : i32
        %shift_right_arithmetic3A_794 = arith.shrsi %sub3A_792, %shift_right_arithmetic3A_793 : i32
        %add3A_795 = arith.constant 2 : i32
        %add3A_796 = arith.addi %add3A_795, %shift_right_arithmetic3A_794 : i32
        %shift_left3A_797 = arith.constant 7 : i32
        %shift_left3A_798 = arith.shli %shift_right_arithmetic3A_794, %shift_left3A_797 : i32
        %sub3A_799 = arith.subi %sub3A_792, %shift_left3A_798 : i32
        %get3A_800 = arith.constant 3 : i32
        %get3A_801 = arith.index_cast %get3A_800 : i32 to index
        %get3A_802 = arith.index_cast %scan3A_160 : i32 to index
        %get3A_803 = arith.index_cast %add3A_796 : i32 to index
        %get3A_804 = arith.index_cast %sub3A_799 : i32 to index
        %get3A_805 = tpu.vector_load %arg11[%get3A_801, %get3A_802, %get3A_803, %get3A_804] {strides = array<i32>} : memref<4x2x32x128xf32, #tpu.memory_space<vmem>>, vector<1x1x1x16xf32>,
        %get3A_806 = vector.shape_cast %get3A_805 : vector<1x1x1x16xf32> to vector<16xf32>
        %select_n3A_807 = arith.select %eq3A_20, %get3A_806, %select_n3A_790 : vector<16xi1>, vector<16xf32>
        %sub3A_808 = arith.constant 3 : i32
        %sub3A_809 = arith.subi %and3A_757, %sub3A_808 : i32
        %shift_right_arithmetic3A_810 = arith.constant 31 : i32
        %shift_right_arithmetic3A_811 = arith.shrsi %sub3A_809, %shift_right_arithmetic3A_810 : i32
        %add3A_812 = arith.constant 3 : i32
        %add3A_813 = arith.addi %add3A_812, %shift_right_arithmetic3A_811 : i32
        %shift_left3A_814 = arith.constant 7 : i32
        %shift_left3A_815 = arith.shli %shift_right_arithmetic3A_811, %shift_left3A_814 : i32
        %sub3A_816 = arith.subi %sub3A_809, %shift_left3A_815 : i32
        %get3A_817 = arith.constant 3 : i32
        %get3A_818 = arith.index_cast %get3A_817 : i32 to index
        %get3A_819 = arith.index_cast %scan3A_160 : i32 to index
        %get3A_820 = arith.index_cast %add3A_813 : i32 to index
        %get3A_821 = arith.index_cast %sub3A_816 : i32 to index
        %get3A_822 = tpu.vector_load %arg11[%get3A_818, %get3A_819, %get3A_820, %get3A_821] {strides = array<i32>} : memref<4x2x32x128xf32, #tpu.memory_space<vmem>>, vector<1x1x1x16xf32>,
        %get3A_823 = vector.shape_cast %get3A_822 : vector<1x1x1x16xf32> to vector<16xf32>
        %select_n3A_824 = arith.select %eq3A_23, %get3A_823, %select_n3A_807 : vector<16xi1>, vector<16xf32>
        %sub3A_825 = arith.constant 4 : i32
        %sub3A_826 = arith.subi %and3A_757, %sub3A_825 : i32
        %shift_right_arithmetic3A_827 = arith.constant 31 : i32
        %shift_right_arithmetic3A_828 = arith.shrsi %sub3A_826, %shift_right_arithmetic3A_827 : i32
        %add3A_829 = arith.constant 4 : i32
        %add3A_830 = arith.addi %add3A_829, %shift_right_arithmetic3A_828 : i32
        %shift_left3A_831 = arith.constant 7 : i32
        %shift_left3A_832 = arith.shli %shift_right_arithmetic3A_828, %shift_left3A_831 : i32
        %sub3A_833 = arith.subi %sub3A_826, %shift_left3A_832 : i32
        %get3A_834 = arith.constant 3 : i32
        %get3A_835 = arith.index_cast %get3A_834 : i32 to index
        %get3A_836 = arith.index_cast %scan3A_160 : i32 to index
        %get3A_837 = arith.index_cast %add3A_830 : i32 to index
        %get3A_838 = arith.index_cast %sub3A_833 : i32 to index
        %get3A_839 = tpu.vector_load %arg11[%get3A_835, %get3A_836, %get3A_837, %get3A_838] {strides = array<i32>} : memref<4x2x32x128xf32, #tpu.memory_space<vmem>>, vector<1x1x1x16xf32>,
        %get3A_840 = vector.shape_cast %get3A_839 : vector<1x1x1x16xf32> to vector<16xf32>
        %select_n3A_841 = arith.select %eq3A_26, %get3A_840, %select_n3A_824 : vector<16xi1>, vector<16xf32>
        %sub3A_842 = arith.constant 5 : i32
        %sub3A_843 = arith.subi %and3A_757, %sub3A_842 : i32
        %shift_right_arithmetic3A_844 = arith.constant 31 : i32
        %shift_right_arithmetic3A_845 = arith.shrsi %sub3A_843, %shift_right_arithmetic3A_844 : i32
        %add3A_846 = arith.constant 5 : i32
        %add3A_847 = arith.addi %add3A_846, %shift_right_arithmetic3A_845 : i32
        %shift_left3A_848 = arith.constant 7 : i32
        %shift_left3A_849 = arith.shli %shift_right_arithmetic3A_845, %shift_left3A_848 : i32
        %sub3A_850 = arith.subi %sub3A_843, %shift_left3A_849 : i32
        %get3A_851 = arith.constant 3 : i32
        %get3A_852 = arith.index_cast %get3A_851 : i32 to index
        %get3A_853 = arith.index_cast %scan3A_160 : i32 to index
        %get3A_854 = arith.index_cast %add3A_847 : i32 to index
        %get3A_855 = arith.index_cast %sub3A_850 : i32 to index
        %get3A_856 = tpu.vector_load %arg11[%get3A_852, %get3A_853, %get3A_854, %get3A_855] {strides = array<i32>} : memref<4x2x32x128xf32, #tpu.memory_space<vmem>>, vector<1x1x1x16xf32>,
        %get3A_857 = vector.shape_cast %get3A_856 : vector<1x1x1x16xf32> to vector<16xf32>
        %select_n3A_858 = arith.select %eq3A_29, %get3A_857, %select_n3A_841 : vector<16xi1>, vector<16xf32>
        %sub3A_859 = arith.constant 6 : i32
        %sub3A_860 = arith.subi %and3A_757, %sub3A_859 : i32
        %shift_right_arithmetic3A_861 = arith.constant 31 : i32
        %shift_right_arithmetic3A_862 = arith.shrsi %sub3A_860, %shift_right_arithmetic3A_861 : i32
        %add3A_863 = arith.constant 6 : i32
        %add3A_864 = arith.addi %add3A_863, %shift_right_arithmetic3A_862 : i32
        %shift_left3A_865 = arith.constant 7 : i32
        %shift_left3A_866 = arith.shli %shift_right_arithmetic3A_862, %shift_left3A_865 : i32
        %sub3A_867 = arith.subi %sub3A_860, %shift_left3A_866 : i32
        %get3A_868 = arith.constant 3 : i32
        %get3A_869 = arith.index_cast %get3A_868 : i32 to index
        %get3A_870 = arith.index_cast %scan3A_160 : i32 to index
        %get3A_871 = arith.index_cast %add3A_864 : i32 to index
        %get3A_872 = arith.index_cast %sub3A_867 : i32 to index
        %get3A_873 = tpu.vector_load %arg11[%get3A_869, %get3A_870, %get3A_871, %get3A_872] {strides = array<i32>} : memref<4x2x32x128xf32, #tpu.memory_space<vmem>>, vector<1x1x1x16xf32>,
        %get3A_874 = vector.shape_cast %get3A_873 : vector<1x1x1x16xf32> to vector<16xf32>
        %select_n3A_875 = arith.select %eq3A_32, %get3A_874, %select_n3A_858 : vector<16xi1>, vector<16xf32>
        %sub3A_876 = arith.constant 7 : i32
        %sub3A_877 = arith.subi %and3A_757, %sub3A_876 : i32
        %shift_right_arithmetic3A_878 = arith.constant 31 : i32
        %shift_right_arithmetic3A_879 = arith.shrsi %sub3A_877, %shift_right_arithmetic3A_878 : i32
        %add3A_880 = arith.constant 7 : i32
        %add3A_881 = arith.addi %add3A_880, %shift_right_arithmetic3A_879 : i32
        %shift_left3A_882 = arith.constant 7 : i32
        %shift_left3A_883 = arith.shli %shift_right_arithmetic3A_879, %shift_left3A_882 : i32
        %sub3A_884 = arith.subi %sub3A_877, %shift_left3A_883 : i32
        %get3A_885 = arith.constant 3 : i32
        %get3A_886 = arith.index_cast %get3A_885 : i32 to index
        %get3A_887 = arith.index_cast %scan3A_160 : i32 to index
        %get3A_888 = arith.index_cast %add3A_881 : i32 to index
        %get3A_889 = arith.index_cast %sub3A_884 : i32 to index
        %get3A_890 = tpu.vector_load %arg11[%get3A_886, %get3A_887, %get3A_888, %get3A_889] {strides = array<i32>} : memref<4x2x32x128xf32, #tpu.memory_space<vmem>>, vector<1x1x1x16xf32>,
        %get3A_891 = vector.shape_cast %get3A_890 : vector<1x1x1x16xf32> to vector<16xf32>
        %select_n3A_892 = arith.select %eq3A_35, %get3A_891, %select_n3A_875 : vector<16xi1>, vector<16xf32>
        %sub3A_893 = arith.constant 8 : i32
        %sub3A_894 = arith.subi %and3A_757, %sub3A_893 : i32
        %shift_right_arithmetic3A_895 = arith.constant 31 : i32
        %shift_right_arithmetic3A_896 = arith.shrsi %sub3A_894, %shift_right_arithmetic3A_895 : i32
        %add3A_897 = arith.constant 8 : i32
        %add3A_898 = arith.addi %add3A_897, %shift_right_arithmetic3A_896 : i32
        %shift_left3A_899 = arith.constant 7 : i32
        %shift_left3A_900 = arith.shli %shift_right_arithmetic3A_896, %shift_left3A_899 : i32
        %sub3A_901 = arith.subi %sub3A_894, %shift_left3A_900 : i32
        %get3A_902 = arith.constant 3 : i32
        %get3A_903 = arith.index_cast %get3A_902 : i32 to index
        %get3A_904 = arith.index_cast %scan3A_160 : i32 to index
        %get3A_905 = arith.index_cast %add3A_898 : i32 to index
        %get3A_906 = arith.index_cast %sub3A_901 : i32 to index
        %get3A_907 = tpu.vector_load %arg11[%get3A_903, %get3A_904, %get3A_905, %get3A_906] {strides = array<i32>} : memref<4x2x32x128xf32, #tpu.memory_space<vmem>>, vector<1x1x1x16xf32>,
        %get3A_908 = vector.shape_cast %get3A_907 : vector<1x1x1x16xf32> to vector<16xf32>
        %select_n3A_909 = arith.select %eq3A_38, %get3A_908, %select_n3A_892 : vector<16xi1>, vector<16xf32>
        %sub3A_910 = arith.constant 9 : i32
        %sub3A_911 = arith.subi %and3A_757, %sub3A_910 : i32
        %shift_right_arithmetic3A_912 = arith.constant 31 : i32
        %shift_right_arithmetic3A_913 = arith.shrsi %sub3A_911, %shift_right_arithmetic3A_912 : i32
        %add3A_914 = arith.constant 9 : i32
        %add3A_915 = arith.addi %add3A_914, %shift_right_arithmetic3A_913 : i32
        %shift_left3A_916 = arith.constant 7 : i32
        %shift_left3A_917 = arith.shli %shift_right_arithmetic3A_913, %shift_left3A_916 : i32
        %sub3A_918 = arith.subi %sub3A_911, %shift_left3A_917 : i32
        %get3A_919 = arith.constant 3 : i32
        %get3A_920 = arith.index_cast %get3A_919 : i32 to index
        %get3A_921 = arith.index_cast %scan3A_160 : i32 to index
        %get3A_922 = arith.index_cast %add3A_915 : i32 to index
        %get3A_923 = arith.index_cast %sub3A_918 : i32 to index
        %get3A_924 = tpu.vector_load %arg11[%get3A_920, %get3A_921, %get3A_922, %get3A_923] {strides = array<i32>} : memref<4x2x32x128xf32, #tpu.memory_space<vmem>>, vector<1x1x1x16xf32>,
        %get3A_925 = vector.shape_cast %get3A_924 : vector<1x1x1x16xf32> to vector<16xf32>
        %select_n3A_926 = arith.select %eq3A_41, %get3A_925, %select_n3A_909 : vector<16xi1>, vector<16xf32>
        %sub3A_927 = arith.constant 10 : i32
        %sub3A_928 = arith.subi %and3A_757, %sub3A_927 : i32
        %shift_right_arithmetic3A_929 = arith.constant 31 : i32
        %shift_right_arithmetic3A_930 = arith.shrsi %sub3A_928, %shift_right_arithmetic3A_929 : i32
        %add3A_931 = arith.constant 10 : i32
        %add3A_932 = arith.addi %add3A_931, %shift_right_arithmetic3A_930 : i32
        %shift_left3A_933 = arith.constant 7 : i32
        %shift_left3A_934 = arith.shli %shift_right_arithmetic3A_930, %shift_left3A_933 : i32
        %sub3A_935 = arith.subi %sub3A_928, %shift_left3A_934 : i32
        %get3A_936 = arith.constant 3 : i32
        %get3A_937 = arith.index_cast %get3A_936 : i32 to index
        %get3A_938 = arith.index_cast %scan3A_160 : i32 to index
        %get3A_939 = arith.index_cast %add3A_932 : i32 to index
        %get3A_940 = arith.index_cast %sub3A_935 : i32 to index
        %get3A_941 = tpu.vector_load %arg11[%get3A_937, %get3A_938, %get3A_939, %get3A_940] {strides = array<i32>} : memref<4x2x32x128xf32, #tpu.memory_space<vmem>>, vector<1x1x1x16xf32>,
        %get3A_942 = vector.shape_cast %get3A_941 : vector<1x1x1x16xf32> to vector<16xf32>
        %select_n3A_943 = arith.select %eq3A_44, %get3A_942, %select_n3A_926 : vector<16xi1>, vector<16xf32>
        %sub3A_944 = arith.constant 11 : i32
        %sub3A_945 = arith.subi %and3A_757, %sub3A_944 : i32
        %shift_right_arithmetic3A_946 = arith.constant 31 : i32
        %shift_right_arithmetic3A_947 = arith.shrsi %sub3A_945, %shift_right_arithmetic3A_946 : i32
        %add3A_948 = arith.constant 11 : i32
        %add3A_949 = arith.addi %add3A_948, %shift_right_arithmetic3A_947 : i32
        %shift_left3A_950 = arith.constant 7 : i32
        %shift_left3A_951 = arith.shli %shift_right_arithmetic3A_947, %shift_left3A_950 : i32
        %sub3A_952 = arith.subi %sub3A_945, %shift_left3A_951 : i32
        %get3A_953 = arith.constant 3 : i32
        %get3A_954 = arith.index_cast %get3A_953 : i32 to index
        %get3A_955 = arith.index_cast %scan3A_160 : i32 to index
        %get3A_956 = arith.index_cast %add3A_949 : i32 to index
        %get3A_957 = arith.index_cast %sub3A_952 : i32 to index
        %get3A_958 = tpu.vector_load %arg11[%get3A_954, %get3A_955, %get3A_956, %get3A_957] {strides = array<i32>} : memref<4x2x32x128xf32, #tpu.memory_space<vmem>>, vector<1x1x1x16xf32>,
        %get3A_959 = vector.shape_cast %get3A_958 : vector<1x1x1x16xf32> to vector<16xf32>
        %select_n3A_960 = arith.select %eq3A_47, %get3A_959, %select_n3A_943 : vector<16xi1>, vector<16xf32>
        %sub3A_961 = arith.constant 12 : i32
        %sub3A_962 = arith.subi %and3A_757, %sub3A_961 : i32
        %shift_right_arithmetic3A_963 = arith.constant 31 : i32
        %shift_right_arithmetic3A_964 = arith.shrsi %sub3A_962, %shift_right_arithmetic3A_963 : i32
        %add3A_965 = arith.constant 12 : i32
        %add3A_966 = arith.addi %add3A_965, %shift_right_arithmetic3A_964 : i32
        %shift_left3A_967 = arith.constant 7 : i32
        %shift_left3A_968 = arith.shli %shift_right_arithmetic3A_964, %shift_left3A_967 : i32
        %sub3A_969 = arith.subi %sub3A_962, %shift_left3A_968 : i32
        %get3A_970 = arith.constant 3 : i32
        %get3A_971 = arith.index_cast %get3A_970 : i32 to index
        %get3A_972 = arith.index_cast %scan3A_160 : i32 to index
        %get3A_973 = arith.index_cast %add3A_966 : i32 to index
        %get3A_974 = arith.index_cast %sub3A_969 : i32 to index
        %get3A_975 = tpu.vector_load %arg11[%get3A_971, %get3A_972, %get3A_973, %get3A_974] {strides = array<i32>} : memref<4x2x32x128xf32, #tpu.memory_space<vmem>>, vector<1x1x1x16xf32>,
        %get3A_976 = vector.shape_cast %get3A_975 : vector<1x1x1x16xf32> to vector<16xf32>
        %select_n3A_977 = arith.select %eq3A_50, %get3A_976, %select_n3A_960 : vector<16xi1>, vector<16xf32>
        %sub3A_978 = arith.constant 13 : i32
        %sub3A_979 = arith.subi %and3A_757, %sub3A_978 : i32
        %shift_right_arithmetic3A_980 = arith.constant 31 : i32
        %shift_right_arithmetic3A_981 = arith.shrsi %sub3A_979, %shift_right_arithmetic3A_980 : i32
        %add3A_982 = arith.constant 13 : i32
        %add3A_983 = arith.addi %add3A_982, %shift_right_arithmetic3A_981 : i32
        %shift_left3A_984 = arith.constant 7 : i32
        %shift_left3A_985 = arith.shli %shift_right_arithmetic3A_981, %shift_left3A_984 : i32
        %sub3A_986 = arith.subi %sub3A_979, %shift_left3A_985 : i32
        %get3A_987 = arith.constant 3 : i32
        %get3A_988 = arith.index_cast %get3A_987 : i32 to index
        %get3A_989 = arith.index_cast %scan3A_160 : i32 to index
        %get3A_990 = arith.index_cast %add3A_983 : i32 to index
        %get3A_991 = arith.index_cast %sub3A_986 : i32 to index
        %get3A_992 = tpu.vector_load %arg11[%get3A_988, %get3A_989, %get3A_990, %get3A_991] {strides = array<i32>} : memref<4x2x32x128xf32, #tpu.memory_space<vmem>>, vector<1x1x1x16xf32>,
        %get3A_993 = vector.shape_cast %get3A_992 : vector<1x1x1x16xf32> to vector<16xf32>
        %select_n3A_994 = arith.select %eq3A_53, %get3A_993, %select_n3A_977 : vector<16xi1>, vector<16xf32>
        %sub3A_995 = arith.constant 14 : i32
        %sub3A_996 = arith.subi %and3A_757, %sub3A_995 : i32
        %shift_right_arithmetic3A_997 = arith.constant 31 : i32
        %shift_right_arithmetic3A_998 = arith.shrsi %sub3A_996, %shift_right_arithmetic3A_997 : i32
        %add3A_999 = arith.constant 14 : i32
        %add3A_1000 = arith.addi %add3A_999, %shift_right_arithmetic3A_998 : i32
        %shift_left3A_1001 = arith.constant 7 : i32
        %shift_left3A_1002 = arith.shli %shift_right_arithmetic3A_998, %shift_left3A_1001 : i32
        %sub3A_1003 = arith.subi %sub3A_996, %shift_left3A_1002 : i32
        %get3A_1004 = arith.constant 3 : i32
        %get3A_1005 = arith.index_cast %get3A_1004 : i32 to index
        %get3A_1006 = arith.index_cast %scan3A_160 : i32 to index
        %get3A_1007 = arith.index_cast %add3A_1000 : i32 to index
        %get3A_1008 = arith.index_cast %sub3A_1003 : i32 to index
        %get3A_1009 = tpu.vector_load %arg11[%get3A_1005, %get3A_1006, %get3A_1007, %get3A_1008] {strides = array<i32>} : memref<4x2x32x128xf32, #tpu.memory_space<vmem>>, vector<1x1x1x16xf32>,
        %get3A_1010 = vector.shape_cast %get3A_1009 : vector<1x1x1x16xf32> to vector<16xf32>
        %select_n3A_1011 = arith.select %eq3A_56, %get3A_1010, %select_n3A_994 : vector<16xi1>, vector<16xf32>
        %sub3A_1012 = arith.constant 15 : i32
        %sub3A_1013 = arith.subi %and3A_757, %sub3A_1012 : i32
        %shift_right_arithmetic3A_1014 = arith.constant 31 : i32
        %shift_right_arithmetic3A_1015 = arith.shrsi %sub3A_1013, %shift_right_arithmetic3A_1014 : i32
        %add3A_1016 = arith.constant 15 : i32
        %add3A_1017 = arith.addi %add3A_1016, %shift_right_arithmetic3A_1015 : i32
        %shift_left3A_1018 = arith.constant 7 : i32
        %shift_left3A_1019 = arith.shli %shift_right_arithmetic3A_1015, %shift_left3A_1018 : i32
        %sub3A_1020 = arith.subi %sub3A_1013, %shift_left3A_1019 : i32
        %get3A_1021 = arith.constant 3 : i32
        %get3A_1022 = arith.index_cast %get3A_1021 : i32 to index
        %get3A_1023 = arith.index_cast %scan3A_160 : i32 to index
        %get3A_1024 = arith.index_cast %add3A_1017 : i32 to index
        %get3A_1025 = arith.index_cast %sub3A_1020 : i32 to index
        %get3A_1026 = tpu.vector_load %arg11[%get3A_1022, %get3A_1023, %get3A_1024, %get3A_1025] {strides = array<i32>} : memref<4x2x32x128xf32, #tpu.memory_space<vmem>>, vector<1x1x1x16xf32>,
        %get3A_1027 = vector.shape_cast %get3A_1026 : vector<1x1x1x16xf32> to vector<16xf32>
        %select_n3A_1028 = arith.select %eq3A_59, %get3A_1027, %select_n3A_1011 : vector<16xi1>, vector<16xf32>
        %mul3A_1029 = arith.constant 32 : i32
        %mul3A_1030 = arith.muli %add3A_192, %mul3A_1029 : i32
        %add3A_1031 = arith.constant 0 : i32
        %add3A_1032 = arith.addi %mul3A_1030, %add3A_1031 : i32
        %swap3A_1033 = arith.index_cast %add3A_1032 : i32 to index
        %swap3A_1034 = tpu.vector_load %arg13[%swap3A_1033] {strides = array<i32>} : memref<4096xf32, #tpu.memory_space<vmem>>, vector<16xf32>,
        %swap3A_1035 = vector.shape_cast %swap3A_1034 : vector<16xf32> to vector<16xf32>
        %swap3A_1036 = vector.shape_cast %select_n3A_1028 : vector<16xf32> to vector<16xf32>
        tpu.vector_store %arg13[%swap3A_1033], %swap3A_1036 {strides = array<i32>} : memref<4096xf32, #tpu.memory_space<vmem>>, vector<16xf32>,
        %sub3A_1037 = arith.constant 0 : i32
        %sub3A_1038 = arith.subi %and3A_757, %sub3A_1037 : i32
        %shift_right_arithmetic3A_1039 = arith.constant 31 : i32
        %shift_right_arithmetic3A_1040 = arith.shrsi %sub3A_1038, %shift_right_arithmetic3A_1039 : i32
        %add3A_1041 = arith.constant 16 : i32
        %add3A_1042 = arith.addi %add3A_1041, %shift_right_arithmetic3A_1040 : i32
        %shift_left3A_1043 = arith.constant 7 : i32
        %shift_left3A_1044 = arith.shli %shift_right_arithmetic3A_1040, %shift_left3A_1043 : i32
        %sub3A_1045 = arith.subi %sub3A_1038, %shift_left3A_1044 : i32
        %get3A_1046 = arith.constant 3 : i32
        %get3A_1047 = arith.index_cast %get3A_1046 : i32 to index
        %get3A_1048 = arith.index_cast %scan3A_160 : i32 to index
        %get3A_1049 = arith.index_cast %add3A_1042 : i32 to index
        %get3A_1050 = arith.index_cast %sub3A_1045 : i32 to index
        %get3A_1051 = tpu.vector_load %arg11[%get3A_1047, %get3A_1048, %get3A_1049, %get3A_1050] {strides = array<i32>} : memref<4x2x32x128xf32, #tpu.memory_space<vmem>>, vector<1x1x1x16xf32>,
        %get3A_1052 = vector.shape_cast %get3A_1051 : vector<1x1x1x16xf32> to vector<16xf32>
        %sub3A_1053 = arith.constant 1 : i32
        %sub3A_1054 = arith.subi %and3A_757, %sub3A_1053 : i32
        %shift_right_arithmetic3A_1055 = arith.constant 31 : i32
        %shift_right_arithmetic3A_1056 = arith.shrsi %sub3A_1054, %shift_right_arithmetic3A_1055 : i32
        %add3A_1057 = arith.constant 17 : i32
        %add3A_1058 = arith.addi %add3A_1057, %shift_right_arithmetic3A_1056 : i32
        %shift_left3A_1059 = arith.constant 7 : i32
        %shift_left3A_1060 = arith.shli %shift_right_arithmetic3A_1056, %shift_left3A_1059 : i32
        %sub3A_1061 = arith.subi %sub3A_1054, %shift_left3A_1060 : i32
        %get3A_1062 = arith.constant 3 : i32
        %get3A_1063 = arith.index_cast %get3A_1062 : i32 to index
        %get3A_1064 = arith.index_cast %scan3A_160 : i32 to index
        %get3A_1065 = arith.index_cast %add3A_1058 : i32 to index
        %get3A_1066 = arith.index_cast %sub3A_1061 : i32 to index
        %get3A_1067 = tpu.vector_load %arg11[%get3A_1063, %get3A_1064, %get3A_1065, %get3A_1066] {strides = array<i32>} : memref<4x2x32x128xf32, #tpu.memory_space<vmem>>, vector<1x1x1x16xf32>,
        %get3A_1068 = vector.shape_cast %get3A_1067 : vector<1x1x1x16xf32> to vector<16xf32>
        %select_n3A_1069 = arith.select %eq3A_17, %get3A_1068, %get3A_1052 : vector<16xi1>, vector<16xf32>
        %sub3A_1070 = arith.constant 2 : i32
        %sub3A_1071 = arith.subi %and3A_757, %sub3A_1070 : i32
        %shift_right_arithmetic3A_1072 = arith.constant 31 : i32
        %shift_right_arithmetic3A_1073 = arith.shrsi %sub3A_1071, %shift_right_arithmetic3A_1072 : i32
        %add3A_1074 = arith.constant 18 : i32
        %add3A_1075 = arith.addi %add3A_1074, %shift_right_arithmetic3A_1073 : i32
        %shift_left3A_1076 = arith.constant 7 : i32
        %shift_left3A_1077 = arith.shli %shift_right_arithmetic3A_1073, %shift_left3A_1076 : i32
        %sub3A_1078 = arith.subi %sub3A_1071, %shift_left3A_1077 : i32
        %get3A_1079 = arith.constant 3 : i32
        %get3A_1080 = arith.index_cast %get3A_1079 : i32 to index
        %get3A_1081 = arith.index_cast %scan3A_160 : i32 to index
        %get3A_1082 = arith.index_cast %add3A_1075 : i32 to index
        %get3A_1083 = arith.index_cast %sub3A_1078 : i32 to index
        %get3A_1084 = tpu.vector_load %arg11[%get3A_1080, %get3A_1081, %get3A_1082, %get3A_1083] {strides = array<i32>} : memref<4x2x32x128xf32, #tpu.memory_space<vmem>>, vector<1x1x1x16xf32>,
        %get3A_1085 = vector.shape_cast %get3A_1084 : vector<1x1x1x16xf32> to vector<16xf32>
        %select_n3A_1086 = arith.select %eq3A_20, %get3A_1085, %select_n3A_1069 : vector<16xi1>, vector<16xf32>
        %sub3A_1087 = arith.constant 3 : i32
        %sub3A_1088 = arith.subi %and3A_757, %sub3A_1087 : i32
        %shift_right_arithmetic3A_1089 = arith.constant 31 : i32
        %shift_right_arithmetic3A_1090 = arith.shrsi %sub3A_1088, %shift_right_arithmetic3A_1089 : i32
        %add3A_1091 = arith.constant 19 : i32
        %add3A_1092 = arith.addi %add3A_1091, %shift_right_arithmetic3A_1090 : i32
        %shift_left3A_1093 = arith.constant 7 : i32
        %shift_left3A_1094 = arith.shli %shift_right_arithmetic3A_1090, %shift_left3A_1093 : i32
        %sub3A_1095 = arith.subi %sub3A_1088, %shift_left3A_1094 : i32
        %get3A_1096 = arith.constant 3 : i32
        %get3A_1097 = arith.index_cast %get3A_1096 : i32 to index
        %get3A_1098 = arith.index_cast %scan3A_160 : i32 to index
        %get3A_1099 = arith.index_cast %add3A_1092 : i32 to index
        %get3A_1100 = arith.index_cast %sub3A_1095 : i32 to index
        %get3A_1101 = tpu.vector_load %arg11[%get3A_1097, %get3A_1098, %get3A_1099, %get3A_1100] {strides = array<i32>} : memref<4x2x32x128xf32, #tpu.memory_space<vmem>>, vector<1x1x1x16xf32>,
        %get3A_1102 = vector.shape_cast %get3A_1101 : vector<1x1x1x16xf32> to vector<16xf32>
        %select_n3A_1103 = arith.select %eq3A_23, %get3A_1102, %select_n3A_1086 : vector<16xi1>, vector<16xf32>
        %sub3A_1104 = arith.constant 4 : i32
        %sub3A_1105 = arith.subi %and3A_757, %sub3A_1104 : i32
        %shift_right_arithmetic3A_1106 = arith.constant 31 : i32
        %shift_right_arithmetic3A_1107 = arith.shrsi %sub3A_1105, %shift_right_arithmetic3A_1106 : i32
        %add3A_1108 = arith.constant 20 : i32
        %add3A_1109 = arith.addi %add3A_1108, %shift_right_arithmetic3A_1107 : i32
        %shift_left3A_1110 = arith.constant 7 : i32
        %shift_left3A_1111 = arith.shli %shift_right_arithmetic3A_1107, %shift_left3A_1110 : i32
        %sub3A_1112 = arith.subi %sub3A_1105, %shift_left3A_1111 : i32
        %get3A_1113 = arith.constant 3 : i32
        %get3A_1114 = arith.index_cast %get3A_1113 : i32 to index
        %get3A_1115 = arith.index_cast %scan3A_160 : i32 to index
        %get3A_1116 = arith.index_cast %add3A_1109 : i32 to index
        %get3A_1117 = arith.index_cast %sub3A_1112 : i32 to index
        %get3A_1118 = tpu.vector_load %arg11[%get3A_1114, %get3A_1115, %get3A_1116, %get3A_1117] {strides = array<i32>} : memref<4x2x32x128xf32, #tpu.memory_space<vmem>>, vector<1x1x1x16xf32>,
        %get3A_1119 = vector.shape_cast %get3A_1118 : vector<1x1x1x16xf32> to vector<16xf32>
        %select_n3A_1120 = arith.select %eq3A_26, %get3A_1119, %select_n3A_1103 : vector<16xi1>, vector<16xf32>
        %sub3A_1121 = arith.constant 5 : i32
        %sub3A_1122 = arith.subi %and3A_757, %sub3A_1121 : i32
        %shift_right_arithmetic3A_1123 = arith.constant 31 : i32
        %shift_right_arithmetic3A_1124 = arith.shrsi %sub3A_1122, %shift_right_arithmetic3A_1123 : i32
        %add3A_1125 = arith.constant 21 : i32
        %add3A_1126 = arith.addi %add3A_1125, %shift_right_arithmetic3A_1124 : i32
        %shift_left3A_1127 = arith.constant 7 : i32
        %shift_left3A_1128 = arith.shli %shift_right_arithmetic3A_1124, %shift_left3A_1127 : i32
        %sub3A_1129 = arith.subi %sub3A_1122, %shift_left3A_1128 : i32
        %get3A_1130 = arith.constant 3 : i32
        %get3A_1131 = arith.index_cast %get3A_1130 : i32 to index
        %get3A_1132 = arith.index_cast %scan3A_160 : i32 to index
        %get3A_1133 = arith.index_cast %add3A_1126 : i32 to index
        %get3A_1134 = arith.index_cast %sub3A_1129 : i32 to index
        %get3A_1135 = tpu.vector_load %arg11[%get3A_1131, %get3A_1132, %get3A_1133, %get3A_1134] {strides = array<i32>} : memref<4x2x32x128xf32, #tpu.memory_space<vmem>>, vector<1x1x1x16xf32>,
        %get3A_1136 = vector.shape_cast %get3A_1135 : vector<1x1x1x16xf32> to vector<16xf32>
        %select_n3A_1137 = arith.select %eq3A_29, %get3A_1136, %select_n3A_1120 : vector<16xi1>, vector<16xf32>
        %sub3A_1138 = arith.constant 6 : i32
        %sub3A_1139 = arith.subi %and3A_757, %sub3A_1138 : i32
        %shift_right_arithmetic3A_1140 = arith.constant 31 : i32
        %shift_right_arithmetic3A_1141 = arith.shrsi %sub3A_1139, %shift_right_arithmetic3A_1140 : i32
        %add3A_1142 = arith.constant 22 : i32
        %add3A_1143 = arith.addi %add3A_1142, %shift_right_arithmetic3A_1141 : i32
        %shift_left3A_1144 = arith.constant 7 : i32
        %shift_left3A_1145 = arith.shli %shift_right_arithmetic3A_1141, %shift_left3A_1144 : i32
        %sub3A_1146 = arith.subi %sub3A_1139, %shift_left3A_1145 : i32
        %get3A_1147 = arith.constant 3 : i32
        %get3A_1148 = arith.index_cast %get3A_1147 : i32 to index
        %get3A_1149 = arith.index_cast %scan3A_160 : i32 to index
        %get3A_1150 = arith.index_cast %add3A_1143 : i32 to index
        %get3A_1151 = arith.index_cast %sub3A_1146 : i32 to index
        %get3A_1152 = tpu.vector_load %arg11[%get3A_1148, %get3A_1149, %get3A_1150, %get3A_1151] {strides = array<i32>} : memref<4x2x32x128xf32, #tpu.memory_space<vmem>>, vector<1x1x1x16xf32>,
        %get3A_1153 = vector.shape_cast %get3A_1152 : vector<1x1x1x16xf32> to vector<16xf32>
        %select_n3A_1154 = arith.select %eq3A_32, %get3A_1153, %select_n3A_1137 : vector<16xi1>, vector<16xf32>
        %sub3A_1155 = arith.constant 7 : i32
        %sub3A_1156 = arith.subi %and3A_757, %sub3A_1155 : i32
        %shift_right_arithmetic3A_1157 = arith.constant 31 : i32
        %shift_right_arithmetic3A_1158 = arith.shrsi %sub3A_1156, %shift_right_arithmetic3A_1157 : i32
        %add3A_1159 = arith.constant 23 : i32
        %add3A_1160 = arith.addi %add3A_1159, %shift_right_arithmetic3A_1158 : i32
        %shift_left3A_1161 = arith.constant 7 : i32
        %shift_left3A_1162 = arith.shli %shift_right_arithmetic3A_1158, %shift_left3A_1161 : i32
        %sub3A_1163 = arith.subi %sub3A_1156, %shift_left3A_1162 : i32
        %get3A_1164 = arith.constant 3 : i32
        %get3A_1165 = arith.index_cast %get3A_1164 : i32 to index
        %get3A_1166 = arith.index_cast %scan3A_160 : i32 to index
        %get3A_1167 = arith.index_cast %add3A_1160 : i32 to index
        %get3A_1168 = arith.index_cast %sub3A_1163 : i32 to index
        %get3A_1169 = tpu.vector_load %arg11[%get3A_1165, %get3A_1166, %get3A_1167, %get3A_1168] {strides = array<i32>} : memref<4x2x32x128xf32, #tpu.memory_space<vmem>>, vector<1x1x1x16xf32>,
        %get3A_1170 = vector.shape_cast %get3A_1169 : vector<1x1x1x16xf32> to vector<16xf32>
        %select_n3A_1171 = arith.select %eq3A_35, %get3A_1170, %select_n3A_1154 : vector<16xi1>, vector<16xf32>
        %sub3A_1172 = arith.constant 8 : i32
        %sub3A_1173 = arith.subi %and3A_757, %sub3A_1172 : i32
        %shift_right_arithmetic3A_1174 = arith.constant 31 : i32
        %shift_right_arithmetic3A_1175 = arith.shrsi %sub3A_1173, %shift_right_arithmetic3A_1174 : i32
        %add3A_1176 = arith.constant 24 : i32
        %add3A_1177 = arith.addi %add3A_1176, %shift_right_arithmetic3A_1175 : i32
        %shift_left3A_1178 = arith.constant 7 : i32
        %shift_left3A_1179 = arith.shli %shift_right_arithmetic3A_1175, %shift_left3A_1178 : i32
        %sub3A_1180 = arith.subi %sub3A_1173, %shift_left3A_1179 : i32
        %get3A_1181 = arith.constant 3 : i32
        %get3A_1182 = arith.index_cast %get3A_1181 : i32 to index
        %get3A_1183 = arith.index_cast %scan3A_160 : i32 to index
        %get3A_1184 = arith.index_cast %add3A_1177 : i32 to index
        %get3A_1185 = arith.index_cast %sub3A_1180 : i32 to index
        %get3A_1186 = tpu.vector_load %arg11[%get3A_1182, %get3A_1183, %get3A_1184, %get3A_1185] {strides = array<i32>} : memref<4x2x32x128xf32, #tpu.memory_space<vmem>>, vector<1x1x1x16xf32>,
        %get3A_1187 = vector.shape_cast %get3A_1186 : vector<1x1x1x16xf32> to vector<16xf32>
        %select_n3A_1188 = arith.select %eq3A_38, %get3A_1187, %select_n3A_1171 : vector<16xi1>, vector<16xf32>
        %sub3A_1189 = arith.constant 9 : i32
        %sub3A_1190 = arith.subi %and3A_757, %sub3A_1189 : i32
        %shift_right_arithmetic3A_1191 = arith.constant 31 : i32
        %shift_right_arithmetic3A_1192 = arith.shrsi %sub3A_1190, %shift_right_arithmetic3A_1191 : i32
        %add3A_1193 = arith.constant 25 : i32
        %add3A_1194 = arith.addi %add3A_1193, %shift_right_arithmetic3A_1192 : i32
        %shift_left3A_1195 = arith.constant 7 : i32
        %shift_left3A_1196 = arith.shli %shift_right_arithmetic3A_1192, %shift_left3A_1195 : i32
        %sub3A_1197 = arith.subi %sub3A_1190, %shift_left3A_1196 : i32
        %get3A_1198 = arith.constant 3 : i32
        %get3A_1199 = arith.index_cast %get3A_1198 : i32 to index
        %get3A_1200 = arith.index_cast %scan3A_160 : i32 to index
        %get3A_1201 = arith.index_cast %add3A_1194 : i32 to index
        %get3A_1202 = arith.index_cast %sub3A_1197 : i32 to index
        %get3A_1203 = tpu.vector_load %arg11[%get3A_1199, %get3A_1200, %get3A_1201, %get3A_1202] {strides = array<i32>} : memref<4x2x32x128xf32, #tpu.memory_space<vmem>>, vector<1x1x1x16xf32>,
        %get3A_1204 = vector.shape_cast %get3A_1203 : vector<1x1x1x16xf32> to vector<16xf32>
        %select_n3A_1205 = arith.select %eq3A_41, %get3A_1204, %select_n3A_1188 : vector<16xi1>, vector<16xf32>
        %sub3A_1206 = arith.constant 10 : i32
        %sub3A_1207 = arith.subi %and3A_757, %sub3A_1206 : i32
        %shift_right_arithmetic3A_1208 = arith.constant 31 : i32
        %shift_right_arithmetic3A_1209 = arith.shrsi %sub3A_1207, %shift_right_arithmetic3A_1208 : i32
        %add3A_1210 = arith.constant 26 : i32
        %add3A_1211 = arith.addi %add3A_1210, %shift_right_arithmetic3A_1209 : i32
        %shift_left3A_1212 = arith.constant 7 : i32
        %shift_left3A_1213 = arith.shli %shift_right_arithmetic3A_1209, %shift_left3A_1212 : i32
        %sub3A_1214 = arith.subi %sub3A_1207, %shift_left3A_1213 : i32
        %get3A_1215 = arith.constant 3 : i32
        %get3A_1216 = arith.index_cast %get3A_1215 : i32 to index
        %get3A_1217 = arith.index_cast %scan3A_160 : i32 to index
        %get3A_1218 = arith.index_cast %add3A_1211 : i32 to index
        %get3A_1219 = arith.index_cast %sub3A_1214 : i32 to index
        %get3A_1220 = tpu.vector_load %arg11[%get3A_1216, %get3A_1217, %get3A_1218, %get3A_1219] {strides = array<i32>} : memref<4x2x32x128xf32, #tpu.memory_space<vmem>>, vector<1x1x1x16xf32>,
        %get3A_1221 = vector.shape_cast %get3A_1220 : vector<1x1x1x16xf32> to vector<16xf32>
        %select_n3A_1222 = arith.select %eq3A_44, %get3A_1221, %select_n3A_1205 : vector<16xi1>, vector<16xf32>
        %sub3A_1223 = arith.constant 11 : i32
        %sub3A_1224 = arith.subi %and3A_757, %sub3A_1223 : i32
        %shift_right_arithmetic3A_1225 = arith.constant 31 : i32
        %shift_right_arithmetic3A_1226 = arith.shrsi %sub3A_1224, %shift_right_arithmetic3A_1225 : i32
        %add3A_1227 = arith.constant 27 : i32
        %add3A_1228 = arith.addi %add3A_1227, %shift_right_arithmetic3A_1226 : i32
        %shift_left3A_1229 = arith.constant 7 : i32
        %shift_left3A_1230 = arith.shli %shift_right_arithmetic3A_1226, %shift_left3A_1229 : i32
        %sub3A_1231 = arith.subi %sub3A_1224, %shift_left3A_1230 : i32
        %get3A_1232 = arith.constant 3 : i32
        %get3A_1233 = arith.index_cast %get3A_1232 : i32 to index
        %get3A_1234 = arith.index_cast %scan3A_160 : i32 to index
        %get3A_1235 = arith.index_cast %add3A_1228 : i32 to index
        %get3A_1236 = arith.index_cast %sub3A_1231 : i32 to index
        %get3A_1237 = tpu.vector_load %arg11[%get3A_1233, %get3A_1234, %get3A_1235, %get3A_1236] {strides = array<i32>} : memref<4x2x32x128xf32, #tpu.memory_space<vmem>>, vector<1x1x1x16xf32>,
        %get3A_1238 = vector.shape_cast %get3A_1237 : vector<1x1x1x16xf32> to vector<16xf32>
        %select_n3A_1239 = arith.select %eq3A_47, %get3A_1238, %select_n3A_1222 : vector<16xi1>, vector<16xf32>
        %sub3A_1240 = arith.constant 12 : i32
        %sub3A_1241 = arith.subi %and3A_757, %sub3A_1240 : i32
        %shift_right_arithmetic3A_1242 = arith.constant 31 : i32
        %shift_right_arithmetic3A_1243 = arith.shrsi %sub3A_1241, %shift_right_arithmetic3A_1242 : i32
        %add3A_1244 = arith.constant 28 : i32
        %add3A_1245 = arith.addi %add3A_1244, %shift_right_arithmetic3A_1243 : i32
        %shift_left3A_1246 = arith.constant 7 : i32
        %shift_left3A_1247 = arith.shli %shift_right_arithmetic3A_1243, %shift_left3A_1246 : i32
        %sub3A_1248 = arith.subi %sub3A_1241, %shift_left3A_1247 : i32
        %get3A_1249 = arith.constant 3 : i32
        %get3A_1250 = arith.index_cast %get3A_1249 : i32 to index
        %get3A_1251 = arith.index_cast %scan3A_160 : i32 to index
        %get3A_1252 = arith.index_cast %add3A_1245 : i32 to index
        %get3A_1253 = arith.index_cast %sub3A_1248 : i32 to index
        %get3A_1254 = tpu.vector_load %arg11[%get3A_1250, %get3A_1251, %get3A_1252, %get3A_1253] {strides = array<i32>} : memref<4x2x32x128xf32, #tpu.memory_space<vmem>>, vector<1x1x1x16xf32>,
        %get3A_1255 = vector.shape_cast %get3A_1254 : vector<1x1x1x16xf32> to vector<16xf32>
        %select_n3A_1256 = arith.select %eq3A_50, %get3A_1255, %select_n3A_1239 : vector<16xi1>, vector<16xf32>
        %sub3A_1257 = arith.constant 13 : i32
        %sub3A_1258 = arith.subi %and3A_757, %sub3A_1257 : i32
        %shift_right_arithmetic3A_1259 = arith.constant 31 : i32
        %shift_right_arithmetic3A_1260 = arith.shrsi %sub3A_1258, %shift_right_arithmetic3A_1259 : i32
        %add3A_1261 = arith.constant 29 : i32
        %add3A_1262 = arith.addi %add3A_1261, %shift_right_arithmetic3A_1260 : i32
        %shift_left3A_1263 = arith.constant 7 : i32
        %shift_left3A_1264 = arith.shli %shift_right_arithmetic3A_1260, %shift_left3A_1263 : i32
        %sub3A_1265 = arith.subi %sub3A_1258, %shift_left3A_1264 : i32
        %get3A_1266 = arith.constant 3 : i32
        %get3A_1267 = arith.index_cast %get3A_1266 : i32 to index
        %get3A_1268 = arith.index_cast %scan3A_160 : i32 to index
        %get3A_1269 = arith.index_cast %add3A_1262 : i32 to index
        %get3A_1270 = arith.index_cast %sub3A_1265 : i32 to index
        %get3A_1271 = tpu.vector_load %arg11[%get3A_1267, %get3A_1268, %get3A_1269, %get3A_1270] {strides = array<i32>} : memref<4x2x32x128xf32, #tpu.memory_space<vmem>>, vector<1x1x1x16xf32>,
        %get3A_1272 = vector.shape_cast %get3A_1271 : vector<1x1x1x16xf32> to vector<16xf32>
        %select_n3A_1273 = arith.select %eq3A_53, %get3A_1272, %select_n3A_1256 : vector<16xi1>, vector<16xf32>
        %sub3A_1274 = arith.constant 14 : i32
        %sub3A_1275 = arith.subi %and3A_757, %sub3A_1274 : i32
        %shift_right_arithmetic3A_1276 = arith.constant 31 : i32
        %shift_right_arithmetic3A_1277 = arith.shrsi %sub3A_1275, %shift_right_arithmetic3A_1276 : i32
        %add3A_1278 = arith.constant 30 : i32
        %add3A_1279 = arith.addi %add3A_1278, %shift_right_arithmetic3A_1277 : i32
        %shift_left3A_1280 = arith.constant 7 : i32
        %shift_left3A_1281 = arith.shli %shift_right_arithmetic3A_1277, %shift_left3A_1280 : i32
        %sub3A_1282 = arith.subi %sub3A_1275, %shift_left3A_1281 : i32
        %get3A_1283 = arith.constant 3 : i32
        %get3A_1284 = arith.index_cast %get3A_1283 : i32 to index
        %get3A_1285 = arith.index_cast %scan3A_160 : i32 to index
        %get3A_1286 = arith.index_cast %add3A_1279 : i32 to index
        %get3A_1287 = arith.index_cast %sub3A_1282 : i32 to index
        %get3A_1288 = tpu.vector_load %arg11[%get3A_1284, %get3A_1285, %get3A_1286, %get3A_1287] {strides = array<i32>} : memref<4x2x32x128xf32, #tpu.memory_space<vmem>>, vector<1x1x1x16xf32>,
        %get3A_1289 = vector.shape_cast %get3A_1288 : vector<1x1x1x16xf32> to vector<16xf32>
        %select_n3A_1290 = arith.select %eq3A_56, %get3A_1289, %select_n3A_1273 : vector<16xi1>, vector<16xf32>
        %sub3A_1291 = arith.constant 15 : i32
        %sub3A_1292 = arith.subi %and3A_757, %sub3A_1291 : i32
        %shift_right_arithmetic3A_1293 = arith.constant 31 : i32
        %shift_right_arithmetic3A_1294 = arith.shrsi %sub3A_1292, %shift_right_arithmetic3A_1293 : i32
        %add3A_1295 = arith.constant 31 : i32
        %add3A_1296 = arith.addi %add3A_1295, %shift_right_arithmetic3A_1294 : i32
        %shift_left3A_1297 = arith.constant 7 : i32
        %shift_left3A_1298 = arith.shli %shift_right_arithmetic3A_1294, %shift_left3A_1297 : i32
        %sub3A_1299 = arith.subi %sub3A_1292, %shift_left3A_1298 : i32
        %get3A_1300 = arith.constant 3 : i32
        %get3A_1301 = arith.index_cast %get3A_1300 : i32 to index
        %get3A_1302 = arith.index_cast %scan3A_160 : i32 to index
        %get3A_1303 = arith.index_cast %add3A_1296 : i32 to index
        %get3A_1304 = arith.index_cast %sub3A_1299 : i32 to index
        %get3A_1305 = tpu.vector_load %arg11[%get3A_1301, %get3A_1302, %get3A_1303, %get3A_1304] {strides = array<i32>} : memref<4x2x32x128xf32, #tpu.memory_space<vmem>>, vector<1x1x1x16xf32>,
        %get3A_1306 = vector.shape_cast %get3A_1305 : vector<1x1x1x16xf32> to vector<16xf32>
        %select_n3A_1307 = arith.select %eq3A_59, %get3A_1306, %select_n3A_1290 : vector<16xi1>, vector<16xf32>
        %mul3A_1308 = arith.constant 32 : i32
        %mul3A_1309 = arith.muli %add3A_192, %mul3A_1308 : i32
        %add3A_1310 = arith.constant 16 : i32
        %add3A_1311 = arith.addi %mul3A_1309, %add3A_1310 : i32
        %swap3A_1312 = arith.index_cast %add3A_1311 : i32 to index
        %swap3A_1313 = tpu.vector_load %arg13[%swap3A_1312] {strides = array<i32>} : memref<4096xf32, #tpu.memory_space<vmem>>, vector<16xf32>,
        %swap3A_1314 = vector.shape_cast %swap3A_1313 : vector<16xf32> to vector<16xf32>
        %swap3A_1315 = vector.shape_cast %select_n3A_1307 : vector<16xf32> to vector<16xf32>
        tpu.vector_store %arg13[%swap3A_1312], %swap3A_1315 {strides = array<i32>} : memref<4096xf32, #tpu.memory_space<vmem>>, vector<16xf32>,
      }
      %scan3A_159 = arith.constant 2 : i32
    }
    %scan3A_82 = arith.constant 16 : i32
    %mul3A_83 = arith.constant 32 : i32
    %mul3A_84 = arith.muli %mul3A_2, %mul3A_83 : i32
    "tpu.region"() ({
      %run_scoped3A = tpu.sem_alloc : memref<!tpu.dma_semaphore, #tpu.memory_space<semaphore_mem>>
      %dma_start3A = tpu.memref_slice %arg6[%mul3A_84] : memref<131072xf32, #tpu.memory_space<hbm>> -> memref<4096xf32, #tpu.memory_space<hbm>>
      %dma_start3A_87 = tpu.memref_slice %arg6[%mul3A_84] : memref<131072xf32, #tpu.memory_space<hbm>> -> memref<4096xf32, #tpu.memory_space<hbm>>
      tpu.enqueue_dma source(%arg12 : memref<4096xf32, #tpu.memory_space<vmem>>) target(%dma_start3A_87 : memref<4096xf32, #tpu.memory_space<hbm>>) target_semaphore(%run_scoped3A : memref<!tpu.dma_semaphore, #tpu.memory_space<semaphore_mem>>)
      %dma_wait3A = tpu.memref_slice %arg6[%mul3A_84] : memref<131072xf32, #tpu.memory_space<hbm>> -> memref<4096xf32, #tpu.memory_space<hbm>>
      %dma_wait3A_88 = tpu.memref_slice %arg6[%mul3A_84] : memref<131072xf32, #tpu.memory_space<hbm>> -> memref<4096xf32, #tpu.memory_space<hbm>>
      tpu.wait_dma2 semaphore(%run_scoped3A : memref<!tpu.dma_semaphore, #tpu.memory_space<semaphore_mem>>) src(%arg12 : memref<4096xf32, #tpu.memory_space<vmem>>) dst(%dma_wait3A_88 : memref<4096xf32, #tpu.memory_space<hbm>>)
      tpu.yield
    }) : () -> ()
    %mul3A_85 = arith.constant 32 : i32
    %mul3A_86 = arith.muli %mul3A_2, %mul3A_85 : i32
    "tpu.region"() ({
      %run_scoped3A = tpu.sem_alloc : memref<!tpu.dma_semaphore, #tpu.memory_space<semaphore_mem>>
      %dma_start3A = tpu.memref_slice %arg7[%mul3A_86] : memref<131072xf32, #tpu.memory_space<hbm>> -> memref<4096xf32, #tpu.memory_space<hbm>>
      %dma_start3A_87 = tpu.memref_slice %arg7[%mul3A_86] : memref<131072xf32, #tpu.memory_space<hbm>> -> memref<4096xf32, #tpu.memory_space<hbm>>
      tpu.enqueue_dma source(%arg13 : memref<4096xf32, #tpu.memory_space<vmem>>) target(%dma_start3A_87 : memref<4096xf32, #tpu.memory_space<hbm>>) target_semaphore(%run_scoped3A : memref<!tpu.dma_semaphore, #tpu.memory_space<semaphore_mem>>)
      %dma_wait3A = tpu.memref_slice %arg7[%mul3A_86] : memref<131072xf32, #tpu.memory_space<hbm>> -> memref<4096xf32, #tpu.memory_space<hbm>>
      %dma_wait3A_88 = tpu.memref_slice %arg7[%mul3A_86] : memref<131072xf32, #tpu.memory_space<hbm>> -> memref<4096xf32, #tpu.memory_space<hbm>>
      tpu.wait_dma2 semaphore(%run_scoped3A : memref<!tpu.dma_semaphore, #tpu.memory_space<semaphore_mem>>) src(%arg13 : memref<4096xf32, #tpu.memory_space<vmem>>) dst(%dma_wait3A_88 : memref<4096xf32, #tpu.memory_space<hbm>>)
      tpu.yield
    }) : () -> ()
    return
  }
}

module attributes {stable_mosaic.version = 14 : i64} {
  func.func @_tc_body(%arg0: memref<1024x128xf32, #tpu.memory_space<vmem>>, %arg1: memref<1024x128xf32, #tpu.memory_space<vmem>>, %arg2: memref<96x64xf32, #tpu.memory_space<vmem>>, %arg3: memref<1x64xf32, #tpu.memory_space<vmem>>, %arg4: memref<64x1xf32, #tpu.memory_space<vmem>>, %arg5: memref<1x1xf32, #tpu.memory_space<vmem>>, %arg6: memref<1024x4xf32, #tpu.memory_space<vmem>>, %arg7: memref<1024x4xf32, #tpu.memory_space<vmem>>) attributes {dimension_semantics = [], scalar_prefetch = 0 : i64, scratch_operands = 0 : i64, tpu.core_type = #tpu.core_type<tc>} {
    %get3A = arith.constant 0 : index
    %get3A_0 = arith.constant 0 : index
    %get3A_1 = vector.load %arg0[%get3A, %get3A_0] : memref<1024x128xf32, #tpu.memory_space<vmem>>, vector<1024x128xf32>
    %get3A_2 = arith.constant 0 : index
    %get3A_3 = arith.constant 0 : index
    %get3A_4 = vector.load %arg1[%get3A_2, %get3A_3] : memref<1024x128xf32, #tpu.memory_space<vmem>>, vector<1024x128xf32>
    %reduce_sum3A = arith.constant dense<0.000000e+00> : vector<128xf32>
    %reduce_sum3A_5 = vector.multi_reduction <add>, %get3A_1, %reduce_sum3A [0] : vector<1024x128xf32> to vector<128xf32>
    %broadcast_in_dim3A = vector.shape_cast %reduce_sum3A_5 : vector<128xf32> to vector<1x128xf32>
    %slice3A = vector.extract_strided_slice %broadcast_in_dim3A {offsets = [0, 0], sizes = [1, 32], strides = [1, 1]} : vector<1x128xf32> to vector<1x32xf32>
    %slice3A_6 = vector.extract_strided_slice %broadcast_in_dim3A {offsets = [0, 32], sizes = [1, 32], strides = [1, 1]} : vector<1x128xf32> to vector<1x32xf32>
    %add3A = arith.addf %slice3A, %slice3A_6 : vector<1x32xf32>
    %slice3A_7 = vector.extract_strided_slice %broadcast_in_dim3A {offsets = [0, 64], sizes = [1, 32], strides = [1, 1]} : vector<1x128xf32> to vector<1x32xf32>
    %add3A_8 = arith.addf %add3A, %slice3A_7 : vector<1x32xf32>
    %slice3A_9 = vector.extract_strided_slice %broadcast_in_dim3A {offsets = [0, 96], sizes = [1, 32], strides = [1, 1]} : vector<1x128xf32> to vector<1x32xf32>
    %add3A_10 = arith.addf %add3A_8, %slice3A_9 : vector<1x32xf32>
    %concatenate3A = tpu.concatenate %add3A_10, %add3A_10, %add3A_10, %add3A_10 in 1 : vector<1x32xf32>, vector<1x32xf32>, vector<1x32xf32>, vector<1x32xf32> -> vector<1x128xf32>
    %mul3A = vector.broadcast %concatenate3A : vector<1x128xf32> to vector<1024x128xf32>
    %mul3A_11 = arith.mulf %get3A_4, %mul3A : vector<1024x128xf32>
    %iota3A = tpu.iota {dimensions = array<i32: 0>} : vector<128x4xi32>
    %iota3A_12 = tpu.iota {dimensions = array<i32: 1>} : vector<128x4xi32>
    %jit3A = arith.constant 32 : i32
    %div3A = vector.broadcast %jit3A : i32 to vector<128x4xi32>
    %div3A_13 = arith.divsi %iota3A, %div3A : vector<128x4xi32>
    %sign3A = arith.constant 0 : i32
    %sign3A_14 = vector.broadcast %sign3A : i32 to vector<128x4xi32>
    %sign3A_15 = arith.cmpi sgt, %iota3A, %sign3A_14 : vector<128x4xi32>
    %sign3A_16 = arith.extui %sign3A_15 : vector<128x4xi1> to vector<128x4xi32>
    %sign3A_17 = arith.constant 0 : i32
    %sign3A_18 = vector.broadcast %sign3A_17 : i32 to vector<128x4xi32>
    %sign3A_19 = arith.cmpi slt, %iota3A, %sign3A_18 : vector<128x4xi32>
    %sign3A_20 = arith.extui %sign3A_19 : vector<128x4xi1> to vector<128x4xi32>
    %sign3A_21 = arith.subi %sign3A_16, %sign3A_20 : vector<128x4xi32>
    %sign3A_22 = arith.constant 0 : i32
    %sign3A_23 = arith.cmpi sgt, %jit3A, %sign3A_22 : i32
    %sign3A_24 = arith.extui %sign3A_23 : i1 to i32
    %sign3A_25 = arith.constant 0 : i32
    %sign3A_26 = arith.cmpi slt, %jit3A, %sign3A_25 : i32
    %sign3A_27 = arith.extui %sign3A_26 : i1 to i32
    %sign3A_28 = arith.subi %sign3A_24, %sign3A_27 : i32
    %ne3A = vector.broadcast %sign3A_28 : i32 to vector<128x4xi32>
    %ne3A_29 = arith.cmpi ne, %sign3A_21, %ne3A : vector<128x4xi32>
    %rem3A = vector.broadcast %jit3A : i32 to vector<128x4xi32>
    %rem3A_30 = arith.remsi %iota3A, %rem3A : vector<128x4xi32>
    %ne3A_31 = arith.constant 0 : i32
    %ne3A_32 = vector.broadcast %ne3A_31 : i32 to vector<128x4xi32>
    %ne3A_33 = arith.cmpi ne, %rem3A_30, %ne3A_32 : vector<128x4xi32>
    %and3A = arith.andi %ne3A_29, %ne3A_33 : vector<128x4xi1>
    %sub3A = arith.constant 1 : i32
    %sub3A_34 = vector.broadcast %sub3A : i32 to vector<128x4xi32>
    %sub3A_35 = arith.subi %div3A_13, %sub3A_34 : vector<128x4xi32>
    %select_n3A = arith.select %and3A, %sub3A_35, %div3A_13 : vector<128x4xi1>, vector<128x4xi32>
    %eq3A = arith.cmpi eq, %select_n3A, %iota3A_12 : vector<128x4xi32>
    %jit3A_36 = arith.constant 1.000000e+00 : f32
    %jit3A_37 = arith.constant 0.000000e+00 : f32
    %broadcast_in_dim3A_38 = vector.broadcast %jit3A_36 : f32 to vector<128x4xf32>
    %broadcast_in_dim3A_39 = vector.broadcast %jit3A_37 : f32 to vector<128x4xf32>
    %select_n3A_40 = arith.select %eq3A, %broadcast_in_dim3A_38, %broadcast_in_dim3A_39 : vector<128x4xi1>, vector<128x4xf32>
    %dot_general3A = arith.constant dense<0.000000e+00> : vector<1024x4xf32>
    %dot_general3A_41 = tpu.matmul %mul3A_11, %select_n3A_40, %dot_general3A {dimension_numbers = #tpu.dot_dimension_numbers<[1], [0], [0], [1], [0, 0, 1, 1], [], []>, transpose_lhs_hint = false} : vector<1024x128xf32>, vector<128x4xf32>, vector<1024x4xf32> -> vector<1024x4xf32>
    %swap3A = arith.constant 0 : index
    %swap3A_42 = arith.constant 0 : index
    %swap3A_43 = vector.load %arg6[%swap3A, %swap3A_42] : memref<1024x4xf32, #tpu.memory_space<vmem>>, vector<1024x4xf32>
    tpu.vector_store %arg6[%swap3A, %swap3A_42], %dot_general3A_41 {strides = array<i32>} : memref<1024x4xf32, #tpu.memory_space<vmem>>, vector<1024x4xf32>,
    %mul3A_44 = arith.mulf %get3A_1, %get3A_4 : vector<1024x128xf32>
    %get3A_45 = arith.constant 0 : index
    %get3A_46 = arith.constant 0 : index
    %get3A_47 = vector.load %arg2[%get3A_45, %get3A_46] : memref<96x64xf32, #tpu.memory_space<vmem>>, vector<96x64xf32>
    %iota3A_48 = tpu.iota {dimensions = array<i32: 0>} : vector<128x256xi32>
    %iota3A_49 = tpu.iota {dimensions = array<i32: 1>} : vector<128x256xi32>
    %jit3A_50 = arith.constant 32 : i32
    %div3A_51 = vector.broadcast %jit3A_50 : i32 to vector<128x256xi32>
    %div3A_52 = arith.divsi %iota3A_48, %div3A_51 : vector<128x256xi32>
    %sign3A_53 = arith.constant 0 : i32
    %sign3A_54 = vector.broadcast %sign3A_53 : i32 to vector<128x256xi32>
    %sign3A_55 = arith.cmpi sgt, %iota3A_48, %sign3A_54 : vector<128x256xi32>
    %sign3A_56 = arith.extui %sign3A_55 : vector<128x256xi1> to vector<128x256xi32>
    %sign3A_57 = arith.constant 0 : i32
    %sign3A_58 = vector.broadcast %sign3A_57 : i32 to vector<128x256xi32>
    %sign3A_59 = arith.cmpi slt, %iota3A_48, %sign3A_58 : vector<128x256xi32>
    %sign3A_60 = arith.extui %sign3A_59 : vector<128x256xi1> to vector<128x256xi32>
    %sign3A_61 = arith.subi %sign3A_56, %sign3A_60 : vector<128x256xi32>
    %sign3A_62 = arith.constant 0 : i32
    %sign3A_63 = arith.cmpi sgt, %jit3A_50, %sign3A_62 : i32
    %sign3A_64 = arith.extui %sign3A_63 : i1 to i32
    %sign3A_65 = arith.constant 0 : i32
    %sign3A_66 = arith.cmpi slt, %jit3A_50, %sign3A_65 : i32
    %sign3A_67 = arith.extui %sign3A_66 : i1 to i32
    %sign3A_68 = arith.subi %sign3A_64, %sign3A_67 : i32
    %ne3A_69 = vector.broadcast %sign3A_68 : i32 to vector<128x256xi32>
    %ne3A_70 = arith.cmpi ne, %sign3A_61, %ne3A_69 : vector<128x256xi32>
    %rem3A_71 = vector.broadcast %jit3A_50 : i32 to vector<128x256xi32>
    %rem3A_72 = arith.remsi %iota3A_48, %rem3A_71 : vector<128x256xi32>
    %ne3A_73 = arith.constant 0 : i32
    %ne3A_74 = vector.broadcast %ne3A_73 : i32 to vector<128x256xi32>
    %ne3A_75 = arith.cmpi ne, %rem3A_72, %ne3A_74 : vector<128x256xi32>
    %and3A_76 = arith.andi %ne3A_70, %ne3A_75 : vector<128x256xi1>
    %sub3A_77 = arith.constant 1 : i32
    %sub3A_78 = vector.broadcast %sub3A_77 : i32 to vector<128x256xi32>
    %sub3A_79 = arith.subi %div3A_52, %sub3A_78 : vector<128x256xi32>
    %select_n3A_80 = arith.select %and3A_76, %sub3A_79, %div3A_52 : vector<128x256xi1>, vector<128x256xi32>
    %jit3A_81 = arith.constant 64 : i32
    %div3A_82 = vector.broadcast %jit3A_81 : i32 to vector<128x256xi32>
    %div3A_83 = arith.divsi %iota3A_49, %div3A_82 : vector<128x256xi32>
    %sign3A_84 = arith.constant 0 : i32
    %sign3A_85 = vector.broadcast %sign3A_84 : i32 to vector<128x256xi32>
    %sign3A_86 = arith.cmpi sgt, %iota3A_49, %sign3A_85 : vector<128x256xi32>
    %sign3A_87 = arith.extui %sign3A_86 : vector<128x256xi1> to vector<128x256xi32>
    %sign3A_88 = arith.constant 0 : i32
    %sign3A_89 = vector.broadcast %sign3A_88 : i32 to vector<128x256xi32>
    %sign3A_90 = arith.cmpi slt, %iota3A_49, %sign3A_89 : vector<128x256xi32>
    %sign3A_91 = arith.extui %sign3A_90 : vector<128x256xi1> to vector<128x256xi32>
    %sign3A_92 = arith.subi %sign3A_87, %sign3A_91 : vector<128x256xi32>
    %sign3A_93 = arith.constant 0 : i32
    %sign3A_94 = arith.cmpi sgt, %jit3A_81, %sign3A_93 : i32
    %sign3A_95 = arith.extui %sign3A_94 : i1 to i32
    %sign3A_96 = arith.constant 0 : i32
    %sign3A_97 = arith.cmpi slt, %jit3A_81, %sign3A_96 : i32
    %sign3A_98 = arith.extui %sign3A_97 : i1 to i32
    %sign3A_99 = arith.subi %sign3A_95, %sign3A_98 : i32
    %ne3A_100 = vector.broadcast %sign3A_99 : i32 to vector<128x256xi32>
    %ne3A_101 = arith.cmpi ne, %sign3A_92, %ne3A_100 : vector<128x256xi32>
    %rem3A_102 = vector.broadcast %jit3A_81 : i32 to vector<128x256xi32>
    %rem3A_103 = arith.remsi %iota3A_49, %rem3A_102 : vector<128x256xi32>
    %ne3A_104 = arith.constant 0 : i32
    %ne3A_105 = vector.broadcast %ne3A_104 : i32 to vector<128x256xi32>
    %ne3A_106 = arith.cmpi ne, %rem3A_103, %ne3A_105 : vector<128x256xi32>
    %and3A_107 = arith.andi %ne3A_101, %ne3A_106 : vector<128x256xi1>
    %sub3A_108 = arith.constant 1 : i32
    %sub3A_109 = vector.broadcast %sub3A_108 : i32 to vector<128x256xi32>
    %sub3A_110 = arith.subi %div3A_83, %sub3A_109 : vector<128x256xi32>
    %select_n3A_111 = arith.select %and3A_107, %sub3A_110, %div3A_83 : vector<128x256xi1>, vector<128x256xi32>
    %eq3A_112 = arith.cmpi eq, %select_n3A_80, %select_n3A_111 : vector<128x256xi32>
    %get3A_113 = arith.constant 0 : index
    %get3A_114 = arith.constant 0 : index
    %get3A_115 = vector.load %arg3[%get3A_113, %get3A_114] : memref<1x64xf32, #tpu.memory_space<vmem>>, vector<1x64xf32>
    %concatenate3A_116 = tpu.concatenate %get3A_115, %get3A_115, %get3A_115, %get3A_115 in 1 : vector<1x64xf32>, vector<1x64xf32>, vector<1x64xf32>, vector<1x64xf32> -> vector<1x256xf32>
    %slice3A_117 = vector.extract_strided_slice %get3A_47 {offsets = [0, 0], sizes = [32, 64], strides = [1, 1]} : vector<96x64xf32> to vector<32x64xf32>
    %concatenate3A_118 = tpu.concatenate %slice3A_117, %slice3A_117, %slice3A_117, %slice3A_117 in 0 : vector<32x64xf32>, vector<32x64xf32>, vector<32x64xf32>, vector<32x64xf32> -> vector<128x64xf32>
    %concatenate3A_119 = tpu.concatenate %concatenate3A_118, %concatenate3A_118, %concatenate3A_118, %concatenate3A_118 in 1 : vector<128x64xf32>, vector<128x64xf32>, vector<128x64xf32>, vector<128x64xf32> -> vector<128x256xf32>
    %jit3A_120 = arith.constant 0.000000e+00 : f32
    %broadcast_in_dim3A_121 = vector.broadcast %jit3A_120 : f32 to vector<128x256xf32>
    %select_n3A_122 = arith.select %eq3A_112, %concatenate3A_119, %broadcast_in_dim3A_121 : vector<128x256xi1>, vector<128x256xf32>
    %dot_general3A_123 = arith.constant dense<0.000000e+00> : vector<1024x256xf32>
    %dot_general3A_124 = tpu.matmul %get3A_1, %select_n3A_122, %dot_general3A_123 {dimension_numbers = #tpu.dot_dimension_numbers<[1], [0], [0], [1], [0, 0, 1, 1], [], []>, transpose_lhs_hint = false} : vector<1024x128xf32>, vector<128x256xf32>, vector<1024x256xf32> -> vector<1024x256xf32>
    %slice3A_125 = vector.extract_strided_slice %get3A_47 {offsets = [32, 0], sizes = [32, 64], strides = [1, 1]} : vector<96x64xf32> to vector<32x64xf32>
    %concatenate3A_126 = tpu.concatenate %slice3A_125, %slice3A_125, %slice3A_125, %slice3A_125 in 0 : vector<32x64xf32>, vector<32x64xf32>, vector<32x64xf32>, vector<32x64xf32> -> vector<128x64xf32>
    %concatenate3A_127 = tpu.concatenate %concatenate3A_126, %concatenate3A_126, %concatenate3A_126, %concatenate3A_126 in 1 : vector<128x64xf32>, vector<128x64xf32>, vector<128x64xf32>, vector<128x64xf32> -> vector<128x256xf32>
    %jit3A_128 = arith.constant 0.000000e+00 : f32
    %broadcast_in_dim3A_129 = vector.broadcast %jit3A_128 : f32 to vector<128x256xf32>
    %select_n3A_130 = arith.select %eq3A_112, %concatenate3A_127, %broadcast_in_dim3A_129 : vector<128x256xi1>, vector<128x256xf32>
    %dot_general3A_131 = arith.constant dense<0.000000e+00> : vector<1024x256xf32>
    %dot_general3A_132 = tpu.matmul %get3A_4, %select_n3A_130, %dot_general3A_131 {dimension_numbers = #tpu.dot_dimension_numbers<[1], [0], [0], [1], [0, 0, 1, 1], [], []>, transpose_lhs_hint = false} : vector<1024x128xf32>, vector<128x256xf32>, vector<1024x256xf32> -> vector<1024x256xf32>
    %add3A_133 = arith.addf %dot_general3A_124, %dot_general3A_132 : vector<1024x256xf32>
    %slice3A_134 = vector.extract_strided_slice %get3A_47 {offsets = [64, 0], sizes = [32, 64], strides = [1, 1]} : vector<96x64xf32> to vector<32x64xf32>
    %concatenate3A_135 = tpu.concatenate %slice3A_134, %slice3A_134, %slice3A_134, %slice3A_134 in 0 : vector<32x64xf32>, vector<32x64xf32>, vector<32x64xf32>, vector<32x64xf32> -> vector<128x64xf32>
    %concatenate3A_136 = tpu.concatenate %concatenate3A_135, %concatenate3A_135, %concatenate3A_135, %concatenate3A_135 in 1 : vector<128x64xf32>, vector<128x64xf32>, vector<128x64xf32>, vector<128x64xf32> -> vector<128x256xf32>
    %jit3A_137 = arith.constant 0.000000e+00 : f32
    %broadcast_in_dim3A_138 = vector.broadcast %jit3A_137 : f32 to vector<128x256xf32>
    %select_n3A_139 = arith.select %eq3A_112, %concatenate3A_136, %broadcast_in_dim3A_138 : vector<128x256xi1>, vector<128x256xf32>
    %dot_general3A_140 = arith.constant dense<0.000000e+00> : vector<1024x256xf32>
    %dot_general3A_141 = tpu.matmul %mul3A_44, %select_n3A_139, %dot_general3A_140 {dimension_numbers = #tpu.dot_dimension_numbers<[1], [0], [0], [1], [0, 0, 1, 1], [], []>, transpose_lhs_hint = false} : vector<1024x128xf32>, vector<128x256xf32>, vector<1024x256xf32> -> vector<1024x256xf32>
    %add3A_142 = arith.addf %add3A_133, %dot_general3A_141 : vector<1024x256xf32>
    %add3A_143 = vector.broadcast %concatenate3A_116 : vector<1x256xf32> to vector<1024x256xf32>
    %add3A_144 = arith.addf %add3A_142, %add3A_143 : vector<1024x256xf32>
    %max3A = arith.constant 0.000000e+00 : f32
    %max3A_145 = vector.broadcast %max3A : f32 to vector<1024x256xf32>
    %max3A_146 = arith.maximumf %add3A_144, %max3A_145 : vector<1024x256xf32>
    %get3A_147 = arith.constant 0 : index
    %get3A_148 = arith.constant 0 : index
    %get3A_149 = vector.load %arg4[%get3A_147, %get3A_148] : memref<64x1xf32, #tpu.memory_space<vmem>>, vector<64x1xf32>
    %concatenate3A_150 = tpu.concatenate %get3A_149, %get3A_149, %get3A_149, %get3A_149 in 0 : vector<64x1xf32>, vector<64x1xf32>, vector<64x1xf32>, vector<64x1xf32> -> vector<256x1xf32>
    %concatenate3A_151 = tpu.concatenate %concatenate3A_150, %concatenate3A_150, %concatenate3A_150, %concatenate3A_150 in 1 : vector<256x1xf32>, vector<256x1xf32>, vector<256x1xf32>, vector<256x1xf32> -> vector<256x4xf32>
    %iota3A_152 = tpu.iota {dimensions = array<i32: 0>} : vector<256x4xi32>
    %iota3A_153 = tpu.iota {dimensions = array<i32: 1>} : vector<256x4xi32>
    %jit3A_154 = arith.constant 64 : i32
    %div3A_155 = vector.broadcast %jit3A_154 : i32 to vector<256x4xi32>
    %div3A_156 = arith.divsi %iota3A_152, %div3A_155 : vector<256x4xi32>
    %sign3A_157 = arith.constant 0 : i32
    %sign3A_158 = vector.broadcast %sign3A_157 : i32 to vector<256x4xi32>
    %sign3A_159 = arith.cmpi sgt, %iota3A_152, %sign3A_158 : vector<256x4xi32>
    %sign3A_160 = arith.extui %sign3A_159 : vector<256x4xi1> to vector<256x4xi32>
    %sign3A_161 = arith.constant 0 : i32
    %sign3A_162 = vector.broadcast %sign3A_161 : i32 to vector<256x4xi32>
    %sign3A_163 = arith.cmpi slt, %iota3A_152, %sign3A_162 : vector<256x4xi32>
    %sign3A_164 = arith.extui %sign3A_163 : vector<256x4xi1> to vector<256x4xi32>
    %sign3A_165 = arith.subi %sign3A_160, %sign3A_164 : vector<256x4xi32>
    %sign3A_166 = arith.constant 0 : i32
    %sign3A_167 = arith.cmpi sgt, %jit3A_154, %sign3A_166 : i32
    %sign3A_168 = arith.extui %sign3A_167 : i1 to i32
    %sign3A_169 = arith.constant 0 : i32
    %sign3A_170 = arith.cmpi slt, %jit3A_154, %sign3A_169 : i32
    %sign3A_171 = arith.extui %sign3A_170 : i1 to i32
    %sign3A_172 = arith.subi %sign3A_168, %sign3A_171 : i32
    %ne3A_173 = vector.broadcast %sign3A_172 : i32 to vector<256x4xi32>
    %ne3A_174 = arith.cmpi ne, %sign3A_165, %ne3A_173 : vector<256x4xi32>
    %rem3A_175 = vector.broadcast %jit3A_154 : i32 to vector<256x4xi32>
    %rem3A_176 = arith.remsi %iota3A_152, %rem3A_175 : vector<256x4xi32>
    %ne3A_177 = arith.constant 0 : i32
    %ne3A_178 = vector.broadcast %ne3A_177 : i32 to vector<256x4xi32>
    %ne3A_179 = arith.cmpi ne, %rem3A_176, %ne3A_178 : vector<256x4xi32>
    %and3A_180 = arith.andi %ne3A_174, %ne3A_179 : vector<256x4xi1>
    %sub3A_181 = arith.constant 1 : i32
    %sub3A_182 = vector.broadcast %sub3A_181 : i32 to vector<256x4xi32>
    %sub3A_183 = arith.subi %div3A_156, %sub3A_182 : vector<256x4xi32>
    %select_n3A_184 = arith.select %and3A_180, %sub3A_183, %div3A_156 : vector<256x4xi1>, vector<256x4xi32>
    %eq3A_185 = arith.cmpi eq, %select_n3A_184, %iota3A_153 : vector<256x4xi32>
    %jit3A_186 = arith.constant 0.000000e+00 : f32
    %broadcast_in_dim3A_187 = vector.broadcast %jit3A_186 : f32 to vector<256x4xf32>
    %select_n3A_188 = arith.select %eq3A_185, %concatenate3A_151, %broadcast_in_dim3A_187 : vector<256x4xi1>, vector<256x4xf32>
    %dot_general3A_189 = arith.constant dense<0.000000e+00> : vector<1024x4xf32>
    %dot_general3A_190 = tpu.matmul %max3A_146, %select_n3A_188, %dot_general3A_189 {dimension_numbers = #tpu.dot_dimension_numbers<[1], [0], [0], [1], [0, 0, 1, 1], [], []>, transpose_lhs_hint = false} : vector<1024x256xf32>, vector<256x4xf32>, vector<1024x4xf32> -> vector<1024x4xf32>
    %get3A_191 = arith.constant 0 : index
    %get3A_192 = arith.constant 0 : index
    %get3A_193 = vector.load %arg5[%get3A_191, %get3A_192] : memref<1x1xf32, #tpu.memory_space<vmem>>, vector<1x1xf32>
    %add3A_194 = vector.broadcast %get3A_193 : vector<1x1xf32> to vector<1024x4xf32>
    %add3A_195 = arith.addf %dot_general3A_190, %add3A_194 : vector<1024x4xf32>
    %swap3A_196 = arith.constant 0 : index
    %swap3A_197 = arith.constant 0 : index
    %swap3A_198 = vector.load %arg7[%swap3A_196, %swap3A_197] : memref<1024x4xf32, #tpu.memory_space<vmem>>, vector<1024x4xf32>
    tpu.vector_store %arg7[%swap3A_196, %swap3A_197], %add3A_195 {strides = array<i32>} : memref<1024x4xf32, #tpu.memory_space<vmem>>, vector<1024x4xf32>,
    return
  }
}

</mosaic_0001>

<sc_bundles>
// kernel: kernel.4.cloned.1.call-start
scs
__scs_entry_jumppad:
0x0: {  	(pc) =	sbr.rel $0x88, $3  }
0x1: {  	(tag) =	ssettag $0x0;
	lr =	simm.s32 $0x1  }
0x2: {  	[smem:$0x3F99] =	sst lr;
	_ =	strace $0xD0000000  }
0x3: {  	_ = 	snop  }
0x4: {  	_ = 	snop  }
0x5: {  	_ = 	snop  }
0x6: {  	_ = 	snop  }
0x7: {  	_ = 	snop  }
__scs_overlays_trampoline_lowered:
0x8: {  	[smem:$0x3FA8] =	sst s0  }
0x9: {  	[smem:$0x3FA9] =	sst s1  }
0xa: {  	[smem:$0x3FAA] =	sst s2  }
0xb: {  	[smem:$0x3FAB] =	sst s3  }
0xc: {  	[smem:$0x3FAC] =	sst s4  }
0xd: {  	[smem:$0x3FAD] =	sst s5  }
0xe: {  	[smem:$0x3FAE] =	sst s6  }
0xf: {  	[smem:$0x3FAF] =	sst s7  }
0x10: {  	[smem:$0x3FB0] =	sst s8  }
0x11: {  	[smem:$0x3FB1] =	sst s9;
	s0 =	simm.s32 @!p0 $0x0  }
0x12: {  	s1 =	sld [smem:$0x3F97];
	s0 =	simm.s32 @p0 $0x1  }
0x13: {  	[smem:$0x3FB2] =	sst s0;
	s0 =	simm.s32 @!p1 $0x0  }
0x14: {  	s2 =	sld [smem:$0x3F96];
	s0 =	simm.s32 @p1 $0x1  }
0x15: {  	[smem:$0x3FB3] =	sst s0;
	s0 =	simm.s32 @!p2 $0x0  }
0x16: {  	s3 =	sld [smem:$0x3FDB];
	s0 =	simm.s32 @p2 $0x1  }
0x17: {  	s4 =	simm.s32 $0x1BF5;
	[smem:$0x3FB5] =	sst s0  }
0x18: {  	s0 =	sld [smem:$0x3F98];
	_ =	swait.ge [sflag:s4], $0x0  }
0x19: {  	s7 =	sld [smem:$0x3F99]  }
0x1a: {  	s8 =	sadd.s32 $0xFFFFE003, lr  }
0x1b: {  	s9 =	sadd.s32 $0xFFFFFEF7, lr;
	s5 =	simm.s32 $0xFFFFFFFF;
	p2 =	slt.u32 s8, $0xFFFFF086  }
0x1c: {  	p1 =	slt.u32 s9, $0xF7A;
	s5 =	simm.s32 @!p2 $0x0  }
0x1d: {  	s5 =	simm.s32 @p1 $0x1;
	p0 =	seq.s32 s7, s2  }
0x1e: {  	s7 =	smul.u32 @!p0 $0xF7A, s2;
	p2 =	seq.s32 @!p0 s5, $0x0  }
0x1f: {  	s9 =	smul.u32 $0xF7A, s1;
	s8 =	simm.s32 @!p0 $0x1BF5;
	p2 =	por !p2, p0  }
0x20: {  	[sflag:s8] =	ssyncset.s32 @!p0 $0xFFFFF086;
	s6 =	sadd.s32 @!p0 s3, s7;
	s7 =	simm.s32 @!p0 $0x108  }
0x21: {  	s3 =	sadd.s32 s3, s9;
	s6 =	sadd.s32 @!p0 $0x88, s6;
	s7 =	simm.s32 @p2 $0x1082  }
0x22: {  	[simem:s7], [sflag:s8] =	dma.local @!p0 [hbm:s6], $0xF7A  }
0x23: {  	s9 =	sor.u32 $0xD0000000, s2;
	s6 =	simm.s32 $0x108;
	_ =	swait.ge @!p0 [sflag:s8], $0x0  }
0x24: {  	s3 =	sadd.s32 $0x88, s3;
	s6 =	simm.s32 @!p1 $0x1082;
	[sflag:s4] =	ssyncset.s32 $0xFFFFF086  }
0x25: {  	[simem:s6], [sflag:s4] =	dma.local [hbm:s3], $0xF7A  }
0x26: {  	[smem:$0x3F99] =	sst s1;
	(tag) =	ssettag s2;
	_ =	strace s9  }
0x27: {  	s1 =	sld [smem:$0x3FA9]  }
0x28: {  	s2 =	sld [smem:$0x3FAA]  }
0x29: {  	s4 =	sld [smem:$0x3FAC]  }
0x2a: {  	p0 =	seq.s32 s5, $0x0;
	s5 =	sld [smem:$0x3FAD]  }
0x2b: {  	s6 =	sld [smem:$0x3FAE]  }
0x2c: {  	s7 =	sld [smem:$0x3FAF]  }
0x2d: {  	s3 =	simm.s32 $0x108;
	s8 =	sld [smem:$0x3FB0]  }
0x2e: {  	s3 =	simm.s32 @!p0 $0x1082;
	s9 =	sld [smem:$0x3FB1]  }
0x2f: {  	lr =	sadd.s32 s0, s3;
	s0 =	sld [smem:$0x3FA8]  }
0x30: {  	s3 =	sld [smem:$0x3FAB]  }
0x31: {  	[smem:$0x3FB4] =	sst s10  }
0x32: {  	s10 =	sld [smem:$0x3FB2];
	_ =	sdelay $0x3  }
0x33: {  	p0 =	seq.s32 s10, $0x1;
	s10 =	sld [smem:$0x3FB4];
	_ =	sdelay $0x3  }
0x34: {  	[smem:$0x3FB4] =	sst s10  }
0x35: {  	s10 =	sld [smem:$0x3FB3];
	_ =	sdelay $0x3  }
0x36: {  	p1 =	seq.s32 s10, $0x1;
	s10 =	sld [smem:$0x3FB4];
	_ =	sdelay $0x3  }
0x37: {  	[smem:$0x3FB4] =	sst s10  }
0x38: {  	s10 =	sld [smem:$0x3FB5]  }
0x39: {  	_ = 	snop;
	(pc) =	sbr.ind lr, $3  }
0x3a: {  	_ = 	snop  }
0x3b: {  	_ = 	snop  }
0x3c: {  	p2 =	seq.s32 s10, $0x1;
	s10 =	sld [smem:$0x3FB4]  }
0x3d: {  	_ =	shalt  }
0x3e: {  	_ =	shalt  }
0x3f: {  	_ =	shalt  }
0x40: {  	_ =	shalt  }
0x41: {  	_ =	shalt  }
0x42: {  	_ =	shalt  }
0x43: {  	_ =	shalt  }
0x44: {  	_ =	shalt  }
0x45: {  	_ =	shalt  }
0x46: {  	_ =	shalt  }
0x47: {  	_ =	shalt  }
0x48: {  	_ =	shalt  }
0x49: {  	_ =	shalt  }
0x4a: {  	_ =	shalt  }
0x4b: {  	_ =	shalt  }
0x4c: {  	_ =	shalt  }
0x4d: {  	_ =	shalt  }
0x4e: {  	_ =	shalt  }
0x4f: {  	_ =	shalt  }
0x50: {  	_ =	shalt  }
0x51: {  	_ =	shalt  }
0x52: {  	_ =	shalt  }
0x53: {  	_ =	shalt  }
0x54: {  	_ =	shalt  }
0x55: {  	_ =	shalt  }
0x56: {  	_ =	shalt  }
0x57: {  	_ =	shalt  }
0x58: {  	_ =	shalt  }
0x59: {  	_ =	shalt  }
0x5a: {  	_ =	shalt  }
0x5b: {  	_ =	shalt  }
0x5c: {  	_ =	shalt  }
0x5d: {  	_ =	shalt  }
0x5e: {  	_ =	shalt  }
0x5f: {  	_ =	shalt  }
0x60: {  	_ =	shalt  }
0x61: {  	_ =	shalt  }
0x62: {  	_ =	shalt  }
0x63: {  	_ =	shalt  }
0x64: {  	_ =	shalt  }
0x65: {  	_ =	shalt  }
0x66: {  	_ =	shalt  }
0x67: {  	_ =	shalt  }
0x68: {  	_ =	shalt  }
0x69: {  	_ =	shalt  }
0x6a: {  	_ =	shalt  }
0x6b: {  	_ =	shalt  }
0x6c: {  	_ =	shalt  }
0x6d: {  	_ =	shalt  }
0x6e: {  	_ =	shalt  }
0x6f: {  	_ =	shalt  }
0x70: {  	_ =	shalt  }
0x71: {  	_ =	shalt  }
0x72: {  	_ =	shalt  }
0x73: {  	_ =	shalt  }
0x74: {  	_ =	shalt  }
0x75: {  	_ =	shalt  }
0x76: {  	_ =	shalt  }
0x77: {  	_ =	shalt  }
0x78: {  	_ =	shalt  }
0x79: {  	_ =	shalt  }
0x7a: {  	_ =	shalt  }
0x7b: {  	_ =	shalt  }
0x7c: {  	_ =	shalt  }
0x7d: {  	_ =	shalt  }
0x7e: {  	_ =	shalt  }
0x7f: {  	_ =	shalt  }
0x80: {  	_ =	shalt  }
0x81: {  	_ =	shalt  }
0x82: {  	_ =	shalt  }
0x83: {  	_ =	shalt  }
0x84: {  	_ =	shalt  }
0x85: {  	_ =	shalt  }
0x86: {  	_ =	shalt  }
0x87: {  	_ =	shalt  }
.Lfunc_end0:
.L_simem_size_0:
called_computation_lowered:
.L_overlay_start_0:
0x88: {  	s2 =	sld [smem:$0x3FD9]  }
0x89: {  	s3 =	sld [smem:$0x3FFE];
	_ =	sdelay $0x1  }
0x8a: {  	s1 =	srdreg.scid  }
0x8b: {  	s0 =	sand.u32 $0x1, s1  }
0x8c: {  	s17 =	sshll.u32 s0, $0xA;
	s2 =	sadd.s32 s3, s2  }
0x8d: {  	s2 =	sadd.s32 s2, s17  }
0x8e: {  	[smem:$0x3FC0] =	sst s2  }
0x8f: {  	_ = 	snop  }
0x90: {  	s2 =	sld [smem:$0x3FC9]  }
0x91: {  	s18 =	sld [smem:$0x3FC8]  }
0x92: {  	s4 =	sld [smem:$0x3FC7]  }
0x93: {  	s5 =	sld [smem:$0x3FC6];
	(tm) =	ssettm $0x1  }
0x94: {  	s6 =	sld [smem:$0x3FFB];
	_ =	sdelay $0x3  }
0x95: {  	_ =	strace s6  }
0x96: {  	s6 =	sld [smem:$0x3FFC];
	_ =	sdelay $0x3  }
0x97: {  	_ =	strace s6  }
0x98: {  	s6 =	sld [smem:$0x3FFD];
	_ =	sdelay $0x3  }
0x99: {  	_ =	strace s6  }
0x9a: {  	_ =	strace $0x8FFFFFFF  }
0x9b: {  	s19 =	sld [smem:$0x3FDB];
	_ =	sdelay $0x1  }
0x9c: {  	s7 =	simm.s32 $_scs_section_size  }
0x9d: {  	s8 =	simm.s32 $_size__tile_overlayer_lowered;
	s9 =	simm.s32 $_tile_overlayer_lowered  }
0x9e: {  	s22 =	simm.s32 $0x1BFF;
	s21 =	sshll.u32 s9, $0x1;
	s6 =	sadd.s32 s7, s19  }
0x9f: {  	s10 =	simm.s32 $0x0;
	s20 =	sshll.u32 s8, $0x1;
	s8 =	sadd.s32 s21, s6  }
0xa0: {  	[timem:s10], [sflag:s22] =	dma.local [hbm:s8], s20  }
0xa1: {  	_ =	swait.ge [sflag:s22], s20  }
0xa2: {  	s7 =	ssub.s32 $0x0, s20;
	[sflag:s22] =	ssyncset.done $0x0  }
0xa3: {  	[sflag:s22] =	ssyncadd.s32 s7;
	_ =	sdelay $0x1  }
0xa4: {  	s23 =	simm.s32 $0x1B8B  }
0xa5: {  	_ =	swait.ge [sflag:s23], $0x1  }
0xa6: {  	[sflag:s23] =	ssyncset.done $0x0  }
0xa7: {  	s25 =	simm.s32 $0x1B8E;
	s24 =	sld [smem:$0x3FFE];
	[sflag:s23] =	ssyncadd.s32 $0xFFFFFFFF  }
0xa8: {  	s26 =	simm.s32 $execute0_lowered;
	[smem:$0x3FD2] =	sst s25  }
0xa9: {  	s8 =	sshll.u32 s26, $0x1;
	_ =	strace $0x80000046;
	[dreg:$0x1] =	wrdreg $0xFFFFFFFF  }
0xaa: {  	s28 =	simm.s32 $_size_execute0_lowered;
	s6 =	sadd.s32 s6, s8;
	[dreg:$0x0] =	wrdreg $0x0  }
0xab: {  	s8 =	sshll.u32 s28, $0x1;
	[dreg:$0x2] =	wrdreg s6  }
0xac: {  	[dreg:$0x3] =	wrdreg s8  }
0xad: {  	[dreg:$0x4] =	wrdreg $0xC0  }
0xae: {  	_ =	task [dreg:s10], $0x5FFFF  }
0xaf: {  	[dreg:$0x1] =	wrdreg $0xFFFFFFFF  }
0xb0: {  	[dreg:$0x0] =	wrdreg $0x60  }
0xb1: {  	[dreg:$0x2] =	wrdreg s2  }
0xb2: {  	[dreg:$0x3] =	wrdreg s18  }
0xb3: {  	[dreg:$0x4] =	wrdreg s4  }
0xb4: {  	[dreg:$0x5] =	wrdreg s5  }
0xb5: {  	[dreg:$0x6] =	wrdreg s24  }
0xb6: {  	[dreg:$0x7] =	wrdreg $0x9  }
0xb7: {  	_ =	task.clear_ibuf [dreg:s10], $0x8FFFF;
	_ =	strace $0x90000046  }
0xb8: {  	s29 =	simm.s32 $0x9;
	_ =	strace $0x80000048  }
0xb9: {  	_ =	swait.ge [sflag:s29], $0x1  }
0xba: {  	[sflag:s29] =	ssyncadd.s32 $0xFFFFFFFF  }
0xbb: {  	_ =	strace $0x90000048  }
0xbc: {  	_ =	sfence  }
0xbd: {  	s30 =	sld [smem:$0x0];
	_ =	sdelay $0x2  }
0xbe: {  	s31 =	sshll.u32 s1, $0xD;
	s1 =	sshrl.u32 s1, $0x2  }
0xbf: {  	s3 =	sand.u32 $0x4000, s31;
	s1 =	sadd.s32 s1, s30  }
0xc0: {  	s0 =	sor.u32 s3, s0;
	s1 =	sshll.u32 s1, $0x11  }
0xc1: {  	s0 =	sor.u32 s1, s0  }
0xc2: {  	s0 =	sadd.s32 $0x8F2B, s0  }
0xc3: {  	[sflag:s0] =	ssyncadd.remote.s32 $0x1  }
0xc4: {  	_ =	sfence.sel $0xFFFF  }
0xc5: {  	[dreg:$0x0] =	wrdreg $0xFFFFFFFF;
	(pc) =	sbr.abs _section_cstart, $3  }
0xc6: {  	[dreg:$0x1] =	wrdreg $0xFFFFFFFF  }
0xc7: {  	_ =	task.clear_ibuf [dreg:s10], $0x2FFFF;
	_ =	strace $0x9FFFFFFF  }
0xc8: {  	(tm) =	ssettm $0x7FFFFFFF  }
0xc9: {  	_ =	shalt  }
tec
execute0_lowered:
.L_overlay_start_1:
0x0: {  	(tag) =	ssettag $0x1  }
0x1: {  	s0 =	rddreg [dreg:$0x0]  }
0x2: {  	s3 =	srdreg.scid;
	s4 =	stileid.u32  }
0x3: {  	s1 =	rddreg [dreg:$0x1];
	s3 =	sand.u32 $0x1, s3;
	s4 =	sshll.u32 s4, $0x1  }
0x4: {  	s2 =	rddreg [dreg:$0x4];
	s6 =	simm.s32 $0x0;
	s4 =	sor.u32 s3, s4  }
0x5: {  	[smem:$0x7FF] =	sst s6;
	s5 =	sshll.u32 s4, $0x9;
	s4 =	sshll.u32 s4, $0x4  }
0x6: {  	v0 =	vimm.s32 $0x0;
	_ =	strace $0x80000047;
	s3 =	ssub.s32 $0x2, s3;
	s0 =	sadd.s32 s0, s4  }
0x7: {  	vm0 =	vmmov $0x1;
	vm1 =	vmmov $0x3;
	vm2 =	vmmov $0x7;
	s2 =	sadd.s32 s5, s2;
	s28 =	sadd.s32 s1, s4;
	[dreg:$0x6] =	wrdreg s0  }
0x8: {  	vm3 =	vmmov $0xf;
	vm4 =	vmmov $0x1f;
	vm5 =	vmmov $0x3f;
	s26 =	sshrl.u32 s3, $0x1;
	[dreg:$0x7] =	wrdreg s28;
	s29 =	sadd.s32 $0x1400, s2  }
0x9: {  	vm6 =	vmmov $0x7f;
	vm7 =	vmmov $0xff;
	vm8 =	vmmov $0x1ff;
	s3 =	ssub.s32 s3, s26;
	s30 =	sadd.s32 $0x5400, s2;
	[dreg:$0x8] =	wrdreg s29  }
0xa: {  	s16 =	simm.s32 $0x5;
	vm9 =	vmmov $0x3ff;
	vm10 =	vmmov $0x7ff;
	vm11 =	vmmov $0xfff;
	s31 =	smax.u32 s3, $0x1;
	[dreg:$0x9] =	wrdreg s30  }
0xb: {  	vm12 =	vmmov $0x1fff;
	vm13 =	vmmov $0x3fff;
	vm14 =	vmmov $0x7fff;
	s1 =	simm.s32 $0x9;
	s2 =	simm.s32 $0x0;
	[dreg:$0xa] =	wrdreg s31  }
.LBB2_1:
0xc: {  	[dreg:$0xb] =	wrdreg s2  }
0xd: {  	s0 =	rddreg [dreg:$0x6]  }
0xe: {  	[tilespmem:s6], [sflag:$0x9] =	stream.linear.gather [hbm4b:s0+s6], $0x80, $0x38;
	[tilespmem:$0x12200] =	vst v63  }
0xf: {  	_ =	swait.ge [sflag:s1], $0x80  }
0x10: {  	[sflag:s1] =	ssyncset.done $0x0  }
0x11: {  	s5 =	simm.s32 $0x100;
	s4 =	rddreg [dreg:$0x7];
	[sflag:s1] =	ssyncadd.s32 $0xFFFFFF80  }
0x12: {  	[tilespmem:s5], [sflag:$0x9] =	stream.linear.gather [hbm4b:s4+s6], $0x80, $0x38;
	[tilespmem:$0x12200] =	vst v63  }
0x13: {  	_ =	swait.ge [sflag:s1], $0x80  }
0x14: {  	[sflag:s1] =	ssyncset.done $0x0  }
0x15: {  	[sflag:s1] =	ssyncadd.s32 $0xFFFFFF80  }
0x16: {  	v1 =	vld [tilespmem:$0x0];
	_ =	sdelay $0x1  }
0x17: {  	v2 =	vld [tilespmem:$0x100];
	_ =	sdelay $0x2  }
0x18: {  	(v2sf) =	vpush v1, $0x0;
	_ =	sdelay $0x1  }
0x19: {  	(v2sf) =	vpush v2, $0x0;
	_ =	sdelay $0xc  }
0x1a: {  	s3 =	simm.s32 $0x400;
	s6 =	spop (v2sf)  }
0x1b: {  	s7 =	simm.s32 $0x200;
	[tilespmem:$0x80] =	vst v0;
	s1 =	rddreg [dreg:$0x2];
	s0 =	sand.u32 $0xFFFFF80, s6  }
0x1c: {  	s4 =	simm.s32 $0x7A1400;
	[tilespmem:$0x180] =	vst v0;
	s8 =	spop (v2sf);
	s0 =	sadd.s32 s1, s0  }
0x1d: {  	[tilespmem:s7], [sflag:$0x1] =	stream.strided.gather [hbm4b:s0+s3], $0x1000, s4, s3, $0x38;
	[tilespmem:$0x12200] =	vst v63  }
0x1e: {  	s9 =	rddreg [dreg:$0x3];
	s0 =	sand.u32 $0xFFFFF80, s8  }
0x1f: {  	s5 =	simm.s32 $0x8200;
	s0 =	sadd.s32 s9, s0  }
0x20: {  	[tilespmem:s5], [sflag:$0x5] =	stream.strided.gather [hbm4b:s0+s3], $0x1000, s4, s3, $0x38;
	[tilespmem:$0x12200] =	vst v63  }
0x21: {  	v1 =	vld [tilespmem:$0x1];
	_ =	sdelay $0x1  }
0x22: {  	v2 =	vld [tilespmem:$0x101];
	_ =	sdelay $0x2  }
0x23: {  	(v2sf) =	vpush v1, $0x0;
	_ =	sdelay $0x1  }
0x24: {  	(v2sf) =	vpush v2, $0x0;
	_ =	sdelay $0xc  }
0x25: {  	s10 =	spop (v2sf)  }
0x26: {  	s0 =	sand.u32 $0xFFFFF80, s10  }
0x27: {  	s11 =	simm.s32 $0x1200;
	s12 =	spop (v2sf);
	s0 =	sadd.s32 s1, s0  }
0x28: {  	[tilespmem:s11], [sflag:$0x1] =	stream.strided.gather [hbm4b:s0+s3], $0x1000, s4, s3, $0x38;
	[tilespmem:$0x12200] =	vst v63  }
0x29: {  	s0 =	sand.u32 $0xFFFFF80, s12  }
0x2a: {  	s13 =	simm.s32 $0x9200;
	s0 =	sadd.s32 s9, s0  }
0x2b: {  	[tilespmem:s13], [sflag:$0x5] =	stream.strided.gather [hbm4b:s0+s3], $0x1000, s4, s3, $0x38;
	[tilespmem:$0x12200] =	vst v63  }
0x2c: {  	v1 =	vld [tilespmem:$0x2];
	_ =	sdelay $0x1  }
0x2d: {  	v2 =	vld [tilespmem:$0x102];
	_ =	sdelay $0x2  }
0x2e: {  	(v2sf) =	vpush v1, $0x0;
	_ =	sdelay $0x1  }
0x2f: {  	(v2sf) =	vpush v2, $0x0;
	_ =	sdelay $0xc  }
0x30: {  	s14 =	spop (v2sf)  }
0x31: {  	s0 =	sand.u32 $0xFFFFF80, s14  }
0x32: {  	s15 =	simm.s32 $0x2200;
	s17 =	spop (v2sf);
	s0 =	sadd.s32 s1, s0  }
0x33: {  	[tilespmem:s15], [sflag:$0x2] =	stream.strided.gather [hbm4b:s0+s3], $0x1000, s4, s3, $0x38;
	[tilespmem:$0x12200] =	vst v63  }
0x34: {  	s0 =	sand.u32 $0xFFFFF80, s17  }
0x35: {  	s18 =	simm.s32 $0xA200;
	s0 =	sadd.s32 s9, s0  }
0x36: {  	[tilespmem:s18], [sflag:$0x6] =	stream.strided.gather [hbm4b:s0+s3], $0x1000, s4, s3, $0x38;
	[tilespmem:$0x12200] =	vst v63  }
0x37: {  	v1 =	vld [tilespmem:$0x3];
	_ =	sdelay $0x1  }
0x38: {  	v2 =	vld [tilespmem:$0x103];
	_ =	sdelay $0x2  }
0x39: {  	(v2sf) =	vpush v1, $0x0;
	_ =	sdelay $0x1  }
0x3a: {  	(v2sf) =	vpush v2, $0x0;
	_ =	sdelay $0xc  }
0x3b: {  	s19 =	spop (v2sf)  }
0x3c: {  	s0 =	sand.u32 $0xFFFFF80, s19  }
0x3d: {  	s20 =	simm.s32 $0x3200;
	s21 =	spop (v2sf);
	s0 =	sadd.s32 s1, s0  }
0x3e: {  	[tilespmem:s20], [sflag:$0x2] =	stream.strided.gather [hbm4b:s0+s3], $0x1000, s4, s3, $0x38;
	[tilespmem:$0x12200] =	vst v63  }
0x3f: {  	s0 =	sand.u32 $0xFFFFF80, s21  }
0x40: {  	s22 =	simm.s32 $0xB200;
	s0 =	sadd.s32 s9, s0  }
0x41: {  	[tilespmem:s22], [sflag:$0x6] =	stream.strided.gather [hbm4b:s0+s3], $0x1000, s4, s3, $0x38;
	[tilespmem:$0x12200] =	vst v63  }
0x42: {  	v1 =	vld [tilespmem:$0x4];
	_ =	sdelay $0x1  }
0x43: {  	v2 =	vld [tilespmem:$0x104];
	_ =	sdelay $0x2  }
0x44: {  	(v2sf) =	vpush v1, $0x0;
	_ =	sdelay $0x1  }
0x45: {  	(v2sf) =	vpush v2, $0x0;
	_ =	sdelay $0xc  }
0x46: {  	s23 =	spop (v2sf)  }
0x47: {  	s0 =	sand.u32 $0xFFFFF80, s23  }
0x48: {  	s24 =	simm.s32 $0x4200;
	s25 =	spop (v2sf);
	s0 =	sadd.s32 s1, s0  }
0x49: {  	[tilespmem:s24], [sflag:$0x3] =	stream.strided.gather [hbm4b:s0+s3], $0x1000, s4, s3, $0x38;
	[tilespmem:$0x12200] =	vst v63  }
0x4a: {  	s0 =	sand.u32 $0xFFFFF80, s25  }
0x4b: {  	s26 =	simm.s32 $0xC200;
	s0 =	sadd.s32 s9, s0  }
0x4c: {  	[tilespmem:s26], [sflag:$0x7] =	stream.strided.gather [hbm4b:s0+s3], $0x1000, s4, s3, $0x38;
	[tilespmem:$0x12200] =	vst v63  }
0x4d: {  	v1 =	vld [tilespmem:$0x5];
	_ =	sdelay $0x1  }
0x4e: {  	v2 =	vld [tilespmem:$0x105];
	_ =	sdelay $0x2  }
0x4f: {  	(v2sf) =	vpush v1, $0x0;
	_ =	sdelay $0x1  }
0x50: {  	(v2sf) =	vpush v2, $0x0;
	_ =	sdelay $0xc  }
0x51: {  	s28 =	spop (v2sf)  }
0x52: {  	s0 =	sand.u32 $0xFFFFF80, s28  }
0x53: {  	s29 =	simm.s32 $0x5200;
	s30 =	spop (v2sf);
	s0 =	sadd.s32 s1, s0  }
0x54: {  	[tilespmem:s29], [sflag:$0x3] =	stream.strided.gather [hbm4b:s0+s3], $0x1000, s4, s3, $0x38;
	[tilespmem:$0x12200] =	vst v63  }
0x55: {  	s0 =	sand.u32 $0xFFFFF80, s30  }
0x56: {  	s31 =	simm.s32 $0xD200;
	s22 =	simm.s32 $0x0;
	s0 =	sadd.s32 s9, s0  }
0x57: {  	[tilespmem:s31], [sflag:$0x7] =	stream.strided.gather [hbm4b:s0+s3], $0x1000, s4, s3, $0x38;
	[tilespmem:$0x12200] =	vst v63  }
.LBB2_2:
0x58: {  	s6 =	sshll.u32 s22, $0x3  }
0x59: {  	v1 =	vld [tilespmem:s6+$0x6];
	_ =	sdelay $0x1  }
0x5a: {  	v2 =	vld [tilespmem:s6+$0x106];
	_ =	sdelay $0x2  }
0x5b: {  	(v2sf) =	vpush v1, $0x0;
	_ =	sdelay $0x1  }
0x5c: {  	(v2sf) =	vpush v2, $0x0;
	_ =	sdelay $0xc  }
0x5d: {  	s3 =	simm.s32 $0x400;
	s0 =	spop (v2sf)  }
0x5e: {  	s1 =	rddreg [dreg:$0x2];
	s4 =	simm.s32 $0x7A1400;
	s0 =	sand.u32 $0xFFFFF80, s0  }
0x5f: {  	s2 =	simm.s32 $0x6200;
	s24 =	spop (v2sf);
	s0 =	sadd.s32 s1, s0  }
0x60: {  	[tilespmem:s2], [sflag:$0x4] =	stream.strided.gather [hbm4b:s0+s3], $0x1000, s4, s3, $0x38;
	[tilespmem:$0x12200] =	vst v63  }
0x61: {  	s25 =	rddreg [dreg:$0x3];
	s0 =	sand.u32 $0xFFFFF80, s24  }
0x62: {  	s5 =	simm.s32 $0xE200;
	s0 =	sadd.s32 s25, s0  }
0x63: {  	[tilespmem:s5], [sflag:$0x8] =	stream.strided.gather [hbm4b:s0+s3], $0x1000, s4, s3, $0x38;
	[tilespmem:$0x12200] =	vst v63  }
0x64: {  	v1 =	vld [tilespmem:s6+$0x7];
	_ =	sdelay $0x1  }
0x65: {  	v2 =	vld [tilespmem:s6+$0x107];
	_ =	sdelay $0x2  }
0x66: {  	(v2sf) =	vpush v1, $0x0;
	_ =	sdelay $0x1  }
0x67: {  	(v2sf) =	vpush v2, $0x0;
	_ =	sdelay $0xc  }
0x68: {  	s26 =	spop (v2sf)  }
0x69: {  	s0 =	sand.u32 $0xFFFFF80, s26  }
0x6a: {  	s28 =	simm.s32 $0x7200;
	s29 =	spop (v2sf);
	s0 =	sadd.s32 s1, s0  }
0x6b: {  	[tilespmem:s28], [sflag:$0x4] =	stream.strided.gather [hbm4b:s0+s3], $0x1000, s4, s3, $0x38;
	[tilespmem:$0x12200] =	vst v63  }
0x6c: {  	s30 =	simm.s32 $0xF200;
	s0 =	sand.u32 $0xFFFFF80, s29  }
0x6d: {  	s31 =	sor.u32 $0x6, s6;
	[dreg:$0xe] =	wrdreg s6;
	s0 =	sadd.s32 s25, s0  }
0x6e: {  	[tilespmem:s30], [sflag:$0x8] =	stream.strided.gather [hbm4b:s0+s3], $0x1000, s4, s3, $0x38;
	[tilespmem:$0x12200] =	vst v63  }
0x6f: {  	p0 =	por $0x1, $0x1;
	[dreg:$0xd] =	wrdreg s31;
	s0 =	simm.s32 $0x0  }
.LBB2_3:
0x70: {  	s1 =	simm.s32 $0x1  }
0x71: {  	_ =	swait.ge [sflag:s1], $0x1000  }
0x72: {  	[sflag:s1] =	ssyncset.done $0x0  }
0x73: {  	[sflag:s1] =	ssyncadd.s32 $0xFFFFF000  }
0x74: {  	_ =	swait.ge [sflag:s16], $0x1000  }
0x75: {  	[sflag:s16] =	ssyncset.done $0x0  }
0x76: {  	s3 =	sor.u32 s6, s0;
	[sflag:s16] =	ssyncadd.s32 $0xFFFFF000  }
0x77: {  	v1 =	vld [tilespmem:s3+$0x0];
	_ =	sdelay $0x1  }
0x78: {  	v2 =	vld [tilespmem:s3+$0x100];
	_ =	sdelay $0x2  }
0x79: {  	(v2sf) =	vpush v1, $0x0;
	_ =	sdelay $0x1  }
0x7a: {  	(v2sf) =	vpush v2, $0x0;
	_ =	sdelay $0xc  }
0x7b: {  	s18 =	spop (v2sf)  }
0x7c: {  	s4 =	sshll.u32 s0, $0xC;
	s13 =	sand.u32 $0x7F, s18  }
0x7d: {  	s8 =	sor.u32 $0x200, s4;
	s6 =	spop (v2sf);
	s1 =	sadd.s32 $0xFFFFFFFF, s13  }
0x7e: {  	s24 =	sor.u32 s13, s8;
	s7 =	sadd.s32 $0xFFFFFFFE, s13;
	s9 =	sadd.s32 $0xFFFFFFFD, s13  }
0x7f: {  	s30 =	sadd.s32 $0xFFFFFFFC, s13;
	s19 =	sshra.s32 s1, $0x1F;
	s20 =	sshra.s32 s7, $0x1F  }
0x80: {  	s10 =	sshra.s32 s9, $0x1F;
	s25 =	sand.u32 $0x7F, s7;
	s31 =	sand.u32 $0x7F, s9  }
0x81: {  	s2 =	sshra.s32 s30, $0x1F;
	s15 =	sand.u32 $0x7F, s30;
	s5 =	sshll.u32 s19, $0x7  }
0x82: {  	s0 =	sshll.u32 s19, $0x9;
	s21 =	sshll.u32 s20, $0x7;
	s23 =	sshll.u32 s20, $0x9  }
0x83: {  	s26 =	sshll.u32 s10, $0x7;
	s29 =	sshll.u32 s10, $0x9;
	s11 =	sshll.u32 s2, $0x7  }
0x84: {  	s5 =	ssub.s32 s1, s5;
	s0 =	sshra.s32 s0, $0x2;
	s1 =	sand.u32 $0x7F, s1  }
0x85: {  	s28 =	ssub.s32 s9, s26;
	s5 =	sand.u32 $0xFFFFFF80, s5;
	s0 =	sadd.s32 s0, s8  }
0x86: {  	s9 =	sshll.u32 s2, $0x9;
	s12 =	ssub.s32 s30, s11;
	s0 =	sadd.s32 s5, s0  }
0x87: {  	s17 =	sor.u32 s1, s0;
	s0 =	ssub.s32 s7, s21;
	s1 =	sshra.s32 s23, $0x2  }
0x88: {  	s26 =	sadd.s32 $0xFFFFFFF9, s13;
	s0 =	sand.u32 $0xFFFFFF80, s0;
	s1 =	sadd.s32 s1, s8  }
0x89: {  	s2 =	sadd.s32 $0xFFFFFFF8, s13;
	s14 =	sshra.s32 s9, $0x2;
	s0 =	sadd.s32 s0, s1  }
0x8a: {  	s11 =	sshra.s32 s2, $0x1F;
	s1 =	sshra.s32 s29, $0x2;
	s5 =	sor.u32 s25, s0  }
0x8b: {  	s0 =	sand.u32 $0xFFFFFF80, s28;
	s1 =	sadd.s32 s1, s8;
	s28 =	sshra.s32 s26, $0x1F  }
0x8c: {  	s0 =	sadd.s32 s0, s1;
	s1 =	sadd.s32 s14, s8;
	s29 =	sshll.u32 s28, $0x7  }
0x8d: {  	s14 =	sshll.u32 s11, $0x7;
	s7 =	sor.u32 s31, s0;
	s0 =	sand.u32 $0xFFFFFF80, s12  }
0x8e: {  	s12 =	sadd.s32 $0xFFFFFFFB, s13;
	s30 =	ssub.s32 s26, s29;
	s0 =	sadd.s32 s0, s1  }
0x8f: {  	s18 =	sshra.s32 s12, $0x1F;
	s20 =	sand.u32 $0x7F, s12;
	s9 =	sor.u32 s15, s0  }
0x90: {  	s19 =	sshll.u32 s18, $0x7;
	s1 =	sshll.u32 s18, $0x9;
	s18 =	sadd.s32 $0xFFFFFFFA, s13  }
0x91: {  	s15 =	sadd.s32 $0xFFFFFFF7, s13;
	s0 =	ssub.s32 s12, s19;
	s1 =	sshra.s32 s1, $0x2  }
0x92: {  	s19 =	sshra.s32 s18, $0x1F;
	s12 =	sand.u32 $0x7F, s26;
	s0 =	sand.u32 $0xFFFFFF80, s0  }
0x93: {  	s1 =	sadd.s32 s1, s8;
	s21 =	sshll.u32 s19, $0x7;
	s25 =	sshll.u32 s19, $0x9  }
0x94: {  	s0 =	sadd.s32 s0, s1;
	s23 =	ssub.s32 s18, s21;
	s1 =	sshra.s32 s25, $0x2  }
0x95: {  	s18 =	sand.u32 $0x7F, s18;
	s21 =	sshra.s32 s15, $0x1F;
	s10 =	sor.u32 s20, s0  }
0x96: {  	s0 =	sand.u32 $0xFFFFFF80, s23;
	s1 =	sadd.s32 s1, s8;
	s20 =	sshll.u32 s28, $0x9  }
0x97: {  	s23 =	sshll.u32 s21, $0x7;
	s29 =	sshll.u32 s21, $0x9;
	s0 =	sadd.s32 s0, s1  }
0x98: {  	s31 =	sshra.s32 s20, $0x2;
	s26 =	ssub.s32 s15, s23;
	s19 =	sor.u32 s18, s0  }
0x99: {  	s0 =	sand.u32 $0xFFFFFF80, s30;
	s1 =	sadd.s32 s31, s8;
	s18 =	sand.u32 $0x7F, s2  }
0x9a: {  	s30 =	sadd.s32 $0xFFFFFFF6, s13;
	s0 =	sadd.s32 s0, s1;
	s1 =	sshll.u32 s11, $0x9  }
0x9b: {  	s31 =	sshra.s32 s30, $0x1F;
	s25 =	sor.u32 s12, s0;
	s0 =	ssub.s32 s2, s14  }
0x9c: {  	s1 =	sshra.s32 s1, $0x2;
	s12 =	sand.u32 $0x7F, s15;
	s2 =	sshll.u32 s31, $0x7  }
0x9d: {  	s20 =	sshll.u32 s31, $0x9;
	s15 =	sadd.s32 $0xFFFFFFF5, s13;
	s0 =	sand.u32 $0xFFFFFF80, s0  }
0x9e: {  	s1 =	sadd.s32 s1, s8;
	s11 =	ssub.s32 s30, s2;
	s14 =	sshra.s32 s20, $0x2  }
0x9f: {  	s21 =	sshra.s32 s15, $0x1F;
	s20 =	sand.u32 $0x7F, s15;
	s2 =	sadd.s32 $0xFFFFFFF3, s13  }
0xa0: {  	s0 =	sadd.s32 s0, s1;
	s1 =	sshra.s32 s29, $0x2;
	s23 =	sshll.u32 s21, $0x7  }
0xa1: {  	s28 =	sor.u32 s18, s0;
	s0 =	sand.u32 $0xFFFFFF80, s26;
	s1 =	sadd.s32 s1, s8  }
0xa2: {  	s18 =	sand.u32 $0x7F, s30;
	s26 =	sadd.s32 $0xFFFFFFF4, s13;
	s0 =	sadd.s32 s0, s1  }
0xa3: {  	s1 =	sadd.s32 s14, s8;
	s12 =	sor.u32 s12, s0;
	s0 =	sand.u32 $0xFFFFFF80, s11  }
0xa4: {  	s11 =	sshra.s32 s2, $0x1F;
	s0 =	sadd.s32 s0, s1;
	s1 =	sshll.u32 s21, $0x9  }
0xa5: {  	s21 =	sshra.s32 s26, $0x1F;
	s14 =	sshll.u32 s11, $0x7;
	s29 =	sor.u32 s18, s0  }
0xa6: {  	s0 =	ssub.s32 s15, s23;
	s1 =	sshra.s32 s1, $0x2;
	s23 =	sshll.u32 s21, $0x7  }
0xa7: {  	s31 =	sshll.u32 s21, $0x9;
	s18 =	sand.u32 $0x7F, s26;
	s0 =	sand.u32 $0xFFFFFF80, s0  }
0xa8: {  	s1 =	sadd.s32 s1, s8;
	s30 =	ssub.s32 s26, s23;
	s23 =	sshll.u32 s11, $0x9  }
0xa9: {  	s26 =	sadd.s32 $0xFFFFFFF2, s13;
	s13 =	sadd.s32 $0xFFFFFFF1, s13;
	s0 =	sadd.s32 s0, s1  }
0xaa: {  	v1 =	vld [tilespmem:s24+$0x0];
	s23 =	sshra.s32 s23, $0x2;
	s11 =	sshra.s32 s13, $0x1F;
	s1 =	sor.u32 s20, s0  }
0xab: {  	v2 =	vld [tilespmem:s17+$0x80];
	s0 =	sand.u32 $0xFFFFFF80, s30;
	s20 =	sshra.s32 s31, $0x2;
	s23 =	sadd.s32 s23, s8  }
0xac: {  	v3 =	vld [tilespmem:s5+$0x100];
	s30 =	sshra.s32 s26, $0x1F;
	s31 =	sand.u32 $0x7F, s2;
	s20 =	sadd.s32 s20, s8  }
0xad: {  	v4 =	vld [tilespmem:s7+$0x180];
	s15 =	sshll.u32 s30, $0x7;
	s0 =	sadd.s32 s0, s20;
	s20 =	ssub.s32 s2, s14  }
0xae: {  	v5 =	vld [tilespmem:s9+$0x200];
	s30 =	sshll.u32 s30, $0x9;
	s14 =	sshll.u32 s11, $0x7;
	s20 =	sand.u32 $0xFFFFFF80, s20  }
0xaf: {  	v6 =	vld [tilespmem:s10+$0x280];
	s21 =	sor.u32 s18, s0;
	s18 =	sshra.s32 s30, $0x2;
	s30 =	sand.u32 $0x7F, s13  }
0xb0: {  	v1 =	vsel vm0, v1, v2;
	v2 =	vld [tilespmem:s19+$0x300];
	s20 =	sadd.s32 s20, s23;
	s23 =	ssub.s32 s26, s15;
	s18 =	sadd.s32 s18, s8  }
0xb1: {  	v1 =	vsel vm1, v1, v3;
	v3 =	vld [tilespmem:s25+$0x380];
	s15 =	ssub.s32 s13, s14;
	s20 =	sor.u32 s31, s20;
	s0 =	sand.u32 $0xFFFFFF80, s23  }
0xb2: {  	v1 =	vsel vm2, v1, v4;
	v32 =	vld [tilespmem:s28+$0x400];
	s31 =	sand.u32 $0x7F, s26;
	s26 =	sshll.u32 s11, $0x9;
	s23 =	sshll.u32 s3, $0x5  }
0xb3: {  	v1 =	vsel vm3, v1, v5;
	v33 =	vld [tilespmem:s12+$0x480];
	s0 =	sadd.s32 s0, s18;
	s26 =	sshra.s32 s26, $0x2;
	s18 =	sand.u32 $0xFFFFFF80, s15  }
0xb4: {  	v1 =	vsel vm4, v1, v6;
	v34 =	vld [tilespmem:s29+$0x500];
	s26 =	sadd.s32 s26, s8;
	s8 =	sand.u32 $0x7F, s6;
	s31 =	sor.u32 s31, s0  }
0xb5: {  	v1 =	vsel vm5, v1, v2;
	v2 =	vld [tilespmem:s1+$0x580];
	s6 =	sadd.s32 $0x8200, s4;
	s2 =	sadd.s32 s18, s26;
	s11 =	sadd.s32 $0xFFFFFFFF, s8  }
0xb6: {  	v1 =	vsel vm6, v1, v3;
	v3 =	vld [tilespmem:s21+$0x600];
	s26 =	sadd.s32 $0xFFFFFFFE, s8;
	s30 =	sor.u32 s30, s2;
	s14 =	sshra.s32 s11, $0x1F  }
0xb7: {  	v1 =	vsel vm7, v1, v32;
	v35 =	vld [tilespmem:s20+$0x680];
	s2 =	sand.u32 $0x7F, s11;
	s4 =	sand.u32 $0x7F, s26;
	s15 =	sshll.u32 s14, $0x7  }
0xb8: {  	v1 =	vsel vm8, v1, v33;
	v36 =	vld [tilespmem:s31+$0x700];
	s0 =	sshll.u32 s14, $0x9;
	s14 =	sadd.s32 $0xFFFFFFFD, s8;
	s3 =	ssub.s32 s11, s15  }
0xb9: {  	v1 =	vsel vm9, v1, v34;
	v37 =	vld [tilespmem:s30+$0x780];
	s0 =	sshra.s32 s0, $0x2;
	s11 =	sshra.s32 s26, $0x1F;
	s15 =	sshra.s32 s14, $0x1F  }
0xba: {  	v1 =	vsel vm10, v1, v2;
	s3 =	sand.u32 $0xFFFFFF80, s3;
	s0 =	sadd.s32 s0, s6;
	s13 =	sshll.u32 s11, $0x7  }
0xbb: {  	v1 =	vsel vm11, v1, v3;
	s0 =	sadd.s32 s3, s0;
	s3 =	sshll.u32 s11, $0x9;
	s11 =	sshll.u32 s15, $0x9  }
0xbc: {  	v1 =	vsel vm12, v1, v35;
	s18 =	sor.u32 s2, s0;
	s0 =	ssub.s32 s26, s13;
	s3 =	sshra.s32 s3, $0x2  }
0xbd: {  	v1 =	vsel vm13, v1, v36;
	s2 =	sshll.u32 s15, $0x7;
	s0 =	sand.u32 $0xFFFFFF80, s0;
	s3 =	sadd.s32 s3, s6  }
0xbe: {  	s13 =	sand.u32 $0x7F, s14;
	v1 =	vsel vm14, v1, v37;
	s0 =	sadd.s32 s0, s3;
	s3 =	ssub.s32 s14, s2  }
0xbf: {  	s2 =	sadd.s32 $0xFFFFFFFC, s8;
	[tilespmem:s23+$0x10200] =	vst v1;
	s4 =	sor.u32 s4, s0;
	s0 =	sand.u32 $0xFFFFFF80, s3  }
0xc0: {  	s3 =	sshra.s32 s11, $0x2;
	s14 =	sshra.s32 s2, $0x1F;
	v39 =	vld [tilespmem:s9+$0xA00];
	s9 =	sadd.s32 $0xFFFFFFF8, s8  }
0xc1: {  	v44 =	vld [tilespmem:s31+$0xF00];
	s31 =	sadd.s32 $0xFFFFFFF3, s8;
	s3 =	sadd.s32 s3, s6;
	s15 =	sshll.u32 s14, $0x7  }
0xc2: {  	v2 =	vld [tilespmem:s17+$0x880];
	s11 =	sshll.u32 s14, $0x9;
	s17 =	sshra.s32 s9, $0x1F;
	s0 =	sadd.s32 s0, s3  }
0xc3: {  	v40 =	vld [tilespmem:s10+$0xA80];
	s14 =	sshra.s32 s11, $0x2;
	s11 =	sadd.s32 $0xFFFFFFFB, s8;
	s10 =	sshll.u32 s17, $0x9  }
0xc4: {  	s26 =	sor.u32 s13, s0;
	s13 =	ssub.s32 s2, s15;
	s3 =	sadd.s32 s14, s6  }
0xc5: {  	s2 =	sand.u32 $0x7F, s2;
	s15 =	sshra.s32 s11, $0x1F;
	s0 =	sand.u32 $0xFFFFFF80, s13  }
0xc6: {  	s10 =	sshra.s32 s10, $0x2;
	s14 =	sshll.u32 s15, $0x7;
	s0 =	sadd.s32 s0, s3  }
0xc7: {  	s15 =	sshll.u32 s15, $0x9;
	s3 =	sand.u32 $0x7F, s11;
	s13 =	sor.u32 s2, s0  }
0xc8: {  	s0 =	ssub.s32 s11, s14;
	s2 =	sshra.s32 s15, $0x2;
	s14 =	sadd.s32 $0xFFFFFFFA, s8  }
0xc9: {  	v1 =	vld [tilespmem:s24+$0x800];
	s0 =	sand.u32 $0xFFFFFF80, s0;
	s2 =	sadd.s32 s2, s6;
	s15 =	sshra.s32 s14, $0x1F  }
0xca: {  	v3 =	vld [tilespmem:s5+$0x900];
	s5 =	sand.u32 $0x7F, s14;
	s0 =	sadd.s32 s0, s2;
	s11 =	sshll.u32 s15, $0x7  }
0xcb: {  	s15 =	sshll.u32 s15, $0x9;
	s3 =	sor.u32 s3, s0;
	s11 =	ssub.s32 s14, s11  }
0xcc: {  	v38 =	vld [tilespmem:s7+$0x980];
	s2 =	sshra.s32 s15, $0x2;
	s0 =	sand.u32 $0xFFFFFF80, s11;
	s11 =	sadd.s32 $0xFFFFFFF9, s8  }
0xcd: {  	s14 =	sshll.u32 s17, $0x7;
	s2 =	sadd.s32 s2, s6;
	s24 =	sshra.s32 s11, $0x1F  }
0xce: {  	s0 =	sadd.s32 s0, s2;
	s7 =	sshll.u32 s24, $0x7;
	s15 =	sshll.u32 s24, $0x9  }
0xcf: {  	v7 =	vld [tilespmem:s19+$0xB00];
	v1 =	vsel vm0, v1, v2;
	s5 =	sor.u32 s5, s0;
	s2 =	ssub.s32 s11, s7;
	s7 =	sshra.s32 s15, $0x2  }
0xd0: {  	v2 =	vld [tilespmem:s25+$0xB80];
	v1 =	vsel vm1, v1, v3;
	s15 =	sadd.s32 $0xFFFFFFF7, s8;
	s2 =	sand.u32 $0xFFFFFF80, s2;
	s7 =	sadd.s32 s7, s6  }
0xd1: {  	v3 =	vld [tilespmem:s28+$0xC00];
	v1 =	vsel vm2, v1, v38;
	s11 =	sand.u32 $0x7F, s11;
	s17 =	sshra.s32 s15, $0x1F;
	s24 =	sadd.s32 s2, s7  }
0xd2: {  	v41 =	vld [tilespmem:s12+$0xC80];
	v1 =	vsel vm3, v1, v39;
	s7 =	sor.u32 s8, s6;
	s2 =	ssub.s32 s9, s14;
	s9 =	sand.u32 $0x7F, s9  }
0xd3: {  	v42 =	vld [tilespmem:s29+$0xD00];
	v1 =	vsel vm4, v1, v40;
	s19 =	sshll.u32 s17, $0x7;
	s12 =	sshll.u32 s17, $0x9;
	s17 =	sadd.s32 $0xFFFFFFF5, s8  }
0xd4: {  	v43 =	vld [tilespmem:s1+$0xD80];
	v1 =	vsel vm5, v1, v7;
	s0 =	sor.u32 s11, s24;
	s2 =	sand.u32 $0xFFFFFF80, s2;
	s24 =	sadd.s32 s10, s6  }
0xd5: {  	v1 =	vsel vm6, v1, v2;
	v2 =	vld [tilespmem:s21+$0xE00];
	s25 =	ssub.s32 s15, s19;
	s12 =	sshra.s32 s12, $0x2;
	s11 =	sand.u32 $0x7F, s15  }
0xd6: {  	v1 =	vsel vm7, v1, v3;
	v3 =	vld [tilespmem:s20+$0xE80];
	s19 =	sshra.s32 s17, $0x1F;
	s1 =	sadd.s32 s2, s24;
	s28 =	sand.u32 $0xFFFFFF80, s25  }
0xd7: {  	v1 =	vsel vm8, v1, v41;
	s29 =	sadd.s32 s12, s6;
	s12 =	sadd.s32 $0xFFFFFFF6, s8;
	s20 =	sshll.u32 s19, $0x7  }
0xd8: {  	v45 =	vld [tilespmem:s30+$0xF80];
	v1 =	vsel vm9, v1, v42;
	s25 =	sadd.s32 $0xFFFFFFF4, s8;
	s2 =	sadd.s32 s28, s29;
	s9 =	sor.u32 s9, s1  }
0xd9: {  	v1 =	vsel vm10, v1, v43;
	s14 =	sshra.s32 s12, $0x1F;
	s10 =	sand.u32 $0x7F, s12;
	s21 =	ssub.s32 s17, s20  }
0xda: {  	v1 =	vsel vm11, v1, v2;
	s28 =	sshra.s32 s25, $0x1F;
	s1 =	sor.u32 s11, s2;
	s15 =	sshll.u32 s14, $0x7  }
0xdb: {  	v1 =	vsel vm12, v1, v3;
	s2 =	sshll.u32 s14, $0x9;
	s24 =	sand.u32 $0xFFFFFF80, s21;
	s14 =	sshll.u32 s19, $0x9  }
0xdc: {  	v1 =	vsel vm13, v1, v44;
	s29 =	sshll.u32 s28, $0x7;
	s19 =	sadd.s32 $0xFFFFFFF2, s8;
	s8 =	sadd.s32 $0xFFFFFFF1, s8  }
0xdd: {  	v1 =	vsel vm14, v1, v45;
	s11 =	ssub.s32 s12, s15;
	s2 =	sshra.s32 s2, $0x2;
	s12 =	sand.u32 $0x7F, s17  }
0xde: {  	[tilespmem:s23+$0x10210] =	vst v1;
	s14 =	sshra.s32 s14, $0x2;
	s15 =	sshll.u32 s28, $0x9;
	s17 =	ssub.s32 s25, s29  }
0xdf: {  	s21 =	sshra.s32 s19, $0x1F;
	s29 =	sshra.s32 s8, $0x1F;
	s11 =	sand.u32 $0xFFFFFF80, s11;
	v1 =	vld [tilespmem:s7+$0x0]  }
0xe0: {  	s2 =	sadd.s32 s2, s6;
	s14 =	sadd.s32 s14, s6;
	s15 =	sshra.s32 s15, $0x2;
	v2 =	vld [tilespmem:s18+$0x80]  }
0xe1: {  	s30 =	sand.u32 $0xFFFFFF80, s17;
	v3 =	vld [tilespmem:s4+$0x100];
	s28 =	sshll.u32 s21, $0x9;
	s2 =	sadd.s32 s11, s2  }
0xe2: {  	v46 =	vld [tilespmem:s26+$0x180];
	s15 =	sadd.s32 s15, s6;
	s11 =	sand.u32 $0x7F, s25;
	s10 =	sor.u32 s10, s2  }
0xe3: {  	v47 =	vld [tilespmem:s13+$0x200];
	s2 =	sadd.s32 s24, s14;
	s14 =	sadd.s32 s30, s15;
	s24 =	sshll.u32 s21, $0x7  }
0xe4: {  	v48 =	vld [tilespmem:s3+$0x280];
	s17 =	sor.u32 s12, s2;
	s12 =	sor.u32 s11, s14;
	s11 =	sshra.s32 s31, $0x1F  }
0xe5: {  	s15 =	sand.u32 $0x7F, s31;
	s14 =	sshll.u32 s11, $0x7;
	s2 =	sshll.u32 s11, $0x9;
	v1 =	vsel vm0, v1, v2;
	v2 =	vld [tilespmem:s5+$0x300]  }
0xe6: {  	s30 =	sshll.u32 s29, $0x7;
	s11 =	ssub.s32 s31, s14;
	s2 =	sshra.s32 s2, $0x2;
	v1 =	vsel vm1, v1, v3;
	v3 =	vld [tilespmem:s0+$0x380]  }
0xe7: {  	v49 =	vld [tilespmem:s9+$0x400];
	s25 =	ssub.s32 s19, s24;
	s11 =	sand.u32 $0xFFFFFF80, s11;
	s2 =	sadd.s32 s2, s6;
	v1 =	vsel vm2, v1, v46  }
0xe8: {  	v50 =	vld [tilespmem:s1+$0x480];
	s20 =	ssub.s32 s8, s30;
	s14 =	sand.u32 $0x7F, s19;
	s2 =	sadd.s32 s11, s2;
	v1 =	vsel vm3, v1, v47  }
0xe9: {  	v51 =	vld [tilespmem:s10+$0x500];
	s19 =	sshll.u32 s29, $0x9;
	s2 =	sor.u32 s15, s2;
	s15 =	sshra.s32 s28, $0x2;
	v1 =	vsel vm4, v1, v48  }
0xea: {  	s19 =	sshra.s32 s19, $0x2;
	s11 =	sand.u32 $0xFFFFFF80, s25;
	s15 =	sadd.s32 s15, s6;
	v1 =	vsel vm5, v1, v2;
	v2 =	vld [tilespmem:s17+$0x580]  }
0xeb: {  	s31 =	sand.u32 $0xFFFFFF80, s20;
	s6 =	sadd.s32 s19, s6;
	s11 =	sadd.s32 s11, s15;
	v1 =	vsel vm6, v1, v3;
	v3 =	vld [tilespmem:s12+$0x600]  }
0xec: {  	s8 =	sand.u32 $0x7F, s8;
	v52 =	vld [tilespmem:s2+$0x680];
	s6 =	sadd.s32 s31, s6;
	s11 =	sor.u32 s14, s11;
	v1 =	vsel vm7, v1, v49  }
0xed: {  	s6 =	sor.u32 s8, s6;
	v53 =	vld [tilespmem:s11+$0x700];
	v1 =	vsel vm8, v1, v50  }
0xee: {  	v54 =	vld [tilespmem:s6+$0x780];
	v1 =	vsel vm9, v1, v51  }
0xef: {  	v1 =	vsel vm10, v1, v2  }
0xf0: {  	v1 =	vsel vm11, v1, v3  }
0xf1: {  	v1 =	vsel vm12, v1, v52  }
0xf2: {  	v1 =	vsel vm13, v1, v53  }
0xf3: {  	v1 =	vsel vm14, v1, v54  }
0xf4: {  	[tilespmem:s23+$0x11200] =	vst v1  }
0xf5: {  	v1 =	vld [tilespmem:s7+$0x800]  }
0xf6: {  	v2 =	vld [tilespmem:s18+$0x880]  }
0xf7: {  	v3 =	vld [tilespmem:s4+$0x900]  }
0xf8: {  	v55 =	vld [tilespmem:s26+$0x980]  }
0xf9: {  	v56 =	vld [tilespmem:s13+$0xA00]  }
0xfa: {  	v57 =	vld [tilespmem:s3+$0xA80]  }
0xfb: {  	v1 =	vsel vm0, v1, v2;
	v2 =	vld [tilespmem:s5+$0xB00]  }
0xfc: {  	v1 =	vsel vm1, v1, v3;
	v3 =	vld [tilespmem:s0+$0xB80]  }
0xfd: {  	v58 =	vld [tilespmem:s9+$0xC00];
	v1 =	vsel vm2, v1, v55  }
0xfe: {  	v59 =	vld [tilespmem:s1+$0xC80];
	v1 =	vsel vm3, v1, v56  }
0xff: {  	v60 =	vld [tilespmem:s10+$0xD00];
	v1 =	vsel vm4, v1, v57  }
0x100: {  	v1 =	vsel vm5, v1, v2;
	v2 =	vld [tilespmem:s17+$0xD80]  }
0x101: {  	v1 =	vsel vm6, v1, v3;
	v3 =	vld [tilespmem:s12+$0xE00]  }
0x102: {  	v61 =	vld [tilespmem:s2+$0xE80];
	v1 =	vsel vm7, v1, v58  }
0x103: {  	v62 =	vld [tilespmem:s11+$0xF00];
	v1 =	vsel vm8, v1, v59  }
0x104: {  	v63 =	vld [tilespmem:s6+$0xF80];
	v1 =	vsel vm9, v1, v60  }
0x105: {  	p1 =	por p0, p0;
	v1 =	vsel vm10, v1, v2  }
.Ltmp0:
0x106: {  	v1 =	vsel vm11, v1, v3;
	(pc) =	sbr.rel @p1 .LBB2_3-.Ltmp0, $4  }
0x107: {  	v1 =	vsel vm12, v1, v61  }
0x108: {  	v1 =	vsel vm13, v1, v62  }
0x109: {  	v1 =	vsel vm14, v1, v63  }
0x10a: {  	p0 =	por $0x0, $0x0;
	s6 =	rddreg [dreg:$0xe];
	s0 =	simm.s32 $0x1;
	[tilespmem:s23+$0x11210] =	vst v1  }
0x10b: {  	p0 =	seq.s32 s22, $0xF  }
0x10c: {  	v1 =	vld @!p0 [tilespmem:s6+$0x8];
	_ =	sdelay $0x4  }
0x10d: {  	(v2sf) =	vpush @!p0 v1, $0x0;
	v1 =	vld @!p0 [tilespmem:s6+$0x108];
	_ =	sdelay $0x4  }
0x10e: {  	(v2sf) =	vpush @!p0 v1, $0x0;
	_ =	sdelay $0xa  }
0x10f: {  	s0 =	spop @!p0 (v2sf)  }
0x110: {  	s4 =	rddreg [dreg:$0x2];
	s1 =	simm.s32 @!p0 $0x400;
	s0 =	sand.u32 @!p0 $0xFFFFF80, s0  }
0x111: {  	s2 =	simm.s32 @!p0 $0x7A1400;
	s3 =	simm.s32 @!p0 $0x200;
	s0 =	sadd.s32 @!p0 s4, s0  }
0x112: {  	[tilespmem:s3], [sflag:$0x1] =	stream.strided.gather @!p0 [hbm4b:s0+s1], $0x1000, s2, s1, $0x38;
	[tilespmem:$0x12200] =	vst v63  }
0x113: {  	s0 =	spop @!p0 (v2sf)  }
0x114: {  	s5 =	rddreg [dreg:$0x3];
	s0 =	sand.u32 @!p0 $0xFFFFF80, s0  }
0x115: {  	s3 =	simm.s32 @!p0 $0x8200;
	s0 =	sadd.s32 @!p0 s5, s0  }
0x116: {  	[tilespmem:s3], [sflag:$0x5] =	stream.strided.gather @!p0 [hbm4b:s0+s1], $0x1000, s2, s1, $0x38;
	[tilespmem:$0x12200] =	vst v63  }
0x117: {  	v1 =	vld @!p0 [tilespmem:s6+$0x9];
	_ =	sdelay $0x3  }
0x118: {  	v2 =	vld @!p0 [tilespmem:s6+$0x109]  }
0x119: {  	(v2sf) =	vpush @!p0 v1, $0x0;
	_ =	sdelay $0x3  }
0x11a: {  	(v2sf) =	vpush @!p0 v2, $0x0;
	_ =	sdelay $0xa  }
0x11b: {  	s0 =	spop @!p0 (v2sf)  }
0x11c: {  	s0 =	sand.u32 @!p0 $0xFFFFF80, s0  }
0x11d: {  	s3 =	simm.s32 @!p0 $0x1200;
	s0 =	sadd.s32 @!p0 s4, s0  }
0x11e: {  	[tilespmem:s3], [sflag:$0x1] =	stream.strided.gather @!p0 [hbm4b:s0+s1], $0x1000, s2, s1, $0x38;
	[tilespmem:$0x12200] =	vst v63  }
0x11f: {  	s0 =	spop @!p0 (v2sf)  }
0x120: {  	[dreg:$0xc] =	wrdreg s22;
	s31 =	sor.u32 $0x2, s6;
	s0 =	sand.u32 @!p0 $0xFFFFF80, s0  }
0x121: {  	p1 =	por $0x1, $0x1;
	s3 =	simm.s32 @!p0 $0x9200;
	s0 =	sadd.s32 @!p0 s5, s0  }
0x122: {  	[tilespmem:s3], [sflag:$0x5] =	stream.strided.gather @!p0 [hbm4b:s0+s1], $0x1000, s2, s1, $0x38;
	[tilespmem:$0x12200] =	vst v63  }
0x123: {  	s23 =	simm.s32 $0x6;
	[dreg:$0xf] =	wrdreg s31;
	s0 =	simm.s32 $0x0  }
.LBB2_5:
0x124: {  	s1 =	simm.s32 $0x2  }
0x125: {  	_ =	swait.ge [sflag:s1], $0x1000  }
0x126: {  	[sflag:s1] =	ssyncset.done $0x0  }
0x127: {  	[sflag:s1] =	ssyncadd.s32 $0xFFFFF000  }
0x128: {  	_ =	swait.ge [sflag:s23], $0x1000  }
0x129: {  	[sflag:s23] =	ssyncset.done $0x0;
	s10 =	rddreg [dreg:$0xf]  }
0x12a: {  	[sflag:s23] =	ssyncadd.s32 $0xFFFFF000;
	s17 =	sor.u32 s10, s0  }
0x12b: {  	v1 =	vld [tilespmem:s17+$0x0];
	_ =	sdelay $0x1  }
0x12c: {  	v2 =	vld [tilespmem:s17+$0x100];
	_ =	sdelay $0x2  }
0x12d: {  	(v2sf) =	vpush v1, $0x0;
	_ =	sdelay $0x1  }
0x12e: {  	(v2sf) =	vpush v2, $0x0;
	_ =	sdelay $0xc  }
0x12f: {  	s24 =	sshll.u32 s0, $0xC;
	s11 =	spop (v2sf)  }
0x130: {  	s7 =	sor.u32 $0x2200, s24;
	s18 =	sand.u32 $0x7F, s11  }
0x131: {  	s17 =	sshll.u32 s17, $0x5;
	s9 =	spop (v2sf);
	s12 =	sadd.s32 $0xFFFFFFFF, s18  }
0x132: {  	s10 =	sor.u32 s18, s7;
	s3 =	sadd.s32 $0xFFFFFFFE, s18;
	s19 =	sadd.s32 $0xFFFFFFFD, s18  }
0x133: {  	s26 =	sadd.s32 $0xFFFFFFFC, s18;
	s30 =	sadd.s32 $0xFFFFFFFB, s18;
	s13 =	sshra.s32 s12, $0x1F  }
0x134: {  	s4 =	sshra.s32 s3, $0x1F;
	s0 =	sand.u32 $0x7F, s12;
	s20 =	sshra.s32 s19, $0x1F  }
0x135: {  	s28 =	sshra.s32 s26, $0x1F;
	s11 =	sshra.s32 s30, $0x1F;
	s2 =	sshll.u32 s13, $0x7  }
0x136: {  	s1 =	sshll.u32 s13, $0x9;
	s14 =	sshll.u32 s4, $0x7;
	s16 =	sshll.u32 s4, $0x9  }
0x137: {  	s21 =	sshll.u32 s20, $0x7;
	s4 =	sshll.u32 s20, $0x9;
	s29 =	sshll.u32 s28, $0x7  }
0x138: {  	s31 =	sshll.u32 s11, $0x7;
	s13 =	sshll.u32 s11, $0x9;
	s2 =	ssub.s32 s12, s2  }
0x139: {  	s1 =	sshra.s32 s1, $0x2;
	s15 =	ssub.s32 s3, s14;
	s3 =	sand.u32 $0x7F, s3  }
0x13a: {  	s22 =	ssub.s32 s19, s21;
	s2 =	sand.u32 $0xFFFFFF80, s2;
	s1 =	sadd.s32 s1, s7  }
0x13b: {  	s25 =	sshra.s32 s4, $0x2;
	s12 =	ssub.s32 s30, s31;
	s1 =	sadd.s32 s2, s1  }
0x13c: {  	s14 =	sadd.s32 $0xFFFFFFFA, s18;
	s2 =	sand.u32 $0x7F, s19;
	s5 =	sor.u32 s0, s1  }
0x13d: {  	s0 =	sand.u32 $0xFFFFFF80, s15;
	s1 =	sshra.s32 s16, $0x2;
	s15 =	sshra.s32 s14, $0x1F  }
0x13e: {  	s1 =	sadd.s32 s1, s7;
	s16 =	sshll.u32 s15, $0x7;
	s11 =	sshll.u32 s15, $0x9  }
0x13f: {  	s0 =	sadd.s32 s0, s1;
	s1 =	sadd.s32 s25, s7;
	s20 =	ssub.s32 s14, s16  }
0x140: {  	s21 =	sshra.s32 s11, $0x2;
	s6 =	sor.u32 s3, s0;
	s0 =	sand.u32 $0xFFFFFF80, s22  }
0x141: {  	s3 =	sand.u32 $0x7F, s26;
	s22 =	sadd.s32 $0xFFFFFFF9, s18;
	s0 =	sadd.s32 s0, s1  }
0x142: {  	s1 =	sshll.u32 s28, $0x9;
	s25 =	sshra.s32 s22, $0x1F;
	s8 =	sor.u32 s2, s0  }
0x143: {  	s0 =	ssub.s32 s26, s29;
	s1 =	sshra.s32 s1, $0x2;
	s2 =	sand.u32 $0x7F, s30  }
0x144: {  	s29 =	sadd.s32 $0xFFFFFFF8, s18;
	s0 =	sand.u32 $0xFFFFFF80, s0;
	s1 =	sadd.s32 s1, s7  }
0x145: {  	s28 =	sshll.u32 s25, $0x7;
	s30 =	sshra.s32 s29, $0x1F;
	s0 =	sadd.s32 s0, s1  }
0x146: {  	s1 =	sshra.s32 s13, $0x2;
	s31 =	sshll.u32 s30, $0x7;
	s13 =	sadd.s32 $0xFFFFFFF7, s18  }
0x147: {  	s4 =	sor.u32 s3, s0;
	s0 =	sand.u32 $0xFFFFFF80, s12;
	s1 =	sadd.s32 s1, s7  }
0x148: {  	s3 =	sand.u32 $0x7F, s14;
	s12 =	sshll.u32 s30, $0x9;
	s14 =	sshra.s32 s13, $0x1F  }
0x149: {  	s0 =	sadd.s32 s0, s1;
	s1 =	sadd.s32 s21, s7;
	s15 =	sshll.u32 s14, $0x7  }
0x14a: {  	s11 =	sshll.u32 s14, $0x9;
	s21 =	sadd.s32 $0xFFFFFFF6, s18;
	s19 =	sor.u32 s2, s0  }
0x14b: {  	s0 =	sand.u32 $0xFFFFFF80, s20;
	s2 =	sand.u32 $0x7F, s22;
	s16 =	ssub.s32 s13, s15  }
0x14c: {  	s20 =	sshra.s32 s11, $0x2;
	s0 =	sadd.s32 s0, s1;
	s1 =	sshll.u32 s25, $0x9  }
0x14d: {  	s26 =	sor.u32 s3, s0;
	s0 =	ssub.s32 s22, s28;
	s1 =	sshra.s32 s1, $0x2  }
0x14e: {  	s22 =	sshra.s32 s21, $0x1F;
	s0 =	sand.u32 $0xFFFFFF80, s0;
	s1 =	sadd.s32 s1, s7  }
0x14f: {  	s3 =	sand.u32 $0x7F, s29;
	s25 =	sshll.u32 s22, $0x7;
	s0 =	sadd.s32 s0, s1  }
0x150: {  	s1 =	sshra.s32 s12, $0x2;
	s28 =	sor.u32 s2, s0;
	s2 =	ssub.s32 s29, s31  }
0x151: {  	s1 =	sadd.s32 s1, s7;
	s31 =	sadd.s32 $0xFFFFFFF5, s18;
	s0 =	sand.u32 $0xFFFFFF80, s2  }
0x152: {  	s2 =	sand.u32 $0x7F, s13;
	s13 =	sshra.s32 s31, $0x1F;
	s0 =	sadd.s32 s0, s1  }
0x153: {  	s1 =	sadd.s32 s20, s7;
	s12 =	sshll.u32 s13, $0x7;
	s15 =	sshll.u32 s13, $0x9  }
0x154: {  	s29 =	sor.u32 s3, s0;
	s0 =	sand.u32 $0xFFFFFF80, s16;
	s3 =	sand.u32 $0x7F, s21  }
0x155: {  	s14 =	ssub.s32 s31, s12;
	s16 =	sadd.s32 $0xFFFFFFF4, s18;
	s0 =	sadd.s32 s0, s1  }
0x156: {  	s1 =	sshll.u32 s22, $0x9;
	s20 =	sshra.s32 s16, $0x1F;
	s11 =	sand.u32 $0x7F, s16  }
0x157: {  	s30 =	sor.u32 s2, s0;
	s0 =	ssub.s32 s21, s25;
	s1 =	sshra.s32 s1, $0x2  }
0x158: {  	s2 =	sand.u32 $0x7F, s31;
	s13 =	sshll.u32 s20, $0x7;
	s12 =	sshll.u32 s20, $0x9  }
0x159: {  	s25 =	sadd.s32 $0xFFFFFFF3, s18;
	s0 =	sand.u32 $0xFFFFFF80, s0;
	s1 =	sadd.s32 s1, s7  }
0x15a: {  	s21 =	ssub.s32 s16, s13;
	s22 =	sshra.s32 s12, $0x2;
	s0 =	sadd.s32 s0, s1  }
0x15b: {  	s31 =	sshra.s32 s25, $0x1F;
	s1 =	sor.u32 s3, s0;
	s3 =	sshra.s32 s15, $0x2  }
0x15c: {  	s0 =	sand.u32 $0xFFFFFF80, s14;
	s14 =	sadd.s32 $0xFFFFFFF2, s18;
	s3 =	sadd.s32 s3, s7  }
0x15d: {  	s12 =	sand.u32 $0x7F, s25;
	s15 =	sshra.s32 s14, $0x1F;
	s0 =	sadd.s32 s0, s3  }
0x15e: {  	s13 =	sshll.u32 s31, $0x7;
	s16 =	sshll.u32 s15, $0x7;
	s3 =	sor.u32 s2, s0  }
0x15f: {  	s0 =	sand.u32 $0xFFFFFF80, s21;
	s2 =	sadd.s32 s22, s7;
	s22 =	ssub.s32 s14, s16  }
0x160: {  	s0 =	sadd.s32 s0, s2;
	s2 =	sshll.u32 s31, $0x9;
	s31 =	sadd.s32 $0xFFFFFFF1, s18  }
0x161: {  	v1 =	vld [tilespmem:s10+$0x0];
	s18 =	sor.u32 s18, s24;
	s20 =	sor.u32 s11, s0;
	s0 =	ssub.s32 s25, s13  }
0x162: {  	v2 =	vld [tilespmem:s5+$0x80];
	s2 =	sshra.s32 s2, $0x2;
	s25 =	sshll.u32 s15, $0x9;
	s11 =	sand.u32 $0x7F, s14  }
0x163: {  	v3 =	vld [tilespmem:s6+$0x100];
	s14 =	sshra.s32 s31, $0x1F;
	s16 =	sand.u32 $0x7F, s31;
	s0 =	sand.u32 $0xFFFFFF80, s0  }
0x164: {  	v4 =	vld [tilespmem:s8+$0x180];
	s2 =	sadd.s32 s2, s7;
	s15 =	sshll.u32 s14, $0x7;
	s13 =	sshll.u32 s14, $0x9  }
0x165: {  	v5 =	vld [tilespmem:s4+$0x200];
	s0 =	sadd.s32 s0, s2;
	s2 =	sshra.s32 s25, $0x2;
	s13 =	sshra.s32 s13, $0x2  }
0x166: {  	v6 =	vld [tilespmem:s19+$0x280];
	s25 =	sand.u32 $0x7F, s9;
	s21 =	sor.u32 s12, s0;
	s0 =	sand.u32 $0xFFFFFF80, s22  }
0x167: {  	v1 =	vsel vm0, v1, v2;
	v2 =	vld [tilespmem:s26+$0x300];
	s2 =	sadd.s32 s2, s7;
	s7 =	sadd.s32 s13, s7;
	s9 =	sadd.s32 $0xFFFFFFFF, s25  }
0x168: {  	v1 =	vsel vm1, v1, v3;
	v3 =	vld [tilespmem:s28+$0x380];
	s0 =	sadd.s32 s0, s2;
	s2 =	ssub.s32 s31, s15;
	s22 =	sshra.s32 s9, $0x1F  }
0x169: {  	v1 =	vsel vm2, v1, v4;
	v32 =	vld [tilespmem:s29+$0x400];
	s15 =	sadd.s32 $0xFFFFFFFE, s25;
	s2 =	sand.u32 $0xFFFFFF80, s2;
	s0 =	sor.u32 s11, s0  }
0x16a: {  	v1 =	vsel vm3, v1, v5;
	v33 =	vld [tilespmem:s30+$0x480];
	s13 =	sshll.u32 s22, $0x7;
	s14 =	sshll.u32 s22, $0x9;
	s11 =	sand.u32 $0x7F, s15  }
0x16b: {  	v1 =	vsel vm4, v1, v6;
	v34 =	vld [tilespmem:s1+$0x500];
	s2 =	sadd.s32 s2, s7;
	s7 =	sadd.s32 $0xA200, s24;
	s10 =	sshra.s32 s14, $0x2  }
0x16c: {  	v1 =	vsel vm5, v1, v2;
	v2 =	vld [tilespmem:s3+$0x580];
	s31 =	sor.u32 s16, s2;
	s2 =	ssub.s32 s9, s13;
	s9 =	sand.u32 $0x7F, s9  }
0x16d: {  	v1 =	vsel vm6, v1, v3;
	v3 =	vld [tilespmem:s20+$0x600];
	s10 =	sadd.s32 s10, s7;
	s16 =	sshra.s32 s15, $0x1F;
	s13 =	sadd.s32 $0xFFFFFFFD, s25  }
0x16e: {  	v1 =	vsel vm7, v1, v32;
	v35 =	vld [tilespmem:s21+$0x680];
	s2 =	sand.u32 $0xFFFFFF80, s2;
	s22 =	sshll.u32 s16, $0x7;
	s12 =	sshll.u32 s16, $0x9  }
0x16f: {  	v1 =	vsel vm8, v1, v33;
	v36 =	vld [tilespmem:s0+$0x700];
	s14 =	sshra.s32 s13, $0x1F;
	s2 =	sadd.s32 s2, s10;
	s10 =	ssub.s32 s15, s22  }
0x170: {  	v1 =	vsel vm9, v1, v34;
	v37 =	vld [tilespmem:s31+$0x780];
	s12 =	sshra.s32 s12, $0x2;
	s16 =	sshll.u32 s14, $0x7;
	s15 =	sadd.s32 $0xFFFFFFFC, s25  }
0x171: {  	v1 =	vsel vm10, v1, v2;
	s10 =	sand.u32 $0xFFFFFF80, s10;
	s12 =	sadd.s32 s12, s7;
	s9 =	sor.u32 s9, s2  }
0x172: {  	v1 =	vsel vm11, v1, v3;
	s22 =	ssub.s32 s13, s16;
	s16 =	sshll.u32 s14, $0x9;
	s12 =	sadd.s32 s10, s12  }
0x173: {  	v1 =	vsel vm12, v1, v35;
	s13 =	sand.u32 $0x7F, s13;
	s10 =	sor.u32 s11, s12;
	s12 =	sshra.s32 s15, $0x1F  }
0x174: {  	s2 =	sand.u32 $0xFFFFFF80, s22;
	v1 =	vsel vm13, v1, v36;
	s22 =	sshll.u32 s12, $0x7;
	s11 =	sshll.u32 s12, $0x9  }
0x175: {  	s12 =	sshra.s32 s16, $0x2;
	s16 =	sand.u32 $0x7F, s15;
	v1 =	vsel vm14, v1, v37;
	s14 =	ssub.s32 s15, s22  }
0x176: {  	s11 =	sshra.s32 s11, $0x2;
	s12 =	sadd.s32 s12, s7;
	[tilespmem:s17+$0x10200] =	vst v1;
	s14 =	sand.u32 $0xFFFFFF80, s14  }
0x177: {  	s11 =	sadd.s32 s11, s7;
	s2 =	sadd.s32 s2, s12;
	v38 =	vld [tilespmem:s8+$0x980];
	s8 =	sor.u32 s25, s7  }
0x178: {  	v40 =	vld [tilespmem:s19+$0xA80];
	s19 =	sadd.s32 $0xFFFFFFF7, s25;
	s11 =	sadd.s32 s14, s11;
	s14 =	sadd.s32 $0xFFFFFFFB, s25  }
0x179: {  	v41 =	vld [tilespmem:s30+$0xC80];
	s30 =	sadd.s32 $0xFFFFFFF6, s25;
	s12 =	sor.u32 s13, s2;
	s22 =	sshra.s32 s14, $0x1F  }
0x17a: {  	s13 =	sor.u32 s16, s11;
	s11 =	sadd.s32 $0xFFFFFFFA, s25;
	s16 =	sshll.u32 s22, $0x7  }
0x17b: {  	v1 =	vld [tilespmem:s18+$0x2A00];
	s18 =	sand.u32 $0x7F, s14;
	s15 =	sshll.u32 s22, $0x9;
	s2 =	ssub.s32 s14, s16  }
0x17c: {  	s16 =	sshra.s32 s11, $0x1F;
	s15 =	sshra.s32 s15, $0x2;
	s2 =	sand.u32 $0xFFFFFF80, s2  }
0x17d: {  	s22 =	sshll.u32 s16, $0x7;
	s16 =	sshll.u32 s16, $0x9;
	s15 =	sadd.s32 s15, s7  }
0x17e: {  	v2 =	vld [tilespmem:s5+$0x880];
	s22 =	ssub.s32 s11, s22;
	s16 =	sshra.s32 s16, $0x2;
	s2 =	sadd.s32 s2, s15  }
0x17f: {  	v3 =	vld [tilespmem:s6+$0x900];
	s15 =	sadd.s32 $0xFFFFFFF9, s25;
	s22 =	sand.u32 $0xFFFFFF80, s22;
	s16 =	sadd.s32 s16, s7  }
0x180: {  	s11 =	sand.u32 $0x7F, s11;
	s16 =	sadd.s32 s22, s16;
	s22 =	sshra.s32 s15, $0x1F  }
0x181: {  	v39 =	vld [tilespmem:s4+$0xA00];
	s6 =	sor.u32 s18, s2;
	s5 =	sor.u32 s11, s16;
	s16 =	sshll.u32 s22, $0x7  }
0x182: {  	s18 =	sshll.u32 s22, $0x9;
	s11 =	sadd.s32 $0xFFFFFFF8, s25;
	s22 =	sand.u32 $0x7F, s15  }
0x183: {  	v1 =	vsel vm0, v1, v2;
	v2 =	vld [tilespmem:s26+$0xB00];
	s2 =	ssub.s32 s15, s16;
	s4 =	sshra.s32 s18, $0x2;
	s26 =	sshra.s32 s11, $0x1F  }
0x184: {  	v7 =	vld [tilespmem:s28+$0xB80];
	v1 =	vsel vm1, v1, v3;
	s2 =	sand.u32 $0xFFFFFF80, s2;
	s4 =	sadd.s32 s4, s7;
	s28 =	sshll.u32 s26, $0x7  }
0x185: {  	v3 =	vld [tilespmem:s29+$0xC00];
	v1 =	vsel vm2, v1, v38;
	s15 =	sshll.u32 s26, $0x9;
	s26 =	sshra.s32 s19, $0x1F;
	s2 =	sadd.s32 s2, s4  }
0x186: {  	v1 =	vsel vm3, v1, v39;
	s16 =	ssub.s32 s11, s28;
	s18 =	sshra.s32 s15, $0x2;
	s28 =	sshll.u32 s26, $0x7  }
0x187: {  	v42 =	vld [tilespmem:s1+$0xD00];
	v1 =	vsel vm4, v1, v40;
	s29 =	sshll.u32 s26, $0x9;
	s4 =	sor.u32 s22, s2;
	s2 =	sand.u32 $0xFFFFFF80, s16  }
0x188: {  	v1 =	vsel vm5, v1, v2;
	v2 =	vld [tilespmem:s3+$0xD80];
	s14 =	sadd.s32 s18, s7;
	s22 =	sand.u32 $0x7F, s11;
	s3 =	sshra.s32 s29, $0x2  }
0x189: {  	v43 =	vld [tilespmem:s20+$0xE00];
	v1 =	vsel vm6, v1, v7;
	s16 =	sshra.s32 s30, $0x1F;
	s18 =	sand.u32 $0x7F, s19;
	s11 =	sand.u32 $0x7F, s30  }
0x18a: {  	v1 =	vsel vm7, v1, v3;
	v3 =	vld [tilespmem:s21+$0xE80];
	s29 =	sadd.s32 $0xFFFFFFF4, s25;
	s2 =	sadd.s32 s2, s14;
	s3 =	sadd.s32 s3, s7  }
0x18b: {  	v44 =	vld [tilespmem:s0+$0xF00];
	v1 =	vsel vm8, v1, v41;
	s21 =	sshll.u32 s16, $0x9;
	s1 =	sor.u32 s22, s2;
	s2 =	ssub.s32 s19, s28  }
0x18c: {  	v45 =	vld [tilespmem:s31+$0xF80];
	v1 =	vsel vm9, v1, v42;
	s19 =	sshll.u32 s16, $0x7;
	s22 =	sadd.s32 $0xFFFFFFF5, s25;
	s2 =	sand.u32 $0xFFFFFF80, s2  }
0x18d: {  	v1 =	vsel vm10, v1, v2;
	s20 =	ssub.s32 s30, s19;
	s26 =	sshra.s32 s22, $0x1F;
	s30 =	sshra.s32 s29, $0x1F  }
0x18e: {  	v1 =	vsel vm11, v1, v43;
	s14 =	sand.u32 $0x7F, s22;
	s2 =	sadd.s32 s2, s3;
	s3 =	sshra.s32 s21, $0x2  }
0x18f: {  	v1 =	vsel vm12, v1, v3;
	s28 =	sshll.u32 s26, $0x7;
	s15 =	sshll.u32 s26, $0x9;
	s31 =	sshll.u32 s30, $0x7  }
0x190: {  	s21 =	sadd.s32 $0xFFFFFFF3, s25;
	s0 =	sor.u32 s18, s2;
	s2 =	sand.u32 $0xFFFFFF80, s20;
	v1 =	vsel vm13, v1, v44  }
0x191: {  	s3 =	sadd.s32 s3, s7;
	s15 =	sshra.s32 s15, $0x2;
	s19 =	ssub.s32 s29, s31;
	v1 =	vsel vm14, v1, v45  }
0x192: {  	s20 =	sshll.u32 s30, $0x9;
	s26 =	sshra.s32 s21, $0x1F;
	s30 =	sadd.s32 $0xFFFFFFF2, s25;
	[tilespmem:s17+$0x10210] =	vst v1  }
0x193: {  	s2 =	sadd.s32 s2, s3;
	s3 =	ssub.s32 s22, s28;
	s15 =	sadd.s32 s15, s7;
	v1 =	vld [tilespmem:s8+$0x0]  }
0x194: {  	s22 =	sand.u32 $0x7F, s29;
	s28 =	sshll.u32 s26, $0x7;
	s16 =	sshll.u32 s26, $0x9;
	v2 =	vld [tilespmem:s9+$0x80]  }
0x195: {  	s31 =	sshra.s32 s30, $0x1F;
	s3 =	sand.u32 $0xFFFFFF80, s3;
	s29 =	ssub.s32 s21, s28;
	v3 =	vld [tilespmem:s10+$0x100]  }
0x196: {  	s16 =	sshra.s32 s16, $0x2;
	s3 =	sadd.s32 s3, s15;
	s8 =	sor.u32 s11, s2;
	v46 =	vld [tilespmem:s12+$0x180]  }
0x197: {  	s2 =	sand.u32 $0xFFFFFF80, s19;
	s11 =	sshra.s32 s20, $0x2;
	v47 =	vld [tilespmem:s13+$0x200];
	s16 =	sadd.s32 s16, s7  }
0x198: {  	v48 =	vld [tilespmem:s6+$0x280];
	s15 =	sshll.u32 s31, $0x7;
	s3 =	sor.u32 s14, s3;
	s11 =	sadd.s32 s11, s7  }
0x199: {  	s14 =	sand.u32 $0x7F, s21;
	s2 =	sadd.s32 s2, s11;
	s11 =	sand.u32 $0xFFFFFF80, s29;
	v1 =	vsel vm0, v1, v2;
	v2 =	vld [tilespmem:s5+$0x300]  }
0x19a: {  	s21 =	sshll.u32 s31, $0x9;
	s11 =	sadd.s32 s11, s16;
	s19 =	sor.u32 s22, s2;
	v1 =	vsel vm1, v1, v3;
	v3 =	vld [tilespmem:s4+$0x380]  }
0x19b: {  	v49 =	vld [tilespmem:s1+$0x400];
	s2 =	ssub.s32 s30, s15;
	s22 =	sadd.s32 $0xFFFFFFF1, s25;
	s30 =	sand.u32 $0x7F, s30;
	v1 =	vsel vm2, v1, v46  }
0x19c: {  	v50 =	vld [tilespmem:s0+$0x480];
	s18 =	sor.u32 s14, s11;
	s2 =	sand.u32 $0xFFFFFF80, s2;
	s26 =	sshra.s32 s22, $0x1F;
	v1 =	vsel vm3, v1, v47  }
0x19d: {  	v51 =	vld [tilespmem:s8+$0x500];
	s11 =	sshra.s32 s21, $0x2;
	s28 =	sshll.u32 s26, $0x7;
	s15 =	sshll.u32 s26, $0x9;
	v1 =	vsel vm4, v1, v48  }
0x19e: {  	s11 =	sadd.s32 s11, s7;
	s29 =	ssub.s32 s22, s28;
	s15 =	sshra.s32 s15, $0x2;
	v1 =	vsel vm5, v1, v2;
	v2 =	vld [tilespmem:s3+$0x580]  }
0x19f: {  	s2 =	sadd.s32 s2, s11;
	s11 =	sand.u32 $0xFFFFFF80, s29;
	s7 =	sadd.s32 s15, s7;
	v1 =	vsel vm6, v1, v3;
	v3 =	vld [tilespmem:s19+$0x600]  }
0x1a0: {  	s14 =	sand.u32 $0x7F, s22;
	v52 =	vld [tilespmem:s18+$0x680];
	s2 =	sor.u32 s30, s2;
	s7 =	sadd.s32 s11, s7;
	v1 =	vsel vm7, v1, v49  }
0x1a1: {  	v53 =	vld [tilespmem:s2+$0x700];
	s7 =	sor.u32 s14, s7;
	v1 =	vsel vm8, v1, v50  }
0x1a2: {  	v54 =	vld [tilespmem:s7+$0x780];
	v1 =	vsel vm9, v1, v51  }
0x1a3: {  	v1 =	vsel vm10, v1, v2  }
0x1a4: {  	v1 =	vsel vm11, v1, v3  }
0x1a5: {  	v1 =	vsel vm12, v1, v52  }
0x1a6: {  	v1 =	vsel vm13, v1, v53  }
0x1a7: {  	v1 =	vsel vm14, v1, v54  }
0x1a8: {  	s31 =	sor.u32 s25, s24;
	[tilespmem:s17+$0x11200] =	vst v1  }
0x1a9: {  	v1 =	vld [tilespmem:s31+$0xAA00]  }
0x1aa: {  	v2 =	vld [tilespmem:s9+$0x880]  }
0x1ab: {  	v3 =	vld [tilespmem:s10+$0x900]  }
0x1ac: {  	v55 =	vld [tilespmem:s12+$0x980]  }
0x1ad: {  	v56 =	vld [tilespmem:s13+$0xA00]  }
0x1ae: {  	v57 =	vld [tilespmem:s6+$0xA80]  }
0x1af: {  	v1 =	vsel vm0, v1, v2;
	v2 =	vld [tilespmem:s5+$0xB00]  }
0x1b0: {  	v1 =	vsel vm1, v1, v3;
	v3 =	vld [tilespmem:s4+$0xB80]  }
0x1b1: {  	v58 =	vld [tilespmem:s1+$0xC00];
	v1 =	vsel vm2, v1, v55  }
0x1b2: {  	v59 =	vld [tilespmem:s0+$0xC80];
	v1 =	vsel vm3, v1, v56  }
0x1b3: {  	v60 =	vld [tilespmem:s8+$0xD00];
	v1 =	vsel vm4, v1, v57  }
0x1b4: {  	v1 =	vsel vm5, v1, v2;
	v2 =	vld [tilespmem:s3+$0xD80]  }
0x1b5: {  	v1 =	vsel vm6, v1, v3;
	v3 =	vld [tilespmem:s19+$0xE00]  }
0x1b6: {  	v61 =	vld [tilespmem:s18+$0xE80];
	v1 =	vsel vm7, v1, v58  }
0x1b7: {  	v62 =	vld [tilespmem:s2+$0xF00];
	v1 =	vsel vm8, v1, v59  }
0x1b8: {  	v63 =	vld [tilespmem:s7+$0xF80];
	v1 =	vsel vm9, v1, v60  }
0x1b9: {  	p2 =	por p1, p1;
	v1 =	vsel vm10, v1, v2  }
.Ltmp1:
0x1ba: {  	v1 =	vsel vm11, v1, v3;
	(pc) =	sbr.rel @p2 .LBB2_5-.Ltmp1, $4  }
0x1bb: {  	v1 =	vsel vm12, v1, v61  }
0x1bc: {  	v1 =	vsel vm13, v1, v62  }
0x1bd: {  	v1 =	vsel vm14, v1, v63  }
0x1be: {  	p1 =	por $0x0, $0x0;
	s0 =	simm.s32 $0x1;
	[tilespmem:s17+$0x11210] =	vst v1  }
0x1bf: {  	s6 =	rddreg [dreg:$0xe]  }
0x1c0: {  	v1 =	vld @!p0 [tilespmem:s6+$0xA];
	_ =	sdelay $0x4  }
0x1c1: {  	(v2sf) =	vpush @!p0 v1, $0x0;
	v1 =	vld @!p0 [tilespmem:s6+$0x10A];
	_ =	sdelay $0x4  }
0x1c2: {  	(v2sf) =	vpush @!p0 v1, $0x0;
	_ =	sdelay $0xa  }
0x1c3: {  	s0 =	spop @!p0 (v2sf)  }
0x1c4: {  	s4 =	rddreg [dreg:$0x2];
	s1 =	simm.s32 @!p0 $0x400;
	s0 =	sand.u32 @!p0 $0xFFFFF80, s0  }
0x1c5: {  	s2 =	simm.s32 @!p0 $0x7A1400;
	s3 =	simm.s32 @!p0 $0x2200;
	s0 =	sadd.s32 @!p0 s4, s0  }
0x1c6: {  	[tilespmem:s3], [sflag:$0x2] =	stream.strided.gather @!p0 [hbm4b:s0+s1], $0x1000, s2, s1, $0x38;
	[tilespmem:$0x12200] =	vst v63  }
0x1c7: {  	s0 =	spop @!p0 (v2sf)  }
0x1c8: {  	s5 =	rddreg [dreg:$0x3];
	s0 =	sand.u32 @!p0 $0xFFFFF80, s0  }
0x1c9: {  	s3 =	simm.s32 @!p0 $0xA200;
	s0 =	sadd.s32 @!p0 s5, s0  }
0x1ca: {  	[tilespmem:s3], [sflag:$0x6] =	stream.strided.gather @!p0 [hbm4b:s0+s1], $0x1000, s2, s1, $0x38;
	[tilespmem:$0x12200] =	vst v63  }
0x1cb: {  	v1 =	vld @!p0 [tilespmem:s6+$0xB];
	_ =	sdelay $0x3  }
0x1cc: {  	v2 =	vld @!p0 [tilespmem:s6+$0x10B]  }
0x1cd: {  	(v2sf) =	vpush @!p0 v1, $0x0;
	_ =	sdelay $0x3  }
0x1ce: {  	(v2sf) =	vpush @!p0 v2, $0x0;
	_ =	sdelay $0xa  }
0x1cf: {  	s0 =	spop @!p0 (v2sf)  }
0x1d0: {  	s0 =	sand.u32 @!p0 $0xFFFFF80, s0  }
0x1d1: {  	s3 =	simm.s32 @!p0 $0x3200;
	s0 =	sadd.s32 @!p0 s4, s0  }
0x1d2: {  	[tilespmem:s3], [sflag:$0x2] =	stream.strided.gather @!p0 [hbm4b:s0+s1], $0x1000, s2, s1, $0x38;
	[tilespmem:$0x12200] =	vst v63  }
0x1d3: {  	s0 =	spop @!p0 (v2sf)  }
0x1d4: {  	p1 =	por $0x1, $0x1;
	s0 =	sand.u32 @!p0 $0xFFFFF80, s0  }
0x1d5: {  	s31 =	sor.u32 $0x4, s6;
	s3 =	simm.s32 @!p0 $0xB200;
	s0 =	sadd.s32 @!p0 s5, s0  }
0x1d6: {  	[tilespmem:s3], [sflag:$0x6] =	stream.strided.gather @!p0 [hbm4b:s0+s1], $0x1000, s2, s1, $0x38;
	[tilespmem:$0x12200] =	vst v63  }
0x1d7: {  	s23 =	simm.s32 $0x7;
	[dreg:$0x10] =	wrdreg s31;
	s0 =	simm.s32 $0x0  }
.LBB2_7:
0x1d8: {  	s1 =	simm.s32 $0x3  }
0x1d9: {  	_ =	swait.ge [sflag:s1], $0x1000  }
0x1da: {  	[sflag:s1] =	ssyncset.done $0x0  }
0x1db: {  	[sflag:s1] =	ssyncadd.s32 $0xFFFFF000  }
0x1dc: {  	_ =	swait.ge [sflag:s23], $0x1000  }
0x1dd: {  	[sflag:s23] =	ssyncset.done $0x0;
	s10 =	rddreg [dreg:$0x10]  }
0x1de: {  	[sflag:s23] =	ssyncadd.s32 $0xFFFFF000;
	s17 =	sor.u32 s10, s0  }
0x1df: {  	v1 =	vld [tilespmem:s17+$0x0];
	_ =	sdelay $0x1  }
0x1e0: {  	v2 =	vld [tilespmem:s17+$0x100];
	_ =	sdelay $0x2  }
0x1e1: {  	(v2sf) =	vpush v1, $0x0;
	_ =	sdelay $0x1  }
0x1e2: {  	(v2sf) =	vpush v2, $0x0;
	_ =	sdelay $0xc  }
0x1e3: {  	s24 =	sshll.u32 s0, $0xC;
	s11 =	spop (v2sf)  }
0x1e4: {  	s7 =	sor.u32 $0x4200, s24;
	s18 =	sand.u32 $0x7F, s11  }
0x1e5: {  	s17 =	sshll.u32 s17, $0x5;
	s9 =	spop (v2sf);
	s12 =	sadd.s32 $0xFFFFFFFF, s18  }
0x1e6: {  	s10 =	sor.u32 s18, s7;
	s3 =	sadd.s32 $0xFFFFFFFE, s18;
	s19 =	sadd.s32 $0xFFFFFFFD, s18  }
0x1e7: {  	s26 =	sadd.s32 $0xFFFFFFFC, s18;
	s30 =	sadd.s32 $0xFFFFFFFB, s18;
	s13 =	sshra.s32 s12, $0x1F  }
0x1e8: {  	s4 =	sshra.s32 s3, $0x1F;
	s0 =	sand.u32 $0x7F, s12;
	s20 =	sshra.s32 s19, $0x1F  }
0x1e9: {  	s28 =	sshra.s32 s26, $0x1F;
	s11 =	sshra.s32 s30, $0x1F;
	s2 =	sshll.u32 s13, $0x7  }
0x1ea: {  	s1 =	sshll.u32 s13, $0x9;
	s14 =	sshll.u32 s4, $0x7;
	s16 =	sshll.u32 s4, $0x9  }
0x1eb: {  	s21 =	sshll.u32 s20, $0x7;
	s4 =	sshll.u32 s20, $0x9;
	s29 =	sshll.u32 s28, $0x7  }
0x1ec: {  	s31 =	sshll.u32 s11, $0x7;
	s13 =	sshll.u32 s11, $0x9;
	s2 =	ssub.s32 s12, s2  }
0x1ed: {  	s1 =	sshra.s32 s1, $0x2;
	s15 =	ssub.s32 s3, s14;
	s3 =	sand.u32 $0x7F, s3  }
0x1ee: {  	s22 =	ssub.s32 s19, s21;
	s2 =	sand.u32 $0xFFFFFF80, s2;
	s1 =	sadd.s32 s1, s7  }
0x1ef: {  	s25 =	sshra.s32 s4, $0x2;
	s12 =	ssub.s32 s30, s31;
	s1 =	sadd.s32 s2, s1  }
0x1f0: {  	s14 =	sadd.s32 $0xFFFFFFFA, s18;
	s2 =	sand.u32 $0x7F, s19;
	s5 =	sor.u32 s0, s1  }
0x1f1: {  	s0 =	sand.u32 $0xFFFFFF80, s15;
	s1 =	sshra.s32 s16, $0x2;
	s15 =	sshra.s32 s14, $0x1F  }
0x1f2: {  	s1 =	sadd.s32 s1, s7;
	s16 =	sshll.u32 s15, $0x7;
	s11 =	sshll.u32 s15, $0x9  }
0x1f3: {  	s0 =	sadd.s32 s0, s1;
	s1 =	sadd.s32 s25, s7;
	s20 =	ssub.s32 s14, s16  }
0x1f4: {  	s21 =	sshra.s32 s11, $0x2;
	s6 =	sor.u32 s3, s0;
	s0 =	sand.u32 $0xFFFFFF80, s22  }
0x1f5: {  	s3 =	sand.u32 $0x7F, s26;
	s22 =	sadd.s32 $0xFFFFFFF9, s18;
	s0 =	sadd.s32 s0, s1  }
0x1f6: {  	s1 =	sshll.u32 s28, $0x9;
	s25 =	sshra.s32 s22, $0x1F;
	s8 =	sor.u32 s2, s0  }
0x1f7: {  	s0 =	ssub.s32 s26, s29;
	s1 =	sshra.s32 s1, $0x2;
	s2 =	sand.u32 $0x7F, s30  }
0x1f8: {  	s29 =	sadd.s32 $0xFFFFFFF8, s18;
	s0 =	sand.u32 $0xFFFFFF80, s0;
	s1 =	sadd.s32 s1, s7  }
0x1f9: {  	s28 =	sshll.u32 s25, $0x7;
	s30 =	sshra.s32 s29, $0x1F;
	s0 =	sadd.s32 s0, s1  }
0x1fa: {  	s1 =	sshra.s32 s13, $0x2;
	s31 =	sshll.u32 s30, $0x7;
	s13 =	sadd.s32 $0xFFFFFFF7, s18  }
0x1fb: {  	s4 =	sor.u32 s3, s0;
	s0 =	sand.u32 $0xFFFFFF80, s12;
	s1 =	sadd.s32 s1, s7  }
0x1fc: {  	s3 =	sand.u32 $0x7F, s14;
	s12 =	sshll.u32 s30, $0x9;
	s14 =	sshra.s32 s13, $0x1F  }
0x1fd: {  	s0 =	sadd.s32 s0, s1;
	s1 =	sadd.s32 s21, s7;
	s15 =	sshll.u32 s14, $0x7  }
0x1fe: {  	s11 =	sshll.u32 s14, $0x9;
	s21 =	sadd.s32 $0xFFFFFFF6, s18;
	s19 =	sor.u32 s2, s0  }
0x1ff: {  	s0 =	sand.u32 $0xFFFFFF80, s20;
	s2 =	sand.u32 $0x7F, s22;
	s16 =	ssub.s32 s13, s15  }
0x200: {  	s20 =	sshra.s32 s11, $0x2;
	s0 =	sadd.s32 s0, s1;
	s1 =	sshll.u32 s25, $0x9  }
0x201: {  	s26 =	sor.u32 s3, s0;
	s0 =	ssub.s32 s22, s28;
	s1 =	sshra.s32 s1, $0x2  }
0x202: {  	s22 =	sshra.s32 s21, $0x1F;
	s0 =	sand.u32 $0xFFFFFF80, s0;
	s1 =	sadd.s32 s1, s7  }
0x203: {  	s3 =	sand.u32 $0x7F, s29;
	s25 =	sshll.u32 s22, $0x7;
	s0 =	sadd.s32 s0, s1  }
0x204: {  	s1 =	sshra.s32 s12, $0x2;
	s28 =	sor.u32 s2, s0;
	s2 =	ssub.s32 s29, s31  }
0x205: {  	s1 =	sadd.s32 s1, s7;
	s31 =	sadd.s32 $0xFFFFFFF5, s18;
	s0 =	sand.u32 $0xFFFFFF80, s2  }
0x206: {  	s2 =	sand.u32 $0x7F, s13;
	s13 =	sshra.s32 s31, $0x1F;
	s0 =	sadd.s32 s0, s1  }
0x207: {  	s1 =	sadd.s32 s20, s7;
	s12 =	sshll.u32 s13, $0x7;
	s15 =	sshll.u32 s13, $0x9  }
0x208: {  	s29 =	sor.u32 s3, s0;
	s0 =	sand.u32 $0xFFFFFF80, s16;
	s3 =	sand.u32 $0x7F, s21  }
0x209: {  	s14 =	ssub.s32 s31, s12;
	s16 =	sadd.s32 $0xFFFFFFF4, s18;
	s0 =	sadd.s32 s0, s1  }
0x20a: {  	s1 =	sshll.u32 s22, $0x9;
	s20 =	sshra.s32 s16, $0x1F;
	s11 =	sand.u32 $0x7F, s16  }
0x20b: {  	s30 =	sor.u32 s2, s0;
	s0 =	ssub.s32 s21, s25;
	s1 =	sshra.s32 s1, $0x2  }
0x20c: {  	s2 =	sand.u32 $0x7F, s31;
	s13 =	sshll.u32 s20, $0x7;
	s12 =	sshll.u32 s20, $0x9  }
0x20d: {  	s25 =	sadd.s32 $0xFFFFFFF3, s18;
	s0 =	sand.u32 $0xFFFFFF80, s0;
	s1 =	sadd.s32 s1, s7  }
0x20e: {  	s21 =	ssub.s32 s16, s13;
	s22 =	sshra.s32 s12, $0x2;
	s0 =	sadd.s32 s0, s1  }
0x20f: {  	s31 =	sshra.s32 s25, $0x1F;
	s1 =	sor.u32 s3, s0;
	s3 =	sshra.s32 s15, $0x2  }
0x210: {  	s0 =	sand.u32 $0xFFFFFF80, s14;
	s14 =	sadd.s32 $0xFFFFFFF2, s18;
	s3 =	sadd.s32 s3, s7  }
0x211: {  	s12 =	sand.u32 $0x7F, s25;
	s15 =	sshra.s32 s14, $0x1F;
	s0 =	sadd.s32 s0, s3  }
0x212: {  	s13 =	sshll.u32 s31, $0x7;
	s16 =	sshll.u32 s15, $0x7;
	s3 =	sor.u32 s2, s0  }
0x213: {  	s0 =	sand.u32 $0xFFFFFF80, s21;
	s2 =	sadd.s32 s22, s7;
	s22 =	ssub.s32 s14, s16  }
0x214: {  	v1 =	vld [tilespmem:s10+$0x0];
	s0 =	sadd.s32 s0, s2;
	s2 =	sshll.u32 s31, $0x9;
	s31 =	sadd.s32 $0xFFFFFFF1, s18  }
0x215: {  	v2 =	vld [tilespmem:s5+$0x80];
	s20 =	sor.u32 s11, s0;
	s0 =	ssub.s32 s25, s13;
	s2 =	sshra.s32 s2, $0x2  }
0x216: {  	v3 =	vld [tilespmem:s6+$0x100];
	s25 =	sshll.u32 s15, $0x9;
	s11 =	sand.u32 $0x7F, s14;
	s14 =	sshra.s32 s31, $0x1F  }
0x217: {  	v4 =	vld [tilespmem:s8+$0x180];
	s16 =	sand.u32 $0x7F, s31;
	s0 =	sand.u32 $0xFFFFFF80, s0;
	s2 =	sadd.s32 s2, s7  }
0x218: {  	v5 =	vld [tilespmem:s4+$0x200];
	s15 =	sshll.u32 s14, $0x7;
	s13 =	sshll.u32 s14, $0x9;
	s0 =	sadd.s32 s0, s2  }
0x219: {  	v6 =	vld [tilespmem:s19+$0x280];
	s2 =	sshra.s32 s25, $0x2;
	s13 =	sshra.s32 s13, $0x2;
	s25 =	sand.u32 $0x7F, s9  }
0x21a: {  	v1 =	vsel vm0, v1, v2;
	v2 =	vld [tilespmem:s26+$0x300];
	s21 =	sor.u32 s12, s0;
	s0 =	sand.u32 $0xFFFFFF80, s22;
	s2 =	sadd.s32 s2, s7  }
0x21b: {  	v1 =	vsel vm1, v1, v3;
	v3 =	vld [tilespmem:s28+$0x380];
	s7 =	sadd.s32 s13, s7;
	s9 =	sadd.s32 $0xFFFFFFFF, s25;
	s0 =	sadd.s32 s0, s2  }
0x21c: {  	v1 =	vsel vm2, v1, v4;
	v32 =	vld [tilespmem:s29+$0x400];
	s2 =	ssub.s32 s31, s15;
	s22 =	sshra.s32 s9, $0x1F;
	s15 =	sadd.s32 $0xFFFFFFFE, s25  }
0x21d: {  	v1 =	vsel vm3, v1, v5;
	v33 =	vld [tilespmem:s30+$0x480];
	s2 =	sand.u32 $0xFFFFFF80, s2;
	s0 =	sor.u32 s11, s0;
	s13 =	sshll.u32 s22, $0x7  }
0x21e: {  	v1 =	vsel vm4, v1, v6;
	v34 =	vld [tilespmem:s1+$0x500];
	s14 =	sshll.u32 s22, $0x9;
	s11 =	sand.u32 $0x7F, s15;
	s2 =	sadd.s32 s2, s7  }
0x21f: {  	v1 =	vsel vm5, v1, v2;
	v2 =	vld [tilespmem:s3+$0x580];
	s7 =	sadd.s32 $0xC200, s24;
	s10 =	sshra.s32 s14, $0x2;
	s31 =	sor.u32 s16, s2  }
0x220: {  	v1 =	vsel vm6, v1, v3;
	v3 =	vld [tilespmem:s20+$0x600];
	s2 =	ssub.s32 s9, s13;
	s9 =	sand.u32 $0x7F, s9;
	s10 =	sadd.s32 s10, s7  }
0x221: {  	v1 =	vsel vm7, v1, v32;
	v35 =	vld [tilespmem:s21+$0x680];
	s16 =	sshra.s32 s15, $0x1F;
	s13 =	sadd.s32 $0xFFFFFFFD, s25;
	s2 =	sand.u32 $0xFFFFFF80, s2  }
0x222: {  	v1 =	vsel vm8, v1, v33;
	v36 =	vld [tilespmem:s0+$0x700];
	s22 =	sshll.u32 s16, $0x7;
	s12 =	sshll.u32 s16, $0x9;
	s14 =	sshra.s32 s13, $0x1F  }
0x223: {  	v1 =	vsel vm9, v1, v34;
	v37 =	vld [tilespmem:s31+$0x780];
	s2 =	sadd.s32 s2, s10;
	s10 =	ssub.s32 s15, s22;
	s12 =	sshra.s32 s12, $0x2  }
0x224: {  	v1 =	vsel vm10, v1, v2;
	s16 =	sshll.u32 s14, $0x7;
	s15 =	sadd.s32 $0xFFFFFFFC, s25;
	s10 =	sand.u32 $0xFFFFFF80, s10  }
0x225: {  	v1 =	vsel vm11, v1, v3;
	s12 =	sadd.s32 s12, s7;
	s9 =	sor.u32 s9, s2;
	s22 =	ssub.s32 s13, s16  }
0x226: {  	v1 =	vsel vm12, v1, v35;
	s16 =	sshll.u32 s14, $0x9;
	s13 =	sand.u32 $0x7F, s13;
	s12 =	sadd.s32 s10, s12  }
0x227: {  	s2 =	sand.u32 $0xFFFFFF80, s22;
	v1 =	vsel vm13, v1, v36;
	s10 =	sor.u32 s11, s12;
	s12 =	sshra.s32 s15, $0x1F  }
0x228: {  	s22 =	sshll.u32 s12, $0x7;
	s11 =	sshll.u32 s12, $0x9;
	s12 =	sshra.s32 s16, $0x2;
	v1 =	vsel vm14, v1, v37  }
0x229: {  	s16 =	sand.u32 $0x7F, s15;
	s14 =	ssub.s32 s15, s22;
	s11 =	sshra.s32 s11, $0x2;
	[tilespmem:s17+$0x10200] =	vst v1  }
0x22a: {  	s12 =	sadd.s32 s12, s7;
	s14 =	sand.u32 $0xFFFFFF80, s14;
	s11 =	sadd.s32 s11, s7;
	v38 =	vld [tilespmem:s8+$0x980]  }
0x22b: {  	s2 =	sadd.s32 s2, s12;
	s8 =	sor.u32 s25, s7;
	v40 =	vld [tilespmem:s19+$0xA80];
	s19 =	sadd.s32 $0xFFFFFFF7, s25  }
0x22c: {  	v41 =	vld [tilespmem:s30+$0xC80];
	s30 =	sadd.s32 $0xFFFFFFF6, s25;
	s11 =	sadd.s32 s14, s11;
	s14 =	sadd.s32 $0xFFFFFFFB, s25  }
0x22d: {  	s12 =	sor.u32 s13, s2;
	s22 =	sshra.s32 s14, $0x1F;
	s13 =	sor.u32 s16, s11  }
0x22e: {  	s11 =	sadd.s32 $0xFFFFFFFA, s25;
	s16 =	sshll.u32 s22, $0x7;
	s15 =	sshll.u32 s22, $0x9  }
0x22f: {  	s2 =	ssub.s32 s14, s16;
	s16 =	sor.u32 s18, s24;
	s18 =	sshra.s32 s11, $0x1F  }
0x230: {  	s15 =	sshra.s32 s15, $0x2;
	s2 =	sand.u32 $0xFFFFFF80, s2;
	s22 =	sshll.u32 s18, $0x7  }
0x231: {  	v2 =	vld [tilespmem:s5+$0x880];
	s18 =	sshll.u32 s18, $0x9;
	s15 =	sadd.s32 s15, s7;
	s22 =	ssub.s32 s11, s22  }
0x232: {  	v1 =	vld [tilespmem:s16+$0x4A00];
	s18 =	sshra.s32 s18, $0x2;
	s2 =	sadd.s32 s2, s15;
	s15 =	sadd.s32 $0xFFFFFFF9, s25  }
0x233: {  	v3 =	vld [tilespmem:s6+$0x900];
	s11 =	sand.u32 $0x7F, s11;
	s22 =	sand.u32 $0xFFFFFF80, s22;
	s18 =	sadd.s32 s18, s7  }
0x234: {  	s16 =	sadd.s32 s22, s18;
	s18 =	sand.u32 $0x7F, s14;
	s22 =	sshra.s32 s15, $0x1F  }
0x235: {  	v39 =	vld [tilespmem:s4+$0xA00];
	s6 =	sor.u32 s18, s2;
	s5 =	sor.u32 s11, s16;
	s16 =	sshll.u32 s22, $0x7  }
0x236: {  	s18 =	sshll.u32 s22, $0x9;
	s11 =	sadd.s32 $0xFFFFFFF8, s25;
	s22 =	sand.u32 $0x7F, s15  }
0x237: {  	s2 =	ssub.s32 s15, s16;
	s4 =	sshra.s32 s18, $0x2;
	v1 =	vsel vm0, v1, v2;
	v2 =	vld [tilespmem:s26+$0xB00];
	s26 =	sshra.s32 s11, $0x1F  }
0x238: {  	v7 =	vld [tilespmem:s28+$0xB80];
	s2 =	sand.u32 $0xFFFFFF80, s2;
	s4 =	sadd.s32 s4, s7;
	v1 =	vsel vm1, v1, v3;
	s28 =	sshll.u32 s26, $0x7  }
0x239: {  	s15 =	sshll.u32 s26, $0x9;
	v3 =	vld [tilespmem:s29+$0xC00];
	s26 =	sshra.s32 s19, $0x1F;
	s2 =	sadd.s32 s2, s4;
	v1 =	vsel vm2, v1, v38  }
0x23a: {  	s16 =	ssub.s32 s11, s28;
	s18 =	sshra.s32 s15, $0x2;
	s28 =	sshll.u32 s26, $0x7;
	v1 =	vsel vm3, v1, v39  }
0x23b: {  	v42 =	vld [tilespmem:s1+$0xD00];
	s29 =	sshll.u32 s26, $0x9;
	s4 =	sor.u32 s22, s2;
	s2 =	sand.u32 $0xFFFFFF80, s16;
	v1 =	vsel vm4, v1, v40  }
0x23c: {  	s14 =	sadd.s32 s18, s7;
	s22 =	sand.u32 $0x7F, s11;
	s16 =	sshra.s32 s30, $0x1F;
	v1 =	vsel vm5, v1, v2;
	v2 =	vld [tilespmem:s3+$0xD80]  }
0x23d: {  	v43 =	vld [tilespmem:s20+$0xE00];
	s18 =	sand.u32 $0x7F, s19;
	s11 =	sand.u32 $0x7F, s30;
	s2 =	sadd.s32 s2, s14;
	v1 =	vsel vm6, v1, v7  }
0x23e: {  	s1 =	sor.u32 s22, s2;
	s2 =	ssub.s32 s19, s28;
	s3 =	sshra.s32 s29, $0x2;
	v1 =	vsel vm7, v1, v3;
	v3 =	vld [tilespmem:s21+$0xE80]  }
0x23f: {  	v44 =	vld [tilespmem:s0+$0xF00];
	s19 =	sshll.u32 s16, $0x7;
	s22 =	sadd.s32 $0xFFFFFFF5, s25;
	s29 =	sadd.s32 $0xFFFFFFF4, s25;
	v1 =	vsel vm8, v1, v41  }
0x240: {  	v45 =	vld [tilespmem:s31+$0xF80];
	s2 =	sand.u32 $0xFFFFFF80, s2;
	s3 =	sadd.s32 s3, s7;
	s20 =	ssub.s32 s30, s19;
	v1 =	vsel vm9, v1, v42  }
0x241: {  	s26 =	sshra.s32 s22, $0x1F;
	s30 =	sshra.s32 s29, $0x1F;
	s14 =	sand.u32 $0x7F, s22;
	v1 =	vsel vm10, v1, v2  }
0x242: {  	s2 =	sadd.s32 s2, s3;
	s21 =	sshll.u32 s16, $0x9;
	s28 =	sshll.u32 s26, $0x7;
	v1 =	vsel vm11, v1, v43  }
0x243: {  	s15 =	sshll.u32 s26, $0x9;
	s31 =	sshll.u32 s30, $0x7;
	s0 =	sor.u32 s18, s2;
	v1 =	vsel vm12, v1, v3  }
0x244: {  	s2 =	sand.u32 $0xFFFFFF80, s20;
	s3 =	sshra.s32 s21, $0x2;
	s15 =	sshra.s32 s15, $0x2;
	v1 =	vsel vm13, v1, v44  }
0x245: {  	s19 =	ssub.s32 s29, s31;
	s20 =	sshll.u32 s30, $0x9;
	s21 =	sadd.s32 $0xFFFFFFF3, s25;
	v1 =	vsel vm14, v1, v45  }
0x246: {  	s30 =	sadd.s32 $0xFFFFFFF2, s25;
	s3 =	sadd.s32 s3, s7;
	s15 =	sadd.s32 s15, s7;
	[tilespmem:s17+$0x10210] =	vst v1  }
0x247: {  	s26 =	sshra.s32 s21, $0x1F;
	s31 =	sshra.s32 s30, $0x1F;
	s2 =	sadd.s32 s2, s3;
	v1 =	vld [tilespmem:s8+$0x0]  }
0x248: {  	s3 =	ssub.s32 s22, s28;
	s22 =	sand.u32 $0x7F, s29;
	s16 =	sshll.u32 s26, $0x9;
	v2 =	vld [tilespmem:s9+$0x80]  }
0x249: {  	s28 =	sshll.u32 s26, $0x7;
	s3 =	sand.u32 $0xFFFFFF80, s3;
	s16 =	sshra.s32 s16, $0x2;
	v3 =	vld [tilespmem:s10+$0x100]  }
0x24a: {  	s29 =	ssub.s32 s21, s28;
	s3 =	sadd.s32 s3, s15;
	s16 =	sadd.s32 s16, s7;
	v46 =	vld [tilespmem:s12+$0x180]  }
0x24b: {  	s15 =	sshll.u32 s31, $0x7;
	s8 =	sor.u32 s11, s2;
	s11 =	sshra.s32 s20, $0x2;
	v47 =	vld [tilespmem:s13+$0x200]  }
0x24c: {  	s3 =	sor.u32 s14, s3;
	s2 =	sand.u32 $0xFFFFFF80, s19;
	v48 =	vld [tilespmem:s6+$0x280];
	s11 =	sadd.s32 s11, s7  }
0x24d: {  	s14 =	sand.u32 $0x7F, s21;
	s2 =	sadd.s32 s2, s11;
	s11 =	sand.u32 $0xFFFFFF80, s29;
	v1 =	vsel vm0, v1, v2;
	v2 =	vld [tilespmem:s5+$0x300]  }
0x24e: {  	s21 =	sshll.u32 s31, $0x9;
	s11 =	sadd.s32 s11, s16;
	s19 =	sor.u32 s22, s2;
	v1 =	vsel vm1, v1, v3;
	v3 =	vld [tilespmem:s4+$0x380]  }
0x24f: {  	v49 =	vld [tilespmem:s1+$0x400];
	s2 =	ssub.s32 s30, s15;
	s22 =	sadd.s32 $0xFFFFFFF1, s25;
	s30 =	sand.u32 $0x7F, s30;
	v1 =	vsel vm2, v1, v46  }
0x250: {  	v50 =	vld [tilespmem:s0+$0x480];
	s18 =	sor.u32 s14, s11;
	s2 =	sand.u32 $0xFFFFFF80, s2;
	s26 =	sshra.s32 s22, $0x1F;
	v1 =	vsel vm3, v1, v47  }
0x251: {  	v51 =	vld [tilespmem:s8+$0x500];
	s11 =	sshra.s32 s21, $0x2;
	s28 =	sshll.u32 s26, $0x7;
	s15 =	sshll.u32 s26, $0x9;
	v1 =	vsel vm4, v1, v48  }
0x252: {  	s11 =	sadd.s32 s11, s7;
	s29 =	ssub.s32 s22, s28;
	s15 =	sshra.s32 s15, $0x2;
	v1 =	vsel vm5, v1, v2;
	v2 =	vld [tilespmem:s3+$0x580]  }
0x253: {  	s2 =	sadd.s32 s2, s11;
	s11 =	sand.u32 $0xFFFFFF80, s29;
	s7 =	sadd.s32 s15, s7;
	v1 =	vsel vm6, v1, v3;
	v3 =	vld [tilespmem:s19+$0x600]  }
0x254: {  	s14 =	sand.u32 $0x7F, s22;
	v52 =	vld [tilespmem:s18+$0x680];
	s2 =	sor.u32 s30, s2;
	s7 =	sadd.s32 s11, s7;
	v1 =	vsel vm7, v1, v49  }
0x255: {  	v53 =	vld [tilespmem:s2+$0x700];
	s7 =	sor.u32 s14, s7;
	v1 =	vsel vm8, v1, v50  }
0x256: {  	v54 =	vld [tilespmem:s7+$0x780];
	v1 =	vsel vm9, v1, v51  }
0x257: {  	v1 =	vsel vm10, v1, v2  }
0x258: {  	v1 =	vsel vm11, v1, v3  }
0x259: {  	v1 =	vsel vm12, v1, v52  }
0x25a: {  	v1 =	vsel vm13, v1, v53  }
0x25b: {  	v1 =	vsel vm14, v1, v54  }
0x25c: {  	s31 =	sor.u32 s25, s24;
	[tilespmem:s17+$0x11200] =	vst v1  }
0x25d: {  	v1 =	vld [tilespmem:s31+$0xCA00]  }
0x25e: {  	v2 =	vld [tilespmem:s9+$0x880]  }
0x25f: {  	v3 =	vld [tilespmem:s10+$0x900]  }
0x260: {  	v55 =	vld [tilespmem:s12+$0x980]  }
0x261: {  	v56 =	vld [tilespmem:s13+$0xA00]  }
0x262: {  	v57 =	vld [tilespmem:s6+$0xA80]  }
0x263: {  	v1 =	vsel vm0, v1, v2;
	v2 =	vld [tilespmem:s5+$0xB00]  }
0x264: {  	v1 =	vsel vm1, v1, v3;
	v3 =	vld [tilespmem:s4+$0xB80]  }
0x265: {  	v58 =	vld [tilespmem:s1+$0xC00];
	v1 =	vsel vm2, v1, v55  }
0x266: {  	v59 =	vld [tilespmem:s0+$0xC80];
	v1 =	vsel vm3, v1, v56  }
0x267: {  	v60 =	vld [tilespmem:s8+$0xD00];
	v1 =	vsel vm4, v1, v57  }
0x268: {  	v1 =	vsel vm5, v1, v2;
	v2 =	vld [tilespmem:s3+$0xD80]  }
0x269: {  	v1 =	vsel vm6, v1, v3;
	v3 =	vld [tilespmem:s19+$0xE00]  }
0x26a: {  	v61 =	vld [tilespmem:s18+$0xE80];
	v1 =	vsel vm7, v1, v58  }
0x26b: {  	v62 =	vld [tilespmem:s2+$0xF00];
	v1 =	vsel vm8, v1, v59  }
0x26c: {  	v63 =	vld [tilespmem:s7+$0xF80];
	v1 =	vsel vm9, v1, v60  }
0x26d: {  	p2 =	por p1, p1;
	v1 =	vsel vm10, v1, v2  }
.Ltmp2:
0x26e: {  	v1 =	vsel vm11, v1, v3;
	(pc) =	sbr.rel @p2 .LBB2_7-.Ltmp2, $4  }
0x26f: {  	v1 =	vsel vm12, v1, v61  }
0x270: {  	v1 =	vsel vm13, v1, v62  }
0x271: {  	v1 =	vsel vm14, v1, v63  }
0x272: {  	p1 =	por $0x0, $0x0;
	s0 =	simm.s32 $0x1;
	[tilespmem:s17+$0x11210] =	vst v1  }
0x273: {  	s6 =	rddreg [dreg:$0xe]  }
0x274: {  	v1 =	vld @!p0 [tilespmem:s6+$0xC];
	_ =	sdelay $0x4  }
0x275: {  	(v2sf) =	vpush @!p0 v1, $0x0;
	v1 =	vld @!p0 [tilespmem:s6+$0x10C];
	_ =	sdelay $0x4  }
0x276: {  	(v2sf) =	vpush @!p0 v1, $0x0;
	_ =	sdelay $0xa  }
0x277: {  	s0 =	spop @!p0 (v2sf)  }
0x278: {  	s4 =	rddreg [dreg:$0x2];
	s1 =	simm.s32 @!p0 $0x400;
	s0 =	sand.u32 @!p0 $0xFFFFF80, s0  }
0x279: {  	s2 =	simm.s32 @!p0 $0x7A1400;
	s3 =	simm.s32 @!p0 $0x4200;
	s0 =	sadd.s32 @!p0 s4, s0  }
0x27a: {  	[tilespmem:s3], [sflag:$0x3] =	stream.strided.gather @!p0 [hbm4b:s0+s1], $0x1000, s2, s1, $0x38;
	[tilespmem:$0x12200] =	vst v63  }
0x27b: {  	s0 =	spop @!p0 (v2sf)  }
0x27c: {  	s5 =	rddreg [dreg:$0x3];
	s0 =	sand.u32 @!p0 $0xFFFFF80, s0  }
0x27d: {  	s3 =	simm.s32 @!p0 $0xC200;
	s0 =	sadd.s32 @!p0 s5, s0  }
0x27e: {  	[tilespmem:s3], [sflag:$0x7] =	stream.strided.gather @!p0 [hbm4b:s0+s1], $0x1000, s2, s1, $0x38;
	[tilespmem:$0x12200] =	vst v63  }
0x27f: {  	v1 =	vld @!p0 [tilespmem:s6+$0xD];
	_ =	sdelay $0x3  }
0x280: {  	v2 =	vld @!p0 [tilespmem:s6+$0x10D]  }
0x281: {  	(v2sf) =	vpush @!p0 v1, $0x0;
	_ =	sdelay $0x3  }
0x282: {  	(v2sf) =	vpush @!p0 v2, $0x0;
	_ =	sdelay $0xa  }
0x283: {  	s0 =	spop @!p0 (v2sf)  }
0x284: {  	s0 =	sand.u32 @!p0 $0xFFFFF80, s0  }
0x285: {  	s3 =	simm.s32 @!p0 $0x5200;
	s0 =	sadd.s32 @!p0 s4, s0  }
0x286: {  	[tilespmem:s3], [sflag:$0x3] =	stream.strided.gather @!p0 [hbm4b:s0+s1], $0x1000, s2, s1, $0x38;
	[tilespmem:$0x12200] =	vst v63  }
0x287: {  	s0 =	spop @!p0 (v2sf)  }
0x288: {  	s0 =	sand.u32 @!p0 $0xFFFFF80, s0  }
0x289: {  	s3 =	simm.s32 @!p0 $0xD200;
	s0 =	sadd.s32 @!p0 s5, s0  }
0x28a: {  	[tilespmem:s3], [sflag:$0x7] =	stream.strided.gather @!p0 [hbm4b:s0+s1], $0x1000, s2, s1, $0x38;
	[tilespmem:$0x12200] =	vst v63  }
0x28b: {  	s31 =	simm.s32 $0x8;
	s0 =	simm.s32 $0x0;
	p0 =	por $0x1, $0x1  }
.LBB2_9:
0x28c: {  	s1 =	simm.s32 $0x4  }
0x28d: {  	_ =	swait.ge [sflag:s1], $0x1000  }
0x28e: {  	[sflag:s1] =	ssyncset.done $0x0  }
0x28f: {  	[sflag:s1] =	ssyncadd.s32 $0xFFFFF000  }
0x290: {  	_ =	swait.ge [sflag:s31], $0x1000  }
0x291: {  	[sflag:s31] =	ssyncset.done $0x0;
	s28 =	rddreg [dreg:$0xd]  }
0x292: {  	[sflag:s31] =	ssyncadd.s32 $0xFFFFF000;
	s17 =	sor.u32 s28, s0  }
0x293: {  	v1 =	vld [tilespmem:s17+$0x0];
	_ =	sdelay $0x1  }
0x294: {  	v2 =	vld [tilespmem:s17+$0x100];
	_ =	sdelay $0x2  }
0x295: {  	(v2sf) =	vpush v1, $0x0;
	_ =	sdelay $0x1  }
0x296: {  	(v2sf) =	vpush v2, $0x0;
	_ =	sdelay $0xc  }
0x297: {  	s22 =	sshll.u32 s0, $0xC;
	s29 =	spop (v2sf)  }
0x298: {  	s7 =	sor.u32 $0x6200, s22;
	s18 =	sand.u32 $0x7F, s29  }
0x299: {  	s17 =	sshll.u32 s17, $0x5;
	s9 =	spop (v2sf);
	s30 =	sadd.s32 $0xFFFFFFFF, s18  }
0x29a: {  	s10 =	sor.u32 s18, s7;
	s3 =	sadd.s32 $0xFFFFFFFE, s18;
	s12 =	sadd.s32 $0xFFFFFFFD, s18  }
0x29b: {  	s19 =	sadd.s32 $0xFFFFFFFC, s18;
	s23 =	sadd.s32 $0xFFFFFFFB, s18;
	s28 =	sadd.s32 $0xFFFFFFFA, s18  }
0x29c: {  	s5 =	sshra.s32 s30, $0x1F;
	s4 =	sshra.s32 s3, $0x1F;
	s0 =	sand.u32 $0x7F, s30  }
0x29d: {  	s13 =	sshra.s32 s12, $0x1F;
	s20 =	sshra.s32 s19, $0x1F;
	s29 =	sshra.s32 s28, $0x1F  }
0x29e: {  	s2 =	sshll.u32 s5, $0x7;
	s1 =	sshll.u32 s5, $0x9;
	s6 =	sshll.u32 s4, $0x7  }
0x29f: {  	s11 =	sshll.u32 s4, $0x9;
	s14 =	sshll.u32 s13, $0x7;
	s4 =	sshll.u32 s13, $0x9  }
0x2a0: {  	s21 =	sshll.u32 s20, $0x7;
	s13 =	sadd.s32 $0xFFFFFFF9, s18;
	s2 =	ssub.s32 s30, s2  }
0x2a1: {  	s1 =	sshra.s32 s1, $0x2;
	s8 =	ssub.s32 s3, s6;
	s3 =	sand.u32 $0x7F, s3  }
0x2a2: {  	s15 =	ssub.s32 s12, s14;
	s2 =	sand.u32 $0xFFFFFF80, s2;
	s1 =	sadd.s32 s1, s7  }
0x2a3: {  	s16 =	sshra.s32 s4, $0x2;
	s30 =	sshll.u32 s29, $0x7;
	s1 =	sadd.s32 s2, s1  }
0x2a4: {  	s14 =	sshra.s32 s13, $0x1F;
	s2 =	sand.u32 $0x7F, s12;
	s5 =	sor.u32 s0, s1  }
0x2a5: {  	s0 =	sand.u32 $0xFFFFFF80, s8;
	s1 =	sshra.s32 s11, $0x2;
	s11 =	sshra.s32 s23, $0x1F  }
0x2a6: {  	s1 =	sadd.s32 s1, s7;
	s24 =	sshll.u32 s11, $0x7;
	s26 =	sshll.u32 s11, $0x9  }
0x2a7: {  	s11 =	sshll.u32 s29, $0x9;
	s0 =	sadd.s32 s0, s1;
	s1 =	sadd.s32 s16, s7  }
0x2a8: {  	s25 =	ssub.s32 s23, s24;
	s12 =	sshra.s32 s11, $0x2;
	s16 =	sadd.s32 $0xFFFFFFF8, s18  }
0x2a9: {  	s6 =	sor.u32 s3, s0;
	s0 =	sand.u32 $0xFFFFFF80, s15;
	s3 =	sand.u32 $0x7F, s19  }
0x2aa: {  	s15 =	sshll.u32 s14, $0x7;
	s0 =	sadd.s32 s0, s1;
	s1 =	sshll.u32 s20, $0x9  }
0x2ab: {  	s20 =	sshra.s32 s16, $0x1F;
	s8 =	sor.u32 s2, s0;
	s0 =	ssub.s32 s19, s21  }
0x2ac: {  	s1 =	sshra.s32 s1, $0x2;
	s2 =	sand.u32 $0x7F, s23;
	s21 =	sshll.u32 s20, $0x7  }
0x2ad: {  	s0 =	sand.u32 $0xFFFFFF80, s0;
	s1 =	sadd.s32 s1, s7;
	s23 =	ssub.s32 s16, s21  }
0x2ae: {  	s0 =	sadd.s32 s0, s1;
	s1 =	sshra.s32 s26, $0x2;
	s26 =	sshll.u32 s20, $0x9  }
0x2af: {  	s4 =	sor.u32 s3, s0;
	s0 =	sand.u32 $0xFFFFFF80, s25;
	s1 =	sadd.s32 s1, s7  }
0x2b0: {  	s3 =	sand.u32 $0x7F, s28;
	s0 =	sadd.s32 s0, s1;
	s1 =	sadd.s32 s12, s7  }
0x2b1: {  	s19 =	sor.u32 s2, s0;
	s2 =	ssub.s32 s28, s30;
	s28 =	sadd.s32 $0xFFFFFFF7, s18  }
0x2b2: {  	s0 =	sand.u32 $0xFFFFFF80, s2;
	s2 =	sand.u32 $0x7F, s13;
	s29 =	sshra.s32 s28, $0x1F  }
0x2b3: {  	s0 =	sadd.s32 s0, s1;
	s1 =	sshll.u32 s14, $0x9;
	s30 =	sshll.u32 s29, $0x7  }
0x2b4: {  	s11 =	sshll.u32 s29, $0x9;
	s29 =	sadd.s32 $0xFFFFFFF4, s18;
	s24 =	sor.u32 s3, s0  }
0x2b5: {  	s0 =	ssub.s32 s13, s15;
	s1 =	sshra.s32 s1, $0x2;
	s3 =	sand.u32 $0x7F, s16  }
0x2b6: {  	s12 =	sshra.s32 s11, $0x2;
	s13 =	sadd.s32 $0xFFFFFFF6, s18;
	s16 =	sadd.s32 $0xFFFFFFF5, s18  }
0x2b7: {  	s11 =	sand.u32 $0x7F, s29;
	s0 =	sand.u32 $0xFFFFFF80, s0;
	s1 =	sadd.s32 s1, s7  }
0x2b8: {  	s14 =	sshra.s32 s13, $0x1F;
	s20 =	sshra.s32 s16, $0x1F;
	s0 =	sadd.s32 s0, s1  }
0x2b9: {  	s1 =	sshra.s32 s26, $0x2;
	s15 =	sshll.u32 s14, $0x7;
	s25 =	sor.u32 s2, s0  }
0x2ba: {  	s0 =	sand.u32 $0xFFFFFF80, s23;
	s1 =	sadd.s32 s1, s7;
	s2 =	sand.u32 $0x7F, s28  }
0x2bb: {  	s23 =	sshll.u32 s20, $0x9;
	s0 =	sadd.s32 s0, s1;
	s1 =	sadd.s32 s12, s7  }
0x2bc: {  	s12 =	sshll.u32 s20, $0x7;
	s26 =	sor.u32 s3, s0;
	s3 =	ssub.s32 s28, s30  }
0x2bd: {  	s21 =	ssub.s32 s16, s12;
	s30 =	sshra.s32 s29, $0x1F;
	s0 =	sand.u32 $0xFFFFFF80, s3  }
0x2be: {  	s3 =	sand.u32 $0x7F, s13;
	s12 =	sshll.u32 s30, $0x9;
	s0 =	sadd.s32 s0, s1  }
0x2bf: {  	s1 =	sshll.u32 s14, $0x9;
	s14 =	sshra.s32 s12, $0x2;
	s28 =	sor.u32 s2, s0  }
0x2c0: {  	s0 =	ssub.s32 s13, s15;
	s1 =	sshra.s32 s1, $0x2;
	s2 =	sand.u32 $0x7F, s16  }
0x2c1: {  	s13 =	sshll.u32 s30, $0x7;
	s0 =	sand.u32 $0xFFFFFF80, s0;
	s1 =	sadd.s32 s1, s7  }
0x2c2: {  	s15 =	sadd.s32 $0xFFFFFFF3, s18;
	s13 =	ssub.s32 s29, s13;
	s0 =	sadd.s32 s0, s1  }
0x2c3: {  	s16 =	sshra.s32 s15, $0x1F;
	s1 =	sor.u32 s3, s0;
	s3 =	sshra.s32 s23, $0x2  }
0x2c4: {  	s0 =	sand.u32 $0xFFFFFF80, s21;
	s23 =	sadd.s32 $0xFFFFFFF2, s18;
	s3 =	sadd.s32 s3, s7  }
0x2c5: {  	s12 =	sand.u32 $0x7F, s15;
	s29 =	sshra.s32 s23, $0x1F;
	s0 =	sadd.s32 s0, s3  }
0x2c6: {  	s3 =	sor.u32 s2, s0;
	s0 =	sand.u32 $0xFFFFFF80, s13;
	s2 =	sadd.s32 s14, s7  }
0x2c7: {  	s21 =	sshll.u32 s16, $0x7;
	s30 =	sshll.u32 s29, $0x7;
	s0 =	sadd.s32 s0, s2  }
0x2c8: {  	s14 =	sshll.u32 s29, $0x9;
	s2 =	sshll.u32 s16, $0x9;
	s20 =	sor.u32 s11, s0  }
0x2c9: {  	s0 =	ssub.s32 s15, s21;
	s2 =	sshra.s32 s2, $0x2;
	s15 =	sadd.s32 $0xFFFFFFF1, s18  }
0x2ca: {  	v1 =	vld [tilespmem:s10+$0x0];
	s11 =	sand.u32 $0x7F, s23;
	s0 =	sand.u32 $0xFFFFFF80, s0;
	s2 =	sadd.s32 s2, s7  }
0x2cb: {  	v2 =	vld [tilespmem:s5+$0x80];
	s16 =	sshra.s32 s15, $0x1F;
	s29 =	sand.u32 $0x7F, s15;
	s0 =	sadd.s32 s0, s2  }
0x2cc: {  	v3 =	vld [tilespmem:s6+$0x100];
	s2 =	sshra.s32 s14, $0x2;
	s13 =	sshll.u32 s16, $0x9;
	s21 =	sor.u32 s12, s0  }
0x2cd: {  	v4 =	vld [tilespmem:s8+$0x180];
	s12 =	ssub.s32 s23, s30;
	s2 =	sadd.s32 s2, s7;
	s13 =	sshra.s32 s13, $0x2  }
0x2ce: {  	v5 =	vld [tilespmem:s4+$0x200];
	s23 =	sshll.u32 s16, $0x7;
	s0 =	sand.u32 $0xFFFFFF80, s12;
	s7 =	sadd.s32 s13, s7  }
0x2cf: {  	v6 =	vld [tilespmem:s19+$0x280];
	s0 =	sadd.s32 s0, s2;
	s2 =	ssub.s32 s15, s23;
	s23 =	sand.u32 $0x7F, s9  }
0x2d0: {  	v1 =	vsel vm0, v1, v2;
	v2 =	vld [tilespmem:s24+$0x300];
	s2 =	sand.u32 $0xFFFFFF80, s2;
	s9 =	sadd.s32 $0xFFFFFFFF, s23;
	s0 =	sor.u32 s11, s0  }
0x2d1: {  	v1 =	vsel vm1, v1, v3;
	v3 =	vld [tilespmem:s25+$0x380];
	s15 =	sadd.s32 $0xFFFFFFFE, s23;
	s2 =	sadd.s32 s2, s7;
	s30 =	sshra.s32 s9, $0x1F  }
0x2d2: {  	v1 =	vsel vm2, v1, v4;
	v32 =	vld [tilespmem:s26+$0x400];
	s7 =	sadd.s32 $0xE200, s22;
	s16 =	sshra.s32 s15, $0x1F;
	s11 =	sand.u32 $0x7F, s15  }
0x2d3: {  	v1 =	vsel vm3, v1, v5;
	v33 =	vld [tilespmem:s28+$0x480];
	s29 =	sor.u32 s29, s2;
	s13 =	sshll.u32 s30, $0x7;
	s14 =	sshll.u32 s30, $0x9  }
0x2d4: {  	v1 =	vsel vm4, v1, v6;
	v34 =	vld [tilespmem:s1+$0x500];
	s30 =	sshll.u32 s16, $0x7;
	s12 =	sshll.u32 s16, $0x9;
	s2 =	ssub.s32 s9, s13  }
0x2d5: {  	v1 =	vsel vm5, v1, v2;
	v2 =	vld [tilespmem:s3+$0x580];
	s10 =	sshra.s32 s14, $0x2;
	s9 =	sand.u32 $0x7F, s9;
	s12 =	sshra.s32 s12, $0x2  }
0x2d6: {  	v1 =	vsel vm6, v1, v3;
	v3 =	vld [tilespmem:s20+$0x600];
	s13 =	sadd.s32 $0xFFFFFFFD, s23;
	s2 =	sand.u32 $0xFFFFFF80, s2;
	s10 =	sadd.s32 s10, s7  }
0x2d7: {  	v1 =	vsel vm7, v1, v32;
	v35 =	vld [tilespmem:s21+$0x680];
	s12 =	sadd.s32 s12, s7;
	s14 =	sshra.s32 s13, $0x1F;
	s2 =	sadd.s32 s2, s10  }
0x2d8: {  	v1 =	vsel vm8, v1, v33;
	v36 =	vld [tilespmem:s0+$0x700];
	s10 =	ssub.s32 s15, s30;
	s16 =	sshll.u32 s14, $0x7;
	s15 =	sadd.s32 $0xFFFFFFFC, s23  }
0x2d9: {  	v1 =	vsel vm9, v1, v34;
	v37 =	vld [tilespmem:s29+$0x780];
	s10 =	sand.u32 $0xFFFFFF80, s10;
	s9 =	sor.u32 s9, s2;
	s30 =	ssub.s32 s13, s16  }
0x2da: {  	v1 =	vsel vm10, v1, v2;
	s16 =	sshll.u32 s14, $0x9;
	s13 =	sand.u32 $0x7F, s13;
	s12 =	sadd.s32 s10, s12  }
0x2db: {  	v1 =	vsel vm11, v1, v3;
	s2 =	sand.u32 $0xFFFFFF80, s30;
	s10 =	sor.u32 s11, s12;
	s12 =	sshra.s32 s15, $0x1F  }
0x2dc: {  	v1 =	vsel vm12, v1, v35;
	s30 =	sshll.u32 s12, $0x7;
	s11 =	sshll.u32 s12, $0x9;
	s12 =	sshra.s32 s16, $0x2  }
0x2dd: {  	v1 =	vsel vm13, v1, v36;
	s16 =	sand.u32 $0x7F, s15;
	s14 =	ssub.s32 s15, s30;
	s11 =	sshra.s32 s11, $0x2  }
0x2de: {  	v1 =	vsel vm14, v1, v37;
	s12 =	sadd.s32 s12, s7;
	s14 =	sand.u32 $0xFFFFFF80, s14;
	s11 =	sadd.s32 s11, s7  }
0x2df: {  	[tilespmem:s17+$0x10200] =	vst v1;
	s2 =	sadd.s32 s2, s12;
	s11 =	sadd.s32 s14, s11;
	s14 =	sadd.s32 $0xFFFFFFFB, s23  }
0x2e0: {  	v38 =	vld [tilespmem:s8+$0x980];
	s8 =	sor.u32 s23, s7;
	s12 =	sor.u32 s13, s2;
	s30 =	sshra.s32 s14, $0x1F  }
0x2e1: {  	s13 =	sor.u32 s16, s11;
	s11 =	sadd.s32 $0xFFFFFFFA, s23;
	s16 =	sshll.u32 s30, $0x7  }
0x2e2: {  	s15 =	sshll.u32 s30, $0x9;
	s2 =	ssub.s32 s14, s16;
	s16 =	sor.u32 s18, s22  }
0x2e3: {  	s18 =	sshra.s32 s11, $0x1F;
	s15 =	sshra.s32 s15, $0x2;
	s2 =	sand.u32 $0xFFFFFF80, s2  }
0x2e4: {  	s30 =	sshll.u32 s18, $0x7;
	s18 =	sshll.u32 s18, $0x9;
	s15 =	sadd.s32 s15, s7  }
0x2e5: {  	v2 =	vld [tilespmem:s5+$0x880];
	s30 =	ssub.s32 s11, s30;
	s18 =	sshra.s32 s18, $0x2;
	s2 =	sadd.s32 s2, s15  }
0x2e6: {  	v1 =	vld [tilespmem:s16+$0x6A00];
	s15 =	sadd.s32 $0xFFFFFFF9, s23;
	s30 =	sand.u32 $0xFFFFFF80, s30;
	s18 =	sadd.s32 s18, s7  }
0x2e7: {  	v3 =	vld [tilespmem:s6+$0x900];
	s11 =	sand.u32 $0x7F, s11;
	s16 =	sadd.s32 s30, s18;
	s18 =	sand.u32 $0x7F, s14  }
0x2e8: {  	v40 =	vld [tilespmem:s19+$0xA80];
	s19 =	sand.u32 $0x7F, s15;
	s30 =	sshra.s32 s15, $0x1F;
	s6 =	sor.u32 s18, s2  }
0x2e9: {  	v39 =	vld [tilespmem:s4+$0xA00];
	s5 =	sor.u32 s11, s16;
	s16 =	sshll.u32 s30, $0x7;
	s18 =	sshll.u32 s30, $0x9  }
0x2ea: {  	s11 =	sadd.s32 $0xFFFFFFF8, s23;
	s2 =	ssub.s32 s15, s16;
	s4 =	sshra.s32 s18, $0x2  }
0x2eb: {  	v1 =	vsel vm0, v1, v2;
	v2 =	vld [tilespmem:s24+$0xB00];
	s24 =	sshra.s32 s11, $0x1F;
	s2 =	sand.u32 $0xFFFFFF80, s2;
	s4 =	sadd.s32 s4, s7  }
0x2ec: {  	v7 =	vld [tilespmem:s25+$0xB80];
	v1 =	vsel vm1, v1, v3;
	s30 =	sshll.u32 s24, $0x7;
	s15 =	sshll.u32 s24, $0x9;
	s24 =	sand.u32 $0x7F, s11  }
0x2ed: {  	v3 =	vld [tilespmem:s26+$0xC00];
	s2 =	sadd.s32 s2, s4;
	v1 =	vsel vm2, v1, v38;
	s16 =	ssub.s32 s11, s30;
	s18 =	sshra.s32 s15, $0x2  }
0x2ee: {  	v41 =	vld [tilespmem:s28+$0xC80];
	s30 =	sadd.s32 $0xFFFFFFF6, s23;
	s4 =	sor.u32 s19, s2;
	v1 =	vsel vm3, v1, v39;
	s2 =	sand.u32 $0xFFFFFF80, s16  }
0x2ef: {  	v42 =	vld [tilespmem:s1+$0xD00];
	s14 =	sadd.s32 s18, s7;
	s19 =	sadd.s32 $0xFFFFFFF7, s23;
	s16 =	sshra.s32 s30, $0x1F;
	v1 =	vsel vm4, v1, v40  }
0x2f0: {  	s11 =	sand.u32 $0x7F, s30;
	s2 =	sadd.s32 s2, s14;
	s25 =	sshra.s32 s19, $0x1F;
	v1 =	vsel vm5, v1, v2;
	v2 =	vld [tilespmem:s3+$0xD80]  }
0x2f1: {  	v43 =	vld [tilespmem:s20+$0xE00];
	s18 =	sand.u32 $0x7F, s19;
	s1 =	sor.u32 s24, s2;
	s26 =	sshll.u32 s25, $0x7;
	v1 =	vsel vm6, v1, v7  }
0x2f2: {  	s28 =	sshll.u32 s25, $0x9;
	s24 =	sadd.s32 $0xFFFFFFF5, s23;
	s2 =	ssub.s32 s19, s26;
	v1 =	vsel vm7, v1, v3;
	v3 =	vld [tilespmem:s21+$0xE80]  }
0x2f3: {  	v44 =	vld [tilespmem:s0+$0xF00];
	s3 =	sshra.s32 s28, $0x2;
	s19 =	sshll.u32 s16, $0x7;
	s25 =	sshra.s32 s24, $0x1F;
	v1 =	vsel vm8, v1, v41  }
0x2f4: {  	v45 =	vld [tilespmem:s29+$0xF80];
	s28 =	sadd.s32 $0xFFFFFFF4, s23;
	s14 =	sand.u32 $0x7F, s24;
	s2 =	sand.u32 $0xFFFFFF80, s2;
	v1 =	vsel vm9, v1, v42  }
0x2f5: {  	s3 =	sadd.s32 s3, s7;
	s20 =	ssub.s32 s30, s19;
	s21 =	sshll.u32 s16, $0x9;
	v1 =	vsel vm10, v1, v2  }
0x2f6: {  	s26 =	sshll.u32 s25, $0x7;
	s15 =	sshll.u32 s25, $0x9;
	s29 =	sshra.s32 s28, $0x1F;
	v1 =	vsel vm11, v1, v43  }
0x2f7: {  	s2 =	sadd.s32 s2, s3;
	s3 =	sshra.s32 s21, $0x2;
	s15 =	sshra.s32 s15, $0x2;
	v1 =	vsel vm12, v1, v3  }
0x2f8: {  	s30 =	sshll.u32 s29, $0x7;
	s21 =	sadd.s32 $0xFFFFFFF3, s23;
	s0 =	sor.u32 s18, s2;
	v1 =	vsel vm13, v1, v44  }
0x2f9: {  	s2 =	sand.u32 $0xFFFFFF80, s20;
	s3 =	sadd.s32 s3, s7;
	s15 =	sadd.s32 s15, s7;
	v1 =	vsel vm14, v1, v45  }
0x2fa: {  	s19 =	ssub.s32 s28, s30;
	s20 =	sshll.u32 s29, $0x9;
	s25 =	sshra.s32 s21, $0x1F;
	[tilespmem:s17+$0x10210] =	vst v1  }
0x2fb: {  	s29 =	sadd.s32 $0xFFFFFFF2, s23;
	s2 =	sadd.s32 s2, s3;
	s3 =	ssub.s32 s24, s26;
	v1 =	vld [tilespmem:s8+$0x0]  }
0x2fc: {  	s24 =	sand.u32 $0x7F, s28;
	s26 =	sshll.u32 s25, $0x7;
	s16 =	sshll.u32 s25, $0x9;
	v2 =	vld [tilespmem:s9+$0x80]  }
0x2fd: {  	s30 =	sshra.s32 s29, $0x1F;
	s3 =	sand.u32 $0xFFFFFF80, s3;
	s16 =	sshra.s32 s16, $0x2;
	v3 =	vld [tilespmem:s10+$0x100]  }
0x2fe: {  	s28 =	ssub.s32 s21, s26;
	s3 =	sadd.s32 s3, s15;
	s16 =	sadd.s32 s16, s7;
	v46 =	vld [tilespmem:s12+$0x180]  }
0x2ff: {  	s15 =	sshll.u32 s30, $0x7;
	s8 =	sor.u32 s11, s2;
	s11 =	sshra.s32 s20, $0x2;
	v47 =	vld [tilespmem:s13+$0x200]  }
0x300: {  	s3 =	sor.u32 s14, s3;
	s2 =	sand.u32 $0xFFFFFF80, s19;
	v48 =	vld [tilespmem:s6+$0x280];
	s11 =	sadd.s32 s11, s7  }
0x301: {  	s14 =	sand.u32 $0x7F, s21;
	s2 =	sadd.s32 s2, s11;
	s11 =	sand.u32 $0xFFFFFF80, s28;
	v1 =	vsel vm0, v1, v2;
	v2 =	vld [tilespmem:s5+$0x300]  }
0x302: {  	s21 =	sshll.u32 s30, $0x9;
	s11 =	sadd.s32 s11, s16;
	s19 =	sor.u32 s24, s2;
	v1 =	vsel vm1, v1, v3;
	v3 =	vld [tilespmem:s4+$0x380]  }
0x303: {  	v49 =	vld [tilespmem:s1+$0x400];
	s2 =	ssub.s32 s29, s15;
	s24 =	sadd.s32 $0xFFFFFFF1, s23;
	s29 =	sand.u32 $0x7F, s29;
	v1 =	vsel vm2, v1, v46  }
0x304: {  	v50 =	vld [tilespmem:s0+$0x480];
	s18 =	sor.u32 s14, s11;
	s2 =	sand.u32 $0xFFFFFF80, s2;
	s25 =	sshra.s32 s24, $0x1F;
	v1 =	vsel vm3, v1, v47  }
0x305: {  	v51 =	vld [tilespmem:s8+$0x500];
	s11 =	sshra.s32 s21, $0x2;
	s26 =	sshll.u32 s25, $0x7;
	s15 =	sshll.u32 s25, $0x9;
	v1 =	vsel vm4, v1, v48  }
0x306: {  	s11 =	sadd.s32 s11, s7;
	s28 =	ssub.s32 s24, s26;
	s15 =	sshra.s32 s15, $0x2;
	v1 =	vsel vm5, v1, v2;
	v2 =	vld [tilespmem:s3+$0x580]  }
0x307: {  	s2 =	sadd.s32 s2, s11;
	s11 =	sand.u32 $0xFFFFFF80, s28;
	s7 =	sadd.s32 s15, s7;
	v1 =	vsel vm6, v1, v3;
	v3 =	vld [tilespmem:s19+$0x600]  }
0x308: {  	s14 =	sand.u32 $0x7F, s24;
	v52 =	vld [tilespmem:s18+$0x680];
	s2 =	sor.u32 s29, s2;
	s7 =	sadd.s32 s11, s7;
	v1 =	vsel vm7, v1, v49  }
0x309: {  	v53 =	vld [tilespmem:s2+$0x700];
	s7 =	sor.u32 s14, s7;
	v1 =	vsel vm8, v1, v50  }
0x30a: {  	v54 =	vld [tilespmem:s7+$0x780];
	v1 =	vsel vm9, v1, v51  }
0x30b: {  	v1 =	vsel vm10, v1, v2  }
0x30c: {  	v1 =	vsel vm11, v1, v3  }
0x30d: {  	v1 =	vsel vm12, v1, v52  }
0x30e: {  	v1 =	vsel vm13, v1, v53  }
0x30f: {  	v1 =	vsel vm14, v1, v54  }
0x310: {  	s30 =	sor.u32 s23, s22;
	[tilespmem:s17+$0x11200] =	vst v1  }
0x311: {  	v1 =	vld [tilespmem:s30+$0xEA00]  }
0x312: {  	v2 =	vld [tilespmem:s9+$0x880]  }
0x313: {  	v3 =	vld [tilespmem:s10+$0x900]  }
0x314: {  	v55 =	vld [tilespmem:s12+$0x980]  }
0x315: {  	v56 =	vld [tilespmem:s13+$0xA00]  }
0x316: {  	v57 =	vld [tilespmem:s6+$0xA80]  }
0x317: {  	v1 =	vsel vm0, v1, v2;
	v2 =	vld [tilespmem:s5+$0xB00]  }
0x318: {  	v1 =	vsel vm1, v1, v3;
	v3 =	vld [tilespmem:s4+$0xB80]  }
0x319: {  	v58 =	vld [tilespmem:s1+$0xC00];
	v1 =	vsel vm2, v1, v55  }
0x31a: {  	v59 =	vld [tilespmem:s0+$0xC80];
	v1 =	vsel vm3, v1, v56  }
0x31b: {  	v60 =	vld [tilespmem:s8+$0xD00];
	v1 =	vsel vm4, v1, v57  }
0x31c: {  	v1 =	vsel vm5, v1, v2;
	v2 =	vld [tilespmem:s3+$0xD80]  }
0x31d: {  	v1 =	vsel vm6, v1, v3;
	v3 =	vld [tilespmem:s19+$0xE00]  }
0x31e: {  	v61 =	vld [tilespmem:s18+$0xE80];
	v1 =	vsel vm7, v1, v58  }
0x31f: {  	v62 =	vld [tilespmem:s2+$0xF00];
	v1 =	vsel vm8, v1, v59  }
0x320: {  	v63 =	vld [tilespmem:s7+$0xF80];
	v1 =	vsel vm9, v1, v60  }
0x321: {  	p1 =	por p0, p0;
	v1 =	vsel vm10, v1, v2  }
.Ltmp3:
0x322: {  	v1 =	vsel vm11, v1, v3;
	(pc) =	sbr.rel @p1 .LBB2_9-.Ltmp3, $4  }
0x323: {  	v1 =	vsel vm12, v1, v61  }
0x324: {  	v1 =	vsel vm13, v1, v62  }
0x325: {  	v1 =	vsel vm14, v1, v63  }
0x326: {  	p0 =	por $0x0, $0x0;
	s0 =	simm.s32 $0x1;
	[tilespmem:s17+$0x11210] =	vst v1  }
0x327: {  	s22 =	rddreg [dreg:$0xc]  }
0x328: {  	s22 =	sadd.s32 $0x1, s22  }
0x329: {  	p0 =	sne.s32 s22, $0x10  }
.Ltmp4:
0x32a: {  	_ = 	snop;
	(pc) =	sbr.rel @p0 .LBB2_2-.Ltmp4, $2  }
0x32b: {  	_ =	sdelay $0x2  }
0x32c: {  	s16 =	simm.s32 $0x5  }
0x32d: {  	s6 =	simm.s32 $0x0;
	s0 =	rddreg [dreg:$0x8];
	s1 =	simm.s32 $0x10200  }
0x32e: {  	[hbm4b:s0+s6] =	stream.linear.scatter [tilespmem:s1], [sflag:$0x9], $0x1000, $0x38;
	[tilespmem:$0x12200] =	vst v63  }
0x32f: {  	s1 =	simm.s32 $0x9  }
0x330: {  	_ =	swait.ge [sflag:s1], $0x1000  }
0x331: {  	[sflag:s1] =	ssyncset.done $0x0  }
0x332: {  	s2 =	simm.s32 $0x11200;
	s29 =	rddreg [dreg:$0x9];
	[sflag:s1] =	ssyncadd.s32 $0xFFFFF000  }
0x333: {  	[hbm4b:s29+s6] =	stream.linear.scatter [tilespmem:s2], [sflag:$0x9], $0x1000, $0x38;
	[tilespmem:$0x12200] =	vst v63  }
0x334: {  	_ =	swait.ge [sflag:s1], $0x1000  }
0x335: {  	s30 =	rddreg [dreg:$0xb]  }
0x336: {  	s31 =	rddreg [dreg:$0xa];
	s2 =	sadd.s32 $0x1, s30  }
0x337: {  	p0 =	sne.s32 s2, s31  }
.Ltmp5:
0x338: {  	_ = 	snop;
	(pc) =	sbr.rel @p0 .LBB2_1-.Ltmp5, $3  }
0x339: {  	_ =	sdelay $0x1  }
0x33a: {  	[sflag:s1] =	ssyncset.done $0x0  }
0x33b: {  	[sflag:s1] =	ssyncadd.s32 $0xFFFFF000  }
0x33c: {  	_ =	sfence.sel $0x180000  }
0x33d: {  	[bflag:$0x0] =	sbarrier.arrive $0xFFFF  }
0x33e: {  	_ =	strace $0x90000047  }
0x33f: {  	s0 =	stileid.u32;
	[bflag:$0x2] =	sbarrier.arrive $0xFFFF  }
0x340: {  	p0 =	sne.s32 s0, $0x0;
	s0 =	rddreg [dreg:$0x5]  }
0x341: {  	s0 =	sadd.s32 @!p0 $0x100000, s0  }
0x342: {  	[sflag:s0] =	ssyncadd.tile.s32 @!p0 $0x1;
	_ =	shalt  }
.Lfunc_end2:
_tile_overlayer_lowered:
.L_overlay_start_2:
0x343: {  	(tag) =	ssettag $0x2  }
0x344: {  	s0 =	rddreg [dreg:$0x0];
	s2 =	stileid.u32  }
0x345: {  	s1 =	rddreg [dreg:$0x1];
	p0 =	sne.s32 s2, $0x0  }
0x346: {  	s3 =	rddreg [dreg:$0x2];
	[bflag:$0x3] =	sbarrier.arrive $0xFFFF;
	s2 =	simm.s32 @!p0 $0x1C09  }
0x347: {  	[timem:s3], [sflag:s2] =	dma.local @!p0 [hbm:s0], s1  }
0x348: {  	s0 =	simm.s32 @!p0 $0x9  }
0x349: {  	_ =	swait.ge @!p0 [sflag:s0], s1  }
0x34a: {  	s1 =	ssub.s32 @!p0 $0x0, s1;
	[sflag:s0] =	ssyncset.done @!p0 $0x0  }
0x34b: {  	[sflag:s0] =	ssyncadd.s32 @!p0 s1  }
0x34c: {  	[bflag:$0x3] =	sbarrier.arrive $0xFFFF  }
0x34d: {  	_ =	shalt  }

</sc_bundles>
